<compile_context>
chip_gen: v7x
topology: tpu7x:2x2x1
jax: 0.10.2.dev20260603
libtpu: 0.0.44.dev20260713+nightly
codegen_flags: <defaults>
</compile_context>

<pallas_src>
import functools

import jax
import jax.numpy as jnp
from jax import lax
from jax.experimental import pallas as pl
from jax.experimental.pallas import tpu as pltpu
from jax.experimental.pallas import tpu_sc as plsc

N_EMB = 1000000
EMB = 32
NW32 = EMB // 2
B = 4096
N_OH = 26
N_MH = 50
S = 32
CH = 32
F = S * EMB
F_REAL = 27 * EMB

TW = 32768
NTB = (N_EMB + TW - 1) // TW
N_ROWS = NTB * TW


def _transpose_body(xt_ref, o_ref):
    x = xt_ref[...]
    xx = jnp.concatenate(
        [x[:, a * (TW // 8):(a + 1) * (TW // 8)] for a in range(8)], axis=0)
    w = pltpu.bitcast(xx.astype(jnp.bfloat16), jnp.int32)
    o_ref[...] = w.T


def _transpose_table(table_t):
    out = pl.pallas_call(
        _transpose_body,
        grid=(NTB,),
        in_specs=[pl.BlockSpec((EMB, TW), lambda i: (0, i))],
        out_specs=pl.BlockSpec((TW // 8, 128), lambda i: (i, 0)),
        out_shape=jax.ShapeDtypeStruct((N_ROWS * NW32 // 128, 128),
                                       jnp.int32),
    )(table_t)
    return out.reshape(N_ROWS, NW32)


def _permute_idx(i):
    rem = i % TW
    return (i - rem) + 8 * (rem % (TW // 8)) + rem // (TW // 8)


def _sc_permute_kernel(n):
    info = plsc.get_sparse_core_info()
    nw = info.num_cores * info.num_subcores
    per_w = n // nw
    mesh = plsc.VectorSubcoreMesh(core_axis_name="c", subcore_axis_name="s")

    @functools.partial(
        pl.kernel,
        out_type=jax.ShapeDtypeStruct((n,), jnp.int32),
        mesh=mesh,
        compiler_params=pltpu.CompilerParams(
            use_tc_tiling_on_sc=False, needs_layout_passes=False),
        scratch_types=[pltpu.VMEM((per_w,), jnp.int32)],
    )
    def k(raw, out, v):
        wid = lax.axis_index("s") * info.num_cores + lax.axis_index("c")
        base = wid * per_w
        pltpu.sync_copy(raw.at[pl.ds(base, per_w)], v)

        def body(g, carry):
            i = v[pl.ds(g * 16, 16)]
            rem = i % TW
            v[pl.ds(g * 16, 16)] = (
                (i - rem) + 8 * (rem % (TW // 8)) + rem // (TW // 8))
            return carry

        lax.fori_loop(0, per_w // 16, body, 0)
        pltpu.sync_copy(v, out.at[pl.ds(base, per_w)])

    return k


def _sc_gather_kernel():
    info = plsc.get_sparse_core_info()
    nw = info.num_cores * info.num_subcores
    bpw = B // nw
    nchunk = bpw // CH

    mesh = plsc.VectorSubcoreMesh(core_axis_name="c", subcore_axis_name="s")

    @functools.partial(
        pl.kernel,
        out_type=jax.ShapeDtypeStruct((B * S, NW32), jnp.int32),
        mesh=mesh,
        compiler_params=pltpu.CompilerParams(
            use_tc_tiling_on_sc=False, needs_layout_passes=False),
        scratch_types=[
            [pltpu.VMEM((CH * S,), jnp.int32)] * 2,
            [pltpu.VMEM((CH * S, NW32), jnp.int32)] * 2,
            [pltpu.VMEM((CH * N_MH,), jnp.int32)] * 2,
            [pltpu.VMEM((CH * N_MH, NW32), jnp.int32)] * 2,
            [pltpu.VMEM((CH * N_MH + 16,), jnp.float32)] * 2,
            [pltpu.SemaphoreType.DMA] * 2,
            [pltpu.SemaphoreType.DMA] * 2,
            [pltpu.SemaphoreType.DMA] * 2,
        ],
    )
    def k(idx_all, mh_idx, mh_w, table, out, idxv, buf, mhiv, mhrows, mhwv,
          sem1, sem2, sem3):
        wid = lax.axis_index("s") * info.num_cores + lax.axis_index("c")
        base = wid * bpw
        zero = jnp.zeros((16,), jnp.float32)

        def start(kk, p):
            r0 = base + kk * CH
            pltpu.sync_copy(idx_all.at[pl.ds(r0 * S, CH * S)], idxv[p])
            pltpu.sync_copy(mh_idx.at[pl.ds(r0 * N_MH, CH * N_MH)], mhiv[p])
            pltpu.sync_copy(mh_w.at[pl.ds(r0 * N_MH, CH * N_MH)],
                            mhwv[p].at[pl.ds(0, CH * N_MH)])
            g1 = pltpu.async_copy(table.at[idxv[p]], buf[p], sem1[p])
            g2 = pltpu.async_copy(table.at[mhiv[p]], mhrows[p], sem2[p])
            return g1, g2

        def finish(kk, p, g1, g2):
            r0 = base + kk * CH
            g1.wait()
            g2.wait()

            def bbody(b, carry):
                jb = b * N_MH
                ae, ao = zero, zero
                for g in range((N_MH + 15) // 16):
                    wv = mhwv[p][pl.ds(jb + g * 16, 16)]
                    for t in range(min(16, N_MH - g * 16)):
                        j = g * 16 + t
                        w = wv[t]
                        row = mhrows[p][jb + j, pl.ds(0, NW32)]
                        e = plsc.bitcast(row << 16, jnp.float32)
                        o = plsc.bitcast(row & jnp.int32(-65536),
                                         jnp.float32)
                        ae = ae + e * w
                        ao = ao + o * w
                r = b * S + N_OH
                packed = plsc.pack(ae, ao,
                                   format=plsc.PackFormat.INTERLEAVED)
                buf[p][r, pl.ds(0, NW32)] = plsc.bitcast(packed, jnp.int32)
                return carry

            lax.fori_loop(0, CH, bbody, 0)
            co = pltpu.async_copy(buf[p], out.at[pl.ds(r0 * S, CH * S)],
                                  sem3[p])
            return co

        handles = [None, None]
        outcopy = [None, None]
        for kk in range(nchunk):
            p = kk % 2
            if outcopy[p] is not None:
                outcopy[p].wait()
            handles[p] = start(kk, p)
            if kk > 0:
                q = (kk - 1) % 2
                g1, g2 = handles[q]
                outcopy[q] = finish(kk - 1, q, g1, g2)
        q = (nchunk - 1) % 2
        g1, g2 = handles[q]
        co = finish(nchunk - 1, q, g1, g2)
        co.wait()
        if outcopy[1 - q] is not None:
            outcopy[1 - q].wait()

    return k


def _mlp_body(x_ref, ce_ref, co_ref, we_ref, wo_ref, w2ct_ref, b2_ref,
              w3_ref, b3_ref, o_ref):
    w = x_ref[...]
    fe = jax.lax.bitcast_convert_type(w << 16, jnp.float32)
    fo = jax.lax.bitcast_convert_type(w & jnp.int32(-65536), jnp.float32)
    fw = we_ref.shape[0]

    def head(f_e, f_o, c_blk):
        h = jnp.dot(f_e, we_ref[...], preferred_element_type=jnp.float32)
        h = h + jnp.dot(f_o, wo_ref[...], preferred_element_type=jnp.float32)
        h = h + jnp.dot(c_blk, w2ct_ref[...],
                        preferred_element_type=jnp.float32)
        h = jnp.maximum(h + b2_ref[...], 0.0)
        o = jnp.sum(h * w3_ref[...], axis=1, keepdims=True) + b3_ref[0, 0]
        return 1.0 / (1.0 + jnp.exp(-o))

    oa = head(fe[:, :fw], fo[:, :fw], ce_ref[...])
    ob = head(fe[:, fw:], fo[:, fw:], co_ref[...])
    o_ref[...] = jnp.concatenate([oa, ob], axis=1)


def kernel(onehot_i, onehot_x, multihot_i, multihot_x, ctns, lookup_table,
           w2, b2, w3, b3):
    del onehot_x
    oh_i = onehot_i.astype(jnp.int32)
    dummy = (jnp.arange(B, dtype=jnp.int32) * 61 % (N_EMB - 8)).reshape(B, 1)
    dummies = dummy + jnp.arange(S - N_OH, dtype=jnp.int32)
    idx_all = _sc_permute_kernel(B * S)(
        jnp.concatenate([oh_i, dummies], axis=1).reshape(-1))
    mh_idx = _sc_permute_kernel(B * N_MH)(
        multihot_i.astype(jnp.int32).reshape(-1))
    mh_w = multihot_x.reshape(-1)

    table = _transpose_table(lookup_table.T)
    xw = _sc_gather_kernel()(idx_all, mh_idx, mh_w, table)
    xw = xw.reshape(B // 2, F)

    hid = w2.shape[0]
    nctn = w2.shape[1] - F_REAL
    w2at = jnp.zeros((F, hid), jnp.float32).at[:F_REAL].set(w2[:, :F_REAL].T)
    we = w2at[0::2]
    wo = w2at[1::2]
    w2ct = w2[:, F_REAL:].T
    ce = ctns[0::2]
    co = ctns[1::2]

    rb = 512
    fw = F // 2
    out = pl.pallas_call(
        _mlp_body,
        grid=(B // 2 // rb,),
        in_specs=[
            pl.BlockSpec((rb, F), lambda i: (i, 0)),
            pl.BlockSpec((rb, nctn), lambda i: (i, 0)),
            pl.BlockSpec((rb, nctn), lambda i: (i, 0)),
            pl.BlockSpec((fw, hid), lambda i: (0, 0)),
            pl.BlockSpec((fw, hid), lambda i: (0, 0)),
            pl.BlockSpec((nctn, hid), lambda i: (0, 0)),
            pl.BlockSpec((1, hid), lambda i: (0, 0)),
            pl.BlockSpec((1, hid), lambda i: (0, 0)),
            pl.BlockSpec(memory_space=pltpu.SMEM),
        ],
        out_specs=pl.BlockSpec((rb, 2), lambda i: (i, 0)),
        out_shape=jax.ShapeDtypeStruct((B // 2, 2), jnp.float32),
    )(xw, ce, co, we, wo, w2ct, b2.reshape(1, hid), w3, b3.reshape(1, 1))
    return out.reshape(B)

# --- scband reference (transcript-rebuilt; emitter-appended) ---
"""Pipeline reference for scband-base-learner-61332132987358 (READ-ONLY COPY).

The authoritative reference and input builder live on the scoring server;
editing this copy changes nothing except your own understanding.
"""

import jax, jax.numpy as jnp
import numpy as np

NUM_EMBEDDINGS = 1000000
EMB_DIM = 32
DIM = (877, 256, 1)
B = 4096

def setup_inputs(seed: int = 0) -> dict:
    key = jax.random.key(seed)
    ks = jax.random.split(key, 10)
    onehot_i = jax.random.randint(ks[0], (B, 26), 0, NUM_EMBEDDINGS, dtype=jnp.int64 if jax.config.jax_enable_x64 else jnp.int32)
    onehot_x = jnp.ones((B, 26), dtype=jnp.float32)
    multihot_i = jax.random.randint(ks[1], (B, 50), 0, NUM_EMBEDDINGS, dtype=jnp.int64 if jax.config.jax_enable_x64 else jnp.int32)
    multihot_x = jax.random.uniform(ks[2], (B, 50), dtype=jnp.float32)
    ctns = jax.random.normal(ks[3], (B, 13), dtype=jnp.float32)
    lookup_table = jax.random.normal(ks[4], (NUM_EMBEDDINGS, EMB_DIM), dtype=jnp.float32)
    lim2 = 1.0 / np.sqrt(DIM[0])
    w2 = jax.random.uniform(ks[5], (DIM[1], DIM[0]), minval=-lim2, maxval=lim2, dtype=jnp.float32)
    b2 = jax.random.uniform(ks[6], (DIM[1],), minval=-lim2, maxval=lim2, dtype=jnp.float32)
    lim3 = 1.0 / np.sqrt(DIM[1])
    w3 = jax.random.uniform(ks[7], (DIM[2], DIM[1]), minval=-lim3, maxval=lim3, dtype=jnp.float32)
    b3 = jax.random.uniform(ks[8], (DIM[2],), minval=-lim3, maxval=lim3, dtype=jnp.float32)
    return {"onehot_i": onehot_i, "onehot_x": onehot_x, "multihot_i": multihot_i, "multihot_x": multihot_x, "ctns": ctns, "lookup_table": lookup_table, "w2": w2, "b2": b2, "w3": w3, "b3": b3}

def reference(onehot_i, onehot_x, multihot_i, multihot_x, ctns, lookup_table, w2, b2, w3, b3):
    # onehot fields: gather [B, 26, emb] then scale by onehot_x and flatten
    oh = jnp.take(lookup_table, onehot_i.reshape(-1), axis=0).reshape(onehot_i.shape[0], onehot_i.shape[1], EMB_DIM)
    oh = oh * onehot_x[:, :, None]
    oh = oh.reshape(oh.shape[0], -1)
    # multihot field: gather [B, L, emb], scale, sum over L
    mh = jnp.take(lookup_table, multihot_i.reshape(-1), axis=0).reshape(multihot_i.shape[0], multihot_i.shape[1], EMB_DIM)
    mh = (mh * multihot_x[:, :, None]).sum(axis=1)
    x = jnp.concatenate([oh, mh, ctns], axis=1)
    # dropout p=0.0 -> identity
    x = x @ w2.T + b2
    x = jax.nn.relu(x)
    x = x @ w3.T + b3
    return jax.nn.sigmoid(x).squeeze()

if __name__ == "__main__":
    import jax
    _d = setup_inputs()
    print(jax.jit(kernel)(*tuple(_d.values())))

</pallas_src>

<mosaic_0001>
#map = affine_map<(d0, d1) -> (0)>
#map1 = affine_map<(d0, d1) -> (0, 0)>
module attributes {stable_mosaic.version = 14 : i64} {
  func.func @k(%arg0: i32, %arg1: i32, %arg2: memref<131072xi32, #tpu.memory_space<hbm>>, %arg3: memref<204800xi32, #tpu.memory_space<hbm>>, %arg4: memref<204800xf32, #tpu.memory_space<hbm>>, %arg5: memref<1015808x16xi32, #tpu.memory_space<hbm>>, %arg6: memref<131072x16xi32, #tpu.memory_space<hbm>>, %arg7: memref<1024xi32, #tpu.memory_space<vmem>>, %arg8: memref<1024xi32, #tpu.memory_space<vmem>>, %arg9: memref<1024x16xi32, #tpu.memory_space<vmem>>, %arg10: memref<1024x16xi32, #tpu.memory_space<vmem>>, %arg11: memref<1600xi32, #tpu.memory_space<vmem>>, %arg12: memref<1600xi32, #tpu.memory_space<vmem>>, %arg13: memref<1600x16xi32, #tpu.memory_space<vmem>>, %arg14: memref<1600x16xi32, #tpu.memory_space<vmem>>, %arg15: memref<1616xf32, #tpu.memory_space<vmem>>, %arg16: memref<1616xf32, #tpu.memory_space<vmem>>, %arg17: memref<!tpu.dma_semaphore, #tpu.memory_space<semaphore_mem>>, %arg18: memref<!tpu.dma_semaphore, #tpu.memory_space<semaphore_mem>>, %arg19: memref<!tpu.dma_semaphore, #tpu.memory_space<semaphore_mem>>, %arg20: memref<!tpu.dma_semaphore, #tpu.memory_space<semaphore_mem>>, %arg21: memref<!tpu.dma_semaphore, #tpu.memory_space<semaphore_mem>>, %arg22: memref<!tpu.dma_semaphore, #tpu.memory_space<semaphore_mem>>) attributes {dimension_semantics = [#tpu.dimension_semantics<core_parallel>, #tpu.dimension_semantics<subcore_parallel>], iteration_bounds = array<i64: 2, 16>, scalar_prefetch = 0 : i64, scratch_operands = 16 : i64, tpu.core_type = #tpu.core_type<sc_vector_subcore>, window_params = [{transform_indices = #map}, {transform_indices = #map}, {transform_indices = #map}, {transform_indices = #map1}, {transform_indices = #map1}]} {
    %mul3A = arith.constant 2 : i32
    %mul3A_0 = arith.muli %arg1, %mul3A : i32
    %add3A = arith.addi %mul3A_0, %arg0 : i32
    %mul3A_1 = arith.constant 128 : i32
    %mul3A_2 = arith.muli %add3A, %mul3A_1 : i32
    %broadcast_in_dim3A = arith.constant 0.000000e+00 : f32
    %broadcast_in_dim3A_3 = vector.broadcast %broadcast_in_dim3A : f32 to vector<16xf32>
    %add3A_4 = arith.constant 0 : i32
    %add3A_5 = arith.addi %mul3A_2, %add3A_4 : i32
    %mul3A_6 = arith.constant 32 : i32
    %mul3A_7 = arith.muli %add3A_5, %mul3A_6 : i32
    "tpu.region"() ({
      %run_scoped3A = tpu.sem_alloc : memref<!tpu.dma_semaphore, #tpu.memory_space<semaphore_mem>>
      %dma_start3A_153 = tpu.memref_slice %arg2[%mul3A_7] : memref<131072xi32, #tpu.memory_space<hbm>> -> memref<1024xi32, #tpu.memory_space<hbm>>
      %dma_start3A_154 = tpu.memref_slice %arg2[%mul3A_7] : memref<131072xi32, #tpu.memory_space<hbm>> -> memref<1024xi32, #tpu.memory_space<hbm>>
      tpu.enqueue_dma source(%dma_start3A_154 : memref<1024xi32, #tpu.memory_space<hbm>>) target(%arg7 : memref<1024xi32, #tpu.memory_space<vmem>>) target_semaphore(%run_scoped3A : memref<!tpu.dma_semaphore, #tpu.memory_space<semaphore_mem>>)
      %dma_wait3A_155 = tpu.memref_slice %arg2[%mul3A_7] : memref<131072xi32, #tpu.memory_space<hbm>> -> memref<1024xi32, #tpu.memory_space<hbm>>
      %dma_wait3A_156 = tpu.memref_slice %arg2[%mul3A_7] : memref<131072xi32, #tpu.memory_space<hbm>> -> memref<1024xi32, #tpu.memory_space<hbm>>
      tpu.wait_dma2 semaphore(%run_scoped3A : memref<!tpu.dma_semaphore, #tpu.memory_space<semaphore_mem>>) src(%dma_wait3A_156 : memref<1024xi32, #tpu.memory_space<hbm>>) dst(%arg7 : memref<1024xi32, #tpu.memory_space<vmem>>)
      tpu.yield
    }) : () -> ()
    %mul3A_8 = arith.constant 50 : i32
    %mul3A_9 = arith.muli %add3A_5, %mul3A_8 : i32
    "tpu.region"() ({
      %run_scoped3A = tpu.sem_alloc : memref<!tpu.dma_semaphore, #tpu.memory_space<semaphore_mem>>
      %dma_start3A_153 = tpu.memref_slice %arg3[%mul3A_9] : memref<204800xi32, #tpu.memory_space<hbm>> -> memref<1600xi32, #tpu.memory_space<hbm>>
      %dma_start3A_154 = tpu.memref_slice %arg3[%mul3A_9] : memref<204800xi32, #tpu.memory_space<hbm>> -> memref<1600xi32, #tpu.memory_space<hbm>>
      tpu.enqueue_dma source(%dma_start3A_154 : memref<1600xi32, #tpu.memory_space<hbm>>) target(%arg11 : memref<1600xi32, #tpu.memory_space<vmem>>) target_semaphore(%run_scoped3A : memref<!tpu.dma_semaphore, #tpu.memory_space<semaphore_mem>>)
      %dma_wait3A_155 = tpu.memref_slice %arg3[%mul3A_9] : memref<204800xi32, #tpu.memory_space<hbm>> -> memref<1600xi32, #tpu.memory_space<hbm>>
      %dma_wait3A_156 = tpu.memref_slice %arg3[%mul3A_9] : memref<204800xi32, #tpu.memory_space<hbm>> -> memref<1600xi32, #tpu.memory_space<hbm>>
      tpu.wait_dma2 semaphore(%run_scoped3A : memref<!tpu.dma_semaphore, #tpu.memory_space<semaphore_mem>>) src(%dma_wait3A_156 : memref<1600xi32, #tpu.memory_space<hbm>>) dst(%arg11 : memref<1600xi32, #tpu.memory_space<vmem>>)
      tpu.yield
    }) : () -> ()
    %mul3A_10 = arith.constant 50 : i32
    %mul3A_11 = arith.muli %add3A_5, %mul3A_10 : i32
    "tpu.region"() ({
      %run_scoped3A = tpu.sem_alloc : memref<!tpu.dma_semaphore, #tpu.memory_space<semaphore_mem>>
      %dma_start3A_153 = arith.constant 0 : i32
      %dma_start3A_154 = tpu.memref_slice %arg15[%dma_start3A_153] : memref<1616xf32, #tpu.memory_space<vmem>> -> memref<1600xf32, #tpu.memory_space<vmem>>
      %dma_start3A_155 = tpu.memref_slice %arg4[%mul3A_11] : memref<204800xf32, #tpu.memory_space<hbm>> -> memref<1600xf32, #tpu.memory_space<hbm>>
      %dma_start3A_156 = arith.constant 0 : i32
      %dma_start3A_157 = tpu.memref_slice %arg15[%dma_start3A_156] : memref<1616xf32, #tpu.memory_space<vmem>> -> memref<1600xf32, #tpu.memory_space<vmem>>
      %dma_start3A_158 = tpu.memref_slice %arg4[%mul3A_11] : memref<204800xf32, #tpu.memory_space<hbm>> -> memref<1600xf32, #tpu.memory_space<hbm>>
      tpu.enqueue_dma source(%dma_start3A_158 : memref<1600xf32, #tpu.memory_space<hbm>>) target(%dma_start3A_157 : memref<1600xf32, #tpu.memory_space<vmem>>) target_semaphore(%run_scoped3A : memref<!tpu.dma_semaphore, #tpu.memory_space<semaphore_mem>>)
      %dma_wait3A_159 = arith.constant 0 : i32
      %dma_wait3A_160 = tpu.memref_slice %arg15[%dma_wait3A_159] : memref<1616xf32, #tpu.memory_space<vmem>> -> memref<1600xf32, #tpu.memory_space<vmem>>
      %dma_wait3A_161 = tpu.memref_slice %arg4[%mul3A_11] : memref<204800xf32, #tpu.memory_space<hbm>> -> memref<1600xf32, #tpu.memory_space<hbm>>
      %dma_wait3A_162 = arith.constant 0 : i32
      %dma_wait3A_163 = tpu.memref_slice %arg15[%dma_wait3A_162] : memref<1616xf32, #tpu.memory_space<vmem>> -> memref<1600xf32, #tpu.memory_space<vmem>>
      %dma_wait3A_164 = tpu.memref_slice %arg4[%mul3A_11] : memref<204800xf32, #tpu.memory_space<hbm>> -> memref<1600xf32, #tpu.memory_space<hbm>>
      tpu.wait_dma2 semaphore(%run_scoped3A : memref<!tpu.dma_semaphore, #tpu.memory_space<semaphore_mem>>) src(%dma_wait3A_164 : memref<1600xf32, #tpu.memory_space<hbm>>) dst(%dma_wait3A_163 : memref<1600xf32, #tpu.memory_space<vmem>>)
      tpu.yield
    }) : () -> ()
    %dma_start3A = arith.constant 0 : i32
    %dma_start3A_12 = arith.constant 0 : i32
    %dma_start3A_13 = tpu.memref_slice %arg5[%dma_start3A, %dma_start3A_12] : memref<1015808x16xi32, #tpu.memory_space<hbm>> -> memref<1015808x16xi32, #tpu.memory_space<hbm>>
    tpu.enqueue_indirect_dma source(%dma_start3A_13 : memref<1015808x16xi32, #tpu.memory_space<hbm>>) target(%arg9 : memref<1024x16xi32, #tpu.memory_space<vmem>>) offsets(%arg7 : memref<1024xi32, #tpu.memory_space<vmem>>) semaphore(%arg17 : memref<!tpu.dma_semaphore, #tpu.memory_space<semaphore_mem>>)
    %dma_start3A_14 = arith.constant 0 : i32
    %dma_start3A_15 = arith.constant 0 : i32
    %dma_start3A_16 = tpu.memref_slice %arg5[%dma_start3A_14, %dma_start3A_15] : memref<1015808x16xi32, #tpu.memory_space<hbm>> -> memref<1015808x16xi32, #tpu.memory_space<hbm>>
    tpu.enqueue_indirect_dma source(%dma_start3A_16 : memref<1015808x16xi32, #tpu.memory_space<hbm>>) target(%arg13 : memref<1600x16xi32, #tpu.memory_space<vmem>>) offsets(%arg11 : memref<1600xi32, #tpu.memory_space<vmem>>) semaphore(%arg19 : memref<!tpu.dma_semaphore, #tpu.memory_space<semaphore_mem>>)
    %add3A_17 = arith.constant 32 : i32
    %add3A_18 = arith.addi %mul3A_2, %add3A_17 : i32
    %mul3A_19 = arith.constant 32 : i32
    %mul3A_20 = arith.muli %add3A_18, %mul3A_19 : i32
    "tpu.region"() ({
      %run_scoped3A = tpu.sem_alloc : memref<!tpu.dma_semaphore, #tpu.memory_space<semaphore_mem>>
      %dma_start3A_153 = tpu.memref_slice %arg2[%mul3A_20] : memref<131072xi32, #tpu.memory_space<hbm>> -> memref<1024xi32, #tpu.memory_space<hbm>>
      %dma_start3A_154 = tpu.memref_slice %arg2[%mul3A_20] : memref<131072xi32, #tpu.memory_space<hbm>> -> memref<1024xi32, #tpu.memory_space<hbm>>
      tpu.enqueue_dma source(%dma_start3A_154 : memref<1024xi32, #tpu.memory_space<hbm>>) target(%arg8 : memref<1024xi32, #tpu.memory_space<vmem>>) target_semaphore(%run_scoped3A : memref<!tpu.dma_semaphore, #tpu.memory_space<semaphore_mem>>)
      %dma_wait3A_155 = tpu.memref_slice %arg2[%mul3A_20] : memref<131072xi32, #tpu.memory_space<hbm>> -> memref<1024xi32, #tpu.memory_space<hbm>>
      %dma_wait3A_156 = tpu.memref_slice %arg2[%mul3A_20] : memref<131072xi32, #tpu.memory_space<hbm>> -> memref<1024xi32, #tpu.memory_space<hbm>>
      tpu.wait_dma2 semaphore(%run_scoped3A : memref<!tpu.dma_semaphore, #tpu.memory_space<semaphore_mem>>) src(%dma_wait3A_156 : memref<1024xi32, #tpu.memory_space<hbm>>) dst(%arg8 : memref<1024xi32, #tpu.memory_space<vmem>>)
      tpu.yield
    }) : () -> ()
    %mul3A_21 = arith.constant 50 : i32
    %mul3A_22 = arith.muli %add3A_18, %mul3A_21 : i32
    "tpu.region"() ({
      %run_scoped3A = tpu.sem_alloc : memref<!tpu.dma_semaphore, #tpu.memory_space<semaphore_mem>>
      %dma_start3A_153 = tpu.memref_slice %arg3[%mul3A_22] : memref<204800xi32, #tpu.memory_space<hbm>> -> memref<1600xi32, #tpu.memory_space<hbm>>
      %dma_start3A_154 = tpu.memref_slice %arg3[%mul3A_22] : memref<204800xi32, #tpu.memory_space<hbm>> -> memref<1600xi32, #tpu.memory_space<hbm>>
      tpu.enqueue_dma source(%dma_start3A_154 : memref<1600xi32, #tpu.memory_space<hbm>>) target(%arg12 : memref<1600xi32, #tpu.memory_space<vmem>>) target_semaphore(%run_scoped3A : memref<!tpu.dma_semaphore, #tpu.memory_space<semaphore_mem>>)
      %dma_wait3A_155 = tpu.memref_slice %arg3[%mul3A_22] : memref<204800xi32, #tpu.memory_space<hbm>> -> memref<1600xi32, #tpu.memory_space<hbm>>
      %dma_wait3A_156 = tpu.memref_slice %arg3[%mul3A_22] : memref<204800xi32, #tpu.memory_space<hbm>> -> memref<1600xi32, #tpu.memory_space<hbm>>
      tpu.wait_dma2 semaphore(%run_scoped3A : memref<!tpu.dma_semaphore, #tpu.memory_space<semaphore_mem>>) src(%dma_wait3A_156 : memref<1600xi32, #tpu.memory_space<hbm>>) dst(%arg12 : memref<1600xi32, #tpu.memory_space<vmem>>)
      tpu.yield
    }) : () -> ()
    %mul3A_23 = arith.constant 50 : i32
    %mul3A_24 = arith.muli %add3A_18, %mul3A_23 : i32
    "tpu.region"() ({
      %run_scoped3A = tpu.sem_alloc : memref<!tpu.dma_semaphore, #tpu.memory_space<semaphore_mem>>
      %dma_start3A_153 = arith.constant 0 : i32
      %dma_start3A_154 = tpu.memref_slice %arg16[%dma_start3A_153] : memref<1616xf32, #tpu.memory_space<vmem>> -> memref<1600xf32, #tpu.memory_space<vmem>>
      %dma_start3A_155 = tpu.memref_slice %arg4[%mul3A_24] : memref<204800xf32, #tpu.memory_space<hbm>> -> memref<1600xf32, #tpu.memory_space<hbm>>
      %dma_start3A_156 = arith.constant 0 : i32
      %dma_start3A_157 = tpu.memref_slice %arg16[%dma_start3A_156] : memref<1616xf32, #tpu.memory_space<vmem>> -> memref<1600xf32, #tpu.memory_space<vmem>>
      %dma_start3A_158 = tpu.memref_slice %arg4[%mul3A_24] : memref<204800xf32, #tpu.memory_space<hbm>> -> memref<1600xf32, #tpu.memory_space<hbm>>
      tpu.enqueue_dma source(%dma_start3A_158 : memref<1600xf32, #tpu.memory_space<hbm>>) target(%dma_start3A_157 : memref<1600xf32, #tpu.memory_space<vmem>>) target_semaphore(%run_scoped3A : memref<!tpu.dma_semaphore, #tpu.memory_space<semaphore_mem>>)
      %dma_wait3A_159 = arith.constant 0 : i32
      %dma_wait3A_160 = tpu.memref_slice %arg16[%dma_wait3A_159] : memref<1616xf32, #tpu.memory_space<vmem>> -> memref<1600xf32, #tpu.memory_space<vmem>>
      %dma_wait3A_161 = tpu.memref_slice %arg4[%mul3A_24] : memref<204800xf32, #tpu.memory_space<hbm>> -> memref<1600xf32, #tpu.memory_space<hbm>>
      %dma_wait3A_162 = arith.constant 0 : i32
      %dma_wait3A_163 = tpu.memref_slice %arg16[%dma_wait3A_162] : memref<1616xf32, #tpu.memory_space<vmem>> -> memref<1600xf32, #tpu.memory_space<vmem>>
      %dma_wait3A_164 = tpu.memref_slice %arg4[%mul3A_24] : memref<204800xf32, #tpu.memory_space<hbm>> -> memref<1600xf32, #tpu.memory_space<hbm>>
      tpu.wait_dma2 semaphore(%run_scoped3A : memref<!tpu.dma_semaphore, #tpu.memory_space<semaphore_mem>>) src(%dma_wait3A_164 : memref<1600xf32, #tpu.memory_space<hbm>>) dst(%dma_wait3A_163 : memref<1600xf32, #tpu.memory_space<vmem>>)
      tpu.yield
    }) : () -> ()
    %dma_start3A_25 = arith.constant 0 : i32
    %dma_start3A_26 = arith.constant 0 : i32
    %dma_start3A_27 = tpu.memref_slice %arg5[%dma_start3A_25, %dma_start3A_26] : memref<1015808x16xi32, #tpu.memory_space<hbm>> -> memref<1015808x16xi32, #tpu.memory_space<hbm>>
    tpu.enqueue_indirect_dma source(%dma_start3A_27 : memref<1015808x16xi32, #tpu.memory_space<hbm>>) target(%arg10 : memref<1024x16xi32, #tpu.memory_space<vmem>>) offsets(%arg8 : memref<1024xi32, #tpu.memory_space<vmem>>) semaphore(%arg18 : memref<!tpu.dma_semaphore, #tpu.memory_space<semaphore_mem>>)
    %dma_start3A_28 = arith.constant 0 : i32
    %dma_start3A_29 = arith.constant 0 : i32
    %dma_start3A_30 = tpu.memref_slice %arg5[%dma_start3A_28, %dma_start3A_29] : memref<1015808x16xi32, #tpu.memory_space<hbm>> -> memref<1015808x16xi32, #tpu.memory_space<hbm>>
    tpu.enqueue_indirect_dma source(%dma_start3A_30 : memref<1015808x16xi32, #tpu.memory_space<hbm>>) target(%arg14 : memref<1600x16xi32, #tpu.memory_space<vmem>>) offsets(%arg12 : memref<1600xi32, #tpu.memory_space<vmem>>) semaphore(%arg20 : memref<!tpu.dma_semaphore, #tpu.memory_space<semaphore_mem>>)
    %add3A_31 = arith.constant 0 : i32
    %add3A_32 = arith.addi %mul3A_2, %add3A_31 : i32
    %dma_wait3A = arith.constant 0 : i32
    %dma_wait3A_33 = arith.constant 0 : i32
    %dma_wait3A_34 = tpu.memref_slice %arg5[%dma_wait3A, %dma_wait3A_33] : memref<1015808x16xi32, #tpu.memory_space<hbm>> -> memref<1015808x16xi32, #tpu.memory_space<hbm>>
    tpu.wait_indirect_dma semaphore(%arg17 : memref<!tpu.dma_semaphore, #tpu.memory_space<semaphore_mem>>) src(%dma_wait3A_34 : memref<1015808x16xi32, #tpu.memory_space<hbm>>) dst(%arg9 : memref<1024x16xi32, #tpu.memory_space<vmem>>)
    %dma_wait3A_35 = arith.constant 0 : i32
    %dma_wait3A_36 = arith.constant 0 : i32
    %dma_wait3A_37 = tpu.memref_slice %arg5[%dma_wait3A_35, %dma_wait3A_36] : memref<1015808x16xi32, #tpu.memory_space<hbm>> -> memref<1015808x16xi32, #tpu.memory_space<hbm>>
    tpu.wait_indirect_dma semaphore(%arg19 : memref<!tpu.dma_semaphore, #tpu.memory_space<semaphore_mem>>) src(%dma_wait3A_37 : memref<1015808x16xi32, #tpu.memory_space<hbm>>) dst(%arg13 : memref<1600x16xi32, #tpu.memory_space<vmem>>)
    %scan3A = arith.constant 0 : i32
    %scan3A_38 = arith.constant 0 : i32
    %scan3A_39 = arith.constant 32 : i32
    %scan3A_40 = arith.addi %scan3A_38, %scan3A_39 : i32
    %scan3A_41 = arith.constant 1 : i32
    scf.for %scan3A_153 = %scan3A_38 to %scan3A_40 step %scan3A_41  : i32 {
      %mul3A_154 = arith.constant 50 : i32
      %mul3A_155 = arith.muli %scan3A_153, %mul3A_154 : i32
      %add3A_156 = arith.constant 0 : i32
      %add3A_157 = arith.addi %mul3A_155, %add3A_156 : i32
      %get3A = arith.index_cast %add3A_157 : i32 to index
      %get3A_158 = tpu.vector_load %arg15[%get3A] {strides = array<i32>} : memref<1616xf32, #tpu.memory_space<vmem>>, vector<16xf32>,
      %slice3A = vector.extract_strided_slice %get3A_158 {offsets = [0], sizes = [1], strides = [1]} : vector<16xf32> to vector<1xf32>
      %squeeze3A = vector.extract %slice3A[0] : f32 from vector<1xf32>
      %add3A_159 = arith.constant 0 : i32
      %add3A_160 = arith.addi %mul3A_155, %add3A_159 : i32
      %get3A_161 = arith.index_cast %add3A_160 : i32 to index
      %get3A_162 = arith.constant 0 : index
      %get3A_163 = tpu.vector_load %arg13[%get3A_161, %get3A_162] {strides = array<i32>} : memref<1600x16xi32, #tpu.memory_space<vmem>>, vector<16xi32>,
      %shift_left3A = arith.constant 16 : i32
      %shift_left3A_164 = vector.broadcast %shift_left3A : i32 to vector<16xi32>
      %shift_left3A_165 = arith.shli %get3A_163, %shift_left3A_164 : vector<16xi32>
      %bitcast3A = vector.bitcast %shift_left3A_165 : vector<16xi32> to vector<16xf32>
      %and3A = arith.constant -65536 : i32
      %and3A_166 = vector.broadcast %and3A : i32 to vector<16xi32>
      %and3A_167 = arith.andi %get3A_163, %and3A_166 : vector<16xi32>
      %bitcast3A_168 = vector.bitcast %and3A_167 : vector<16xi32> to vector<16xf32>
      %mul3A_169 = vector.broadcast %squeeze3A : f32 to vector<16xf32>
      %mul3A_170 = arith.mulf %bitcast3A, %mul3A_169 : vector<16xf32>
      %add3A_171 = arith.addf %broadcast_in_dim3A_3, %mul3A_170 : vector<16xf32>
      %mul3A_172 = vector.broadcast %squeeze3A : f32 to vector<16xf32>
      %mul3A_173 = arith.mulf %bitcast3A_168, %mul3A_172 : vector<16xf32>
      %add3A_174 = arith.addf %broadcast_in_dim3A_3, %mul3A_173 : vector<16xf32>
      %slice3A_175 = vector.extract_strided_slice %get3A_158 {offsets = [1], sizes = [1], strides = [1]} : vector<16xf32> to vector<1xf32>
      %squeeze3A_176 = vector.extract %slice3A_175[0] : f32 from vector<1xf32>
      %add3A_177 = arith.constant 1 : i32
      %add3A_178 = arith.addi %mul3A_155, %add3A_177 : i32
      %get3A_179 = arith.index_cast %add3A_178 : i32 to index
      %get3A_180 = arith.constant 0 : index
      %get3A_181 = tpu.vector_load %arg13[%get3A_179, %get3A_180] {strides = array<i32>} : memref<1600x16xi32, #tpu.memory_space<vmem>>, vector<16xi32>,
      %shift_left3A_182 = arith.constant 16 : i32
      %shift_left3A_183 = vector.broadcast %shift_left3A_182 : i32 to vector<16xi32>
      %shift_left3A_184 = arith.shli %get3A_181, %shift_left3A_183 : vector<16xi32>
      %bitcast3A_185 = vector.bitcast %shift_left3A_184 : vector<16xi32> to vector<16xf32>
      %and3A_186 = arith.constant -65536 : i32
      %and3A_187 = vector.broadcast %and3A_186 : i32 to vector<16xi32>
      %and3A_188 = arith.andi %get3A_181, %and3A_187 : vector<16xi32>
      %bitcast3A_189 = vector.bitcast %and3A_188 : vector<16xi32> to vector<16xf32>
      %mul3A_190 = vector.broadcast %squeeze3A_176 : f32 to vector<16xf32>
      %mul3A_191 = arith.mulf %bitcast3A_185, %mul3A_190 : vector<16xf32>
      %add3A_192 = arith.addf %add3A_171, %mul3A_191 : vector<16xf32>
      %mul3A_193 = vector.broadcast %squeeze3A_176 : f32 to vector<16xf32>
      %mul3A_194 = arith.mulf %bitcast3A_189, %mul3A_193 : vector<16xf32>
      %add3A_195 = arith.addf %add3A_174, %mul3A_194 : vector<16xf32>
      %slice3A_196 = vector.extract_strided_slice %get3A_158 {offsets = [2], sizes = [1], strides = [1]} : vector<16xf32> to vector<1xf32>
      %squeeze3A_197 = vector.extract %slice3A_196[0] : f32 from vector<1xf32>
      %add3A_198 = arith.constant 2 : i32
      %add3A_199 = arith.addi %mul3A_155, %add3A_198 : i32
      %get3A_200 = arith.index_cast %add3A_199 : i32 to index
      %get3A_201 = arith.constant 0 : index
      %get3A_202 = tpu.vector_load %arg13[%get3A_200, %get3A_201] {strides = array<i32>} : memref<1600x16xi32, #tpu.memory_space<vmem>>, vector<16xi32>,
      %shift_left3A_203 = arith.constant 16 : i32
      %shift_left3A_204 = vector.broadcast %shift_left3A_203 : i32 to vector<16xi32>
      %shift_left3A_205 = arith.shli %get3A_202, %shift_left3A_204 : vector<16xi32>
      %bitcast3A_206 = vector.bitcast %shift_left3A_205 : vector<16xi32> to vector<16xf32>
      %and3A_207 = arith.constant -65536 : i32
      %and3A_208 = vector.broadcast %and3A_207 : i32 to vector<16xi32>
      %and3A_209 = arith.andi %get3A_202, %and3A_208 : vector<16xi32>
      %bitcast3A_210 = vector.bitcast %and3A_209 : vector<16xi32> to vector<16xf32>
      %mul3A_211 = vector.broadcast %squeeze3A_197 : f32 to vector<16xf32>
      %mul3A_212 = arith.mulf %bitcast3A_206, %mul3A_211 : vector<16xf32>
      %add3A_213 = arith.addf %add3A_192, %mul3A_212 : vector<16xf32>
      %mul3A_214 = vector.broadcast %squeeze3A_197 : f32 to vector<16xf32>
      %mul3A_215 = arith.mulf %bitcast3A_210, %mul3A_214 : vector<16xf32>
      %add3A_216 = arith.addf %add3A_195, %mul3A_215 : vector<16xf32>
      %slice3A_217 = vector.extract_strided_slice %get3A_158 {offsets = [3], sizes = [1], strides = [1]} : vector<16xf32> to vector<1xf32>
      %squeeze3A_218 = vector.extract %slice3A_217[0] : f32 from vector<1xf32>
      %add3A_219 = arith.constant 3 : i32
      %add3A_220 = arith.addi %mul3A_155, %add3A_219 : i32
      %get3A_221 = arith.index_cast %add3A_220 : i32 to index
      %get3A_222 = arith.constant 0 : index
      %get3A_223 = tpu.vector_load %arg13[%get3A_221, %get3A_222] {strides = array<i32>} : memref<1600x16xi32, #tpu.memory_space<vmem>>, vector<16xi32>,
      %shift_left3A_224 = arith.constant 16 : i32
      %shift_left3A_225 = vector.broadcast %shift_left3A_224 : i32 to vector<16xi32>
      %shift_left3A_226 = arith.shli %get3A_223, %shift_left3A_225 : vector<16xi32>
      %bitcast3A_227 = vector.bitcast %shift_left3A_226 : vector<16xi32> to vector<16xf32>
      %and3A_228 = arith.constant -65536 : i32
      %and3A_229 = vector.broadcast %and3A_228 : i32 to vector<16xi32>
      %and3A_230 = arith.andi %get3A_223, %and3A_229 : vector<16xi32>
      %bitcast3A_231 = vector.bitcast %and3A_230 : vector<16xi32> to vector<16xf32>
      %mul3A_232 = vector.broadcast %squeeze3A_218 : f32 to vector<16xf32>
      %mul3A_233 = arith.mulf %bitcast3A_227, %mul3A_232 : vector<16xf32>
      %add3A_234 = arith.addf %add3A_213, %mul3A_233 : vector<16xf32>
      %mul3A_235 = vector.broadcast %squeeze3A_218 : f32 to vector<16xf32>
      %mul3A_236 = arith.mulf %bitcast3A_231, %mul3A_235 : vector<16xf32>
      %add3A_237 = arith.addf %add3A_216, %mul3A_236 : vector<16xf32>
      %slice3A_238 = vector.extract_strided_slice %get3A_158 {offsets = [4], sizes = [1], strides = [1]} : vector<16xf32> to vector<1xf32>
      %squeeze3A_239 = vector.extract %slice3A_238[0] : f32 from vector<1xf32>
      %add3A_240 = arith.constant 4 : i32
      %add3A_241 = arith.addi %mul3A_155, %add3A_240 : i32
      %get3A_242 = arith.index_cast %add3A_241 : i32 to index
      %get3A_243 = arith.constant 0 : index
      %get3A_244 = tpu.vector_load %arg13[%get3A_242, %get3A_243] {strides = array<i32>} : memref<1600x16xi32, #tpu.memory_space<vmem>>, vector<16xi32>,
      %shift_left3A_245 = arith.constant 16 : i32
      %shift_left3A_246 = vector.broadcast %shift_left3A_245 : i32 to vector<16xi32>
      %shift_left3A_247 = arith.shli %get3A_244, %shift_left3A_246 : vector<16xi32>
      %bitcast3A_248 = vector.bitcast %shift_left3A_247 : vector<16xi32> to vector<16xf32>
      %and3A_249 = arith.constant -65536 : i32
      %and3A_250 = vector.broadcast %and3A_249 : i32 to vector<16xi32>
      %and3A_251 = arith.andi %get3A_244, %and3A_250 : vector<16xi32>
      %bitcast3A_252 = vector.bitcast %and3A_251 : vector<16xi32> to vector<16xf32>
      %mul3A_253 = vector.broadcast %squeeze3A_239 : f32 to vector<16xf32>
      %mul3A_254 = arith.mulf %bitcast3A_248, %mul3A_253 : vector<16xf32>
      %add3A_255 = arith.addf %add3A_234, %mul3A_254 : vector<16xf32>
      %mul3A_256 = vector.broadcast %squeeze3A_239 : f32 to vector<16xf32>
      %mul3A_257 = arith.mulf %bitcast3A_252, %mul3A_256 : vector<16xf32>
      %add3A_258 = arith.addf %add3A_237, %mul3A_257 : vector<16xf32>
      %slice3A_259 = vector.extract_strided_slice %get3A_158 {offsets = [5], sizes = [1], strides = [1]} : vector<16xf32> to vector<1xf32>
      %squeeze3A_260 = vector.extract %slice3A_259[0] : f32 from vector<1xf32>
      %add3A_261 = arith.constant 5 : i32
      %add3A_262 = arith.addi %mul3A_155, %add3A_261 : i32
      %get3A_263 = arith.index_cast %add3A_262 : i32 to index
      %get3A_264 = arith.constant 0 : index
      %get3A_265 = tpu.vector_load %arg13[%get3A_263, %get3A_264] {strides = array<i32>} : memref<1600x16xi32, #tpu.memory_space<vmem>>, vector<16xi32>,
      %shift_left3A_266 = arith.constant 16 : i32
      %shift_left3A_267 = vector.broadcast %shift_left3A_266 : i32 to vector<16xi32>
      %shift_left3A_268 = arith.shli %get3A_265, %shift_left3A_267 : vector<16xi32>
      %bitcast3A_269 = vector.bitcast %shift_left3A_268 : vector<16xi32> to vector<16xf32>
      %and3A_270 = arith.constant -65536 : i32
      %and3A_271 = vector.broadcast %and3A_270 : i32 to vector<16xi32>
      %and3A_272 = arith.andi %get3A_265, %and3A_271 : vector<16xi32>
      %bitcast3A_273 = vector.bitcast %and3A_272 : vector<16xi32> to vector<16xf32>
      %mul3A_274 = vector.broadcast %squeeze3A_260 : f32 to vector<16xf32>
      %mul3A_275 = arith.mulf %bitcast3A_269, %mul3A_274 : vector<16xf32>
      %add3A_276 = arith.addf %add3A_255, %mul3A_275 : vector<16xf32>
      %mul3A_277 = vector.broadcast %squeeze3A_260 : f32 to vector<16xf32>
      %mul3A_278 = arith.mulf %bitcast3A_273, %mul3A_277 : vector<16xf32>
      %add3A_279 = arith.addf %add3A_258, %mul3A_278 : vector<16xf32>
      %slice3A_280 = vector.extract_strided_slice %get3A_158 {offsets = [6], sizes = [1], strides = [1]} : vector<16xf32> to vector<1xf32>
      %squeeze3A_281 = vector.extract %slice3A_280[0] : f32 from vector<1xf32>
      %add3A_282 = arith.constant 6 : i32
      %add3A_283 = arith.addi %mul3A_155, %add3A_282 : i32
      %get3A_284 = arith.index_cast %add3A_283 : i32 to index
      %get3A_285 = arith.constant 0 : index
      %get3A_286 = tpu.vector_load %arg13[%get3A_284, %get3A_285] {strides = array<i32>} : memref<1600x16xi32, #tpu.memory_space<vmem>>, vector<16xi32>,
      %shift_left3A_287 = arith.constant 16 : i32
      %shift_left3A_288 = vector.broadcast %shift_left3A_287 : i32 to vector<16xi32>
      %shift_left3A_289 = arith.shli %get3A_286, %shift_left3A_288 : vector<16xi32>
      %bitcast3A_290 = vector.bitcast %shift_left3A_289 : vector<16xi32> to vector<16xf32>
      %and3A_291 = arith.constant -65536 : i32
      %and3A_292 = vector.broadcast %and3A_291 : i32 to vector<16xi32>
      %and3A_293 = arith.andi %get3A_286, %and3A_292 : vector<16xi32>
      %bitcast3A_294 = vector.bitcast %and3A_293 : vector<16xi32> to vector<16xf32>
      %mul3A_295 = vector.broadcast %squeeze3A_281 : f32 to vector<16xf32>
      %mul3A_296 = arith.mulf %bitcast3A_290, %mul3A_295 : vector<16xf32>
      %add3A_297 = arith.addf %add3A_276, %mul3A_296 : vector<16xf32>
      %mul3A_298 = vector.broadcast %squeeze3A_281 : f32 to vector<16xf32>
      %mul3A_299 = arith.mulf %bitcast3A_294, %mul3A_298 : vector<16xf32>
      %add3A_300 = arith.addf %add3A_279, %mul3A_299 : vector<16xf32>
      %slice3A_301 = vector.extract_strided_slice %get3A_158 {offsets = [7], sizes = [1], strides = [1]} : vector<16xf32> to vector<1xf32>
      %squeeze3A_302 = vector.extract %slice3A_301[0] : f32 from vector<1xf32>
      %add3A_303 = arith.constant 7 : i32
      %add3A_304 = arith.addi %mul3A_155, %add3A_303 : i32
      %get3A_305 = arith.index_cast %add3A_304 : i32 to index
      %get3A_306 = arith.constant 0 : index
      %get3A_307 = tpu.vector_load %arg13[%get3A_305, %get3A_306] {strides = array<i32>} : memref<1600x16xi32, #tpu.memory_space<vmem>>, vector<16xi32>,
      %shift_left3A_308 = arith.constant 16 : i32
      %shift_left3A_309 = vector.broadcast %shift_left3A_308 : i32 to vector<16xi32>
      %shift_left3A_310 = arith.shli %get3A_307, %shift_left3A_309 : vector<16xi32>
      %bitcast3A_311 = vector.bitcast %shift_left3A_310 : vector<16xi32> to vector<16xf32>
      %and3A_312 = arith.constant -65536 : i32
      %and3A_313 = vector.broadcast %and3A_312 : i32 to vector<16xi32>
      %and3A_314 = arith.andi %get3A_307, %and3A_313 : vector<16xi32>
      %bitcast3A_315 = vector.bitcast %and3A_314 : vector<16xi32> to vector<16xf32>
      %mul3A_316 = vector.broadcast %squeeze3A_302 : f32 to vector<16xf32>
      %mul3A_317 = arith.mulf %bitcast3A_311, %mul3A_316 : vector<16xf32>
      %add3A_318 = arith.addf %add3A_297, %mul3A_317 : vector<16xf32>
      %mul3A_319 = vector.broadcast %squeeze3A_302 : f32 to vector<16xf32>
      %mul3A_320 = arith.mulf %bitcast3A_315, %mul3A_319 : vector<16xf32>
      %add3A_321 = arith.addf %add3A_300, %mul3A_320 : vector<16xf32>
      %slice3A_322 = vector.extract_strided_slice %get3A_158 {offsets = [8], sizes = [1], strides = [1]} : vector<16xf32> to vector<1xf32>
      %squeeze3A_323 = vector.extract %slice3A_322[0] : f32 from vector<1xf32>
      %add3A_324 = arith.constant 8 : i32
      %add3A_325 = arith.addi %mul3A_155, %add3A_324 : i32
      %get3A_326 = arith.index_cast %add3A_325 : i32 to index
      %get3A_327 = arith.constant 0 : index
      %get3A_328 = tpu.vector_load %arg13[%get3A_326, %get3A_327] {strides = array<i32>} : memref<1600x16xi32, #tpu.memory_space<vmem>>, vector<16xi32>,
      %shift_left3A_329 = arith.constant 16 : i32
      %shift_left3A_330 = vector.broadcast %shift_left3A_329 : i32 to vector<16xi32>
      %shift_left3A_331 = arith.shli %get3A_328, %shift_left3A_330 : vector<16xi32>
      %bitcast3A_332 = vector.bitcast %shift_left3A_331 : vector<16xi32> to vector<16xf32>
      %and3A_333 = arith.constant -65536 : i32
      %and3A_334 = vector.broadcast %and3A_333 : i32 to vector<16xi32>
      %and3A_335 = arith.andi %get3A_328, %and3A_334 : vector<16xi32>
      %bitcast3A_336 = vector.bitcast %and3A_335 : vector<16xi32> to vector<16xf32>
      %mul3A_337 = vector.broadcast %squeeze3A_323 : f32 to vector<16xf32>
      %mul3A_338 = arith.mulf %bitcast3A_332, %mul3A_337 : vector<16xf32>
      %add3A_339 = arith.addf %add3A_318, %mul3A_338 : vector<16xf32>
      %mul3A_340 = vector.broadcast %squeeze3A_323 : f32 to vector<16xf32>
      %mul3A_341 = arith.mulf %bitcast3A_336, %mul3A_340 : vector<16xf32>
      %add3A_342 = arith.addf %add3A_321, %mul3A_341 : vector<16xf32>
      %slice3A_343 = vector.extract_strided_slice %get3A_158 {offsets = [9], sizes = [1], strides = [1]} : vector<16xf32> to vector<1xf32>
      %squeeze3A_344 = vector.extract %slice3A_343[0] : f32 from vector<1xf32>
      %add3A_345 = arith.constant 9 : i32
      %add3A_346 = arith.addi %mul3A_155, %add3A_345 : i32
      %get3A_347 = arith.index_cast %add3A_346 : i32 to index
      %get3A_348 = arith.constant 0 : index
      %get3A_349 = tpu.vector_load %arg13[%get3A_347, %get3A_348] {strides = array<i32>} : memref<1600x16xi32, #tpu.memory_space<vmem>>, vector<16xi32>,
      %shift_left3A_350 = arith.constant 16 : i32
      %shift_left3A_351 = vector.broadcast %shift_left3A_350 : i32 to vector<16xi32>
      %shift_left3A_352 = arith.shli %get3A_349, %shift_left3A_351 : vector<16xi32>
      %bitcast3A_353 = vector.bitcast %shift_left3A_352 : vector<16xi32> to vector<16xf32>
      %and3A_354 = arith.constant -65536 : i32
      %and3A_355 = vector.broadcast %and3A_354 : i32 to vector<16xi32>
      %and3A_356 = arith.andi %get3A_349, %and3A_355 : vector<16xi32>
      %bitcast3A_357 = vector.bitcast %and3A_356 : vector<16xi32> to vector<16xf32>
      %mul3A_358 = vector.broadcast %squeeze3A_344 : f32 to vector<16xf32>
      %mul3A_359 = arith.mulf %bitcast3A_353, %mul3A_358 : vector<16xf32>
      %add3A_360 = arith.addf %add3A_339, %mul3A_359 : vector<16xf32>
      %mul3A_361 = vector.broadcast %squeeze3A_344 : f32 to vector<16xf32>
      %mul3A_362 = arith.mulf %bitcast3A_357, %mul3A_361 : vector<16xf32>
      %add3A_363 = arith.addf %add3A_342, %mul3A_362 : vector<16xf32>
      %slice3A_364 = vector.extract_strided_slice %get3A_158 {offsets = [10], sizes = [1], strides = [1]} : vector<16xf32> to vector<1xf32>
      %squeeze3A_365 = vector.extract %slice3A_364[0] : f32 from vector<1xf32>
      %add3A_366 = arith.constant 10 : i32
      %add3A_367 = arith.addi %mul3A_155, %add3A_366 : i32
      %get3A_368 = arith.index_cast %add3A_367 : i32 to index
      %get3A_369 = arith.constant 0 : index
      %get3A_370 = tpu.vector_load %arg13[%get3A_368, %get3A_369] {strides = array<i32>} : memref<1600x16xi32, #tpu.memory_space<vmem>>, vector<16xi32>,
      %shift_left3A_371 = arith.constant 16 : i32
      %shift_left3A_372 = vector.broadcast %shift_left3A_371 : i32 to vector<16xi32>
      %shift_left3A_373 = arith.shli %get3A_370, %shift_left3A_372 : vector<16xi32>
      %bitcast3A_374 = vector.bitcast %shift_left3A_373 : vector<16xi32> to vector<16xf32>
      %and3A_375 = arith.constant -65536 : i32
      %and3A_376 = vector.broadcast %and3A_375 : i32 to vector<16xi32>
      %and3A_377 = arith.andi %get3A_370, %and3A_376 : vector<16xi32>
      %bitcast3A_378 = vector.bitcast %and3A_377 : vector<16xi32> to vector<16xf32>
      %mul3A_379 = vector.broadcast %squeeze3A_365 : f32 to vector<16xf32>
      %mul3A_380 = arith.mulf %bitcast3A_374, %mul3A_379 : vector<16xf32>
      %add3A_381 = arith.addf %add3A_360, %mul3A_380 : vector<16xf32>
      %mul3A_382 = vector.broadcast %squeeze3A_365 : f32 to vector<16xf32>
      %mul3A_383 = arith.mulf %bitcast3A_378, %mul3A_382 : vector<16xf32>
      %add3A_384 = arith.addf %add3A_363, %mul3A_383 : vector<16xf32>
      %slice3A_385 = vector.extract_strided_slice %get3A_158 {offsets = [11], sizes = [1], strides = [1]} : vector<16xf32> to vector<1xf32>
      %squeeze3A_386 = vector.extract %slice3A_385[0] : f32 from vector<1xf32>
      %add3A_387 = arith.constant 11 : i32
      %add3A_388 = arith.addi %mul3A_155, %add3A_387 : i32
      %get3A_389 = arith.index_cast %add3A_388 : i32 to index
      %get3A_390 = arith.constant 0 : index
      %get3A_391 = tpu.vector_load %arg13[%get3A_389, %get3A_390] {strides = array<i32>} : memref<1600x16xi32, #tpu.memory_space<vmem>>, vector<16xi32>,
      %shift_left3A_392 = arith.constant 16 : i32
      %shift_left3A_393 = vector.broadcast %shift_left3A_392 : i32 to vector<16xi32>
      %shift_left3A_394 = arith.shli %get3A_391, %shift_left3A_393 : vector<16xi32>
      %bitcast3A_395 = vector.bitcast %shift_left3A_394 : vector<16xi32> to vector<16xf32>
      %and3A_396 = arith.constant -65536 : i32
      %and3A_397 = vector.broadcast %and3A_396 : i32 to vector<16xi32>
      %and3A_398 = arith.andi %get3A_391, %and3A_397 : vector<16xi32>
      %bitcast3A_399 = vector.bitcast %and3A_398 : vector<16xi32> to vector<16xf32>
      %mul3A_400 = vector.broadcast %squeeze3A_386 : f32 to vector<16xf32>
      %mul3A_401 = arith.mulf %bitcast3A_395, %mul3A_400 : vector<16xf32>
      %add3A_402 = arith.addf %add3A_381, %mul3A_401 : vector<16xf32>
      %mul3A_403 = vector.broadcast %squeeze3A_386 : f32 to vector<16xf32>
      %mul3A_404 = arith.mulf %bitcast3A_399, %mul3A_403 : vector<16xf32>
      %add3A_405 = arith.addf %add3A_384, %mul3A_404 : vector<16xf32>
      %slice3A_406 = vector.extract_strided_slice %get3A_158 {offsets = [12], sizes = [1], strides = [1]} : vector<16xf32> to vector<1xf32>
      %squeeze3A_407 = vector.extract %slice3A_406[0] : f32 from vector<1xf32>
      %add3A_408 = arith.constant 12 : i32
      %add3A_409 = arith.addi %mul3A_155, %add3A_408 : i32
      %get3A_410 = arith.index_cast %add3A_409 : i32 to index
      %get3A_411 = arith.constant 0 : index
      %get3A_412 = tpu.vector_load %arg13[%get3A_410, %get3A_411] {strides = array<i32>} : memref<1600x16xi32, #tpu.memory_space<vmem>>, vector<16xi32>,
      %shift_left3A_413 = arith.constant 16 : i32
      %shift_left3A_414 = vector.broadcast %shift_left3A_413 : i32 to vector<16xi32>
      %shift_left3A_415 = arith.shli %get3A_412, %shift_left3A_414 : vector<16xi32>
      %bitcast3A_416 = vector.bitcast %shift_left3A_415 : vector<16xi32> to vector<16xf32>
      %and3A_417 = arith.constant -65536 : i32
      %and3A_418 = vector.broadcast %and3A_417 : i32 to vector<16xi32>
      %and3A_419 = arith.andi %get3A_412, %and3A_418 : vector<16xi32>
      %bitcast3A_420 = vector.bitcast %and3A_419 : vector<16xi32> to vector<16xf32>
      %mul3A_421 = vector.broadcast %squeeze3A_407 : f32 to vector<16xf32>
      %mul3A_422 = arith.mulf %bitcast3A_416, %mul3A_421 : vector<16xf32>
      %add3A_423 = arith.addf %add3A_402, %mul3A_422 : vector<16xf32>
      %mul3A_424 = vector.broadcast %squeeze3A_407 : f32 to vector<16xf32>
      %mul3A_425 = arith.mulf %bitcast3A_420, %mul3A_424 : vector<16xf32>
      %add3A_426 = arith.addf %add3A_405, %mul3A_425 : vector<16xf32>
      %slice3A_427 = vector.extract_strided_slice %get3A_158 {offsets = [13], sizes = [1], strides = [1]} : vector<16xf32> to vector<1xf32>
      %squeeze3A_428 = vector.extract %slice3A_427[0] : f32 from vector<1xf32>
      %add3A_429 = arith.constant 13 : i32
      %add3A_430 = arith.addi %mul3A_155, %add3A_429 : i32
      %get3A_431 = arith.index_cast %add3A_430 : i32 to index
      %get3A_432 = arith.constant 0 : index
      %get3A_433 = tpu.vector_load %arg13[%get3A_431, %get3A_432] {strides = array<i32>} : memref<1600x16xi32, #tpu.memory_space<vmem>>, vector<16xi32>,
      %shift_left3A_434 = arith.constant 16 : i32
      %shift_left3A_435 = vector.broadcast %shift_left3A_434 : i32 to vector<16xi32>
      %shift_left3A_436 = arith.shli %get3A_433, %shift_left3A_435 : vector<16xi32>
      %bitcast3A_437 = vector.bitcast %shift_left3A_436 : vector<16xi32> to vector<16xf32>
      %and3A_438 = arith.constant -65536 : i32
      %and3A_439 = vector.broadcast %and3A_438 : i32 to vector<16xi32>
      %and3A_440 = arith.andi %get3A_433, %and3A_439 : vector<16xi32>
      %bitcast3A_441 = vector.bitcast %and3A_440 : vector<16xi32> to vector<16xf32>
      %mul3A_442 = vector.broadcast %squeeze3A_428 : f32 to vector<16xf32>
      %mul3A_443 = arith.mulf %bitcast3A_437, %mul3A_442 : vector<16xf32>
      %add3A_444 = arith.addf %add3A_423, %mul3A_443 : vector<16xf32>
      %mul3A_445 = vector.broadcast %squeeze3A_428 : f32 to vector<16xf32>
      %mul3A_446 = arith.mulf %bitcast3A_441, %mul3A_445 : vector<16xf32>
      %add3A_447 = arith.addf %add3A_426, %mul3A_446 : vector<16xf32>
      %slice3A_448 = vector.extract_strided_slice %get3A_158 {offsets = [14], sizes = [1], strides = [1]} : vector<16xf32> to vector<1xf32>
      %squeeze3A_449 = vector.extract %slice3A_448[0] : f32 from vector<1xf32>
      %add3A_450 = arith.constant 14 : i32
      %add3A_451 = arith.addi %mul3A_155, %add3A_450 : i32
      %get3A_452 = arith.index_cast %add3A_451 : i32 to index
      %get3A_453 = arith.constant 0 : index
      %get3A_454 = tpu.vector_load %arg13[%get3A_452, %get3A_453] {strides = array<i32>} : memref<1600x16xi32, #tpu.memory_space<vmem>>, vector<16xi32>,
      %shift_left3A_455 = arith.constant 16 : i32
      %shift_left3A_456 = vector.broadcast %shift_left3A_455 : i32 to vector<16xi32>
      %shift_left3A_457 = arith.shli %get3A_454, %shift_left3A_456 : vector<16xi32>
      %bitcast3A_458 = vector.bitcast %shift_left3A_457 : vector<16xi32> to vector<16xf32>
      %and3A_459 = arith.constant -65536 : i32
      %and3A_460 = vector.broadcast %and3A_459 : i32 to vector<16xi32>
      %and3A_461 = arith.andi %get3A_454, %and3A_460 : vector<16xi32>
      %bitcast3A_462 = vector.bitcast %and3A_461 : vector<16xi32> to vector<16xf32>
      %mul3A_463 = vector.broadcast %squeeze3A_449 : f32 to vector<16xf32>
      %mul3A_464 = arith.mulf %bitcast3A_458, %mul3A_463 : vector<16xf32>
      %add3A_465 = arith.addf %add3A_444, %mul3A_464 : vector<16xf32>
      %mul3A_466 = vector.broadcast %squeeze3A_449 : f32 to vector<16xf32>
      %mul3A_467 = arith.mulf %bitcast3A_462, %mul3A_466 : vector<16xf32>
      %add3A_468 = arith.addf %add3A_447, %mul3A_467 : vector<16xf32>
      %slice3A_469 = vector.extract_strided_slice %get3A_158 {offsets = [15], sizes = [1], strides = [1]} : vector<16xf32> to vector<1xf32>
      %squeeze3A_470 = vector.extract %slice3A_469[0] : f32 from vector<1xf32>
      %add3A_471 = arith.constant 15 : i32
      %add3A_472 = arith.addi %mul3A_155, %add3A_471 : i32
      %get3A_473 = arith.index_cast %add3A_472 : i32 to index
      %get3A_474 = arith.constant 0 : index
      %get3A_475 = tpu.vector_load %arg13[%get3A_473, %get3A_474] {strides = array<i32>} : memref<1600x16xi32, #tpu.memory_space<vmem>>, vector<16xi32>,
      %shift_left3A_476 = arith.constant 16 : i32
      %shift_left3A_477 = vector.broadcast %shift_left3A_476 : i32 to vector<16xi32>
      %shift_left3A_478 = arith.shli %get3A_475, %shift_left3A_477 : vector<16xi32>
      %bitcast3A_479 = vector.bitcast %shift_left3A_478 : vector<16xi32> to vector<16xf32>
      %and3A_480 = arith.constant -65536 : i32
      %and3A_481 = vector.broadcast %and3A_480 : i32 to vector<16xi32>
      %and3A_482 = arith.andi %get3A_475, %and3A_481 : vector<16xi32>
      %bitcast3A_483 = vector.bitcast %and3A_482 : vector<16xi32> to vector<16xf32>
      %mul3A_484 = vector.broadcast %squeeze3A_470 : f32 to vector<16xf32>
      %mul3A_485 = arith.mulf %bitcast3A_479, %mul3A_484 : vector<16xf32>
      %add3A_486 = arith.addf %add3A_465, %mul3A_485 : vector<16xf32>
      %mul3A_487 = vector.broadcast %squeeze3A_470 : f32 to vector<16xf32>
      %mul3A_488 = arith.mulf %bitcast3A_483, %mul3A_487 : vector<16xf32>
      %add3A_489 = arith.addf %add3A_468, %mul3A_488 : vector<16xf32>
      %add3A_490 = arith.constant 16 : i32
      %add3A_491 = arith.addi %mul3A_155, %add3A_490 : i32
      %get3A_492 = arith.index_cast %add3A_491 : i32 to index
      %get3A_493 = tpu.vector_load %arg15[%get3A_492] {strides = array<i32>} : memref<1616xf32, #tpu.memory_space<vmem>>, vector<16xf32>,
      %slice3A_494 = vector.extract_strided_slice %get3A_493 {offsets = [0], sizes = [1], strides = [1]} : vector<16xf32> to vector<1xf32>
      %squeeze3A_495 = vector.extract %slice3A_494[0] : f32 from vector<1xf32>
      %add3A_496 = arith.constant 16 : i32
      %add3A_497 = arith.addi %mul3A_155, %add3A_496 : i32
      %get3A_498 = arith.index_cast %add3A_497 : i32 to index
      %get3A_499 = arith.constant 0 : index
      %get3A_500 = tpu.vector_load %arg13[%get3A_498, %get3A_499] {strides = array<i32>} : memref<1600x16xi32, #tpu.memory_space<vmem>>, vector<16xi32>,
      %shift_left3A_501 = arith.constant 16 : i32
      %shift_left3A_502 = vector.broadcast %shift_left3A_501 : i32 to vector<16xi32>
      %shift_left3A_503 = arith.shli %get3A_500, %shift_left3A_502 : vector<16xi32>
      %bitcast3A_504 = vector.bitcast %shift_left3A_503 : vector<16xi32> to vector<16xf32>
      %and3A_505 = arith.constant -65536 : i32
      %and3A_506 = vector.broadcast %and3A_505 : i32 to vector<16xi32>
      %and3A_507 = arith.andi %get3A_500, %and3A_506 : vector<16xi32>
      %bitcast3A_508 = vector.bitcast %and3A_507 : vector<16xi32> to vector<16xf32>
      %mul3A_509 = vector.broadcast %squeeze3A_495 : f32 to vector<16xf32>
      %mul3A_510 = arith.mulf %bitcast3A_504, %mul3A_509 : vector<16xf32>
      %add3A_511 = arith.addf %add3A_486, %mul3A_510 : vector<16xf32>
      %mul3A_512 = vector.broadcast %squeeze3A_495 : f32 to vector<16xf32>
      %mul3A_513 = arith.mulf %bitcast3A_508, %mul3A_512 : vector<16xf32>
      %add3A_514 = arith.addf %add3A_489, %mul3A_513 : vector<16xf32>
      %slice3A_515 = vector.extract_strided_slice %get3A_493 {offsets = [1], sizes = [1], strides = [1]} : vector<16xf32> to vector<1xf32>
      %squeeze3A_516 = vector.extract %slice3A_515[0] : f32 from vector<1xf32>
      %add3A_517 = arith.constant 17 : i32
      %add3A_518 = arith.addi %mul3A_155, %add3A_517 : i32
      %get3A_519 = arith.index_cast %add3A_518 : i32 to index
      %get3A_520 = arith.constant 0 : index
      %get3A_521 = tpu.vector_load %arg13[%get3A_519, %get3A_520] {strides = array<i32>} : memref<1600x16xi32, #tpu.memory_space<vmem>>, vector<16xi32>,
      %shift_left3A_522 = arith.constant 16 : i32
      %shift_left3A_523 = vector.broadcast %shift_left3A_522 : i32 to vector<16xi32>
      %shift_left3A_524 = arith.shli %get3A_521, %shift_left3A_523 : vector<16xi32>
      %bitcast3A_525 = vector.bitcast %shift_left3A_524 : vector<16xi32> to vector<16xf32>
      %and3A_526 = arith.constant -65536 : i32
      %and3A_527 = vector.broadcast %and3A_526 : i32 to vector<16xi32>
      %and3A_528 = arith.andi %get3A_521, %and3A_527 : vector<16xi32>
      %bitcast3A_529 = vector.bitcast %and3A_528 : vector<16xi32> to vector<16xf32>
      %mul3A_530 = vector.broadcast %squeeze3A_516 : f32 to vector<16xf32>
      %mul3A_531 = arith.mulf %bitcast3A_525, %mul3A_530 : vector<16xf32>
      %add3A_532 = arith.addf %add3A_511, %mul3A_531 : vector<16xf32>
      %mul3A_533 = vector.broadcast %squeeze3A_516 : f32 to vector<16xf32>
      %mul3A_534 = arith.mulf %bitcast3A_529, %mul3A_533 : vector<16xf32>
      %add3A_535 = arith.addf %add3A_514, %mul3A_534 : vector<16xf32>
      %slice3A_536 = vector.extract_strided_slice %get3A_493 {offsets = [2], sizes = [1], strides = [1]} : vector<16xf32> to vector<1xf32>
      %squeeze3A_537 = vector.extract %slice3A_536[0] : f32 from vector<1xf32>
      %add3A_538 = arith.constant 18 : i32
      %add3A_539 = arith.addi %mul3A_155, %add3A_538 : i32
      %get3A_540 = arith.index_cast %add3A_539 : i32 to index
      %get3A_541 = arith.constant 0 : index
      %get3A_542 = tpu.vector_load %arg13[%get3A_540, %get3A_541] {strides = array<i32>} : memref<1600x16xi32, #tpu.memory_space<vmem>>, vector<16xi32>,
      %shift_left3A_543 = arith.constant 16 : i32
      %shift_left3A_544 = vector.broadcast %shift_left3A_543 : i32 to vector<16xi32>
      %shift_left3A_545 = arith.shli %get3A_542, %shift_left3A_544 : vector<16xi32>
      %bitcast3A_546 = vector.bitcast %shift_left3A_545 : vector<16xi32> to vector<16xf32>
      %and3A_547 = arith.constant -65536 : i32
      %and3A_548 = vector.broadcast %and3A_547 : i32 to vector<16xi32>
      %and3A_549 = arith.andi %get3A_542, %and3A_548 : vector<16xi32>
      %bitcast3A_550 = vector.bitcast %and3A_549 : vector<16xi32> to vector<16xf32>
      %mul3A_551 = vector.broadcast %squeeze3A_537 : f32 to vector<16xf32>
      %mul3A_552 = arith.mulf %bitcast3A_546, %mul3A_551 : vector<16xf32>
      %add3A_553 = arith.addf %add3A_532, %mul3A_552 : vector<16xf32>
      %mul3A_554 = vector.broadcast %squeeze3A_537 : f32 to vector<16xf32>
      %mul3A_555 = arith.mulf %bitcast3A_550, %mul3A_554 : vector<16xf32>
      %add3A_556 = arith.addf %add3A_535, %mul3A_555 : vector<16xf32>
      %slice3A_557 = vector.extract_strided_slice %get3A_493 {offsets = [3], sizes = [1], strides = [1]} : vector<16xf32> to vector<1xf32>
      %squeeze3A_558 = vector.extract %slice3A_557[0] : f32 from vector<1xf32>
      %add3A_559 = arith.constant 19 : i32
      %add3A_560 = arith.addi %mul3A_155, %add3A_559 : i32
      %get3A_561 = arith.index_cast %add3A_560 : i32 to index
      %get3A_562 = arith.constant 0 : index
      %get3A_563 = tpu.vector_load %arg13[%get3A_561, %get3A_562] {strides = array<i32>} : memref<1600x16xi32, #tpu.memory_space<vmem>>, vector<16xi32>,
      %shift_left3A_564 = arith.constant 16 : i32
      %shift_left3A_565 = vector.broadcast %shift_left3A_564 : i32 to vector<16xi32>
      %shift_left3A_566 = arith.shli %get3A_563, %shift_left3A_565 : vector<16xi32>
      %bitcast3A_567 = vector.bitcast %shift_left3A_566 : vector<16xi32> to vector<16xf32>
      %and3A_568 = arith.constant -65536 : i32
      %and3A_569 = vector.broadcast %and3A_568 : i32 to vector<16xi32>
      %and3A_570 = arith.andi %get3A_563, %and3A_569 : vector<16xi32>
      %bitcast3A_571 = vector.bitcast %and3A_570 : vector<16xi32> to vector<16xf32>
      %mul3A_572 = vector.broadcast %squeeze3A_558 : f32 to vector<16xf32>
      %mul3A_573 = arith.mulf %bitcast3A_567, %mul3A_572 : vector<16xf32>
      %add3A_574 = arith.addf %add3A_553, %mul3A_573 : vector<16xf32>
      %mul3A_575 = vector.broadcast %squeeze3A_558 : f32 to vector<16xf32>
      %mul3A_576 = arith.mulf %bitcast3A_571, %mul3A_575 : vector<16xf32>
      %add3A_577 = arith.addf %add3A_556, %mul3A_576 : vector<16xf32>
      %slice3A_578 = vector.extract_strided_slice %get3A_493 {offsets = [4], sizes = [1], strides = [1]} : vector<16xf32> to vector<1xf32>
      %squeeze3A_579 = vector.extract %slice3A_578[0] : f32 from vector<1xf32>
      %add3A_580 = arith.constant 20 : i32
      %add3A_581 = arith.addi %mul3A_155, %add3A_580 : i32
      %get3A_582 = arith.index_cast %add3A_581 : i32 to index
      %get3A_583 = arith.constant 0 : index
      %get3A_584 = tpu.vector_load %arg13[%get3A_582, %get3A_583] {strides = array<i32>} : memref<1600x16xi32, #tpu.memory_space<vmem>>, vector<16xi32>,
      %shift_left3A_585 = arith.constant 16 : i32
      %shift_left3A_586 = vector.broadcast %shift_left3A_585 : i32 to vector<16xi32>
      %shift_left3A_587 = arith.shli %get3A_584, %shift_left3A_586 : vector<16xi32>
      %bitcast3A_588 = vector.bitcast %shift_left3A_587 : vector<16xi32> to vector<16xf32>
      %and3A_589 = arith.constant -65536 : i32
      %and3A_590 = vector.broadcast %and3A_589 : i32 to vector<16xi32>
      %and3A_591 = arith.andi %get3A_584, %and3A_590 : vector<16xi32>
      %bitcast3A_592 = vector.bitcast %and3A_591 : vector<16xi32> to vector<16xf32>
      %mul3A_593 = vector.broadcast %squeeze3A_579 : f32 to vector<16xf32>
      %mul3A_594 = arith.mulf %bitcast3A_588, %mul3A_593 : vector<16xf32>
      %add3A_595 = arith.addf %add3A_574, %mul3A_594 : vector<16xf32>
      %mul3A_596 = vector.broadcast %squeeze3A_579 : f32 to vector<16xf32>
      %mul3A_597 = arith.mulf %bitcast3A_592, %mul3A_596 : vector<16xf32>
      %add3A_598 = arith.addf %add3A_577, %mul3A_597 : vector<16xf32>
      %slice3A_599 = vector.extract_strided_slice %get3A_493 {offsets = [5], sizes = [1], strides = [1]} : vector<16xf32> to vector<1xf32>
      %squeeze3A_600 = vector.extract %slice3A_599[0] : f32 from vector<1xf32>
      %add3A_601 = arith.constant 21 : i32
      %add3A_602 = arith.addi %mul3A_155, %add3A_601 : i32
      %get3A_603 = arith.index_cast %add3A_602 : i32 to index
      %get3A_604 = arith.constant 0 : index
      %get3A_605 = tpu.vector_load %arg13[%get3A_603, %get3A_604] {strides = array<i32>} : memref<1600x16xi32, #tpu.memory_space<vmem>>, vector<16xi32>,
      %shift_left3A_606 = arith.constant 16 : i32
      %shift_left3A_607 = vector.broadcast %shift_left3A_606 : i32 to vector<16xi32>
      %shift_left3A_608 = arith.shli %get3A_605, %shift_left3A_607 : vector<16xi32>
      %bitcast3A_609 = vector.bitcast %shift_left3A_608 : vector<16xi32> to vector<16xf32>
      %and3A_610 = arith.constant -65536 : i32
      %and3A_611 = vector.broadcast %and3A_610 : i32 to vector<16xi32>
      %and3A_612 = arith.andi %get3A_605, %and3A_611 : vector<16xi32>
      %bitcast3A_613 = vector.bitcast %and3A_612 : vector<16xi32> to vector<16xf32>
      %mul3A_614 = vector.broadcast %squeeze3A_600 : f32 to vector<16xf32>
      %mul3A_615 = arith.mulf %bitcast3A_609, %mul3A_614 : vector<16xf32>
      %add3A_616 = arith.addf %add3A_595, %mul3A_615 : vector<16xf32>
      %mul3A_617 = vector.broadcast %squeeze3A_600 : f32 to vector<16xf32>
      %mul3A_618 = arith.mulf %bitcast3A_613, %mul3A_617 : vector<16xf32>
      %add3A_619 = arith.addf %add3A_598, %mul3A_618 : vector<16xf32>
      %slice3A_620 = vector.extract_strided_slice %get3A_493 {offsets = [6], sizes = [1], strides = [1]} : vector<16xf32> to vector<1xf32>
      %squeeze3A_621 = vector.extract %slice3A_620[0] : f32 from vector<1xf32>
      %add3A_622 = arith.constant 22 : i32
      %add3A_623 = arith.addi %mul3A_155, %add3A_622 : i32
      %get3A_624 = arith.index_cast %add3A_623 : i32 to index
      %get3A_625 = arith.constant 0 : index
      %get3A_626 = tpu.vector_load %arg13[%get3A_624, %get3A_625] {strides = array<i32>} : memref<1600x16xi32, #tpu.memory_space<vmem>>, vector<16xi32>,
      %shift_left3A_627 = arith.constant 16 : i32
      %shift_left3A_628 = vector.broadcast %shift_left3A_627 : i32 to vector<16xi32>
      %shift_left3A_629 = arith.shli %get3A_626, %shift_left3A_628 : vector<16xi32>
      %bitcast3A_630 = vector.bitcast %shift_left3A_629 : vector<16xi32> to vector<16xf32>
      %and3A_631 = arith.constant -65536 : i32
      %and3A_632 = vector.broadcast %and3A_631 : i32 to vector<16xi32>
      %and3A_633 = arith.andi %get3A_626, %and3A_632 : vector<16xi32>
      %bitcast3A_634 = vector.bitcast %and3A_633 : vector<16xi32> to vector<16xf32>
      %mul3A_635 = vector.broadcast %squeeze3A_621 : f32 to vector<16xf32>
      %mul3A_636 = arith.mulf %bitcast3A_630, %mul3A_635 : vector<16xf32>
      %add3A_637 = arith.addf %add3A_616, %mul3A_636 : vector<16xf32>
      %mul3A_638 = vector.broadcast %squeeze3A_621 : f32 to vector<16xf32>
      %mul3A_639 = arith.mulf %bitcast3A_634, %mul3A_638 : vector<16xf32>
      %add3A_640 = arith.addf %add3A_619, %mul3A_639 : vector<16xf32>
      %slice3A_641 = vector.extract_strided_slice %get3A_493 {offsets = [7], sizes = [1], strides = [1]} : vector<16xf32> to vector<1xf32>
      %squeeze3A_642 = vector.extract %slice3A_641[0] : f32 from vector<1xf32>
      %add3A_643 = arith.constant 23 : i32
      %add3A_644 = arith.addi %mul3A_155, %add3A_643 : i32
      %get3A_645 = arith.index_cast %add3A_644 : i32 to index
      %get3A_646 = arith.constant 0 : index
      %get3A_647 = tpu.vector_load %arg13[%get3A_645, %get3A_646] {strides = array<i32>} : memref<1600x16xi32, #tpu.memory_space<vmem>>, vector<16xi32>,
      %shift_left3A_648 = arith.constant 16 : i32
      %shift_left3A_649 = vector.broadcast %shift_left3A_648 : i32 to vector<16xi32>
      %shift_left3A_650 = arith.shli %get3A_647, %shift_left3A_649 : vector<16xi32>
      %bitcast3A_651 = vector.bitcast %shift_left3A_650 : vector<16xi32> to vector<16xf32>
      %and3A_652 = arith.constant -65536 : i32
      %and3A_653 = vector.broadcast %and3A_652 : i32 to vector<16xi32>
      %and3A_654 = arith.andi %get3A_647, %and3A_653 : vector<16xi32>
      %bitcast3A_655 = vector.bitcast %and3A_654 : vector<16xi32> to vector<16xf32>
      %mul3A_656 = vector.broadcast %squeeze3A_642 : f32 to vector<16xf32>
      %mul3A_657 = arith.mulf %bitcast3A_651, %mul3A_656 : vector<16xf32>
      %add3A_658 = arith.addf %add3A_637, %mul3A_657 : vector<16xf32>
      %mul3A_659 = vector.broadcast %squeeze3A_642 : f32 to vector<16xf32>
      %mul3A_660 = arith.mulf %bitcast3A_655, %mul3A_659 : vector<16xf32>
      %add3A_661 = arith.addf %add3A_640, %mul3A_660 : vector<16xf32>
      %slice3A_662 = vector.extract_strided_slice %get3A_493 {offsets = [8], sizes = [1], strides = [1]} : vector<16xf32> to vector<1xf32>
      %squeeze3A_663 = vector.extract %slice3A_662[0] : f32 from vector<1xf32>
      %add3A_664 = arith.constant 24 : i32
      %add3A_665 = arith.addi %mul3A_155, %add3A_664 : i32
      %get3A_666 = arith.index_cast %add3A_665 : i32 to index
      %get3A_667 = arith.constant 0 : index
      %get3A_668 = tpu.vector_load %arg13[%get3A_666, %get3A_667] {strides = array<i32>} : memref<1600x16xi32, #tpu.memory_space<vmem>>, vector<16xi32>,
      %shift_left3A_669 = arith.constant 16 : i32
      %shift_left3A_670 = vector.broadcast %shift_left3A_669 : i32 to vector<16xi32>
      %shift_left3A_671 = arith.shli %get3A_668, %shift_left3A_670 : vector<16xi32>
      %bitcast3A_672 = vector.bitcast %shift_left3A_671 : vector<16xi32> to vector<16xf32>
      %and3A_673 = arith.constant -65536 : i32
      %and3A_674 = vector.broadcast %and3A_673 : i32 to vector<16xi32>
      %and3A_675 = arith.andi %get3A_668, %and3A_674 : vector<16xi32>
      %bitcast3A_676 = vector.bitcast %and3A_675 : vector<16xi32> to vector<16xf32>
      %mul3A_677 = vector.broadcast %squeeze3A_663 : f32 to vector<16xf32>
      %mul3A_678 = arith.mulf %bitcast3A_672, %mul3A_677 : vector<16xf32>
      %add3A_679 = arith.addf %add3A_658, %mul3A_678 : vector<16xf32>
      %mul3A_680 = vector.broadcast %squeeze3A_663 : f32 to vector<16xf32>
      %mul3A_681 = arith.mulf %bitcast3A_676, %mul3A_680 : vector<16xf32>
      %add3A_682 = arith.addf %add3A_661, %mul3A_681 : vector<16xf32>
      %slice3A_683 = vector.extract_strided_slice %get3A_493 {offsets = [9], sizes = [1], strides = [1]} : vector<16xf32> to vector<1xf32>
      %squeeze3A_684 = vector.extract %slice3A_683[0] : f32 from vector<1xf32>
      %add3A_685 = arith.constant 25 : i32
      %add3A_686 = arith.addi %mul3A_155, %add3A_685 : i32
      %get3A_687 = arith.index_cast %add3A_686 : i32 to index
      %get3A_688 = arith.constant 0 : index
      %get3A_689 = tpu.vector_load %arg13[%get3A_687, %get3A_688] {strides = array<i32>} : memref<1600x16xi32, #tpu.memory_space<vmem>>, vector<16xi32>,
      %shift_left3A_690 = arith.constant 16 : i32
      %shift_left3A_691 = vector.broadcast %shift_left3A_690 : i32 to vector<16xi32>
      %shift_left3A_692 = arith.shli %get3A_689, %shift_left3A_691 : vector<16xi32>
      %bitcast3A_693 = vector.bitcast %shift_left3A_692 : vector<16xi32> to vector<16xf32>
      %and3A_694 = arith.constant -65536 : i32
      %and3A_695 = vector.broadcast %and3A_694 : i32 to vector<16xi32>
      %and3A_696 = arith.andi %get3A_689, %and3A_695 : vector<16xi32>
      %bitcast3A_697 = vector.bitcast %and3A_696 : vector<16xi32> to vector<16xf32>
      %mul3A_698 = vector.broadcast %squeeze3A_684 : f32 to vector<16xf32>
      %mul3A_699 = arith.mulf %bitcast3A_693, %mul3A_698 : vector<16xf32>
      %add3A_700 = arith.addf %add3A_679, %mul3A_699 : vector<16xf32>
      %mul3A_701 = vector.broadcast %squeeze3A_684 : f32 to vector<16xf32>
      %mul3A_702 = arith.mulf %bitcast3A_697, %mul3A_701 : vector<16xf32>
      %add3A_703 = arith.addf %add3A_682, %mul3A_702 : vector<16xf32>
      %slice3A_704 = vector.extract_strided_slice %get3A_493 {offsets = [10], sizes = [1], strides = [1]} : vector<16xf32> to vector<1xf32>
      %squeeze3A_705 = vector.extract %slice3A_704[0] : f32 from vector<1xf32>
      %add3A_706 = arith.constant 26 : i32
      %add3A_707 = arith.addi %mul3A_155, %add3A_706 : i32
      %get3A_708 = arith.index_cast %add3A_707 : i32 to index
      %get3A_709 = arith.constant 0 : index
      %get3A_710 = tpu.vector_load %arg13[%get3A_708, %get3A_709] {strides = array<i32>} : memref<1600x16xi32, #tpu.memory_space<vmem>>, vector<16xi32>,
      %shift_left3A_711 = arith.constant 16 : i32
      %shift_left3A_712 = vector.broadcast %shift_left3A_711 : i32 to vector<16xi32>
      %shift_left3A_713 = arith.shli %get3A_710, %shift_left3A_712 : vector<16xi32>
      %bitcast3A_714 = vector.bitcast %shift_left3A_713 : vector<16xi32> to vector<16xf32>
      %and3A_715 = arith.constant -65536 : i32
      %and3A_716 = vector.broadcast %and3A_715 : i32 to vector<16xi32>
      %and3A_717 = arith.andi %get3A_710, %and3A_716 : vector<16xi32>
      %bitcast3A_718 = vector.bitcast %and3A_717 : vector<16xi32> to vector<16xf32>
      %mul3A_719 = vector.broadcast %squeeze3A_705 : f32 to vector<16xf32>
      %mul3A_720 = arith.mulf %bitcast3A_714, %mul3A_719 : vector<16xf32>
      %add3A_721 = arith.addf %add3A_700, %mul3A_720 : vector<16xf32>
      %mul3A_722 = vector.broadcast %squeeze3A_705 : f32 to vector<16xf32>
      %mul3A_723 = arith.mulf %bitcast3A_718, %mul3A_722 : vector<16xf32>
      %add3A_724 = arith.addf %add3A_703, %mul3A_723 : vector<16xf32>
      %slice3A_725 = vector.extract_strided_slice %get3A_493 {offsets = [11], sizes = [1], strides = [1]} : vector<16xf32> to vector<1xf32>
      %squeeze3A_726 = vector.extract %slice3A_725[0] : f32 from vector<1xf32>
      %add3A_727 = arith.constant 27 : i32
      %add3A_728 = arith.addi %mul3A_155, %add3A_727 : i32
      %get3A_729 = arith.index_cast %add3A_728 : i32 to index
      %get3A_730 = arith.constant 0 : index
      %get3A_731 = tpu.vector_load %arg13[%get3A_729, %get3A_730] {strides = array<i32>} : memref<1600x16xi32, #tpu.memory_space<vmem>>, vector<16xi32>,
      %shift_left3A_732 = arith.constant 16 : i32
      %shift_left3A_733 = vector.broadcast %shift_left3A_732 : i32 to vector<16xi32>
      %shift_left3A_734 = arith.shli %get3A_731, %shift_left3A_733 : vector<16xi32>
      %bitcast3A_735 = vector.bitcast %shift_left3A_734 : vector<16xi32> to vector<16xf32>
      %and3A_736 = arith.constant -65536 : i32
      %and3A_737 = vector.broadcast %and3A_736 : i32 to vector<16xi32>
      %and3A_738 = arith.andi %get3A_731, %and3A_737 : vector<16xi32>
      %bitcast3A_739 = vector.bitcast %and3A_738 : vector<16xi32> to vector<16xf32>
      %mul3A_740 = vector.broadcast %squeeze3A_726 : f32 to vector<16xf32>
      %mul3A_741 = arith.mulf %bitcast3A_735, %mul3A_740 : vector<16xf32>
      %add3A_742 = arith.addf %add3A_721, %mul3A_741 : vector<16xf32>
      %mul3A_743 = vector.broadcast %squeeze3A_726 : f32 to vector<16xf32>
      %mul3A_744 = arith.mulf %bitcast3A_739, %mul3A_743 : vector<16xf32>
      %add3A_745 = arith.addf %add3A_724, %mul3A_744 : vector<16xf32>
      %slice3A_746 = vector.extract_strided_slice %get3A_493 {offsets = [12], sizes = [1], strides = [1]} : vector<16xf32> to vector<1xf32>
      %squeeze3A_747 = vector.extract %slice3A_746[0] : f32 from vector<1xf32>
      %add3A_748 = arith.constant 28 : i32
      %add3A_749 = arith.addi %mul3A_155, %add3A_748 : i32
      %get3A_750 = arith.index_cast %add3A_749 : i32 to index
      %get3A_751 = arith.constant 0 : index
      %get3A_752 = tpu.vector_load %arg13[%get3A_750, %get3A_751] {strides = array<i32>} : memref<1600x16xi32, #tpu.memory_space<vmem>>, vector<16xi32>,
      %shift_left3A_753 = arith.constant 16 : i32
      %shift_left3A_754 = vector.broadcast %shift_left3A_753 : i32 to vector<16xi32>
      %shift_left3A_755 = arith.shli %get3A_752, %shift_left3A_754 : vector<16xi32>
      %bitcast3A_756 = vector.bitcast %shift_left3A_755 : vector<16xi32> to vector<16xf32>
      %and3A_757 = arith.constant -65536 : i32
      %and3A_758 = vector.broadcast %and3A_757 : i32 to vector<16xi32>
      %and3A_759 = arith.andi %get3A_752, %and3A_758 : vector<16xi32>
      %bitcast3A_760 = vector.bitcast %and3A_759 : vector<16xi32> to vector<16xf32>
      %mul3A_761 = vector.broadcast %squeeze3A_747 : f32 to vector<16xf32>
      %mul3A_762 = arith.mulf %bitcast3A_756, %mul3A_761 : vector<16xf32>
      %add3A_763 = arith.addf %add3A_742, %mul3A_762 : vector<16xf32>
      %mul3A_764 = vector.broadcast %squeeze3A_747 : f32 to vector<16xf32>
      %mul3A_765 = arith.mulf %bitcast3A_760, %mul3A_764 : vector<16xf32>
      %add3A_766 = arith.addf %add3A_745, %mul3A_765 : vector<16xf32>
      %slice3A_767 = vector.extract_strided_slice %get3A_493 {offsets = [13], sizes = [1], strides = [1]} : vector<16xf32> to vector<1xf32>
      %squeeze3A_768 = vector.extract %slice3A_767[0] : f32 from vector<1xf32>
      %add3A_769 = arith.constant 29 : i32
      %add3A_770 = arith.addi %mul3A_155, %add3A_769 : i32
      %get3A_771 = arith.index_cast %add3A_770 : i32 to index
      %get3A_772 = arith.constant 0 : index
      %get3A_773 = tpu.vector_load %arg13[%get3A_771, %get3A_772] {strides = array<i32>} : memref<1600x16xi32, #tpu.memory_space<vmem>>, vector<16xi32>,
      %shift_left3A_774 = arith.constant 16 : i32
      %shift_left3A_775 = vector.broadcast %shift_left3A_774 : i32 to vector<16xi32>
      %shift_left3A_776 = arith.shli %get3A_773, %shift_left3A_775 : vector<16xi32>
      %bitcast3A_777 = vector.bitcast %shift_left3A_776 : vector<16xi32> to vector<16xf32>
      %and3A_778 = arith.constant -65536 : i32
      %and3A_779 = vector.broadcast %and3A_778 : i32 to vector<16xi32>
      %and3A_780 = arith.andi %get3A_773, %and3A_779 : vector<16xi32>
      %bitcast3A_781 = vector.bitcast %and3A_780 : vector<16xi32> to vector<16xf32>
      %mul3A_782 = vector.broadcast %squeeze3A_768 : f32 to vector<16xf32>
      %mul3A_783 = arith.mulf %bitcast3A_777, %mul3A_782 : vector<16xf32>
      %add3A_784 = arith.addf %add3A_763, %mul3A_783 : vector<16xf32>
      %mul3A_785 = vector.broadcast %squeeze3A_768 : f32 to vector<16xf32>
      %mul3A_786 = arith.mulf %bitcast3A_781, %mul3A_785 : vector<16xf32>
      %add3A_787 = arith.addf %add3A_766, %mul3A_786 : vector<16xf32>
      %slice3A_788 = vector.extract_strided_slice %get3A_493 {offsets = [14], sizes = [1], strides = [1]} : vector<16xf32> to vector<1xf32>
      %squeeze3A_789 = vector.extract %slice3A_788[0] : f32 from vector<1xf32>
      %add3A_790 = arith.constant 30 : i32
      %add3A_791 = arith.addi %mul3A_155, %add3A_790 : i32
      %get3A_792 = arith.index_cast %add3A_791 : i32 to index
      %get3A_793 = arith.constant 0 : index
      %get3A_794 = tpu.vector_load %arg13[%get3A_792, %get3A_793] {strides = array<i32>} : memref<1600x16xi32, #tpu.memory_space<vmem>>, vector<16xi32>,
      %shift_left3A_795 = arith.constant 16 : i32
      %shift_left3A_796 = vector.broadcast %shift_left3A_795 : i32 to vector<16xi32>
      %shift_left3A_797 = arith.shli %get3A_794, %shift_left3A_796 : vector<16xi32>
      %bitcast3A_798 = vector.bitcast %shift_left3A_797 : vector<16xi32> to vector<16xf32>
      %and3A_799 = arith.constant -65536 : i32
      %and3A_800 = vector.broadcast %and3A_799 : i32 to vector<16xi32>
      %and3A_801 = arith.andi %get3A_794, %and3A_800 : vector<16xi32>
      %bitcast3A_802 = vector.bitcast %and3A_801 : vector<16xi32> to vector<16xf32>
      %mul3A_803 = vector.broadcast %squeeze3A_789 : f32 to vector<16xf32>
      %mul3A_804 = arith.mulf %bitcast3A_798, %mul3A_803 : vector<16xf32>
      %add3A_805 = arith.addf %add3A_784, %mul3A_804 : vector<16xf32>
      %mul3A_806 = vector.broadcast %squeeze3A_789 : f32 to vector<16xf32>
      %mul3A_807 = arith.mulf %bitcast3A_802, %mul3A_806 : vector<16xf32>
      %add3A_808 = arith.addf %add3A_787, %mul3A_807 : vector<16xf32>
      %slice3A_809 = vector.extract_strided_slice %get3A_493 {offsets = [15], sizes = [1], strides = [1]} : vector<16xf32> to vector<1xf32>
      %squeeze3A_810 = vector.extract %slice3A_809[0] : f32 from vector<1xf32>
      %add3A_811 = arith.constant 31 : i32
      %add3A_812 = arith.addi %mul3A_155, %add3A_811 : i32
      %get3A_813 = arith.index_cast %add3A_812 : i32 to index
      %get3A_814 = arith.constant 0 : index
      %get3A_815 = tpu.vector_load %arg13[%get3A_813, %get3A_814] {strides = array<i32>} : memref<1600x16xi32, #tpu.memory_space<vmem>>, vector<16xi32>,
      %shift_left3A_816 = arith.constant 16 : i32
      %shift_left3A_817 = vector.broadcast %shift_left3A_816 : i32 to vector<16xi32>
      %shift_left3A_818 = arith.shli %get3A_815, %shift_left3A_817 : vector<16xi32>
      %bitcast3A_819 = vector.bitcast %shift_left3A_818 : vector<16xi32> to vector<16xf32>
      %and3A_820 = arith.constant -65536 : i32
      %and3A_821 = vector.broadcast %and3A_820 : i32 to vector<16xi32>
      %and3A_822 = arith.andi %get3A_815, %and3A_821 : vector<16xi32>
      %bitcast3A_823 = vector.bitcast %and3A_822 : vector<16xi32> to vector<16xf32>
      %mul3A_824 = vector.broadcast %squeeze3A_810 : f32 to vector<16xf32>
      %mul3A_825 = arith.mulf %bitcast3A_819, %mul3A_824 : vector<16xf32>
      %add3A_826 = arith.addf %add3A_805, %mul3A_825 : vector<16xf32>
      %mul3A_827 = vector.broadcast %squeeze3A_810 : f32 to vector<16xf32>
      %mul3A_828 = arith.mulf %bitcast3A_823, %mul3A_827 : vector<16xf32>
      %add3A_829 = arith.addf %add3A_808, %mul3A_828 : vector<16xf32>
      %add3A_830 = arith.constant 32 : i32
      %add3A_831 = arith.addi %mul3A_155, %add3A_830 : i32
      %get3A_832 = arith.index_cast %add3A_831 : i32 to index
      %get3A_833 = tpu.vector_load %arg15[%get3A_832] {strides = array<i32>} : memref<1616xf32, #tpu.memory_space<vmem>>, vector<16xf32>,
      %slice3A_834 = vector.extract_strided_slice %get3A_833 {offsets = [0], sizes = [1], strides = [1]} : vector<16xf32> to vector<1xf32>
      %squeeze3A_835 = vector.extract %slice3A_834[0] : f32 from vector<1xf32>
      %add3A_836 = arith.constant 32 : i32
      %add3A_837 = arith.addi %mul3A_155, %add3A_836 : i32
      %get3A_838 = arith.index_cast %add3A_837 : i32 to index
      %get3A_839 = arith.constant 0 : index
      %get3A_840 = tpu.vector_load %arg13[%get3A_838, %get3A_839] {strides = array<i32>} : memref<1600x16xi32, #tpu.memory_space<vmem>>, vector<16xi32>,
      %shift_left3A_841 = arith.constant 16 : i32
      %shift_left3A_842 = vector.broadcast %shift_left3A_841 : i32 to vector<16xi32>
      %shift_left3A_843 = arith.shli %get3A_840, %shift_left3A_842 : vector<16xi32>
      %bitcast3A_844 = vector.bitcast %shift_left3A_843 : vector<16xi32> to vector<16xf32>
      %and3A_845 = arith.constant -65536 : i32
      %and3A_846 = vector.broadcast %and3A_845 : i32 to vector<16xi32>
      %and3A_847 = arith.andi %get3A_840, %and3A_846 : vector<16xi32>
      %bitcast3A_848 = vector.bitcast %and3A_847 : vector<16xi32> to vector<16xf32>
      %mul3A_849 = vector.broadcast %squeeze3A_835 : f32 to vector<16xf32>
      %mul3A_850 = arith.mulf %bitcast3A_844, %mul3A_849 : vector<16xf32>
      %add3A_851 = arith.addf %add3A_826, %mul3A_850 : vector<16xf32>
      %mul3A_852 = vector.broadcast %squeeze3A_835 : f32 to vector<16xf32>
      %mul3A_853 = arith.mulf %bitcast3A_848, %mul3A_852 : vector<16xf32>
      %add3A_854 = arith.addf %add3A_829, %mul3A_853 : vector<16xf32>
      %slice3A_855 = vector.extract_strided_slice %get3A_833 {offsets = [1], sizes = [1], strides = [1]} : vector<16xf32> to vector<1xf32>
      %squeeze3A_856 = vector.extract %slice3A_855[0] : f32 from vector<1xf32>
      %add3A_857 = arith.constant 33 : i32
      %add3A_858 = arith.addi %mul3A_155, %add3A_857 : i32
      %get3A_859 = arith.index_cast %add3A_858 : i32 to index
      %get3A_860 = arith.constant 0 : index
      %get3A_861 = tpu.vector_load %arg13[%get3A_859, %get3A_860] {strides = array<i32>} : memref<1600x16xi32, #tpu.memory_space<vmem>>, vector<16xi32>,
      %shift_left3A_862 = arith.constant 16 : i32
      %shift_left3A_863 = vector.broadcast %shift_left3A_862 : i32 to vector<16xi32>
      %shift_left3A_864 = arith.shli %get3A_861, %shift_left3A_863 : vector<16xi32>
      %bitcast3A_865 = vector.bitcast %shift_left3A_864 : vector<16xi32> to vector<16xf32>
      %and3A_866 = arith.constant -65536 : i32
      %and3A_867 = vector.broadcast %and3A_866 : i32 to vector<16xi32>
      %and3A_868 = arith.andi %get3A_861, %and3A_867 : vector<16xi32>
      %bitcast3A_869 = vector.bitcast %and3A_868 : vector<16xi32> to vector<16xf32>
      %mul3A_870 = vector.broadcast %squeeze3A_856 : f32 to vector<16xf32>
      %mul3A_871 = arith.mulf %bitcast3A_865, %mul3A_870 : vector<16xf32>
      %add3A_872 = arith.addf %add3A_851, %mul3A_871 : vector<16xf32>
      %mul3A_873 = vector.broadcast %squeeze3A_856 : f32 to vector<16xf32>
      %mul3A_874 = arith.mulf %bitcast3A_869, %mul3A_873 : vector<16xf32>
      %add3A_875 = arith.addf %add3A_854, %mul3A_874 : vector<16xf32>
      %slice3A_876 = vector.extract_strided_slice %get3A_833 {offsets = [2], sizes = [1], strides = [1]} : vector<16xf32> to vector<1xf32>
      %squeeze3A_877 = vector.extract %slice3A_876[0] : f32 from vector<1xf32>
      %add3A_878 = arith.constant 34 : i32
      %add3A_879 = arith.addi %mul3A_155, %add3A_878 : i32
      %get3A_880 = arith.index_cast %add3A_879 : i32 to index
      %get3A_881 = arith.constant 0 : index
      %get3A_882 = tpu.vector_load %arg13[%get3A_880, %get3A_881] {strides = array<i32>} : memref<1600x16xi32, #tpu.memory_space<vmem>>, vector<16xi32>,
      %shift_left3A_883 = arith.constant 16 : i32
      %shift_left3A_884 = vector.broadcast %shift_left3A_883 : i32 to vector<16xi32>
      %shift_left3A_885 = arith.shli %get3A_882, %shift_left3A_884 : vector<16xi32>
      %bitcast3A_886 = vector.bitcast %shift_left3A_885 : vector<16xi32> to vector<16xf32>
      %and3A_887 = arith.constant -65536 : i32
      %and3A_888 = vector.broadcast %and3A_887 : i32 to vector<16xi32>
      %and3A_889 = arith.andi %get3A_882, %and3A_888 : vector<16xi32>
      %bitcast3A_890 = vector.bitcast %and3A_889 : vector<16xi32> to vector<16xf32>
      %mul3A_891 = vector.broadcast %squeeze3A_877 : f32 to vector<16xf32>
      %mul3A_892 = arith.mulf %bitcast3A_886, %mul3A_891 : vector<16xf32>
      %add3A_893 = arith.addf %add3A_872, %mul3A_892 : vector<16xf32>
      %mul3A_894 = vector.broadcast %squeeze3A_877 : f32 to vector<16xf32>
      %mul3A_895 = arith.mulf %bitcast3A_890, %mul3A_894 : vector<16xf32>
      %add3A_896 = arith.addf %add3A_875, %mul3A_895 : vector<16xf32>
      %slice3A_897 = vector.extract_strided_slice %get3A_833 {offsets = [3], sizes = [1], strides = [1]} : vector<16xf32> to vector<1xf32>
      %squeeze3A_898 = vector.extract %slice3A_897[0] : f32 from vector<1xf32>
      %add3A_899 = arith.constant 35 : i32
      %add3A_900 = arith.addi %mul3A_155, %add3A_899 : i32
      %get3A_901 = arith.index_cast %add3A_900 : i32 to index
      %get3A_902 = arith.constant 0 : index
      %get3A_903 = tpu.vector_load %arg13[%get3A_901, %get3A_902] {strides = array<i32>} : memref<1600x16xi32, #tpu.memory_space<vmem>>, vector<16xi32>,
      %shift_left3A_904 = arith.constant 16 : i32
      %shift_left3A_905 = vector.broadcast %shift_left3A_904 : i32 to vector<16xi32>
      %shift_left3A_906 = arith.shli %get3A_903, %shift_left3A_905 : vector<16xi32>
      %bitcast3A_907 = vector.bitcast %shift_left3A_906 : vector<16xi32> to vector<16xf32>
      %and3A_908 = arith.constant -65536 : i32
      %and3A_909 = vector.broadcast %and3A_908 : i32 to vector<16xi32>
      %and3A_910 = arith.andi %get3A_903, %and3A_909 : vector<16xi32>
      %bitcast3A_911 = vector.bitcast %and3A_910 : vector<16xi32> to vector<16xf32>
      %mul3A_912 = vector.broadcast %squeeze3A_898 : f32 to vector<16xf32>
      %mul3A_913 = arith.mulf %bitcast3A_907, %mul3A_912 : vector<16xf32>
      %add3A_914 = arith.addf %add3A_893, %mul3A_913 : vector<16xf32>
      %mul3A_915 = vector.broadcast %squeeze3A_898 : f32 to vector<16xf32>
      %mul3A_916 = arith.mulf %bitcast3A_911, %mul3A_915 : vector<16xf32>
      %add3A_917 = arith.addf %add3A_896, %mul3A_916 : vector<16xf32>
      %slice3A_918 = vector.extract_strided_slice %get3A_833 {offsets = [4], sizes = [1], strides = [1]} : vector<16xf32> to vector<1xf32>
      %squeeze3A_919 = vector.extract %slice3A_918[0] : f32 from vector<1xf32>
      %add3A_920 = arith.constant 36 : i32
      %add3A_921 = arith.addi %mul3A_155, %add3A_920 : i32
      %get3A_922 = arith.index_cast %add3A_921 : i32 to index
      %get3A_923 = arith.constant 0 : index
      %get3A_924 = tpu.vector_load %arg13[%get3A_922, %get3A_923] {strides = array<i32>} : memref<1600x16xi32, #tpu.memory_space<vmem>>, vector<16xi32>,
      %shift_left3A_925 = arith.constant 16 : i32
      %shift_left3A_926 = vector.broadcast %shift_left3A_925 : i32 to vector<16xi32>
      %shift_left3A_927 = arith.shli %get3A_924, %shift_left3A_926 : vector<16xi32>
      %bitcast3A_928 = vector.bitcast %shift_left3A_927 : vector<16xi32> to vector<16xf32>
      %and3A_929 = arith.constant -65536 : i32
      %and3A_930 = vector.broadcast %and3A_929 : i32 to vector<16xi32>
      %and3A_931 = arith.andi %get3A_924, %and3A_930 : vector<16xi32>
      %bitcast3A_932 = vector.bitcast %and3A_931 : vector<16xi32> to vector<16xf32>
      %mul3A_933 = vector.broadcast %squeeze3A_919 : f32 to vector<16xf32>
      %mul3A_934 = arith.mulf %bitcast3A_928, %mul3A_933 : vector<16xf32>
      %add3A_935 = arith.addf %add3A_914, %mul3A_934 : vector<16xf32>
      %mul3A_936 = vector.broadcast %squeeze3A_919 : f32 to vector<16xf32>
      %mul3A_937 = arith.mulf %bitcast3A_932, %mul3A_936 : vector<16xf32>
      %add3A_938 = arith.addf %add3A_917, %mul3A_937 : vector<16xf32>
      %slice3A_939 = vector.extract_strided_slice %get3A_833 {offsets = [5], sizes = [1], strides = [1]} : vector<16xf32> to vector<1xf32>
      %squeeze3A_940 = vector.extract %slice3A_939[0] : f32 from vector<1xf32>
      %add3A_941 = arith.constant 37 : i32
      %add3A_942 = arith.addi %mul3A_155, %add3A_941 : i32
      %get3A_943 = arith.index_cast %add3A_942 : i32 to index
      %get3A_944 = arith.constant 0 : index
      %get3A_945 = tpu.vector_load %arg13[%get3A_943, %get3A_944] {strides = array<i32>} : memref<1600x16xi32, #tpu.memory_space<vmem>>, vector<16xi32>,
      %shift_left3A_946 = arith.constant 16 : i32
      %shift_left3A_947 = vector.broadcast %shift_left3A_946 : i32 to vector<16xi32>
      %shift_left3A_948 = arith.shli %get3A_945, %shift_left3A_947 : vector<16xi32>
      %bitcast3A_949 = vector.bitcast %shift_left3A_948 : vector<16xi32> to vector<16xf32>
      %and3A_950 = arith.constant -65536 : i32
      %and3A_951 = vector.broadcast %and3A_950 : i32 to vector<16xi32>
      %and3A_952 = arith.andi %get3A_945, %and3A_951 : vector<16xi32>
      %bitcast3A_953 = vector.bitcast %and3A_952 : vector<16xi32> to vector<16xf32>
      %mul3A_954 = vector.broadcast %squeeze3A_940 : f32 to vector<16xf32>
      %mul3A_955 = arith.mulf %bitcast3A_949, %mul3A_954 : vector<16xf32>
      %add3A_956 = arith.addf %add3A_935, %mul3A_955 : vector<16xf32>
      %mul3A_957 = vector.broadcast %squeeze3A_940 : f32 to vector<16xf32>
      %mul3A_958 = arith.mulf %bitcast3A_953, %mul3A_957 : vector<16xf32>
      %add3A_959 = arith.addf %add3A_938, %mul3A_958 : vector<16xf32>
      %slice3A_960 = vector.extract_strided_slice %get3A_833 {offsets = [6], sizes = [1], strides = [1]} : vector<16xf32> to vector<1xf32>
      %squeeze3A_961 = vector.extract %slice3A_960[0] : f32 from vector<1xf32>
      %add3A_962 = arith.constant 38 : i32
      %add3A_963 = arith.addi %mul3A_155, %add3A_962 : i32
      %get3A_964 = arith.index_cast %add3A_963 : i32 to index
      %get3A_965 = arith.constant 0 : index
      %get3A_966 = tpu.vector_load %arg13[%get3A_964, %get3A_965] {strides = array<i32>} : memref<1600x16xi32, #tpu.memory_space<vmem>>, vector<16xi32>,
      %shift_left3A_967 = arith.constant 16 : i32
      %shift_left3A_968 = vector.broadcast %shift_left3A_967 : i32 to vector<16xi32>
      %shift_left3A_969 = arith.shli %get3A_966, %shift_left3A_968 : vector<16xi32>
      %bitcast3A_970 = vector.bitcast %shift_left3A_969 : vector<16xi32> to vector<16xf32>
      %and3A_971 = arith.constant -65536 : i32
      %and3A_972 = vector.broadcast %and3A_971 : i32 to vector<16xi32>
      %and3A_973 = arith.andi %get3A_966, %and3A_972 : vector<16xi32>
      %bitcast3A_974 = vector.bitcast %and3A_973 : vector<16xi32> to vector<16xf32>
      %mul3A_975 = vector.broadcast %squeeze3A_961 : f32 to vector<16xf32>
      %mul3A_976 = arith.mulf %bitcast3A_970, %mul3A_975 : vector<16xf32>
      %add3A_977 = arith.addf %add3A_956, %mul3A_976 : vector<16xf32>
      %mul3A_978 = vector.broadcast %squeeze3A_961 : f32 to vector<16xf32>
      %mul3A_979 = arith.mulf %bitcast3A_974, %mul3A_978 : vector<16xf32>
      %add3A_980 = arith.addf %add3A_959, %mul3A_979 : vector<16xf32>
      %slice3A_981 = vector.extract_strided_slice %get3A_833 {offsets = [7], sizes = [1], strides = [1]} : vector<16xf32> to vector<1xf32>
      %squeeze3A_982 = vector.extract %slice3A_981[0] : f32 from vector<1xf32>
      %add3A_983 = arith.constant 39 : i32
      %add3A_984 = arith.addi %mul3A_155, %add3A_983 : i32
      %get3A_985 = arith.index_cast %add3A_984 : i32 to index
      %get3A_986 = arith.constant 0 : index
      %get3A_987 = tpu.vector_load %arg13[%get3A_985, %get3A_986] {strides = array<i32>} : memref<1600x16xi32, #tpu.memory_space<vmem>>, vector<16xi32>,
      %shift_left3A_988 = arith.constant 16 : i32
      %shift_left3A_989 = vector.broadcast %shift_left3A_988 : i32 to vector<16xi32>
      %shift_left3A_990 = arith.shli %get3A_987, %shift_left3A_989 : vector<16xi32>
      %bitcast3A_991 = vector.bitcast %shift_left3A_990 : vector<16xi32> to vector<16xf32>
      %and3A_992 = arith.constant -65536 : i32
      %and3A_993 = vector.broadcast %and3A_992 : i32 to vector<16xi32>
      %and3A_994 = arith.andi %get3A_987, %and3A_993 : vector<16xi32>
      %bitcast3A_995 = vector.bitcast %and3A_994 : vector<16xi32> to vector<16xf32>
      %mul3A_996 = vector.broadcast %squeeze3A_982 : f32 to vector<16xf32>
      %mul3A_997 = arith.mulf %bitcast3A_991, %mul3A_996 : vector<16xf32>
      %add3A_998 = arith.addf %add3A_977, %mul3A_997 : vector<16xf32>
      %mul3A_999 = vector.broadcast %squeeze3A_982 : f32 to vector<16xf32>
      %mul3A_1000 = arith.mulf %bitcast3A_995, %mul3A_999 : vector<16xf32>
      %add3A_1001 = arith.addf %add3A_980, %mul3A_1000 : vector<16xf32>
      %slice3A_1002 = vector.extract_strided_slice %get3A_833 {offsets = [8], sizes = [1], strides = [1]} : vector<16xf32> to vector<1xf32>
      %squeeze3A_1003 = vector.extract %slice3A_1002[0] : f32 from vector<1xf32>
      %add3A_1004 = arith.constant 40 : i32
      %add3A_1005 = arith.addi %mul3A_155, %add3A_1004 : i32
      %get3A_1006 = arith.index_cast %add3A_1005 : i32 to index
      %get3A_1007 = arith.constant 0 : index
      %get3A_1008 = tpu.vector_load %arg13[%get3A_1006, %get3A_1007] {strides = array<i32>} : memref<1600x16xi32, #tpu.memory_space<vmem>>, vector<16xi32>,
      %shift_left3A_1009 = arith.constant 16 : i32
      %shift_left3A_1010 = vector.broadcast %shift_left3A_1009 : i32 to vector<16xi32>
      %shift_left3A_1011 = arith.shli %get3A_1008, %shift_left3A_1010 : vector<16xi32>
      %bitcast3A_1012 = vector.bitcast %shift_left3A_1011 : vector<16xi32> to vector<16xf32>
      %and3A_1013 = arith.constant -65536 : i32
      %and3A_1014 = vector.broadcast %and3A_1013 : i32 to vector<16xi32>
      %and3A_1015 = arith.andi %get3A_1008, %and3A_1014 : vector<16xi32>
      %bitcast3A_1016 = vector.bitcast %and3A_1015 : vector<16xi32> to vector<16xf32>
      %mul3A_1017 = vector.broadcast %squeeze3A_1003 : f32 to vector<16xf32>
      %mul3A_1018 = arith.mulf %bitcast3A_1012, %mul3A_1017 : vector<16xf32>
      %add3A_1019 = arith.addf %add3A_998, %mul3A_1018 : vector<16xf32>
      %mul3A_1020 = vector.broadcast %squeeze3A_1003 : f32 to vector<16xf32>
      %mul3A_1021 = arith.mulf %bitcast3A_1016, %mul3A_1020 : vector<16xf32>
      %add3A_1022 = arith.addf %add3A_1001, %mul3A_1021 : vector<16xf32>
      %slice3A_1023 = vector.extract_strided_slice %get3A_833 {offsets = [9], sizes = [1], strides = [1]} : vector<16xf32> to vector<1xf32>
      %squeeze3A_1024 = vector.extract %slice3A_1023[0] : f32 from vector<1xf32>
      %add3A_1025 = arith.constant 41 : i32
      %add3A_1026 = arith.addi %mul3A_155, %add3A_1025 : i32
      %get3A_1027 = arith.index_cast %add3A_1026 : i32 to index
      %get3A_1028 = arith.constant 0 : index
      %get3A_1029 = tpu.vector_load %arg13[%get3A_1027, %get3A_1028] {strides = array<i32>} : memref<1600x16xi32, #tpu.memory_space<vmem>>, vector<16xi32>,
      %shift_left3A_1030 = arith.constant 16 : i32
      %shift_left3A_1031 = vector.broadcast %shift_left3A_1030 : i32 to vector<16xi32>
      %shift_left3A_1032 = arith.shli %get3A_1029, %shift_left3A_1031 : vector<16xi32>
      %bitcast3A_1033 = vector.bitcast %shift_left3A_1032 : vector<16xi32> to vector<16xf32>
      %and3A_1034 = arith.constant -65536 : i32
      %and3A_1035 = vector.broadcast %and3A_1034 : i32 to vector<16xi32>
      %and3A_1036 = arith.andi %get3A_1029, %and3A_1035 : vector<16xi32>
      %bitcast3A_1037 = vector.bitcast %and3A_1036 : vector<16xi32> to vector<16xf32>
      %mul3A_1038 = vector.broadcast %squeeze3A_1024 : f32 to vector<16xf32>
      %mul3A_1039 = arith.mulf %bitcast3A_1033, %mul3A_1038 : vector<16xf32>
      %add3A_1040 = arith.addf %add3A_1019, %mul3A_1039 : vector<16xf32>
      %mul3A_1041 = vector.broadcast %squeeze3A_1024 : f32 to vector<16xf32>
      %mul3A_1042 = arith.mulf %bitcast3A_1037, %mul3A_1041 : vector<16xf32>
      %add3A_1043 = arith.addf %add3A_1022, %mul3A_1042 : vector<16xf32>
      %slice3A_1044 = vector.extract_strided_slice %get3A_833 {offsets = [10], sizes = [1], strides = [1]} : vector<16xf32> to vector<1xf32>
      %squeeze3A_1045 = vector.extract %slice3A_1044[0] : f32 from vector<1xf32>
      %add3A_1046 = arith.constant 42 : i32
      %add3A_1047 = arith.addi %mul3A_155, %add3A_1046 : i32
      %get3A_1048 = arith.index_cast %add3A_1047 : i32 to index
      %get3A_1049 = arith.constant 0 : index
      %get3A_1050 = tpu.vector_load %arg13[%get3A_1048, %get3A_1049] {strides = array<i32>} : memref<1600x16xi32, #tpu.memory_space<vmem>>, vector<16xi32>,
      %shift_left3A_1051 = arith.constant 16 : i32
      %shift_left3A_1052 = vector.broadcast %shift_left3A_1051 : i32 to vector<16xi32>
      %shift_left3A_1053 = arith.shli %get3A_1050, %shift_left3A_1052 : vector<16xi32>
      %bitcast3A_1054 = vector.bitcast %shift_left3A_1053 : vector<16xi32> to vector<16xf32>
      %and3A_1055 = arith.constant -65536 : i32
      %and3A_1056 = vector.broadcast %and3A_1055 : i32 to vector<16xi32>
      %and3A_1057 = arith.andi %get3A_1050, %and3A_1056 : vector<16xi32>
      %bitcast3A_1058 = vector.bitcast %and3A_1057 : vector<16xi32> to vector<16xf32>
      %mul3A_1059 = vector.broadcast %squeeze3A_1045 : f32 to vector<16xf32>
      %mul3A_1060 = arith.mulf %bitcast3A_1054, %mul3A_1059 : vector<16xf32>
      %add3A_1061 = arith.addf %add3A_1040, %mul3A_1060 : vector<16xf32>
      %mul3A_1062 = vector.broadcast %squeeze3A_1045 : f32 to vector<16xf32>
      %mul3A_1063 = arith.mulf %bitcast3A_1058, %mul3A_1062 : vector<16xf32>
      %add3A_1064 = arith.addf %add3A_1043, %mul3A_1063 : vector<16xf32>
      %slice3A_1065 = vector.extract_strided_slice %get3A_833 {offsets = [11], sizes = [1], strides = [1]} : vector<16xf32> to vector<1xf32>
      %squeeze3A_1066 = vector.extract %slice3A_1065[0] : f32 from vector<1xf32>
      %add3A_1067 = arith.constant 43 : i32
      %add3A_1068 = arith.addi %mul3A_155, %add3A_1067 : i32
      %get3A_1069 = arith.index_cast %add3A_1068 : i32 to index
      %get3A_1070 = arith.constant 0 : index
      %get3A_1071 = tpu.vector_load %arg13[%get3A_1069, %get3A_1070] {strides = array<i32>} : memref<1600x16xi32, #tpu.memory_space<vmem>>, vector<16xi32>,
      %shift_left3A_1072 = arith.constant 16 : i32
      %shift_left3A_1073 = vector.broadcast %shift_left3A_1072 : i32 to vector<16xi32>
      %shift_left3A_1074 = arith.shli %get3A_1071, %shift_left3A_1073 : vector<16xi32>
      %bitcast3A_1075 = vector.bitcast %shift_left3A_1074 : vector<16xi32> to vector<16xf32>
      %and3A_1076 = arith.constant -65536 : i32
      %and3A_1077 = vector.broadcast %and3A_1076 : i32 to vector<16xi32>
      %and3A_1078 = arith.andi %get3A_1071, %and3A_1077 : vector<16xi32>
      %bitcast3A_1079 = vector.bitcast %and3A_1078 : vector<16xi32> to vector<16xf32>
      %mul3A_1080 = vector.broadcast %squeeze3A_1066 : f32 to vector<16xf32>
      %mul3A_1081 = arith.mulf %bitcast3A_1075, %mul3A_1080 : vector<16xf32>
      %add3A_1082 = arith.addf %add3A_1061, %mul3A_1081 : vector<16xf32>
      %mul3A_1083 = vector.broadcast %squeeze3A_1066 : f32 to vector<16xf32>
      %mul3A_1084 = arith.mulf %bitcast3A_1079, %mul3A_1083 : vector<16xf32>
      %add3A_1085 = arith.addf %add3A_1064, %mul3A_1084 : vector<16xf32>
      %slice3A_1086 = vector.extract_strided_slice %get3A_833 {offsets = [12], sizes = [1], strides = [1]} : vector<16xf32> to vector<1xf32>
      %squeeze3A_1087 = vector.extract %slice3A_1086[0] : f32 from vector<1xf32>
      %add3A_1088 = arith.constant 44 : i32
      %add3A_1089 = arith.addi %mul3A_155, %add3A_1088 : i32
      %get3A_1090 = arith.index_cast %add3A_1089 : i32 to index
      %get3A_1091 = arith.constant 0 : index
      %get3A_1092 = tpu.vector_load %arg13[%get3A_1090, %get3A_1091] {strides = array<i32>} : memref<1600x16xi32, #tpu.memory_space<vmem>>, vector<16xi32>,
      %shift_left3A_1093 = arith.constant 16 : i32
      %shift_left3A_1094 = vector.broadcast %shift_left3A_1093 : i32 to vector<16xi32>
      %shift_left3A_1095 = arith.shli %get3A_1092, %shift_left3A_1094 : vector<16xi32>
      %bitcast3A_1096 = vector.bitcast %shift_left3A_1095 : vector<16xi32> to vector<16xf32>
      %and3A_1097 = arith.constant -65536 : i32
      %and3A_1098 = vector.broadcast %and3A_1097 : i32 to vector<16xi32>
      %and3A_1099 = arith.andi %get3A_1092, %and3A_1098 : vector<16xi32>
      %bitcast3A_1100 = vector.bitcast %and3A_1099 : vector<16xi32> to vector<16xf32>
      %mul3A_1101 = vector.broadcast %squeeze3A_1087 : f32 to vector<16xf32>
      %mul3A_1102 = arith.mulf %bitcast3A_1096, %mul3A_1101 : vector<16xf32>
      %add3A_1103 = arith.addf %add3A_1082, %mul3A_1102 : vector<16xf32>
      %mul3A_1104 = vector.broadcast %squeeze3A_1087 : f32 to vector<16xf32>
      %mul3A_1105 = arith.mulf %bitcast3A_1100, %mul3A_1104 : vector<16xf32>
      %add3A_1106 = arith.addf %add3A_1085, %mul3A_1105 : vector<16xf32>
      %slice3A_1107 = vector.extract_strided_slice %get3A_833 {offsets = [13], sizes = [1], strides = [1]} : vector<16xf32> to vector<1xf32>
      %squeeze3A_1108 = vector.extract %slice3A_1107[0] : f32 from vector<1xf32>
      %add3A_1109 = arith.constant 45 : i32
      %add3A_1110 = arith.addi %mul3A_155, %add3A_1109 : i32
      %get3A_1111 = arith.index_cast %add3A_1110 : i32 to index
      %get3A_1112 = arith.constant 0 : index
      %get3A_1113 = tpu.vector_load %arg13[%get3A_1111, %get3A_1112] {strides = array<i32>} : memref<1600x16xi32, #tpu.memory_space<vmem>>, vector<16xi32>,
      %shift_left3A_1114 = arith.constant 16 : i32
      %shift_left3A_1115 = vector.broadcast %shift_left3A_1114 : i32 to vector<16xi32>
      %shift_left3A_1116 = arith.shli %get3A_1113, %shift_left3A_1115 : vector<16xi32>
      %bitcast3A_1117 = vector.bitcast %shift_left3A_1116 : vector<16xi32> to vector<16xf32>
      %and3A_1118 = arith.constant -65536 : i32
      %and3A_1119 = vector.broadcast %and3A_1118 : i32 to vector<16xi32>
      %and3A_1120 = arith.andi %get3A_1113, %and3A_1119 : vector<16xi32>
      %bitcast3A_1121 = vector.bitcast %and3A_1120 : vector<16xi32> to vector<16xf32>
      %mul3A_1122 = vector.broadcast %squeeze3A_1108 : f32 to vector<16xf32>
      %mul3A_1123 = arith.mulf %bitcast3A_1117, %mul3A_1122 : vector<16xf32>
      %add3A_1124 = arith.addf %add3A_1103, %mul3A_1123 : vector<16xf32>
      %mul3A_1125 = vector.broadcast %squeeze3A_1108 : f32 to vector<16xf32>
      %mul3A_1126 = arith.mulf %bitcast3A_1121, %mul3A_1125 : vector<16xf32>
      %add3A_1127 = arith.addf %add3A_1106, %mul3A_1126 : vector<16xf32>
      %slice3A_1128 = vector.extract_strided_slice %get3A_833 {offsets = [14], sizes = [1], strides = [1]} : vector<16xf32> to vector<1xf32>
      %squeeze3A_1129 = vector.extract %slice3A_1128[0] : f32 from vector<1xf32>
      %add3A_1130 = arith.constant 46 : i32
      %add3A_1131 = arith.addi %mul3A_155, %add3A_1130 : i32
      %get3A_1132 = arith.index_cast %add3A_1131 : i32 to index
      %get3A_1133 = arith.constant 0 : index
      %get3A_1134 = tpu.vector_load %arg13[%get3A_1132, %get3A_1133] {strides = array<i32>} : memref<1600x16xi32, #tpu.memory_space<vmem>>, vector<16xi32>,
      %shift_left3A_1135 = arith.constant 16 : i32
      %shift_left3A_1136 = vector.broadcast %shift_left3A_1135 : i32 to vector<16xi32>
      %shift_left3A_1137 = arith.shli %get3A_1134, %shift_left3A_1136 : vector<16xi32>
      %bitcast3A_1138 = vector.bitcast %shift_left3A_1137 : vector<16xi32> to vector<16xf32>
      %and3A_1139 = arith.constant -65536 : i32
      %and3A_1140 = vector.broadcast %and3A_1139 : i32 to vector<16xi32>
      %and3A_1141 = arith.andi %get3A_1134, %and3A_1140 : vector<16xi32>
      %bitcast3A_1142 = vector.bitcast %and3A_1141 : vector<16xi32> to vector<16xf32>
      %mul3A_1143 = vector.broadcast %squeeze3A_1129 : f32 to vector<16xf32>
      %mul3A_1144 = arith.mulf %bitcast3A_1138, %mul3A_1143 : vector<16xf32>
      %add3A_1145 = arith.addf %add3A_1124, %mul3A_1144 : vector<16xf32>
      %mul3A_1146 = vector.broadcast %squeeze3A_1129 : f32 to vector<16xf32>
      %mul3A_1147 = arith.mulf %bitcast3A_1142, %mul3A_1146 : vector<16xf32>
      %add3A_1148 = arith.addf %add3A_1127, %mul3A_1147 : vector<16xf32>
      %slice3A_1149 = vector.extract_strided_slice %get3A_833 {offsets = [15], sizes = [1], strides = [1]} : vector<16xf32> to vector<1xf32>
      %squeeze3A_1150 = vector.extract %slice3A_1149[0] : f32 from vector<1xf32>
      %add3A_1151 = arith.constant 47 : i32
      %add3A_1152 = arith.addi %mul3A_155, %add3A_1151 : i32
      %get3A_1153 = arith.index_cast %add3A_1152 : i32 to index
      %get3A_1154 = arith.constant 0 : index
      %get3A_1155 = tpu.vector_load %arg13[%get3A_1153, %get3A_1154] {strides = array<i32>} : memref<1600x16xi32, #tpu.memory_space<vmem>>, vector<16xi32>,
      %shift_left3A_1156 = arith.constant 16 : i32
      %shift_left3A_1157 = vector.broadcast %shift_left3A_1156 : i32 to vector<16xi32>
      %shift_left3A_1158 = arith.shli %get3A_1155, %shift_left3A_1157 : vector<16xi32>
      %bitcast3A_1159 = vector.bitcast %shift_left3A_1158 : vector<16xi32> to vector<16xf32>
      %and3A_1160 = arith.constant -65536 : i32
      %and3A_1161 = vector.broadcast %and3A_1160 : i32 to vector<16xi32>
      %and3A_1162 = arith.andi %get3A_1155, %and3A_1161 : vector<16xi32>
      %bitcast3A_1163 = vector.bitcast %and3A_1162 : vector<16xi32> to vector<16xf32>
      %mul3A_1164 = vector.broadcast %squeeze3A_1150 : f32 to vector<16xf32>
      %mul3A_1165 = arith.mulf %bitcast3A_1159, %mul3A_1164 : vector<16xf32>
      %add3A_1166 = arith.addf %add3A_1145, %mul3A_1165 : vector<16xf32>
      %mul3A_1167 = vector.broadcast %squeeze3A_1150 : f32 to vector<16xf32>
      %mul3A_1168 = arith.mulf %bitcast3A_1163, %mul3A_1167 : vector<16xf32>
      %add3A_1169 = arith.addf %add3A_1148, %mul3A_1168 : vector<16xf32>
      %add3A_1170 = arith.constant 48 : i32
      %add3A_1171 = arith.addi %mul3A_155, %add3A_1170 : i32
      %get3A_1172 = arith.index_cast %add3A_1171 : i32 to index
      %get3A_1173 = tpu.vector_load %arg15[%get3A_1172] {strides = array<i32>} : memref<1616xf32, #tpu.memory_space<vmem>>, vector<16xf32>,
      %slice3A_1174 = vector.extract_strided_slice %get3A_1173 {offsets = [0], sizes = [1], strides = [1]} : vector<16xf32> to vector<1xf32>
      %squeeze3A_1175 = vector.extract %slice3A_1174[0] : f32 from vector<1xf32>
      %add3A_1176 = arith.constant 48 : i32
      %add3A_1177 = arith.addi %mul3A_155, %add3A_1176 : i32
      %get3A_1178 = arith.index_cast %add3A_1177 : i32 to index
      %get3A_1179 = arith.constant 0 : index
      %get3A_1180 = tpu.vector_load %arg13[%get3A_1178, %get3A_1179] {strides = array<i32>} : memref<1600x16xi32, #tpu.memory_space<vmem>>, vector<16xi32>,
      %shift_left3A_1181 = arith.constant 16 : i32
      %shift_left3A_1182 = vector.broadcast %shift_left3A_1181 : i32 to vector<16xi32>
      %shift_left3A_1183 = arith.shli %get3A_1180, %shift_left3A_1182 : vector<16xi32>
      %bitcast3A_1184 = vector.bitcast %shift_left3A_1183 : vector<16xi32> to vector<16xf32>
      %and3A_1185 = arith.constant -65536 : i32
      %and3A_1186 = vector.broadcast %and3A_1185 : i32 to vector<16xi32>
      %and3A_1187 = arith.andi %get3A_1180, %and3A_1186 : vector<16xi32>
      %bitcast3A_1188 = vector.bitcast %and3A_1187 : vector<16xi32> to vector<16xf32>
      %mul3A_1189 = vector.broadcast %squeeze3A_1175 : f32 to vector<16xf32>
      %mul3A_1190 = arith.mulf %bitcast3A_1184, %mul3A_1189 : vector<16xf32>
      %add3A_1191 = arith.addf %add3A_1166, %mul3A_1190 : vector<16xf32>
      %mul3A_1192 = vector.broadcast %squeeze3A_1175 : f32 to vector<16xf32>
      %mul3A_1193 = arith.mulf %bitcast3A_1188, %mul3A_1192 : vector<16xf32>
      %add3A_1194 = arith.addf %add3A_1169, %mul3A_1193 : vector<16xf32>
      %slice3A_1195 = vector.extract_strided_slice %get3A_1173 {offsets = [1], sizes = [1], strides = [1]} : vector<16xf32> to vector<1xf32>
      %squeeze3A_1196 = vector.extract %slice3A_1195[0] : f32 from vector<1xf32>
      %add3A_1197 = arith.constant 49 : i32
      %add3A_1198 = arith.addi %mul3A_155, %add3A_1197 : i32
      %get3A_1199 = arith.index_cast %add3A_1198 : i32 to index
      %get3A_1200 = arith.constant 0 : index
      %get3A_1201 = tpu.vector_load %arg13[%get3A_1199, %get3A_1200] {strides = array<i32>} : memref<1600x16xi32, #tpu.memory_space<vmem>>, vector<16xi32>,
      %shift_left3A_1202 = arith.constant 16 : i32
      %shift_left3A_1203 = vector.broadcast %shift_left3A_1202 : i32 to vector<16xi32>
      %shift_left3A_1204 = arith.shli %get3A_1201, %shift_left3A_1203 : vector<16xi32>
      %bitcast3A_1205 = vector.bitcast %shift_left3A_1204 : vector<16xi32> to vector<16xf32>
      %and3A_1206 = arith.constant -65536 : i32
      %and3A_1207 = vector.broadcast %and3A_1206 : i32 to vector<16xi32>
      %and3A_1208 = arith.andi %get3A_1201, %and3A_1207 : vector<16xi32>
      %bitcast3A_1209 = vector.bitcast %and3A_1208 : vector<16xi32> to vector<16xf32>
      %mul3A_1210 = vector.broadcast %squeeze3A_1196 : f32 to vector<16xf32>
      %mul3A_1211 = arith.mulf %bitcast3A_1205, %mul3A_1210 : vector<16xf32>
      %add3A_1212 = arith.addf %add3A_1191, %mul3A_1211 : vector<16xf32>
      %mul3A_1213 = vector.broadcast %squeeze3A_1196 : f32 to vector<16xf32>
      %mul3A_1214 = arith.mulf %bitcast3A_1209, %mul3A_1213 : vector<16xf32>
      %add3A_1215 = arith.addf %add3A_1194, %mul3A_1214 : vector<16xf32>
      %mul3A_1216 = arith.constant 32 : i32
      %mul3A_1217 = arith.muli %scan3A_153, %mul3A_1216 : i32
      %add3A_1218 = arith.constant 26 : i32
      %add3A_1219 = arith.addi %mul3A_1217, %add3A_1218 : i32
      %pack3A = tpu.pack_subelements %add3A_1212, %add3A_1215 {pack_format = #tpu.pack_format<interleaved>, positions = array<i32: 0, 1>} : vector<16xf32>, vector<16xf32> -> vector<32xbf16>
      %bitcast3A_1220 = vector.bitcast %pack3A : vector<32xbf16> to vector<16xi32>
      %swap3A = arith.index_cast %add3A_1219 : i32 to index
      %swap3A_1221 = arith.constant 0 : index
      %swap3A_1222 = tpu.vector_load %arg9[%swap3A, %swap3A_1221] {strides = array<i32>} : memref<1024x16xi32, #tpu.memory_space<vmem>>, vector<16xi32>,
      tpu.vector_store %arg9[%swap3A, %swap3A_1221], %bitcast3A_1220 {strides = array<i32>} : memref<1024x16xi32, #tpu.memory_space<vmem>>, vector<16xi32>,
    }
    %scan3A_42 = arith.constant 32 : i32
    %mul3A_43 = arith.constant 32 : i32
    %mul3A_44 = arith.muli %add3A_32, %mul3A_43 : i32
    %dma_start3A_45 = arith.constant 0 : i32
    %dma_start3A_46 = tpu.memref_slice %arg6[%mul3A_44, %dma_start3A_45] : memref<131072x16xi32, #tpu.memory_space<hbm>> -> memref<1024x16xi32, #tpu.memory_space<hbm>>
    %dma_start3A_47 = arith.constant 0 : i32
    %dma_start3A_48 = tpu.memref_slice %arg6[%mul3A_44, %dma_start3A_47] : memref<131072x16xi32, #tpu.memory_space<hbm>> -> memref<1024x16xi32, #tpu.memory_space<hbm>>
    tpu.enqueue_dma source(%arg9 : memref<1024x16xi32, #tpu.memory_space<vmem>>) target(%dma_start3A_48 : memref<1024x16xi32, #tpu.memory_space<hbm>>) target_semaphore(%arg21 : memref<!tpu.dma_semaphore, #tpu.memory_space<semaphore_mem>>)
    %dma_wait3A_49 = arith.constant 0 : i32
    %dma_wait3A_50 = tpu.memref_slice %arg6[%mul3A_44, %dma_wait3A_49] : memref<131072x16xi32, #tpu.memory_space<hbm>> -> memref<1024x16xi32, #tpu.memory_space<hbm>>
    %dma_wait3A_51 = arith.constant 0 : i32
    %dma_wait3A_52 = tpu.memref_slice %arg6[%mul3A_44, %dma_wait3A_51] : memref<131072x16xi32, #tpu.memory_space<hbm>> -> memref<1024x16xi32, #tpu.memory_space<hbm>>
    tpu.wait_dma2 semaphore(%arg21 : memref<!tpu.dma_semaphore, #tpu.memory_space<semaphore_mem>>) src(%arg9 : memref<1024x16xi32, #tpu.memory_space<vmem>>) dst(%dma_wait3A_52 : memref<1024x16xi32, #tpu.memory_space<hbm>>)
    %add3A_53 = arith.constant 64 : i32
    %add3A_54 = arith.addi %mul3A_2, %add3A_53 : i32
    %mul3A_55 = arith.constant 32 : i32
    %mul3A_56 = arith.muli %add3A_54, %mul3A_55 : i32
    "tpu.region"() ({
      %run_scoped3A = tpu.sem_alloc : memref<!tpu.dma_semaphore, #tpu.memory_space<semaphore_mem>>
      %dma_start3A_153 = tpu.memref_slice %arg2[%mul3A_56] : memref<131072xi32, #tpu.memory_space<hbm>> -> memref<1024xi32, #tpu.memory_space<hbm>>
      %dma_start3A_154 = tpu.memref_slice %arg2[%mul3A_56] : memref<131072xi32, #tpu.memory_space<hbm>> -> memref<1024xi32, #tpu.memory_space<hbm>>
      tpu.enqueue_dma source(%dma_start3A_154 : memref<1024xi32, #tpu.memory_space<hbm>>) target(%arg7 : memref<1024xi32, #tpu.memory_space<vmem>>) target_semaphore(%run_scoped3A : memref<!tpu.dma_semaphore, #tpu.memory_space<semaphore_mem>>)
      %dma_wait3A_155 = tpu.memref_slice %arg2[%mul3A_56] : memref<131072xi32, #tpu.memory_space<hbm>> -> memref<1024xi32, #tpu.memory_space<hbm>>
      %dma_wait3A_156 = tpu.memref_slice %arg2[%mul3A_56] : memref<131072xi32, #tpu.memory_space<hbm>> -> memref<1024xi32, #tpu.memory_space<hbm>>
      tpu.wait_dma2 semaphore(%run_scoped3A : memref<!tpu.dma_semaphore, #tpu.memory_space<semaphore_mem>>) src(%dma_wait3A_156 : memref<1024xi32, #tpu.memory_space<hbm>>) dst(%arg7 : memref<1024xi32, #tpu.memory_space<vmem>>)
      tpu.yield
    }) : () -> ()
    %mul3A_57 = arith.constant 50 : i32
    %mul3A_58 = arith.muli %add3A_54, %mul3A_57 : i32
    "tpu.region"() ({
      %run_scoped3A = tpu.sem_alloc : memref<!tpu.dma_semaphore, #tpu.memory_space<semaphore_mem>>
      %dma_start3A_153 = tpu.memref_slice %arg3[%mul3A_58] : memref<204800xi32, #tpu.memory_space<hbm>> -> memref<1600xi32, #tpu.memory_space<hbm>>
      %dma_start3A_154 = tpu.memref_slice %arg3[%mul3A_58] : memref<204800xi32, #tpu.memory_space<hbm>> -> memref<1600xi32, #tpu.memory_space<hbm>>
      tpu.enqueue_dma source(%dma_start3A_154 : memref<1600xi32, #tpu.memory_space<hbm>>) target(%arg11 : memref<1600xi32, #tpu.memory_space<vmem>>) target_semaphore(%run_scoped3A : memref<!tpu.dma_semaphore, #tpu.memory_space<semaphore_mem>>)
      %dma_wait3A_155 = tpu.memref_slice %arg3[%mul3A_58] : memref<204800xi32, #tpu.memory_space<hbm>> -> memref<1600xi32, #tpu.memory_space<hbm>>
      %dma_wait3A_156 = tpu.memref_slice %arg3[%mul3A_58] : memref<204800xi32, #tpu.memory_space<hbm>> -> memref<1600xi32, #tpu.memory_space<hbm>>
      tpu.wait_dma2 semaphore(%run_scoped3A : memref<!tpu.dma_semaphore, #tpu.memory_space<semaphore_mem>>) src(%dma_wait3A_156 : memref<1600xi32, #tpu.memory_space<hbm>>) dst(%arg11 : memref<1600xi32, #tpu.memory_space<vmem>>)
      tpu.yield
    }) : () -> ()
    %mul3A_59 = arith.constant 50 : i32
    %mul3A_60 = arith.muli %add3A_54, %mul3A_59 : i32
    "tpu.region"() ({
      %run_scoped3A = tpu.sem_alloc : memref<!tpu.dma_semaphore, #tpu.memory_space<semaphore_mem>>
      %dma_start3A_153 = arith.constant 0 : i32
      %dma_start3A_154 = tpu.memref_slice %arg15[%dma_start3A_153] : memref<1616xf32, #tpu.memory_space<vmem>> -> memref<1600xf32, #tpu.memory_space<vmem>>
      %dma_start3A_155 = tpu.memref_slice %arg4[%mul3A_60] : memref<204800xf32, #tpu.memory_space<hbm>> -> memref<1600xf32, #tpu.memory_space<hbm>>
      %dma_start3A_156 = arith.constant 0 : i32
      %dma_start3A_157 = tpu.memref_slice %arg15[%dma_start3A_156] : memref<1616xf32, #tpu.memory_space<vmem>> -> memref<1600xf32, #tpu.memory_space<vmem>>
      %dma_start3A_158 = tpu.memref_slice %arg4[%mul3A_60] : memref<204800xf32, #tpu.memory_space<hbm>> -> memref<1600xf32, #tpu.memory_space<hbm>>
      tpu.enqueue_dma source(%dma_start3A_158 : memref<1600xf32, #tpu.memory_space<hbm>>) target(%dma_start3A_157 : memref<1600xf32, #tpu.memory_space<vmem>>) target_semaphore(%run_scoped3A : memref<!tpu.dma_semaphore, #tpu.memory_space<semaphore_mem>>)
      %dma_wait3A_159 = arith.constant 0 : i32
      %dma_wait3A_160 = tpu.memref_slice %arg15[%dma_wait3A_159] : memref<1616xf32, #tpu.memory_space<vmem>> -> memref<1600xf32, #tpu.memory_space<vmem>>
      %dma_wait3A_161 = tpu.memref_slice %arg4[%mul3A_60] : memref<204800xf32, #tpu.memory_space<hbm>> -> memref<1600xf32, #tpu.memory_space<hbm>>
      %dma_wait3A_162 = arith.constant 0 : i32
      %dma_wait3A_163 = tpu.memref_slice %arg15[%dma_wait3A_162] : memref<1616xf32, #tpu.memory_space<vmem>> -> memref<1600xf32, #tpu.memory_space<vmem>>
      %dma_wait3A_164 = tpu.memref_slice %arg4[%mul3A_60] : memref<204800xf32, #tpu.memory_space<hbm>> -> memref<1600xf32, #tpu.memory_space<hbm>>
      tpu.wait_dma2 semaphore(%run_scoped3A : memref<!tpu.dma_semaphore, #tpu.memory_space<semaphore_mem>>) src(%dma_wait3A_164 : memref<1600xf32, #tpu.memory_space<hbm>>) dst(%dma_wait3A_163 : memref<1600xf32, #tpu.memory_space<vmem>>)
      tpu.yield
    }) : () -> ()
    %dma_start3A_61 = arith.constant 0 : i32
    %dma_start3A_62 = arith.constant 0 : i32
    %dma_start3A_63 = tpu.memref_slice %arg5[%dma_start3A_61, %dma_start3A_62] : memref<1015808x16xi32, #tpu.memory_space<hbm>> -> memref<1015808x16xi32, #tpu.memory_space<hbm>>
    tpu.enqueue_indirect_dma source(%dma_start3A_63 : memref<1015808x16xi32, #tpu.memory_space<hbm>>) target(%arg9 : memref<1024x16xi32, #tpu.memory_space<vmem>>) offsets(%arg7 : memref<1024xi32, #tpu.memory_space<vmem>>) semaphore(%arg17 : memref<!tpu.dma_semaphore, #tpu.memory_space<semaphore_mem>>)
    %dma_start3A_64 = arith.constant 0 : i32
    %dma_start3A_65 = arith.constant 0 : i32
    %dma_start3A_66 = tpu.memref_slice %arg5[%dma_start3A_64, %dma_start3A_65] : memref<1015808x16xi32, #tpu.memory_space<hbm>> -> memref<1015808x16xi32, #tpu.memory_space<hbm>>
    tpu.enqueue_indirect_dma source(%dma_start3A_66 : memref<1015808x16xi32, #tpu.memory_space<hbm>>) target(%arg13 : memref<1600x16xi32, #tpu.memory_space<vmem>>) offsets(%arg11 : memref<1600xi32, #tpu.memory_space<vmem>>) semaphore(%arg19 : memref<!tpu.dma_semaphore, #tpu.memory_space<semaphore_mem>>)
    %add3A_67 = arith.constant 32 : i32
    %add3A_68 = arith.addi %mul3A_2, %add3A_67 : i32
    %dma_wait3A_69 = arith.constant 0 : i32
    %dma_wait3A_70 = arith.constant 0 : i32
    %dma_wait3A_71 = tpu.memref_slice %arg5[%dma_wait3A_69, %dma_wait3A_70] : memref<1015808x16xi32, #tpu.memory_space<hbm>> -> memref<1015808x16xi32, #tpu.memory_space<hbm>>
    tpu.wait_indirect_dma semaphore(%arg18 : memref<!tpu.dma_semaphore, #tpu.memory_space<semaphore_mem>>) src(%dma_wait3A_71 : memref<1015808x16xi32, #tpu.memory_space<hbm>>) dst(%arg10 : memref<1024x16xi32, #tpu.memory_space<vmem>>)
    %dma_wait3A_72 = arith.constant 0 : i32
    %dma_wait3A_73 = arith.constant 0 : i32
    %dma_wait3A_74 = tpu.memref_slice %arg5[%dma_wait3A_72, %dma_wait3A_73] : memref<1015808x16xi32, #tpu.memory_space<hbm>> -> memref<1015808x16xi32, #tpu.memory_space<hbm>>
    tpu.wait_indirect_dma semaphore(%arg20 : memref<!tpu.dma_semaphore, #tpu.memory_space<semaphore_mem>>) src(%dma_wait3A_74 : memref<1015808x16xi32, #tpu.memory_space<hbm>>) dst(%arg14 : memref<1600x16xi32, #tpu.memory_space<vmem>>)
    %scan3A_75 = arith.constant 0 : i32
    %scan3A_76 = arith.constant 0 : i32
    %scan3A_77 = arith.constant 32 : i32
    %scan3A_78 = arith.addi %scan3A_76, %scan3A_77 : i32
    %scan3A_79 = arith.constant 1 : i32
    scf.for %scan3A_153 = %scan3A_76 to %scan3A_78 step %scan3A_79  : i32 {
      %mul3A_154 = arith.constant 50 : i32
      %mul3A_155 = arith.muli %scan3A_153, %mul3A_154 : i32
      %add3A_156 = arith.constant 0 : i32
      %add3A_157 = arith.addi %mul3A_155, %add3A_156 : i32
      %get3A = arith.index_cast %add3A_157 : i32 to index
      %get3A_158 = tpu.vector_load %arg16[%get3A] {strides = array<i32>} : memref<1616xf32, #tpu.memory_space<vmem>>, vector<16xf32>,
      %slice3A = vector.extract_strided_slice %get3A_158 {offsets = [0], sizes = [1], strides = [1]} : vector<16xf32> to vector<1xf32>
      %squeeze3A = vector.extract %slice3A[0] : f32 from vector<1xf32>
      %add3A_159 = arith.constant 0 : i32
      %add3A_160 = arith.addi %mul3A_155, %add3A_159 : i32
      %get3A_161 = arith.index_cast %add3A_160 : i32 to index
      %get3A_162 = arith.constant 0 : index
      %get3A_163 = tpu.vector_load %arg14[%get3A_161, %get3A_162] {strides = array<i32>} : memref<1600x16xi32, #tpu.memory_space<vmem>>, vector<16xi32>,
      %shift_left3A = arith.constant 16 : i32
      %shift_left3A_164 = vector.broadcast %shift_left3A : i32 to vector<16xi32>
      %shift_left3A_165 = arith.shli %get3A_163, %shift_left3A_164 : vector<16xi32>
      %bitcast3A = vector.bitcast %shift_left3A_165 : vector<16xi32> to vector<16xf32>
      %and3A = arith.constant -65536 : i32
      %and3A_166 = vector.broadcast %and3A : i32 to vector<16xi32>
      %and3A_167 = arith.andi %get3A_163, %and3A_166 : vector<16xi32>
      %bitcast3A_168 = vector.bitcast %and3A_167 : vector<16xi32> to vector<16xf32>
      %mul3A_169 = vector.broadcast %squeeze3A : f32 to vector<16xf32>
      %mul3A_170 = arith.mulf %bitcast3A, %mul3A_169 : vector<16xf32>
      %add3A_171 = arith.addf %broadcast_in_dim3A_3, %mul3A_170 : vector<16xf32>
      %mul3A_172 = vector.broadcast %squeeze3A : f32 to vector<16xf32>
      %mul3A_173 = arith.mulf %bitcast3A_168, %mul3A_172 : vector<16xf32>
      %add3A_174 = arith.addf %broadcast_in_dim3A_3, %mul3A_173 : vector<16xf32>
      %slice3A_175 = vector.extract_strided_slice %get3A_158 {offsets = [1], sizes = [1], strides = [1]} : vector<16xf32> to vector<1xf32>
      %squeeze3A_176 = vector.extract %slice3A_175[0] : f32 from vector<1xf32>
      %add3A_177 = arith.constant 1 : i32
      %add3A_178 = arith.addi %mul3A_155, %add3A_177 : i32
      %get3A_179 = arith.index_cast %add3A_178 : i32 to index
      %get3A_180 = arith.constant 0 : index
      %get3A_181 = tpu.vector_load %arg14[%get3A_179, %get3A_180] {strides = array<i32>} : memref<1600x16xi32, #tpu.memory_space<vmem>>, vector<16xi32>,
      %shift_left3A_182 = arith.constant 16 : i32
      %shift_left3A_183 = vector.broadcast %shift_left3A_182 : i32 to vector<16xi32>
      %shift_left3A_184 = arith.shli %get3A_181, %shift_left3A_183 : vector<16xi32>
      %bitcast3A_185 = vector.bitcast %shift_left3A_184 : vector<16xi32> to vector<16xf32>
      %and3A_186 = arith.constant -65536 : i32
      %and3A_187 = vector.broadcast %and3A_186 : i32 to vector<16xi32>
      %and3A_188 = arith.andi %get3A_181, %and3A_187 : vector<16xi32>
      %bitcast3A_189 = vector.bitcast %and3A_188 : vector<16xi32> to vector<16xf32>
      %mul3A_190 = vector.broadcast %squeeze3A_176 : f32 to vector<16xf32>
      %mul3A_191 = arith.mulf %bitcast3A_185, %mul3A_190 : vector<16xf32>
      %add3A_192 = arith.addf %add3A_171, %mul3A_191 : vector<16xf32>
      %mul3A_193 = vector.broadcast %squeeze3A_176 : f32 to vector<16xf32>
      %mul3A_194 = arith.mulf %bitcast3A_189, %mul3A_193 : vector<16xf32>
      %add3A_195 = arith.addf %add3A_174, %mul3A_194 : vector<16xf32>
      %slice3A_196 = vector.extract_strided_slice %get3A_158 {offsets = [2], sizes = [1], strides = [1]} : vector<16xf32> to vector<1xf32>
      %squeeze3A_197 = vector.extract %slice3A_196[0] : f32 from vector<1xf32>
      %add3A_198 = arith.constant 2 : i32
      %add3A_199 = arith.addi %mul3A_155, %add3A_198 : i32
      %get3A_200 = arith.index_cast %add3A_199 : i32 to index
      %get3A_201 = arith.constant 0 : index
      %get3A_202 = tpu.vector_load %arg14[%get3A_200, %get3A_201] {strides = array<i32>} : memref<1600x16xi32, #tpu.memory_space<vmem>>, vector<16xi32>,
      %shift_left3A_203 = arith.constant 16 : i32
      %shift_left3A_204 = vector.broadcast %shift_left3A_203 : i32 to vector<16xi32>
      %shift_left3A_205 = arith.shli %get3A_202, %shift_left3A_204 : vector<16xi32>
      %bitcast3A_206 = vector.bitcast %shift_left3A_205 : vector<16xi32> to vector<16xf32>
      %and3A_207 = arith.constant -65536 : i32
      %and3A_208 = vector.broadcast %and3A_207 : i32 to vector<16xi32>
      %and3A_209 = arith.andi %get3A_202, %and3A_208 : vector<16xi32>
      %bitcast3A_210 = vector.bitcast %and3A_209 : vector<16xi32> to vector<16xf32>
      %mul3A_211 = vector.broadcast %squeeze3A_197 : f32 to vector<16xf32>
      %mul3A_212 = arith.mulf %bitcast3A_206, %mul3A_211 : vector<16xf32>
      %add3A_213 = arith.addf %add3A_192, %mul3A_212 : vector<16xf32>
      %mul3A_214 = vector.broadcast %squeeze3A_197 : f32 to vector<16xf32>
      %mul3A_215 = arith.mulf %bitcast3A_210, %mul3A_214 : vector<16xf32>
      %add3A_216 = arith.addf %add3A_195, %mul3A_215 : vector<16xf32>
      %slice3A_217 = vector.extract_strided_slice %get3A_158 {offsets = [3], sizes = [1], strides = [1]} : vector<16xf32> to vector<1xf32>
      %squeeze3A_218 = vector.extract %slice3A_217[0] : f32 from vector<1xf32>
      %add3A_219 = arith.constant 3 : i32
      %add3A_220 = arith.addi %mul3A_155, %add3A_219 : i32
      %get3A_221 = arith.index_cast %add3A_220 : i32 to index
      %get3A_222 = arith.constant 0 : index
      %get3A_223 = tpu.vector_load %arg14[%get3A_221, %get3A_222] {strides = array<i32>} : memref<1600x16xi32, #tpu.memory_space<vmem>>, vector<16xi32>,
      %shift_left3A_224 = arith.constant 16 : i32
      %shift_left3A_225 = vector.broadcast %shift_left3A_224 : i32 to vector<16xi32>
      %shift_left3A_226 = arith.shli %get3A_223, %shift_left3A_225 : vector<16xi32>
      %bitcast3A_227 = vector.bitcast %shift_left3A_226 : vector<16xi32> to vector<16xf32>
      %and3A_228 = arith.constant -65536 : i32
      %and3A_229 = vector.broadcast %and3A_228 : i32 to vector<16xi32>
      %and3A_230 = arith.andi %get3A_223, %and3A_229 : vector<16xi32>
      %bitcast3A_231 = vector.bitcast %and3A_230 : vector<16xi32> to vector<16xf32>
      %mul3A_232 = vector.broadcast %squeeze3A_218 : f32 to vector<16xf32>
      %mul3A_233 = arith.mulf %bitcast3A_227, %mul3A_232 : vector<16xf32>
      %add3A_234 = arith.addf %add3A_213, %mul3A_233 : vector<16xf32>
      %mul3A_235 = vector.broadcast %squeeze3A_218 : f32 to vector<16xf32>
      %mul3A_236 = arith.mulf %bitcast3A_231, %mul3A_235 : vector<16xf32>
      %add3A_237 = arith.addf %add3A_216, %mul3A_236 : vector<16xf32>
      %slice3A_238 = vector.extract_strided_slice %get3A_158 {offsets = [4], sizes = [1], strides = [1]} : vector<16xf32> to vector<1xf32>
      %squeeze3A_239 = vector.extract %slice3A_238[0] : f32 from vector<1xf32>
      %add3A_240 = arith.constant 4 : i32
      %add3A_241 = arith.addi %mul3A_155, %add3A_240 : i32
      %get3A_242 = arith.index_cast %add3A_241 : i32 to index
      %get3A_243 = arith.constant 0 : index
      %get3A_244 = tpu.vector_load %arg14[%get3A_242, %get3A_243] {strides = array<i32>} : memref<1600x16xi32, #tpu.memory_space<vmem>>, vector<16xi32>,
      %shift_left3A_245 = arith.constant 16 : i32
      %shift_left3A_246 = vector.broadcast %shift_left3A_245 : i32 to vector<16xi32>
      %shift_left3A_247 = arith.shli %get3A_244, %shift_left3A_246 : vector<16xi32>
      %bitcast3A_248 = vector.bitcast %shift_left3A_247 : vector<16xi32> to vector<16xf32>
      %and3A_249 = arith.constant -65536 : i32
      %and3A_250 = vector.broadcast %and3A_249 : i32 to vector<16xi32>
      %and3A_251 = arith.andi %get3A_244, %and3A_250 : vector<16xi32>
      %bitcast3A_252 = vector.bitcast %and3A_251 : vector<16xi32> to vector<16xf32>
      %mul3A_253 = vector.broadcast %squeeze3A_239 : f32 to vector<16xf32>
      %mul3A_254 = arith.mulf %bitcast3A_248, %mul3A_253 : vector<16xf32>
      %add3A_255 = arith.addf %add3A_234, %mul3A_254 : vector<16xf32>
      %mul3A_256 = vector.broadcast %squeeze3A_239 : f32 to vector<16xf32>
      %mul3A_257 = arith.mulf %bitcast3A_252, %mul3A_256 : vector<16xf32>
      %add3A_258 = arith.addf %add3A_237, %mul3A_257 : vector<16xf32>
      %slice3A_259 = vector.extract_strided_slice %get3A_158 {offsets = [5], sizes = [1], strides = [1]} : vector<16xf32> to vector<1xf32>
      %squeeze3A_260 = vector.extract %slice3A_259[0] : f32 from vector<1xf32>
      %add3A_261 = arith.constant 5 : i32
      %add3A_262 = arith.addi %mul3A_155, %add3A_261 : i32
      %get3A_263 = arith.index_cast %add3A_262 : i32 to index
      %get3A_264 = arith.constant 0 : index
      %get3A_265 = tpu.vector_load %arg14[%get3A_263, %get3A_264] {strides = array<i32>} : memref<1600x16xi32, #tpu.memory_space<vmem>>, vector<16xi32>,
      %shift_left3A_266 = arith.constant 16 : i32
      %shift_left3A_267 = vector.broadcast %shift_left3A_266 : i32 to vector<16xi32>
      %shift_left3A_268 = arith.shli %get3A_265, %shift_left3A_267 : vector<16xi32>
      %bitcast3A_269 = vector.bitcast %shift_left3A_268 : vector<16xi32> to vector<16xf32>
      %and3A_270 = arith.constant -65536 : i32
      %and3A_271 = vector.broadcast %and3A_270 : i32 to vector<16xi32>
      %and3A_272 = arith.andi %get3A_265, %and3A_271 : vector<16xi32>
      %bitcast3A_273 = vector.bitcast %and3A_272 : vector<16xi32> to vector<16xf32>
      %mul3A_274 = vector.broadcast %squeeze3A_260 : f32 to vector<16xf32>
      %mul3A_275 = arith.mulf %bitcast3A_269, %mul3A_274 : vector<16xf32>
      %add3A_276 = arith.addf %add3A_255, %mul3A_275 : vector<16xf32>
      %mul3A_277 = vector.broadcast %squeeze3A_260 : f32 to vector<16xf32>
      %mul3A_278 = arith.mulf %bitcast3A_273, %mul3A_277 : vector<16xf32>
      %add3A_279 = arith.addf %add3A_258, %mul3A_278 : vector<16xf32>
      %slice3A_280 = vector.extract_strided_slice %get3A_158 {offsets = [6], sizes = [1], strides = [1]} : vector<16xf32> to vector<1xf32>
      %squeeze3A_281 = vector.extract %slice3A_280[0] : f32 from vector<1xf32>
      %add3A_282 = arith.constant 6 : i32
      %add3A_283 = arith.addi %mul3A_155, %add3A_282 : i32
      %get3A_284 = arith.index_cast %add3A_283 : i32 to index
      %get3A_285 = arith.constant 0 : index
      %get3A_286 = tpu.vector_load %arg14[%get3A_284, %get3A_285] {strides = array<i32>} : memref<1600x16xi32, #tpu.memory_space<vmem>>, vector<16xi32>,
      %shift_left3A_287 = arith.constant 16 : i32
      %shift_left3A_288 = vector.broadcast %shift_left3A_287 : i32 to vector<16xi32>
      %shift_left3A_289 = arith.shli %get3A_286, %shift_left3A_288 : vector<16xi32>
      %bitcast3A_290 = vector.bitcast %shift_left3A_289 : vector<16xi32> to vector<16xf32>
      %and3A_291 = arith.constant -65536 : i32
      %and3A_292 = vector.broadcast %and3A_291 : i32 to vector<16xi32>
      %and3A_293 = arith.andi %get3A_286, %and3A_292 : vector<16xi32>
      %bitcast3A_294 = vector.bitcast %and3A_293 : vector<16xi32> to vector<16xf32>
      %mul3A_295 = vector.broadcast %squeeze3A_281 : f32 to vector<16xf32>
      %mul3A_296 = arith.mulf %bitcast3A_290, %mul3A_295 : vector<16xf32>
      %add3A_297 = arith.addf %add3A_276, %mul3A_296 : vector<16xf32>
      %mul3A_298 = vector.broadcast %squeeze3A_281 : f32 to vector<16xf32>
      %mul3A_299 = arith.mulf %bitcast3A_294, %mul3A_298 : vector<16xf32>
      %add3A_300 = arith.addf %add3A_279, %mul3A_299 : vector<16xf32>
      %slice3A_301 = vector.extract_strided_slice %get3A_158 {offsets = [7], sizes = [1], strides = [1]} : vector<16xf32> to vector<1xf32>
      %squeeze3A_302 = vector.extract %slice3A_301[0] : f32 from vector<1xf32>
      %add3A_303 = arith.constant 7 : i32
      %add3A_304 = arith.addi %mul3A_155, %add3A_303 : i32
      %get3A_305 = arith.index_cast %add3A_304 : i32 to index
      %get3A_306 = arith.constant 0 : index
      %get3A_307 = tpu.vector_load %arg14[%get3A_305, %get3A_306] {strides = array<i32>} : memref<1600x16xi32, #tpu.memory_space<vmem>>, vector<16xi32>,
      %shift_left3A_308 = arith.constant 16 : i32
      %shift_left3A_309 = vector.broadcast %shift_left3A_308 : i32 to vector<16xi32>
      %shift_left3A_310 = arith.shli %get3A_307, %shift_left3A_309 : vector<16xi32>
      %bitcast3A_311 = vector.bitcast %shift_left3A_310 : vector<16xi32> to vector<16xf32>
      %and3A_312 = arith.constant -65536 : i32
      %and3A_313 = vector.broadcast %and3A_312 : i32 to vector<16xi32>
      %and3A_314 = arith.andi %get3A_307, %and3A_313 : vector<16xi32>
      %bitcast3A_315 = vector.bitcast %and3A_314 : vector<16xi32> to vector<16xf32>
      %mul3A_316 = vector.broadcast %squeeze3A_302 : f32 to vector<16xf32>
      %mul3A_317 = arith.mulf %bitcast3A_311, %mul3A_316 : vector<16xf32>
      %add3A_318 = arith.addf %add3A_297, %mul3A_317 : vector<16xf32>
      %mul3A_319 = vector.broadcast %squeeze3A_302 : f32 to vector<16xf32>
      %mul3A_320 = arith.mulf %bitcast3A_315, %mul3A_319 : vector<16xf32>
      %add3A_321 = arith.addf %add3A_300, %mul3A_320 : vector<16xf32>
      %slice3A_322 = vector.extract_strided_slice %get3A_158 {offsets = [8], sizes = [1], strides = [1]} : vector<16xf32> to vector<1xf32>
      %squeeze3A_323 = vector.extract %slice3A_322[0] : f32 from vector<1xf32>
      %add3A_324 = arith.constant 8 : i32
      %add3A_325 = arith.addi %mul3A_155, %add3A_324 : i32
      %get3A_326 = arith.index_cast %add3A_325 : i32 to index
      %get3A_327 = arith.constant 0 : index
      %get3A_328 = tpu.vector_load %arg14[%get3A_326, %get3A_327] {strides = array<i32>} : memref<1600x16xi32, #tpu.memory_space<vmem>>, vector<16xi32>,
      %shift_left3A_329 = arith.constant 16 : i32
      %shift_left3A_330 = vector.broadcast %shift_left3A_329 : i32 to vector<16xi32>
      %shift_left3A_331 = arith.shli %get3A_328, %shift_left3A_330 : vector<16xi32>
      %bitcast3A_332 = vector.bitcast %shift_left3A_331 : vector<16xi32> to vector<16xf32>
      %and3A_333 = arith.constant -65536 : i32
      %and3A_334 = vector.broadcast %and3A_333 : i32 to vector<16xi32>
      %and3A_335 = arith.andi %get3A_328, %and3A_334 : vector<16xi32>
      %bitcast3A_336 = vector.bitcast %and3A_335 : vector<16xi32> to vector<16xf32>
      %mul3A_337 = vector.broadcast %squeeze3A_323 : f32 to vector<16xf32>
      %mul3A_338 = arith.mulf %bitcast3A_332, %mul3A_337 : vector<16xf32>
      %add3A_339 = arith.addf %add3A_318, %mul3A_338 : vector<16xf32>
      %mul3A_340 = vector.broadcast %squeeze3A_323 : f32 to vector<16xf32>
      %mul3A_341 = arith.mulf %bitcast3A_336, %mul3A_340 : vector<16xf32>
      %add3A_342 = arith.addf %add3A_321, %mul3A_341 : vector<16xf32>
      %slice3A_343 = vector.extract_strided_slice %get3A_158 {offsets = [9], sizes = [1], strides = [1]} : vector<16xf32> to vector<1xf32>
      %squeeze3A_344 = vector.extract %slice3A_343[0] : f32 from vector<1xf32>
      %add3A_345 = arith.constant 9 : i32
      %add3A_346 = arith.addi %mul3A_155, %add3A_345 : i32
      %get3A_347 = arith.index_cast %add3A_346 : i32 to index
      %get3A_348 = arith.constant 0 : index
      %get3A_349 = tpu.vector_load %arg14[%get3A_347, %get3A_348] {strides = array<i32>} : memref<1600x16xi32, #tpu.memory_space<vmem>>, vector<16xi32>,
      %shift_left3A_350 = arith.constant 16 : i32
      %shift_left3A_351 = vector.broadcast %shift_left3A_350 : i32 to vector<16xi32>
      %shift_left3A_352 = arith.shli %get3A_349, %shift_left3A_351 : vector<16xi32>
      %bitcast3A_353 = vector.bitcast %shift_left3A_352 : vector<16xi32> to vector<16xf32>
      %and3A_354 = arith.constant -65536 : i32
      %and3A_355 = vector.broadcast %and3A_354 : i32 to vector<16xi32>
      %and3A_356 = arith.andi %get3A_349, %and3A_355 : vector<16xi32>
      %bitcast3A_357 = vector.bitcast %and3A_356 : vector<16xi32> to vector<16xf32>
      %mul3A_358 = vector.broadcast %squeeze3A_344 : f32 to vector<16xf32>
      %mul3A_359 = arith.mulf %bitcast3A_353, %mul3A_358 : vector<16xf32>
      %add3A_360 = arith.addf %add3A_339, %mul3A_359 : vector<16xf32>
      %mul3A_361 = vector.broadcast %squeeze3A_344 : f32 to vector<16xf32>
      %mul3A_362 = arith.mulf %bitcast3A_357, %mul3A_361 : vector<16xf32>
      %add3A_363 = arith.addf %add3A_342, %mul3A_362 : vector<16xf32>
      %slice3A_364 = vector.extract_strided_slice %get3A_158 {offsets = [10], sizes = [1], strides = [1]} : vector<16xf32> to vector<1xf32>
      %squeeze3A_365 = vector.extract %slice3A_364[0] : f32 from vector<1xf32>
      %add3A_366 = arith.constant 10 : i32
      %add3A_367 = arith.addi %mul3A_155, %add3A_366 : i32
      %get3A_368 = arith.index_cast %add3A_367 : i32 to index
      %get3A_369 = arith.constant 0 : index
      %get3A_370 = tpu.vector_load %arg14[%get3A_368, %get3A_369] {strides = array<i32>} : memref<1600x16xi32, #tpu.memory_space<vmem>>, vector<16xi32>,
      %shift_left3A_371 = arith.constant 16 : i32
      %shift_left3A_372 = vector.broadcast %shift_left3A_371 : i32 to vector<16xi32>
      %shift_left3A_373 = arith.shli %get3A_370, %shift_left3A_372 : vector<16xi32>
      %bitcast3A_374 = vector.bitcast %shift_left3A_373 : vector<16xi32> to vector<16xf32>
      %and3A_375 = arith.constant -65536 : i32
      %and3A_376 = vector.broadcast %and3A_375 : i32 to vector<16xi32>
      %and3A_377 = arith.andi %get3A_370, %and3A_376 : vector<16xi32>
      %bitcast3A_378 = vector.bitcast %and3A_377 : vector<16xi32> to vector<16xf32>
      %mul3A_379 = vector.broadcast %squeeze3A_365 : f32 to vector<16xf32>
      %mul3A_380 = arith.mulf %bitcast3A_374, %mul3A_379 : vector<16xf32>
      %add3A_381 = arith.addf %add3A_360, %mul3A_380 : vector<16xf32>
      %mul3A_382 = vector.broadcast %squeeze3A_365 : f32 to vector<16xf32>
      %mul3A_383 = arith.mulf %bitcast3A_378, %mul3A_382 : vector<16xf32>
      %add3A_384 = arith.addf %add3A_363, %mul3A_383 : vector<16xf32>
      %slice3A_385 = vector.extract_strided_slice %get3A_158 {offsets = [11], sizes = [1], strides = [1]} : vector<16xf32> to vector<1xf32>
      %squeeze3A_386 = vector.extract %slice3A_385[0] : f32 from vector<1xf32>
      %add3A_387 = arith.constant 11 : i32
      %add3A_388 = arith.addi %mul3A_155, %add3A_387 : i32
      %get3A_389 = arith.index_cast %add3A_388 : i32 to index
      %get3A_390 = arith.constant 0 : index
      %get3A_391 = tpu.vector_load %arg14[%get3A_389, %get3A_390] {strides = array<i32>} : memref<1600x16xi32, #tpu.memory_space<vmem>>, vector<16xi32>,
      %shift_left3A_392 = arith.constant 16 : i32
      %shift_left3A_393 = vector.broadcast %shift_left3A_392 : i32 to vector<16xi32>
      %shift_left3A_394 = arith.shli %get3A_391, %shift_left3A_393 : vector<16xi32>
      %bitcast3A_395 = vector.bitcast %shift_left3A_394 : vector<16xi32> to vector<16xf32>
      %and3A_396 = arith.constant -65536 : i32
      %and3A_397 = vector.broadcast %and3A_396 : i32 to vector<16xi32>
      %and3A_398 = arith.andi %get3A_391, %and3A_397 : vector<16xi32>
      %bitcast3A_399 = vector.bitcast %and3A_398 : vector<16xi32> to vector<16xf32>
      %mul3A_400 = vector.broadcast %squeeze3A_386 : f32 to vector<16xf32>
      %mul3A_401 = arith.mulf %bitcast3A_395, %mul3A_400 : vector<16xf32>
      %add3A_402 = arith.addf %add3A_381, %mul3A_401 : vector<16xf32>
      %mul3A_403 = vector.broadcast %squeeze3A_386 : f32 to vector<16xf32>
      %mul3A_404 = arith.mulf %bitcast3A_399, %mul3A_403 : vector<16xf32>
      %add3A_405 = arith.addf %add3A_384, %mul3A_404 : vector<16xf32>
      %slice3A_406 = vector.extract_strided_slice %get3A_158 {offsets = [12], sizes = [1], strides = [1]} : vector<16xf32> to vector<1xf32>
      %squeeze3A_407 = vector.extract %slice3A_406[0] : f32 from vector<1xf32>
      %add3A_408 = arith.constant 12 : i32
      %add3A_409 = arith.addi %mul3A_155, %add3A_408 : i32
      %get3A_410 = arith.index_cast %add3A_409 : i32 to index
      %get3A_411 = arith.constant 0 : index
      %get3A_412 = tpu.vector_load %arg14[%get3A_410, %get3A_411] {strides = array<i32>} : memref<1600x16xi32, #tpu.memory_space<vmem>>, vector<16xi32>,
      %shift_left3A_413 = arith.constant 16 : i32
      %shift_left3A_414 = vector.broadcast %shift_left3A_413 : i32 to vector<16xi32>
      %shift_left3A_415 = arith.shli %get3A_412, %shift_left3A_414 : vector<16xi32>
      %bitcast3A_416 = vector.bitcast %shift_left3A_415 : vector<16xi32> to vector<16xf32>
      %and3A_417 = arith.constant -65536 : i32
      %and3A_418 = vector.broadcast %and3A_417 : i32 to vector<16xi32>
      %and3A_419 = arith.andi %get3A_412, %and3A_418 : vector<16xi32>
      %bitcast3A_420 = vector.bitcast %and3A_419 : vector<16xi32> to vector<16xf32>
      %mul3A_421 = vector.broadcast %squeeze3A_407 : f32 to vector<16xf32>
      %mul3A_422 = arith.mulf %bitcast3A_416, %mul3A_421 : vector<16xf32>
      %add3A_423 = arith.addf %add3A_402, %mul3A_422 : vector<16xf32>
      %mul3A_424 = vector.broadcast %squeeze3A_407 : f32 to vector<16xf32>
      %mul3A_425 = arith.mulf %bitcast3A_420, %mul3A_424 : vector<16xf32>
      %add3A_426 = arith.addf %add3A_405, %mul3A_425 : vector<16xf32>
      %slice3A_427 = vector.extract_strided_slice %get3A_158 {offsets = [13], sizes = [1], strides = [1]} : vector<16xf32> to vector<1xf32>
      %squeeze3A_428 = vector.extract %slice3A_427[0] : f32 from vector<1xf32>
      %add3A_429 = arith.constant 13 : i32
      %add3A_430 = arith.addi %mul3A_155, %add3A_429 : i32
      %get3A_431 = arith.index_cast %add3A_430 : i32 to index
      %get3A_432 = arith.constant 0 : index
      %get3A_433 = tpu.vector_load %arg14[%get3A_431, %get3A_432] {strides = array<i32>} : memref<1600x16xi32, #tpu.memory_space<vmem>>, vector<16xi32>,
      %shift_left3A_434 = arith.constant 16 : i32
      %shift_left3A_435 = vector.broadcast %shift_left3A_434 : i32 to vector<16xi32>
      %shift_left3A_436 = arith.shli %get3A_433, %shift_left3A_435 : vector<16xi32>
      %bitcast3A_437 = vector.bitcast %shift_left3A_436 : vector<16xi32> to vector<16xf32>
      %and3A_438 = arith.constant -65536 : i32
      %and3A_439 = vector.broadcast %and3A_438 : i32 to vector<16xi32>
      %and3A_440 = arith.andi %get3A_433, %and3A_439 : vector<16xi32>
      %bitcast3A_441 = vector.bitcast %and3A_440 : vector<16xi32> to vector<16xf32>
      %mul3A_442 = vector.broadcast %squeeze3A_428 : f32 to vector<16xf32>
      %mul3A_443 = arith.mulf %bitcast3A_437, %mul3A_442 : vector<16xf32>
      %add3A_444 = arith.addf %add3A_423, %mul3A_443 : vector<16xf32>
      %mul3A_445 = vector.broadcast %squeeze3A_428 : f32 to vector<16xf32>
      %mul3A_446 = arith.mulf %bitcast3A_441, %mul3A_445 : vector<16xf32>
      %add3A_447 = arith.addf %add3A_426, %mul3A_446 : vector<16xf32>
      %slice3A_448 = vector.extract_strided_slice %get3A_158 {offsets = [14], sizes = [1], strides = [1]} : vector<16xf32> to vector<1xf32>
      %squeeze3A_449 = vector.extract %slice3A_448[0] : f32 from vector<1xf32>
      %add3A_450 = arith.constant 14 : i32
      %add3A_451 = arith.addi %mul3A_155, %add3A_450 : i32
      %get3A_452 = arith.index_cast %add3A_451 : i32 to index
      %get3A_453 = arith.constant 0 : index
      %get3A_454 = tpu.vector_load %arg14[%get3A_452, %get3A_453] {strides = array<i32>} : memref<1600x16xi32, #tpu.memory_space<vmem>>, vector<16xi32>,
      %shift_left3A_455 = arith.constant 16 : i32
      %shift_left3A_456 = vector.broadcast %shift_left3A_455 : i32 to vector<16xi32>
      %shift_left3A_457 = arith.shli %get3A_454, %shift_left3A_456 : vector<16xi32>
      %bitcast3A_458 = vector.bitcast %shift_left3A_457 : vector<16xi32> to vector<16xf32>
      %and3A_459 = arith.constant -65536 : i32
      %and3A_460 = vector.broadcast %and3A_459 : i32 to vector<16xi32>
      %and3A_461 = arith.andi %get3A_454, %and3A_460 : vector<16xi32>
      %bitcast3A_462 = vector.bitcast %and3A_461 : vector<16xi32> to vector<16xf32>
      %mul3A_463 = vector.broadcast %squeeze3A_449 : f32 to vector<16xf32>
      %mul3A_464 = arith.mulf %bitcast3A_458, %mul3A_463 : vector<16xf32>
      %add3A_465 = arith.addf %add3A_444, %mul3A_464 : vector<16xf32>
      %mul3A_466 = vector.broadcast %squeeze3A_449 : f32 to vector<16xf32>
      %mul3A_467 = arith.mulf %bitcast3A_462, %mul3A_466 : vector<16xf32>
      %add3A_468 = arith.addf %add3A_447, %mul3A_467 : vector<16xf32>
      %slice3A_469 = vector.extract_strided_slice %get3A_158 {offsets = [15], sizes = [1], strides = [1]} : vector<16xf32> to vector<1xf32>
      %squeeze3A_470 = vector.extract %slice3A_469[0] : f32 from vector<1xf32>
      %add3A_471 = arith.constant 15 : i32
      %add3A_472 = arith.addi %mul3A_155, %add3A_471 : i32
      %get3A_473 = arith.index_cast %add3A_472 : i32 to index
      %get3A_474 = arith.constant 0 : index
      %get3A_475 = tpu.vector_load %arg14[%get3A_473, %get3A_474] {strides = array<i32>} : memref<1600x16xi32, #tpu.memory_space<vmem>>, vector<16xi32>,
      %shift_left3A_476 = arith.constant 16 : i32
      %shift_left3A_477 = vector.broadcast %shift_left3A_476 : i32 to vector<16xi32>
      %shift_left3A_478 = arith.shli %get3A_475, %shift_left3A_477 : vector<16xi32>
      %bitcast3A_479 = vector.bitcast %shift_left3A_478 : vector<16xi32> to vector<16xf32>
      %and3A_480 = arith.constant -65536 : i32
      %and3A_481 = vector.broadcast %and3A_480 : i32 to vector<16xi32>
      %and3A_482 = arith.andi %get3A_475, %and3A_481 : vector<16xi32>
      %bitcast3A_483 = vector.bitcast %and3A_482 : vector<16xi32> to vector<16xf32>
      %mul3A_484 = vector.broadcast %squeeze3A_470 : f32 to vector<16xf32>
      %mul3A_485 = arith.mulf %bitcast3A_479, %mul3A_484 : vector<16xf32>
      %add3A_486 = arith.addf %add3A_465, %mul3A_485 : vector<16xf32>
      %mul3A_487 = vector.broadcast %squeeze3A_470 : f32 to vector<16xf32>
      %mul3A_488 = arith.mulf %bitcast3A_483, %mul3A_487 : vector<16xf32>
      %add3A_489 = arith.addf %add3A_468, %mul3A_488 : vector<16xf32>
      %add3A_490 = arith.constant 16 : i32
      %add3A_491 = arith.addi %mul3A_155, %add3A_490 : i32
      %get3A_492 = arith.index_cast %add3A_491 : i32 to index
      %get3A_493 = tpu.vector_load %arg16[%get3A_492] {strides = array<i32>} : memref<1616xf32, #tpu.memory_space<vmem>>, vector<16xf32>,
      %slice3A_494 = vector.extract_strided_slice %get3A_493 {offsets = [0], sizes = [1], strides = [1]} : vector<16xf32> to vector<1xf32>
      %squeeze3A_495 = vector.extract %slice3A_494[0] : f32 from vector<1xf32>
      %add3A_496 = arith.constant 16 : i32
      %add3A_497 = arith.addi %mul3A_155, %add3A_496 : i32
      %get3A_498 = arith.index_cast %add3A_497 : i32 to index
      %get3A_499 = arith.constant 0 : index
      %get3A_500 = tpu.vector_load %arg14[%get3A_498, %get3A_499] {strides = array<i32>} : memref<1600x16xi32, #tpu.memory_space<vmem>>, vector<16xi32>,
      %shift_left3A_501 = arith.constant 16 : i32
      %shift_left3A_502 = vector.broadcast %shift_left3A_501 : i32 to vector<16xi32>
      %shift_left3A_503 = arith.shli %get3A_500, %shift_left3A_502 : vector<16xi32>
      %bitcast3A_504 = vector.bitcast %shift_left3A_503 : vector<16xi32> to vector<16xf32>
      %and3A_505 = arith.constant -65536 : i32
      %and3A_506 = vector.broadcast %and3A_505 : i32 to vector<16xi32>
      %and3A_507 = arith.andi %get3A_500, %and3A_506 : vector<16xi32>
      %bitcast3A_508 = vector.bitcast %and3A_507 : vector<16xi32> to vector<16xf32>
      %mul3A_509 = vector.broadcast %squeeze3A_495 : f32 to vector<16xf32>
      %mul3A_510 = arith.mulf %bitcast3A_504, %mul3A_509 : vector<16xf32>
      %add3A_511 = arith.addf %add3A_486, %mul3A_510 : vector<16xf32>
      %mul3A_512 = vector.broadcast %squeeze3A_495 : f32 to vector<16xf32>
      %mul3A_513 = arith.mulf %bitcast3A_508, %mul3A_512 : vector<16xf32>
      %add3A_514 = arith.addf %add3A_489, %mul3A_513 : vector<16xf32>
      %slice3A_515 = vector.extract_strided_slice %get3A_493 {offsets = [1], sizes = [1], strides = [1]} : vector<16xf32> to vector<1xf32>
      %squeeze3A_516 = vector.extract %slice3A_515[0] : f32 from vector<1xf32>
      %add3A_517 = arith.constant 17 : i32
      %add3A_518 = arith.addi %mul3A_155, %add3A_517 : i32
      %get3A_519 = arith.index_cast %add3A_518 : i32 to index
      %get3A_520 = arith.constant 0 : index
      %get3A_521 = tpu.vector_load %arg14[%get3A_519, %get3A_520] {strides = array<i32>} : memref<1600x16xi32, #tpu.memory_space<vmem>>, vector<16xi32>,
      %shift_left3A_522 = arith.constant 16 : i32
      %shift_left3A_523 = vector.broadcast %shift_left3A_522 : i32 to vector<16xi32>
      %shift_left3A_524 = arith.shli %get3A_521, %shift_left3A_523 : vector<16xi32>
      %bitcast3A_525 = vector.bitcast %shift_left3A_524 : vector<16xi32> to vector<16xf32>
      %and3A_526 = arith.constant -65536 : i32
      %and3A_527 = vector.broadcast %and3A_526 : i32 to vector<16xi32>
      %and3A_528 = arith.andi %get3A_521, %and3A_527 : vector<16xi32>
      %bitcast3A_529 = vector.bitcast %and3A_528 : vector<16xi32> to vector<16xf32>
      %mul3A_530 = vector.broadcast %squeeze3A_516 : f32 to vector<16xf32>
      %mul3A_531 = arith.mulf %bitcast3A_525, %mul3A_530 : vector<16xf32>
      %add3A_532 = arith.addf %add3A_511, %mul3A_531 : vector<16xf32>
      %mul3A_533 = vector.broadcast %squeeze3A_516 : f32 to vector<16xf32>
      %mul3A_534 = arith.mulf %bitcast3A_529, %mul3A_533 : vector<16xf32>
      %add3A_535 = arith.addf %add3A_514, %mul3A_534 : vector<16xf32>
      %slice3A_536 = vector.extract_strided_slice %get3A_493 {offsets = [2], sizes = [1], strides = [1]} : vector<16xf32> to vector<1xf32>
      %squeeze3A_537 = vector.extract %slice3A_536[0] : f32 from vector<1xf32>
      %add3A_538 = arith.constant 18 : i32
      %add3A_539 = arith.addi %mul3A_155, %add3A_538 : i32
      %get3A_540 = arith.index_cast %add3A_539 : i32 to index
      %get3A_541 = arith.constant 0 : index
      %get3A_542 = tpu.vector_load %arg14[%get3A_540, %get3A_541] {strides = array<i32>} : memref<1600x16xi32, #tpu.memory_space<vmem>>, vector<16xi32>,
      %shift_left3A_543 = arith.constant 16 : i32
      %shift_left3A_544 = vector.broadcast %shift_left3A_543 : i32 to vector<16xi32>
      %shift_left3A_545 = arith.shli %get3A_542, %shift_left3A_544 : vector<16xi32>
      %bitcast3A_546 = vector.bitcast %shift_left3A_545 : vector<16xi32> to vector<16xf32>
      %and3A_547 = arith.constant -65536 : i32
      %and3A_548 = vector.broadcast %and3A_547 : i32 to vector<16xi32>
      %and3A_549 = arith.andi %get3A_542, %and3A_548 : vector<16xi32>
      %bitcast3A_550 = vector.bitcast %and3A_549 : vector<16xi32> to vector<16xf32>
      %mul3A_551 = vector.broadcast %squeeze3A_537 : f32 to vector<16xf32>
      %mul3A_552 = arith.mulf %bitcast3A_546, %mul3A_551 : vector<16xf32>
      %add3A_553 = arith.addf %add3A_532, %mul3A_552 : vector<16xf32>
      %mul3A_554 = vector.broadcast %squeeze3A_537 : f32 to vector<16xf32>
      %mul3A_555 = arith.mulf %bitcast3A_550, %mul3A_554 : vector<16xf32>
      %add3A_556 = arith.addf %add3A_535, %mul3A_555 : vector<16xf32>
      %slice3A_557 = vector.extract_strided_slice %get3A_493 {offsets = [3], sizes = [1], strides = [1]} : vector<16xf32> to vector<1xf32>
      %squeeze3A_558 = vector.extract %slice3A_557[0] : f32 from vector<1xf32>
      %add3A_559 = arith.constant 19 : i32
      %add3A_560 = arith.addi %mul3A_155, %add3A_559 : i32
      %get3A_561 = arith.index_cast %add3A_560 : i32 to index
      %get3A_562 = arith.constant 0 : index
      %get3A_563 = tpu.vector_load %arg14[%get3A_561, %get3A_562] {strides = array<i32>} : memref<1600x16xi32, #tpu.memory_space<vmem>>, vector<16xi32>,
      %shift_left3A_564 = arith.constant 16 : i32
      %shift_left3A_565 = vector.broadcast %shift_left3A_564 : i32 to vector<16xi32>
      %shift_left3A_566 = arith.shli %get3A_563, %shift_left3A_565 : vector<16xi32>
      %bitcast3A_567 = vector.bitcast %shift_left3A_566 : vector<16xi32> to vector<16xf32>
      %and3A_568 = arith.constant -65536 : i32
      %and3A_569 = vector.broadcast %and3A_568 : i32 to vector<16xi32>
      %and3A_570 = arith.andi %get3A_563, %and3A_569 : vector<16xi32>
      %bitcast3A_571 = vector.bitcast %and3A_570 : vector<16xi32> to vector<16xf32>
      %mul3A_572 = vector.broadcast %squeeze3A_558 : f32 to vector<16xf32>
      %mul3A_573 = arith.mulf %bitcast3A_567, %mul3A_572 : vector<16xf32>
      %add3A_574 = arith.addf %add3A_553, %mul3A_573 : vector<16xf32>
      %mul3A_575 = vector.broadcast %squeeze3A_558 : f32 to vector<16xf32>
      %mul3A_576 = arith.mulf %bitcast3A_571, %mul3A_575 : vector<16xf32>
      %add3A_577 = arith.addf %add3A_556, %mul3A_576 : vector<16xf32>
      %slice3A_578 = vector.extract_strided_slice %get3A_493 {offsets = [4], sizes = [1], strides = [1]} : vector<16xf32> to vector<1xf32>
      %squeeze3A_579 = vector.extract %slice3A_578[0] : f32 from vector<1xf32>
      %add3A_580 = arith.constant 20 : i32
      %add3A_581 = arith.addi %mul3A_155, %add3A_580 : i32
      %get3A_582 = arith.index_cast %add3A_581 : i32 to index
      %get3A_583 = arith.constant 0 : index
      %get3A_584 = tpu.vector_load %arg14[%get3A_582, %get3A_583] {strides = array<i32>} : memref<1600x16xi32, #tpu.memory_space<vmem>>, vector<16xi32>,
      %shift_left3A_585 = arith.constant 16 : i32
      %shift_left3A_586 = vector.broadcast %shift_left3A_585 : i32 to vector<16xi32>
      %shift_left3A_587 = arith.shli %get3A_584, %shift_left3A_586 : vector<16xi32>
      %bitcast3A_588 = vector.bitcast %shift_left3A_587 : vector<16xi32> to vector<16xf32>
      %and3A_589 = arith.constant -65536 : i32
      %and3A_590 = vector.broadcast %and3A_589 : i32 to vector<16xi32>
      %and3A_591 = arith.andi %get3A_584, %and3A_590 : vector<16xi32>
      %bitcast3A_592 = vector.bitcast %and3A_591 : vector<16xi32> to vector<16xf32>
      %mul3A_593 = vector.broadcast %squeeze3A_579 : f32 to vector<16xf32>
      %mul3A_594 = arith.mulf %bitcast3A_588, %mul3A_593 : vector<16xf32>
      %add3A_595 = arith.addf %add3A_574, %mul3A_594 : vector<16xf32>
      %mul3A_596 = vector.broadcast %squeeze3A_579 : f32 to vector<16xf32>
      %mul3A_597 = arith.mulf %bitcast3A_592, %mul3A_596 : vector<16xf32>
      %add3A_598 = arith.addf %add3A_577, %mul3A_597 : vector<16xf32>
      %slice3A_599 = vector.extract_strided_slice %get3A_493 {offsets = [5], sizes = [1], strides = [1]} : vector<16xf32> to vector<1xf32>
      %squeeze3A_600 = vector.extract %slice3A_599[0] : f32 from vector<1xf32>
      %add3A_601 = arith.constant 21 : i32
      %add3A_602 = arith.addi %mul3A_155, %add3A_601 : i32
      %get3A_603 = arith.index_cast %add3A_602 : i32 to index
      %get3A_604 = arith.constant 0 : index
      %get3A_605 = tpu.vector_load %arg14[%get3A_603, %get3A_604] {strides = array<i32>} : memref<1600x16xi32, #tpu.memory_space<vmem>>, vector<16xi32>,
      %shift_left3A_606 = arith.constant 16 : i32
      %shift_left3A_607 = vector.broadcast %shift_left3A_606 : i32 to vector<16xi32>
      %shift_left3A_608 = arith.shli %get3A_605, %shift_left3A_607 : vector<16xi32>
      %bitcast3A_609 = vector.bitcast %shift_left3A_608 : vector<16xi32> to vector<16xf32>
      %and3A_610 = arith.constant -65536 : i32
      %and3A_611 = vector.broadcast %and3A_610 : i32 to vector<16xi32>
      %and3A_612 = arith.andi %get3A_605, %and3A_611 : vector<16xi32>
      %bitcast3A_613 = vector.bitcast %and3A_612 : vector<16xi32> to vector<16xf32>
      %mul3A_614 = vector.broadcast %squeeze3A_600 : f32 to vector<16xf32>
      %mul3A_615 = arith.mulf %bitcast3A_609, %mul3A_614 : vector<16xf32>
      %add3A_616 = arith.addf %add3A_595, %mul3A_615 : vector<16xf32>
      %mul3A_617 = vector.broadcast %squeeze3A_600 : f32 to vector<16xf32>
      %mul3A_618 = arith.mulf %bitcast3A_613, %mul3A_617 : vector<16xf32>
      %add3A_619 = arith.addf %add3A_598, %mul3A_618 : vector<16xf32>
      %slice3A_620 = vector.extract_strided_slice %get3A_493 {offsets = [6], sizes = [1], strides = [1]} : vector<16xf32> to vector<1xf32>
      %squeeze3A_621 = vector.extract %slice3A_620[0] : f32 from vector<1xf32>
      %add3A_622 = arith.constant 22 : i32
      %add3A_623 = arith.addi %mul3A_155, %add3A_622 : i32
      %get3A_624 = arith.index_cast %add3A_623 : i32 to index
      %get3A_625 = arith.constant 0 : index
      %get3A_626 = tpu.vector_load %arg14[%get3A_624, %get3A_625] {strides = array<i32>} : memref<1600x16xi32, #tpu.memory_space<vmem>>, vector<16xi32>,
      %shift_left3A_627 = arith.constant 16 : i32
      %shift_left3A_628 = vector.broadcast %shift_left3A_627 : i32 to vector<16xi32>
      %shift_left3A_629 = arith.shli %get3A_626, %shift_left3A_628 : vector<16xi32>
      %bitcast3A_630 = vector.bitcast %shift_left3A_629 : vector<16xi32> to vector<16xf32>
      %and3A_631 = arith.constant -65536 : i32
      %and3A_632 = vector.broadcast %and3A_631 : i32 to vector<16xi32>
      %and3A_633 = arith.andi %get3A_626, %and3A_632 : vector<16xi32>
      %bitcast3A_634 = vector.bitcast %and3A_633 : vector<16xi32> to vector<16xf32>
      %mul3A_635 = vector.broadcast %squeeze3A_621 : f32 to vector<16xf32>
      %mul3A_636 = arith.mulf %bitcast3A_630, %mul3A_635 : vector<16xf32>
      %add3A_637 = arith.addf %add3A_616, %mul3A_636 : vector<16xf32>
      %mul3A_638 = vector.broadcast %squeeze3A_621 : f32 to vector<16xf32>
      %mul3A_639 = arith.mulf %bitcast3A_634, %mul3A_638 : vector<16xf32>
      %add3A_640 = arith.addf %add3A_619, %mul3A_639 : vector<16xf32>
      %slice3A_641 = vector.extract_strided_slice %get3A_493 {offsets = [7], sizes = [1], strides = [1]} : vector<16xf32> to vector<1xf32>
      %squeeze3A_642 = vector.extract %slice3A_641[0] : f32 from vector<1xf32>
      %add3A_643 = arith.constant 23 : i32
      %add3A_644 = arith.addi %mul3A_155, %add3A_643 : i32
      %get3A_645 = arith.index_cast %add3A_644 : i32 to index
      %get3A_646 = arith.constant 0 : index
      %get3A_647 = tpu.vector_load %arg14[%get3A_645, %get3A_646] {strides = array<i32>} : memref<1600x16xi32, #tpu.memory_space<vmem>>, vector<16xi32>,
      %shift_left3A_648 = arith.constant 16 : i32
      %shift_left3A_649 = vector.broadcast %shift_left3A_648 : i32 to vector<16xi32>
      %shift_left3A_650 = arith.shli %get3A_647, %shift_left3A_649 : vector<16xi32>
      %bitcast3A_651 = vector.bitcast %shift_left3A_650 : vector<16xi32> to vector<16xf32>
      %and3A_652 = arith.constant -65536 : i32
      %and3A_653 = vector.broadcast %and3A_652 : i32 to vector<16xi32>
      %and3A_654 = arith.andi %get3A_647, %and3A_653 : vector<16xi32>
      %bitcast3A_655 = vector.bitcast %and3A_654 : vector<16xi32> to vector<16xf32>
      %mul3A_656 = vector.broadcast %squeeze3A_642 : f32 to vector<16xf32>
      %mul3A_657 = arith.mulf %bitcast3A_651, %mul3A_656 : vector<16xf32>
      %add3A_658 = arith.addf %add3A_637, %mul3A_657 : vector<16xf32>
      %mul3A_659 = vector.broadcast %squeeze3A_642 : f32 to vector<16xf32>
      %mul3A_660 = arith.mulf %bitcast3A_655, %mul3A_659 : vector<16xf32>
      %add3A_661 = arith.addf %add3A_640, %mul3A_660 : vector<16xf32>
      %slice3A_662 = vector.extract_strided_slice %get3A_493 {offsets = [8], sizes = [1], strides = [1]} : vector<16xf32> to vector<1xf32>
      %squeeze3A_663 = vector.extract %slice3A_662[0] : f32 from vector<1xf32>
      %add3A_664 = arith.constant 24 : i32
      %add3A_665 = arith.addi %mul3A_155, %add3A_664 : i32
      %get3A_666 = arith.index_cast %add3A_665 : i32 to index
      %get3A_667 = arith.constant 0 : index
      %get3A_668 = tpu.vector_load %arg14[%get3A_666, %get3A_667] {strides = array<i32>} : memref<1600x16xi32, #tpu.memory_space<vmem>>, vector<16xi32>,
      %shift_left3A_669 = arith.constant 16 : i32
      %shift_left3A_670 = vector.broadcast %shift_left3A_669 : i32 to vector<16xi32>
      %shift_left3A_671 = arith.shli %get3A_668, %shift_left3A_670 : vector<16xi32>
      %bitcast3A_672 = vector.bitcast %shift_left3A_671 : vector<16xi32> to vector<16xf32>
      %and3A_673 = arith.constant -65536 : i32
      %and3A_674 = vector.broadcast %and3A_673 : i32 to vector<16xi32>
      %and3A_675 = arith.andi %get3A_668, %and3A_674 : vector<16xi32>
      %bitcast3A_676 = vector.bitcast %and3A_675 : vector<16xi32> to vector<16xf32>
      %mul3A_677 = vector.broadcast %squeeze3A_663 : f32 to vector<16xf32>
      %mul3A_678 = arith.mulf %bitcast3A_672, %mul3A_677 : vector<16xf32>
      %add3A_679 = arith.addf %add3A_658, %mul3A_678 : vector<16xf32>
      %mul3A_680 = vector.broadcast %squeeze3A_663 : f32 to vector<16xf32>
      %mul3A_681 = arith.mulf %bitcast3A_676, %mul3A_680 : vector<16xf32>
      %add3A_682 = arith.addf %add3A_661, %mul3A_681 : vector<16xf32>
      %slice3A_683 = vector.extract_strided_slice %get3A_493 {offsets = [9], sizes = [1], strides = [1]} : vector<16xf32> to vector<1xf32>
      %squeeze3A_684 = vector.extract %slice3A_683[0] : f32 from vector<1xf32>
      %add3A_685 = arith.constant 25 : i32
      %add3A_686 = arith.addi %mul3A_155, %add3A_685 : i32
      %get3A_687 = arith.index_cast %add3A_686 : i32 to index
      %get3A_688 = arith.constant 0 : index
      %get3A_689 = tpu.vector_load %arg14[%get3A_687, %get3A_688] {strides = array<i32>} : memref<1600x16xi32, #tpu.memory_space<vmem>>, vector<16xi32>,
      %shift_left3A_690 = arith.constant 16 : i32
      %shift_left3A_691 = vector.broadcast %shift_left3A_690 : i32 to vector<16xi32>
      %shift_left3A_692 = arith.shli %get3A_689, %shift_left3A_691 : vector<16xi32>
      %bitcast3A_693 = vector.bitcast %shift_left3A_692 : vector<16xi32> to vector<16xf32>
      %and3A_694 = arith.constant -65536 : i32
      %and3A_695 = vector.broadcast %and3A_694 : i32 to vector<16xi32>
      %and3A_696 = arith.andi %get3A_689, %and3A_695 : vector<16xi32>
      %bitcast3A_697 = vector.bitcast %and3A_696 : vector<16xi32> to vector<16xf32>
      %mul3A_698 = vector.broadcast %squeeze3A_684 : f32 to vector<16xf32>
      %mul3A_699 = arith.mulf %bitcast3A_693, %mul3A_698 : vector<16xf32>
      %add3A_700 = arith.addf %add3A_679, %mul3A_699 : vector<16xf32>
      %mul3A_701 = vector.broadcast %squeeze3A_684 : f32 to vector<16xf32>
      %mul3A_702 = arith.mulf %bitcast3A_697, %mul3A_701 : vector<16xf32>
      %add3A_703 = arith.addf %add3A_682, %mul3A_702 : vector<16xf32>
      %slice3A_704 = vector.extract_strided_slice %get3A_493 {offsets = [10], sizes = [1], strides = [1]} : vector<16xf32> to vector<1xf32>
      %squeeze3A_705 = vector.extract %slice3A_704[0] : f32 from vector<1xf32>
      %add3A_706 = arith.constant 26 : i32
      %add3A_707 = arith.addi %mul3A_155, %add3A_706 : i32
      %get3A_708 = arith.index_cast %add3A_707 : i32 to index
      %get3A_709 = arith.constant 0 : index
      %get3A_710 = tpu.vector_load %arg14[%get3A_708, %get3A_709] {strides = array<i32>} : memref<1600x16xi32, #tpu.memory_space<vmem>>, vector<16xi32>,
      %shift_left3A_711 = arith.constant 16 : i32
      %shift_left3A_712 = vector.broadcast %shift_left3A_711 : i32 to vector<16xi32>
      %shift_left3A_713 = arith.shli %get3A_710, %shift_left3A_712 : vector<16xi32>
      %bitcast3A_714 = vector.bitcast %shift_left3A_713 : vector<16xi32> to vector<16xf32>
      %and3A_715 = arith.constant -65536 : i32
      %and3A_716 = vector.broadcast %and3A_715 : i32 to vector<16xi32>
      %and3A_717 = arith.andi %get3A_710, %and3A_716 : vector<16xi32>
      %bitcast3A_718 = vector.bitcast %and3A_717 : vector<16xi32> to vector<16xf32>
      %mul3A_719 = vector.broadcast %squeeze3A_705 : f32 to vector<16xf32>
      %mul3A_720 = arith.mulf %bitcast3A_714, %mul3A_719 : vector<16xf32>
      %add3A_721 = arith.addf %add3A_700, %mul3A_720 : vector<16xf32>
      %mul3A_722 = vector.broadcast %squeeze3A_705 : f32 to vector<16xf32>
      %mul3A_723 = arith.mulf %bitcast3A_718, %mul3A_722 : vector<16xf32>
      %add3A_724 = arith.addf %add3A_703, %mul3A_723 : vector<16xf32>
      %slice3A_725 = vector.extract_strided_slice %get3A_493 {offsets = [11], sizes = [1], strides = [1]} : vector<16xf32> to vector<1xf32>
      %squeeze3A_726 = vector.extract %slice3A_725[0] : f32 from vector<1xf32>
      %add3A_727 = arith.constant 27 : i32
      %add3A_728 = arith.addi %mul3A_155, %add3A_727 : i32
      %get3A_729 = arith.index_cast %add3A_728 : i32 to index
      %get3A_730 = arith.constant 0 : index
      %get3A_731 = tpu.vector_load %arg14[%get3A_729, %get3A_730] {strides = array<i32>} : memref<1600x16xi32, #tpu.memory_space<vmem>>, vector<16xi32>,
      %shift_left3A_732 = arith.constant 16 : i32
      %shift_left3A_733 = vector.broadcast %shift_left3A_732 : i32 to vector<16xi32>
      %shift_left3A_734 = arith.shli %get3A_731, %shift_left3A_733 : vector<16xi32>
      %bitcast3A_735 = vector.bitcast %shift_left3A_734 : vector<16xi32> to vector<16xf32>
      %and3A_736 = arith.constant -65536 : i32
      %and3A_737 = vector.broadcast %and3A_736 : i32 to vector<16xi32>
      %and3A_738 = arith.andi %get3A_731, %and3A_737 : vector<16xi32>
      %bitcast3A_739 = vector.bitcast %and3A_738 : vector<16xi32> to vector<16xf32>
      %mul3A_740 = vector.broadcast %squeeze3A_726 : f32 to vector<16xf32>
      %mul3A_741 = arith.mulf %bitcast3A_735, %mul3A_740 : vector<16xf32>
      %add3A_742 = arith.addf %add3A_721, %mul3A_741 : vector<16xf32>
      %mul3A_743 = vector.broadcast %squeeze3A_726 : f32 to vector<16xf32>
      %mul3A_744 = arith.mulf %bitcast3A_739, %mul3A_743 : vector<16xf32>
      %add3A_745 = arith.addf %add3A_724, %mul3A_744 : vector<16xf32>
      %slice3A_746 = vector.extract_strided_slice %get3A_493 {offsets = [12], sizes = [1], strides = [1]} : vector<16xf32> to vector<1xf32>
      %squeeze3A_747 = vector.extract %slice3A_746[0] : f32 from vector<1xf32>
      %add3A_748 = arith.constant 28 : i32
      %add3A_749 = arith.addi %mul3A_155, %add3A_748 : i32
      %get3A_750 = arith.index_cast %add3A_749 : i32 to index
      %get3A_751 = arith.constant 0 : index
      %get3A_752 = tpu.vector_load %arg14[%get3A_750, %get3A_751] {strides = array<i32>} : memref<1600x16xi32, #tpu.memory_space<vmem>>, vector<16xi32>,
      %shift_left3A_753 = arith.constant 16 : i32
      %shift_left3A_754 = vector.broadcast %shift_left3A_753 : i32 to vector<16xi32>
      %shift_left3A_755 = arith.shli %get3A_752, %shift_left3A_754 : vector<16xi32>
      %bitcast3A_756 = vector.bitcast %shift_left3A_755 : vector<16xi32> to vector<16xf32>
      %and3A_757 = arith.constant -65536 : i32
      %and3A_758 = vector.broadcast %and3A_757 : i32 to vector<16xi32>
      %and3A_759 = arith.andi %get3A_752, %and3A_758 : vector<16xi32>
      %bitcast3A_760 = vector.bitcast %and3A_759 : vector<16xi32> to vector<16xf32>
      %mul3A_761 = vector.broadcast %squeeze3A_747 : f32 to vector<16xf32>
      %mul3A_762 = arith.mulf %bitcast3A_756, %mul3A_761 : vector<16xf32>
      %add3A_763 = arith.addf %add3A_742, %mul3A_762 : vector<16xf32>
      %mul3A_764 = vector.broadcast %squeeze3A_747 : f32 to vector<16xf32>
      %mul3A_765 = arith.mulf %bitcast3A_760, %mul3A_764 : vector<16xf32>
      %add3A_766 = arith.addf %add3A_745, %mul3A_765 : vector<16xf32>
      %slice3A_767 = vector.extract_strided_slice %get3A_493 {offsets = [13], sizes = [1], strides = [1]} : vector<16xf32> to vector<1xf32>
      %squeeze3A_768 = vector.extract %slice3A_767[0] : f32 from vector<1xf32>
      %add3A_769 = arith.constant 29 : i32
      %add3A_770 = arith.addi %mul3A_155, %add3A_769 : i32
      %get3A_771 = arith.index_cast %add3A_770 : i32 to index
      %get3A_772 = arith.constant 0 : index
      %get3A_773 = tpu.vector_load %arg14[%get3A_771, %get3A_772] {strides = array<i32>} : memref<1600x16xi32, #tpu.memory_space<vmem>>, vector<16xi32>,
      %shift_left3A_774 = arith.constant 16 : i32
      %shift_left3A_775 = vector.broadcast %shift_left3A_774 : i32 to vector<16xi32>
      %shift_left3A_776 = arith.shli %get3A_773, %shift_left3A_775 : vector<16xi32>
      %bitcast3A_777 = vector.bitcast %shift_left3A_776 : vector<16xi32> to vector<16xf32>
      %and3A_778 = arith.constant -65536 : i32
      %and3A_779 = vector.broadcast %and3A_778 : i32 to vector<16xi32>
      %and3A_780 = arith.andi %get3A_773, %and3A_779 : vector<16xi32>
      %bitcast3A_781 = vector.bitcast %and3A_780 : vector<16xi32> to vector<16xf32>
      %mul3A_782 = vector.broadcast %squeeze3A_768 : f32 to vector<16xf32>
      %mul3A_783 = arith.mulf %bitcast3A_777, %mul3A_782 : vector<16xf32>
      %add3A_784 = arith.addf %add3A_763, %mul3A_783 : vector<16xf32>
      %mul3A_785 = vector.broadcast %squeeze3A_768 : f32 to vector<16xf32>
      %mul3A_786 = arith.mulf %bitcast3A_781, %mul3A_785 : vector<16xf32>
      %add3A_787 = arith.addf %add3A_766, %mul3A_786 : vector<16xf32>
      %slice3A_788 = vector.extract_strided_slice %get3A_493 {offsets = [14], sizes = [1], strides = [1]} : vector<16xf32> to vector<1xf32>
      %squeeze3A_789 = vector.extract %slice3A_788[0] : f32 from vector<1xf32>
      %add3A_790 = arith.constant 30 : i32
      %add3A_791 = arith.addi %mul3A_155, %add3A_790 : i32
      %get3A_792 = arith.index_cast %add3A_791 : i32 to index
      %get3A_793 = arith.constant 0 : index
      %get3A_794 = tpu.vector_load %arg14[%get3A_792, %get3A_793] {strides = array<i32>} : memref<1600x16xi32, #tpu.memory_space<vmem>>, vector<16xi32>,
      %shift_left3A_795 = arith.constant 16 : i32
      %shift_left3A_796 = vector.broadcast %shift_left3A_795 : i32 to vector<16xi32>
      %shift_left3A_797 = arith.shli %get3A_794, %shift_left3A_796 : vector<16xi32>
      %bitcast3A_798 = vector.bitcast %shift_left3A_797 : vector<16xi32> to vector<16xf32>
      %and3A_799 = arith.constant -65536 : i32
      %and3A_800 = vector.broadcast %and3A_799 : i32 to vector<16xi32>
      %and3A_801 = arith.andi %get3A_794, %and3A_800 : vector<16xi32>
      %bitcast3A_802 = vector.bitcast %and3A_801 : vector<16xi32> to vector<16xf32>
      %mul3A_803 = vector.broadcast %squeeze3A_789 : f32 to vector<16xf32>
      %mul3A_804 = arith.mulf %bitcast3A_798, %mul3A_803 : vector<16xf32>
      %add3A_805 = arith.addf %add3A_784, %mul3A_804 : vector<16xf32>
      %mul3A_806 = vector.broadcast %squeeze3A_789 : f32 to vector<16xf32>
      %mul3A_807 = arith.mulf %bitcast3A_802, %mul3A_806 : vector<16xf32>
      %add3A_808 = arith.addf %add3A_787, %mul3A_807 : vector<16xf32>
      %slice3A_809 = vector.extract_strided_slice %get3A_493 {offsets = [15], sizes = [1], strides = [1]} : vector<16xf32> to vector<1xf32>
      %squeeze3A_810 = vector.extract %slice3A_809[0] : f32 from vector<1xf32>
      %add3A_811 = arith.constant 31 : i32
      %add3A_812 = arith.addi %mul3A_155, %add3A_811 : i32
      %get3A_813 = arith.index_cast %add3A_812 : i32 to index
      %get3A_814 = arith.constant 0 : index
      %get3A_815 = tpu.vector_load %arg14[%get3A_813, %get3A_814] {strides = array<i32>} : memref<1600x16xi32, #tpu.memory_space<vmem>>, vector<16xi32>,
      %shift_left3A_816 = arith.constant 16 : i32
      %shift_left3A_817 = vector.broadcast %shift_left3A_816 : i32 to vector<16xi32>
      %shift_left3A_818 = arith.shli %get3A_815, %shift_left3A_817 : vector<16xi32>
      %bitcast3A_819 = vector.bitcast %shift_left3A_818 : vector<16xi32> to vector<16xf32>
      %and3A_820 = arith.constant -65536 : i32
      %and3A_821 = vector.broadcast %and3A_820 : i32 to vector<16xi32>
      %and3A_822 = arith.andi %get3A_815, %and3A_821 : vector<16xi32>
      %bitcast3A_823 = vector.bitcast %and3A_822 : vector<16xi32> to vector<16xf32>
      %mul3A_824 = vector.broadcast %squeeze3A_810 : f32 to vector<16xf32>
      %mul3A_825 = arith.mulf %bitcast3A_819, %mul3A_824 : vector<16xf32>
      %add3A_826 = arith.addf %add3A_805, %mul3A_825 : vector<16xf32>
      %mul3A_827 = vector.broadcast %squeeze3A_810 : f32 to vector<16xf32>
      %mul3A_828 = arith.mulf %bitcast3A_823, %mul3A_827 : vector<16xf32>
      %add3A_829 = arith.addf %add3A_808, %mul3A_828 : vector<16xf32>
      %add3A_830 = arith.constant 32 : i32
      %add3A_831 = arith.addi %mul3A_155, %add3A_830 : i32
      %get3A_832 = arith.index_cast %add3A_831 : i32 to index
      %get3A_833 = tpu.vector_load %arg16[%get3A_832] {strides = array<i32>} : memref<1616xf32, #tpu.memory_space<vmem>>, vector<16xf32>,
      %slice3A_834 = vector.extract_strided_slice %get3A_833 {offsets = [0], sizes = [1], strides = [1]} : vector<16xf32> to vector<1xf32>
      %squeeze3A_835 = vector.extract %slice3A_834[0] : f32 from vector<1xf32>
      %add3A_836 = arith.constant 32 : i32
      %add3A_837 = arith.addi %mul3A_155, %add3A_836 : i32
      %get3A_838 = arith.index_cast %add3A_837 : i32 to index
      %get3A_839 = arith.constant 0 : index
      %get3A_840 = tpu.vector_load %arg14[%get3A_838, %get3A_839] {strides = array<i32>} : memref<1600x16xi32, #tpu.memory_space<vmem>>, vector<16xi32>,
      %shift_left3A_841 = arith.constant 16 : i32
      %shift_left3A_842 = vector.broadcast %shift_left3A_841 : i32 to vector<16xi32>
      %shift_left3A_843 = arith.shli %get3A_840, %shift_left3A_842 : vector<16xi32>
      %bitcast3A_844 = vector.bitcast %shift_left3A_843 : vector<16xi32> to vector<16xf32>
      %and3A_845 = arith.constant -65536 : i32
      %and3A_846 = vector.broadcast %and3A_845 : i32 to vector<16xi32>
      %and3A_847 = arith.andi %get3A_840, %and3A_846 : vector<16xi32>
      %bitcast3A_848 = vector.bitcast %and3A_847 : vector<16xi32> to vector<16xf32>
      %mul3A_849 = vector.broadcast %squeeze3A_835 : f32 to vector<16xf32>
      %mul3A_850 = arith.mulf %bitcast3A_844, %mul3A_849 : vector<16xf32>
      %add3A_851 = arith.addf %add3A_826, %mul3A_850 : vector<16xf32>
      %mul3A_852 = vector.broadcast %squeeze3A_835 : f32 to vector<16xf32>
      %mul3A_853 = arith.mulf %bitcast3A_848, %mul3A_852 : vector<16xf32>
      %add3A_854 = arith.addf %add3A_829, %mul3A_853 : vector<16xf32>
      %slice3A_855 = vector.extract_strided_slice %get3A_833 {offsets = [1], sizes = [1], strides = [1]} : vector<16xf32> to vector<1xf32>
      %squeeze3A_856 = vector.extract %slice3A_855[0] : f32 from vector<1xf32>
      %add3A_857 = arith.constant 33 : i32
      %add3A_858 = arith.addi %mul3A_155, %add3A_857 : i32
      %get3A_859 = arith.index_cast %add3A_858 : i32 to index
      %get3A_860 = arith.constant 0 : index
      %get3A_861 = tpu.vector_load %arg14[%get3A_859, %get3A_860] {strides = array<i32>} : memref<1600x16xi32, #tpu.memory_space<vmem>>, vector<16xi32>,
      %shift_left3A_862 = arith.constant 16 : i32
      %shift_left3A_863 = vector.broadcast %shift_left3A_862 : i32 to vector<16xi32>
      %shift_left3A_864 = arith.shli %get3A_861, %shift_left3A_863 : vector<16xi32>
      %bitcast3A_865 = vector.bitcast %shift_left3A_864 : vector<16xi32> to vector<16xf32>
      %and3A_866 = arith.constant -65536 : i32
      %and3A_867 = vector.broadcast %and3A_866 : i32 to vector<16xi32>
      %and3A_868 = arith.andi %get3A_861, %and3A_867 : vector<16xi32>
      %bitcast3A_869 = vector.bitcast %and3A_868 : vector<16xi32> to vector<16xf32>
      %mul3A_870 = vector.broadcast %squeeze3A_856 : f32 to vector<16xf32>
      %mul3A_871 = arith.mulf %bitcast3A_865, %mul3A_870 : vector<16xf32>
      %add3A_872 = arith.addf %add3A_851, %mul3A_871 : vector<16xf32>
      %mul3A_873 = vector.broadcast %squeeze3A_856 : f32 to vector<16xf32>
      %mul3A_874 = arith.mulf %bitcast3A_869, %mul3A_873 : vector<16xf32>
      %add3A_875 = arith.addf %add3A_854, %mul3A_874 : vector<16xf32>
      %slice3A_876 = vector.extract_strided_slice %get3A_833 {offsets = [2], sizes = [1], strides = [1]} : vector<16xf32> to vector<1xf32>
      %squeeze3A_877 = vector.extract %slice3A_876[0] : f32 from vector<1xf32>
      %add3A_878 = arith.constant 34 : i32
      %add3A_879 = arith.addi %mul3A_155, %add3A_878 : i32
      %get3A_880 = arith.index_cast %add3A_879 : i32 to index
      %get3A_881 = arith.constant 0 : index
      %get3A_882 = tpu.vector_load %arg14[%get3A_880, %get3A_881] {strides = array<i32>} : memref<1600x16xi32, #tpu.memory_space<vmem>>, vector<16xi32>,
      %shift_left3A_883 = arith.constant 16 : i32
      %shift_left3A_884 = vector.broadcast %shift_left3A_883 : i32 to vector<16xi32>
      %shift_left3A_885 = arith.shli %get3A_882, %shift_left3A_884 : vector<16xi32>
      %bitcast3A_886 = vector.bitcast %shift_left3A_885 : vector<16xi32> to vector<16xf32>
      %and3A_887 = arith.constant -65536 : i32
      %and3A_888 = vector.broadcast %and3A_887 : i32 to vector<16xi32>
      %and3A_889 = arith.andi %get3A_882, %and3A_888 : vector<16xi32>
      %bitcast3A_890 = vector.bitcast %and3A_889 : vector<16xi32> to vector<16xf32>
      %mul3A_891 = vector.broadcast %squeeze3A_877 : f32 to vector<16xf32>
      %mul3A_892 = arith.mulf %bitcast3A_886, %mul3A_891 : vector<16xf32>
      %add3A_893 = arith.addf %add3A_872, %mul3A_892 : vector<16xf32>
      %mul3A_894 = vector.broadcast %squeeze3A_877 : f32 to vector<16xf32>
      %mul3A_895 = arith.mulf %bitcast3A_890, %mul3A_894 : vector<16xf32>
      %add3A_896 = arith.addf %add3A_875, %mul3A_895 : vector<16xf32>
      %slice3A_897 = vector.extract_strided_slice %get3A_833 {offsets = [3], sizes = [1], strides = [1]} : vector<16xf32> to vector<1xf32>
      %squeeze3A_898 = vector.extract %slice3A_897[0] : f32 from vector<1xf32>
      %add3A_899 = arith.constant 35 : i32
      %add3A_900 = arith.addi %mul3A_155, %add3A_899 : i32
      %get3A_901 = arith.index_cast %add3A_900 : i32 to index
      %get3A_902 = arith.constant 0 : index
      %get3A_903 = tpu.vector_load %arg14[%get3A_901, %get3A_902] {strides = array<i32>} : memref<1600x16xi32, #tpu.memory_space<vmem>>, vector<16xi32>,
      %shift_left3A_904 = arith.constant 16 : i32
      %shift_left3A_905 = vector.broadcast %shift_left3A_904 : i32 to vector<16xi32>
      %shift_left3A_906 = arith.shli %get3A_903, %shift_left3A_905 : vector<16xi32>
      %bitcast3A_907 = vector.bitcast %shift_left3A_906 : vector<16xi32> to vector<16xf32>
      %and3A_908 = arith.constant -65536 : i32
      %and3A_909 = vector.broadcast %and3A_908 : i32 to vector<16xi32>
      %and3A_910 = arith.andi %get3A_903, %and3A_909 : vector<16xi32>
      %bitcast3A_911 = vector.bitcast %and3A_910 : vector<16xi32> to vector<16xf32>
      %mul3A_912 = vector.broadcast %squeeze3A_898 : f32 to vector<16xf32>
      %mul3A_913 = arith.mulf %bitcast3A_907, %mul3A_912 : vector<16xf32>
      %add3A_914 = arith.addf %add3A_893, %mul3A_913 : vector<16xf32>
      %mul3A_915 = vector.broadcast %squeeze3A_898 : f32 to vector<16xf32>
      %mul3A_916 = arith.mulf %bitcast3A_911, %mul3A_915 : vector<16xf32>
      %add3A_917 = arith.addf %add3A_896, %mul3A_916 : vector<16xf32>
      %slice3A_918 = vector.extract_strided_slice %get3A_833 {offsets = [4], sizes = [1], strides = [1]} : vector<16xf32> to vector<1xf32>
      %squeeze3A_919 = vector.extract %slice3A_918[0] : f32 from vector<1xf32>
      %add3A_920 = arith.constant 36 : i32
      %add3A_921 = arith.addi %mul3A_155, %add3A_920 : i32
      %get3A_922 = arith.index_cast %add3A_921 : i32 to index
      %get3A_923 = arith.constant 0 : index
      %get3A_924 = tpu.vector_load %arg14[%get3A_922, %get3A_923] {strides = array<i32>} : memref<1600x16xi32, #tpu.memory_space<vmem>>, vector<16xi32>,
      %shift_left3A_925 = arith.constant 16 : i32
      %shift_left3A_926 = vector.broadcast %shift_left3A_925 : i32 to vector<16xi32>
      %shift_left3A_927 = arith.shli %get3A_924, %shift_left3A_926 : vector<16xi32>
      %bitcast3A_928 = vector.bitcast %shift_left3A_927 : vector<16xi32> to vector<16xf32>
      %and3A_929 = arith.constant -65536 : i32
      %and3A_930 = vector.broadcast %and3A_929 : i32 to vector<16xi32>
      %and3A_931 = arith.andi %get3A_924, %and3A_930 : vector<16xi32>
      %bitcast3A_932 = vector.bitcast %and3A_931 : vector<16xi32> to vector<16xf32>
      %mul3A_933 = vector.broadcast %squeeze3A_919 : f32 to vector<16xf32>
      %mul3A_934 = arith.mulf %bitcast3A_928, %mul3A_933 : vector<16xf32>
      %add3A_935 = arith.addf %add3A_914, %mul3A_934 : vector<16xf32>
      %mul3A_936 = vector.broadcast %squeeze3A_919 : f32 to vector<16xf32>
      %mul3A_937 = arith.mulf %bitcast3A_932, %mul3A_936 : vector<16xf32>
      %add3A_938 = arith.addf %add3A_917, %mul3A_937 : vector<16xf32>
      %slice3A_939 = vector.extract_strided_slice %get3A_833 {offsets = [5], sizes = [1], strides = [1]} : vector<16xf32> to vector<1xf32>
      %squeeze3A_940 = vector.extract %slice3A_939[0] : f32 from vector<1xf32>
      %add3A_941 = arith.constant 37 : i32
      %add3A_942 = arith.addi %mul3A_155, %add3A_941 : i32
      %get3A_943 = arith.index_cast %add3A_942 : i32 to index
      %get3A_944 = arith.constant 0 : index
      %get3A_945 = tpu.vector_load %arg14[%get3A_943, %get3A_944] {strides = array<i32>} : memref<1600x16xi32, #tpu.memory_space<vmem>>, vector<16xi32>,
      %shift_left3A_946 = arith.constant 16 : i32
      %shift_left3A_947 = vector.broadcast %shift_left3A_946 : i32 to vector<16xi32>
      %shift_left3A_948 = arith.shli %get3A_945, %shift_left3A_947 : vector<16xi32>
      %bitcast3A_949 = vector.bitcast %shift_left3A_948 : vector<16xi32> to vector<16xf32>
      %and3A_950 = arith.constant -65536 : i32
      %and3A_951 = vector.broadcast %and3A_950 : i32 to vector<16xi32>
      %and3A_952 = arith.andi %get3A_945, %and3A_951 : vector<16xi32>
      %bitcast3A_953 = vector.bitcast %and3A_952 : vector<16xi32> to vector<16xf32>
      %mul3A_954 = vector.broadcast %squeeze3A_940 : f32 to vector<16xf32>
      %mul3A_955 = arith.mulf %bitcast3A_949, %mul3A_954 : vector<16xf32>
      %add3A_956 = arith.addf %add3A_935, %mul3A_955 : vector<16xf32>
      %mul3A_957 = vector.broadcast %squeeze3A_940 : f32 to vector<16xf32>
      %mul3A_958 = arith.mulf %bitcast3A_953, %mul3A_957 : vector<16xf32>
      %add3A_959 = arith.addf %add3A_938, %mul3A_958 : vector<16xf32>
      %slice3A_960 = vector.extract_strided_slice %get3A_833 {offsets = [6], sizes = [1], strides = [1]} : vector<16xf32> to vector<1xf32>
      %squeeze3A_961 = vector.extract %slice3A_960[0] : f32 from vector<1xf32>
      %add3A_962 = arith.constant 38 : i32
      %add3A_963 = arith.addi %mul3A_155, %add3A_962 : i32
      %get3A_964 = arith.index_cast %add3A_963 : i32 to index
      %get3A_965 = arith.constant 0 : index
      %get3A_966 = tpu.vector_load %arg14[%get3A_964, %get3A_965] {strides = array<i32>} : memref<1600x16xi32, #tpu.memory_space<vmem>>, vector<16xi32>,
      %shift_left3A_967 = arith.constant 16 : i32
      %shift_left3A_968 = vector.broadcast %shift_left3A_967 : i32 to vector<16xi32>
      %shift_left3A_969 = arith.shli %get3A_966, %shift_left3A_968 : vector<16xi32>
      %bitcast3A_970 = vector.bitcast %shift_left3A_969 : vector<16xi32> to vector<16xf32>
      %and3A_971 = arith.constant -65536 : i32
      %and3A_972 = vector.broadcast %and3A_971 : i32 to vector<16xi32>
      %and3A_973 = arith.andi %get3A_966, %and3A_972 : vector<16xi32>
      %bitcast3A_974 = vector.bitcast %and3A_973 : vector<16xi32> to vector<16xf32>
      %mul3A_975 = vector.broadcast %squeeze3A_961 : f32 to vector<16xf32>
      %mul3A_976 = arith.mulf %bitcast3A_970, %mul3A_975 : vector<16xf32>
      %add3A_977 = arith.addf %add3A_956, %mul3A_976 : vector<16xf32>
      %mul3A_978 = vector.broadcast %squeeze3A_961 : f32 to vector<16xf32>
      %mul3A_979 = arith.mulf %bitcast3A_974, %mul3A_978 : vector<16xf32>
      %add3A_980 = arith.addf %add3A_959, %mul3A_979 : vector<16xf32>
      %slice3A_981 = vector.extract_strided_slice %get3A_833 {offsets = [7], sizes = [1], strides = [1]} : vector<16xf32> to vector<1xf32>
      %squeeze3A_982 = vector.extract %slice3A_981[0] : f32 from vector<1xf32>
      %add3A_983 = arith.constant 39 : i32
      %add3A_984 = arith.addi %mul3A_155, %add3A_983 : i32
      %get3A_985 = arith.index_cast %add3A_984 : i32 to index
      %get3A_986 = arith.constant 0 : index
      %get3A_987 = tpu.vector_load %arg14[%get3A_985, %get3A_986] {strides = array<i32>} : memref<1600x16xi32, #tpu.memory_space<vmem>>, vector<16xi32>,
      %shift_left3A_988 = arith.constant 16 : i32
      %shift_left3A_989 = vector.broadcast %shift_left3A_988 : i32 to vector<16xi32>
      %shift_left3A_990 = arith.shli %get3A_987, %shift_left3A_989 : vector<16xi32>
      %bitcast3A_991 = vector.bitcast %shift_left3A_990 : vector<16xi32> to vector<16xf32>
      %and3A_992 = arith.constant -65536 : i32
      %and3A_993 = vector.broadcast %and3A_992 : i32 to vector<16xi32>
      %and3A_994 = arith.andi %get3A_987, %and3A_993 : vector<16xi32>
      %bitcast3A_995 = vector.bitcast %and3A_994 : vector<16xi32> to vector<16xf32>
      %mul3A_996 = vector.broadcast %squeeze3A_982 : f32 to vector<16xf32>
      %mul3A_997 = arith.mulf %bitcast3A_991, %mul3A_996 : vector<16xf32>
      %add3A_998 = arith.addf %add3A_977, %mul3A_997 : vector<16xf32>
      %mul3A_999 = vector.broadcast %squeeze3A_982 : f32 to vector<16xf32>
      %mul3A_1000 = arith.mulf %bitcast3A_995, %mul3A_999 : vector<16xf32>
      %add3A_1001 = arith.addf %add3A_980, %mul3A_1000 : vector<16xf32>
      %slice3A_1002 = vector.extract_strided_slice %get3A_833 {offsets = [8], sizes = [1], strides = [1]} : vector<16xf32> to vector<1xf32>
      %squeeze3A_1003 = vector.extract %slice3A_1002[0] : f32 from vector<1xf32>
      %add3A_1004 = arith.constant 40 : i32
      %add3A_1005 = arith.addi %mul3A_155, %add3A_1004 : i32
      %get3A_1006 = arith.index_cast %add3A_1005 : i32 to index
      %get3A_1007 = arith.constant 0 : index
      %get3A_1008 = tpu.vector_load %arg14[%get3A_1006, %get3A_1007] {strides = array<i32>} : memref<1600x16xi32, #tpu.memory_space<vmem>>, vector<16xi32>,
      %shift_left3A_1009 = arith.constant 16 : i32
      %shift_left3A_1010 = vector.broadcast %shift_left3A_1009 : i32 to vector<16xi32>
      %shift_left3A_1011 = arith.shli %get3A_1008, %shift_left3A_1010 : vector<16xi32>
      %bitcast3A_1012 = vector.bitcast %shift_left3A_1011 : vector<16xi32> to vector<16xf32>
      %and3A_1013 = arith.constant -65536 : i32
      %and3A_1014 = vector.broadcast %and3A_1013 : i32 to vector<16xi32>
      %and3A_1015 = arith.andi %get3A_1008, %and3A_1014 : vector<16xi32>
      %bitcast3A_1016 = vector.bitcast %and3A_1015 : vector<16xi32> to vector<16xf32>
      %mul3A_1017 = vector.broadcast %squeeze3A_1003 : f32 to vector<16xf32>
      %mul3A_1018 = arith.mulf %bitcast3A_1012, %mul3A_1017 : vector<16xf32>
      %add3A_1019 = arith.addf %add3A_998, %mul3A_1018 : vector<16xf32>
      %mul3A_1020 = vector.broadcast %squeeze3A_1003 : f32 to vector<16xf32>
      %mul3A_1021 = arith.mulf %bitcast3A_1016, %mul3A_1020 : vector<16xf32>
      %add3A_1022 = arith.addf %add3A_1001, %mul3A_1021 : vector<16xf32>
      %slice3A_1023 = vector.extract_strided_slice %get3A_833 {offsets = [9], sizes = [1], strides = [1]} : vector<16xf32> to vector<1xf32>
      %squeeze3A_1024 = vector.extract %slice3A_1023[0] : f32 from vector<1xf32>
      %add3A_1025 = arith.constant 41 : i32
      %add3A_1026 = arith.addi %mul3A_155, %add3A_1025 : i32
      %get3A_1027 = arith.index_cast %add3A_1026 : i32 to index
      %get3A_1028 = arith.constant 0 : index
      %get3A_1029 = tpu.vector_load %arg14[%get3A_1027, %get3A_1028] {strides = array<i32>} : memref<1600x16xi32, #tpu.memory_space<vmem>>, vector<16xi32>,
      %shift_left3A_1030 = arith.constant 16 : i32
      %shift_left3A_1031 = vector.broadcast %shift_left3A_1030 : i32 to vector<16xi32>
      %shift_left3A_1032 = arith.shli %get3A_1029, %shift_left3A_1031 : vector<16xi32>
      %bitcast3A_1033 = vector.bitcast %shift_left3A_1032 : vector<16xi32> to vector<16xf32>
      %and3A_1034 = arith.constant -65536 : i32
      %and3A_1035 = vector.broadcast %and3A_1034 : i32 to vector<16xi32>
      %and3A_1036 = arith.andi %get3A_1029, %and3A_1035 : vector<16xi32>
      %bitcast3A_1037 = vector.bitcast %and3A_1036 : vector<16xi32> to vector<16xf32>
      %mul3A_1038 = vector.broadcast %squeeze3A_1024 : f32 to vector<16xf32>
      %mul3A_1039 = arith.mulf %bitcast3A_1033, %mul3A_1038 : vector<16xf32>
      %add3A_1040 = arith.addf %add3A_1019, %mul3A_1039 : vector<16xf32>
      %mul3A_1041 = vector.broadcast %squeeze3A_1024 : f32 to vector<16xf32>
      %mul3A_1042 = arith.mulf %bitcast3A_1037, %mul3A_1041 : vector<16xf32>
      %add3A_1043 = arith.addf %add3A_1022, %mul3A_1042 : vector<16xf32>
      %slice3A_1044 = vector.extract_strided_slice %get3A_833 {offsets = [10], sizes = [1], strides = [1]} : vector<16xf32> to vector<1xf32>
      %squeeze3A_1045 = vector.extract %slice3A_1044[0] : f32 from vector<1xf32>
      %add3A_1046 = arith.constant 42 : i32
      %add3A_1047 = arith.addi %mul3A_155, %add3A_1046 : i32
      %get3A_1048 = arith.index_cast %add3A_1047 : i32 to index
      %get3A_1049 = arith.constant 0 : index
      %get3A_1050 = tpu.vector_load %arg14[%get3A_1048, %get3A_1049] {strides = array<i32>} : memref<1600x16xi32, #tpu.memory_space<vmem>>, vector<16xi32>,
      %shift_left3A_1051 = arith.constant 16 : i32
      %shift_left3A_1052 = vector.broadcast %shift_left3A_1051 : i32 to vector<16xi32>
      %shift_left3A_1053 = arith.shli %get3A_1050, %shift_left3A_1052 : vector<16xi32>
      %bitcast3A_1054 = vector.bitcast %shift_left3A_1053 : vector<16xi32> to vector<16xf32>
      %and3A_1055 = arith.constant -65536 : i32
      %and3A_1056 = vector.broadcast %and3A_1055 : i32 to vector<16xi32>
      %and3A_1057 = arith.andi %get3A_1050, %and3A_1056 : vector<16xi32>
      %bitcast3A_1058 = vector.bitcast %and3A_1057 : vector<16xi32> to vector<16xf32>
      %mul3A_1059 = vector.broadcast %squeeze3A_1045 : f32 to vector<16xf32>
      %mul3A_1060 = arith.mulf %bitcast3A_1054, %mul3A_1059 : vector<16xf32>
      %add3A_1061 = arith.addf %add3A_1040, %mul3A_1060 : vector<16xf32>
      %mul3A_1062 = vector.broadcast %squeeze3A_1045 : f32 to vector<16xf32>
      %mul3A_1063 = arith.mulf %bitcast3A_1058, %mul3A_1062 : vector<16xf32>
      %add3A_1064 = arith.addf %add3A_1043, %mul3A_1063 : vector<16xf32>
      %slice3A_1065 = vector.extract_strided_slice %get3A_833 {offsets = [11], sizes = [1], strides = [1]} : vector<16xf32> to vector<1xf32>
      %squeeze3A_1066 = vector.extract %slice3A_1065[0] : f32 from vector<1xf32>
      %add3A_1067 = arith.constant 43 : i32
      %add3A_1068 = arith.addi %mul3A_155, %add3A_1067 : i32
      %get3A_1069 = arith.index_cast %add3A_1068 : i32 to index
      %get3A_1070 = arith.constant 0 : index
      %get3A_1071 = tpu.vector_load %arg14[%get3A_1069, %get3A_1070] {strides = array<i32>} : memref<1600x16xi32, #tpu.memory_space<vmem>>, vector<16xi32>,
      %shift_left3A_1072 = arith.constant 16 : i32
      %shift_left3A_1073 = vector.broadcast %shift_left3A_1072 : i32 to vector<16xi32>
      %shift_left3A_1074 = arith.shli %get3A_1071, %shift_left3A_1073 : vector<16xi32>
      %bitcast3A_1075 = vector.bitcast %shift_left3A_1074 : vector<16xi32> to vector<16xf32>
      %and3A_1076 = arith.constant -65536 : i32
      %and3A_1077 = vector.broadcast %and3A_1076 : i32 to vector<16xi32>
      %and3A_1078 = arith.andi %get3A_1071, %and3A_1077 : vector<16xi32>
      %bitcast3A_1079 = vector.bitcast %and3A_1078 : vector<16xi32> to vector<16xf32>
      %mul3A_1080 = vector.broadcast %squeeze3A_1066 : f32 to vector<16xf32>
      %mul3A_1081 = arith.mulf %bitcast3A_1075, %mul3A_1080 : vector<16xf32>
      %add3A_1082 = arith.addf %add3A_1061, %mul3A_1081 : vector<16xf32>
      %mul3A_1083 = vector.broadcast %squeeze3A_1066 : f32 to vector<16xf32>
      %mul3A_1084 = arith.mulf %bitcast3A_1079, %mul3A_1083 : vector<16xf32>
      %add3A_1085 = arith.addf %add3A_1064, %mul3A_1084 : vector<16xf32>
      %slice3A_1086 = vector.extract_strided_slice %get3A_833 {offsets = [12], sizes = [1], strides = [1]} : vector<16xf32> to vector<1xf32>
      %squeeze3A_1087 = vector.extract %slice3A_1086[0] : f32 from vector<1xf32>
      %add3A_1088 = arith.constant 44 : i32
      %add3A_1089 = arith.addi %mul3A_155, %add3A_1088 : i32
      %get3A_1090 = arith.index_cast %add3A_1089 : i32 to index
      %get3A_1091 = arith.constant 0 : index
      %get3A_1092 = tpu.vector_load %arg14[%get3A_1090, %get3A_1091] {strides = array<i32>} : memref<1600x16xi32, #tpu.memory_space<vmem>>, vector<16xi32>,
      %shift_left3A_1093 = arith.constant 16 : i32
      %shift_left3A_1094 = vector.broadcast %shift_left3A_1093 : i32 to vector<16xi32>
      %shift_left3A_1095 = arith.shli %get3A_1092, %shift_left3A_1094 : vector<16xi32>
      %bitcast3A_1096 = vector.bitcast %shift_left3A_1095 : vector<16xi32> to vector<16xf32>
      %and3A_1097 = arith.constant -65536 : i32
      %and3A_1098 = vector.broadcast %and3A_1097 : i32 to vector<16xi32>
      %and3A_1099 = arith.andi %get3A_1092, %and3A_1098 : vector<16xi32>
      %bitcast3A_1100 = vector.bitcast %and3A_1099 : vector<16xi32> to vector<16xf32>
      %mul3A_1101 = vector.broadcast %squeeze3A_1087 : f32 to vector<16xf32>
      %mul3A_1102 = arith.mulf %bitcast3A_1096, %mul3A_1101 : vector<16xf32>
      %add3A_1103 = arith.addf %add3A_1082, %mul3A_1102 : vector<16xf32>
      %mul3A_1104 = vector.broadcast %squeeze3A_1087 : f32 to vector<16xf32>
      %mul3A_1105 = arith.mulf %bitcast3A_1100, %mul3A_1104 : vector<16xf32>
      %add3A_1106 = arith.addf %add3A_1085, %mul3A_1105 : vector<16xf32>
      %slice3A_1107 = vector.extract_strided_slice %get3A_833 {offsets = [13], sizes = [1], strides = [1]} : vector<16xf32> to vector<1xf32>
      %squeeze3A_1108 = vector.extract %slice3A_1107[0] : f32 from vector<1xf32>
      %add3A_1109 = arith.constant 45 : i32
      %add3A_1110 = arith.addi %mul3A_155, %add3A_1109 : i32
      %get3A_1111 = arith.index_cast %add3A_1110 : i32 to index
      %get3A_1112 = arith.constant 0 : index
      %get3A_1113 = tpu.vector_load %arg14[%get3A_1111, %get3A_1112] {strides = array<i32>} : memref<1600x16xi32, #tpu.memory_space<vmem>>, vector<16xi32>,
      %shift_left3A_1114 = arith.constant 16 : i32
      %shift_left3A_1115 = vector.broadcast %shift_left3A_1114 : i32 to vector<16xi32>
      %shift_left3A_1116 = arith.shli %get3A_1113, %shift_left3A_1115 : vector<16xi32>
      %bitcast3A_1117 = vector.bitcast %shift_left3A_1116 : vector<16xi32> to vector<16xf32>
      %and3A_1118 = arith.constant -65536 : i32
      %and3A_1119 = vector.broadcast %and3A_1118 : i32 to vector<16xi32>
      %and3A_1120 = arith.andi %get3A_1113, %and3A_1119 : vector<16xi32>
      %bitcast3A_1121 = vector.bitcast %and3A_1120 : vector<16xi32> to vector<16xf32>
      %mul3A_1122 = vector.broadcast %squeeze3A_1108 : f32 to vector<16xf32>
      %mul3A_1123 = arith.mulf %bitcast3A_1117, %mul3A_1122 : vector<16xf32>
      %add3A_1124 = arith.addf %add3A_1103, %mul3A_1123 : vector<16xf32>
      %mul3A_1125 = vector.broadcast %squeeze3A_1108 : f32 to vector<16xf32>
      %mul3A_1126 = arith.mulf %bitcast3A_1121, %mul3A_1125 : vector<16xf32>
      %add3A_1127 = arith.addf %add3A_1106, %mul3A_1126 : vector<16xf32>
      %slice3A_1128 = vector.extract_strided_slice %get3A_833 {offsets = [14], sizes = [1], strides = [1]} : vector<16xf32> to vector<1xf32>
      %squeeze3A_1129 = vector.extract %slice3A_1128[0] : f32 from vector<1xf32>
      %add3A_1130 = arith.constant 46 : i32
      %add3A_1131 = arith.addi %mul3A_155, %add3A_1130 : i32
      %get3A_1132 = arith.index_cast %add3A_1131 : i32 to index
      %get3A_1133 = arith.constant 0 : index
      %get3A_1134 = tpu.vector_load %arg14[%get3A_1132, %get3A_1133] {strides = array<i32>} : memref<1600x16xi32, #tpu.memory_space<vmem>>, vector<16xi32>,
      %shift_left3A_1135 = arith.constant 16 : i32
      %shift_left3A_1136 = vector.broadcast %shift_left3A_1135 : i32 to vector<16xi32>
      %shift_left3A_1137 = arith.shli %get3A_1134, %shift_left3A_1136 : vector<16xi32>
      %bitcast3A_1138 = vector.bitcast %shift_left3A_1137 : vector<16xi32> to vector<16xf32>
      %and3A_1139 = arith.constant -65536 : i32
      %and3A_1140 = vector.broadcast %and3A_1139 : i32 to vector<16xi32>
      %and3A_1141 = arith.andi %get3A_1134, %and3A_1140 : vector<16xi32>
      %bitcast3A_1142 = vector.bitcast %and3A_1141 : vector<16xi32> to vector<16xf32>
      %mul3A_1143 = vector.broadcast %squeeze3A_1129 : f32 to vector<16xf32>
      %mul3A_1144 = arith.mulf %bitcast3A_1138, %mul3A_1143 : vector<16xf32>
      %add3A_1145 = arith.addf %add3A_1124, %mul3A_1144 : vector<16xf32>
      %mul3A_1146 = vector.broadcast %squeeze3A_1129 : f32 to vector<16xf32>
      %mul3A_1147 = arith.mulf %bitcast3A_1142, %mul3A_1146 : vector<16xf32>
      %add3A_1148 = arith.addf %add3A_1127, %mul3A_1147 : vector<16xf32>
      %slice3A_1149 = vector.extract_strided_slice %get3A_833 {offsets = [15], sizes = [1], strides = [1]} : vector<16xf32> to vector<1xf32>
      %squeeze3A_1150 = vector.extract %slice3A_1149[0] : f32 from vector<1xf32>
      %add3A_1151 = arith.constant 47 : i32
      %add3A_1152 = arith.addi %mul3A_155, %add3A_1151 : i32
      %get3A_1153 = arith.index_cast %add3A_1152 : i32 to index
      %get3A_1154 = arith.constant 0 : index
      %get3A_1155 = tpu.vector_load %arg14[%get3A_1153, %get3A_1154] {strides = array<i32>} : memref<1600x16xi32, #tpu.memory_space<vmem>>, vector<16xi32>,
      %shift_left3A_1156 = arith.constant 16 : i32
      %shift_left3A_1157 = vector.broadcast %shift_left3A_1156 : i32 to vector<16xi32>
      %shift_left3A_1158 = arith.shli %get3A_1155, %shift_left3A_1157 : vector<16xi32>
      %bitcast3A_1159 = vector.bitcast %shift_left3A_1158 : vector<16xi32> to vector<16xf32>
      %and3A_1160 = arith.constant -65536 : i32
      %and3A_1161 = vector.broadcast %and3A_1160 : i32 to vector<16xi32>
      %and3A_1162 = arith.andi %get3A_1155, %and3A_1161 : vector<16xi32>
      %bitcast3A_1163 = vector.bitcast %and3A_1162 : vector<16xi32> to vector<16xf32>
      %mul3A_1164 = vector.broadcast %squeeze3A_1150 : f32 to vector<16xf32>
      %mul3A_1165 = arith.mulf %bitcast3A_1159, %mul3A_1164 : vector<16xf32>
      %add3A_1166 = arith.addf %add3A_1145, %mul3A_1165 : vector<16xf32>
      %mul3A_1167 = vector.broadcast %squeeze3A_1150 : f32 to vector<16xf32>
      %mul3A_1168 = arith.mulf %bitcast3A_1163, %mul3A_1167 : vector<16xf32>
      %add3A_1169 = arith.addf %add3A_1148, %mul3A_1168 : vector<16xf32>
      %add3A_1170 = arith.constant 48 : i32
      %add3A_1171 = arith.addi %mul3A_155, %add3A_1170 : i32
      %get3A_1172 = arith.index_cast %add3A_1171 : i32 to index
      %get3A_1173 = tpu.vector_load %arg16[%get3A_1172] {strides = array<i32>} : memref<1616xf32, #tpu.memory_space<vmem>>, vector<16xf32>,
      %slice3A_1174 = vector.extract_strided_slice %get3A_1173 {offsets = [0], sizes = [1], strides = [1]} : vector<16xf32> to vector<1xf32>
      %squeeze3A_1175 = vector.extract %slice3A_1174[0] : f32 from vector<1xf32>
      %add3A_1176 = arith.constant 48 : i32
      %add3A_1177 = arith.addi %mul3A_155, %add3A_1176 : i32
      %get3A_1178 = arith.index_cast %add3A_1177 : i32 to index
      %get3A_1179 = arith.constant 0 : index
      %get3A_1180 = tpu.vector_load %arg14[%get3A_1178, %get3A_1179] {strides = array<i32>} : memref<1600x16xi32, #tpu.memory_space<vmem>>, vector<16xi32>,
      %shift_left3A_1181 = arith.constant 16 : i32
      %shift_left3A_1182 = vector.broadcast %shift_left3A_1181 : i32 to vector<16xi32>
      %shift_left3A_1183 = arith.shli %get3A_1180, %shift_left3A_1182 : vector<16xi32>
      %bitcast3A_1184 = vector.bitcast %shift_left3A_1183 : vector<16xi32> to vector<16xf32>
      %and3A_1185 = arith.constant -65536 : i32
      %and3A_1186 = vector.broadcast %and3A_1185 : i32 to vector<16xi32>
      %and3A_1187 = arith.andi %get3A_1180, %and3A_1186 : vector<16xi32>
      %bitcast3A_1188 = vector.bitcast %and3A_1187 : vector<16xi32> to vector<16xf32>
      %mul3A_1189 = vector.broadcast %squeeze3A_1175 : f32 to vector<16xf32>
      %mul3A_1190 = arith.mulf %bitcast3A_1184, %mul3A_1189 : vector<16xf32>
      %add3A_1191 = arith.addf %add3A_1166, %mul3A_1190 : vector<16xf32>
      %mul3A_1192 = vector.broadcast %squeeze3A_1175 : f32 to vector<16xf32>
      %mul3A_1193 = arith.mulf %bitcast3A_1188, %mul3A_1192 : vector<16xf32>
      %add3A_1194 = arith.addf %add3A_1169, %mul3A_1193 : vector<16xf32>
      %slice3A_1195 = vector.extract_strided_slice %get3A_1173 {offsets = [1], sizes = [1], strides = [1]} : vector<16xf32> to vector<1xf32>
      %squeeze3A_1196 = vector.extract %slice3A_1195[0] : f32 from vector<1xf32>
      %add3A_1197 = arith.constant 49 : i32
      %add3A_1198 = arith.addi %mul3A_155, %add3A_1197 : i32
      %get3A_1199 = arith.index_cast %add3A_1198 : i32 to index
      %get3A_1200 = arith.constant 0 : index
      %get3A_1201 = tpu.vector_load %arg14[%get3A_1199, %get3A_1200] {strides = array<i32>} : memref<1600x16xi32, #tpu.memory_space<vmem>>, vector<16xi32>,
      %shift_left3A_1202 = arith.constant 16 : i32
      %shift_left3A_1203 = vector.broadcast %shift_left3A_1202 : i32 to vector<16xi32>
      %shift_left3A_1204 = arith.shli %get3A_1201, %shift_left3A_1203 : vector<16xi32>
      %bitcast3A_1205 = vector.bitcast %shift_left3A_1204 : vector<16xi32> to vector<16xf32>
      %and3A_1206 = arith.constant -65536 : i32
      %and3A_1207 = vector.broadcast %and3A_1206 : i32 to vector<16xi32>
      %and3A_1208 = arith.andi %get3A_1201, %and3A_1207 : vector<16xi32>
      %bitcast3A_1209 = vector.bitcast %and3A_1208 : vector<16xi32> to vector<16xf32>
      %mul3A_1210 = vector.broadcast %squeeze3A_1196 : f32 to vector<16xf32>
      %mul3A_1211 = arith.mulf %bitcast3A_1205, %mul3A_1210 : vector<16xf32>
      %add3A_1212 = arith.addf %add3A_1191, %mul3A_1211 : vector<16xf32>
      %mul3A_1213 = vector.broadcast %squeeze3A_1196 : f32 to vector<16xf32>
      %mul3A_1214 = arith.mulf %bitcast3A_1209, %mul3A_1213 : vector<16xf32>
      %add3A_1215 = arith.addf %add3A_1194, %mul3A_1214 : vector<16xf32>
      %mul3A_1216 = arith.constant 32 : i32
      %mul3A_1217 = arith.muli %scan3A_153, %mul3A_1216 : i32
      %add3A_1218 = arith.constant 26 : i32
      %add3A_1219 = arith.addi %mul3A_1217, %add3A_1218 : i32
      %pack3A = tpu.pack_subelements %add3A_1212, %add3A_1215 {pack_format = #tpu.pack_format<interleaved>, positions = array<i32: 0, 1>} : vector<16xf32>, vector<16xf32> -> vector<32xbf16>
      %bitcast3A_1220 = vector.bitcast %pack3A : vector<32xbf16> to vector<16xi32>
      %swap3A = arith.index_cast %add3A_1219 : i32 to index
      %swap3A_1221 = arith.constant 0 : index
      %swap3A_1222 = tpu.vector_load %arg10[%swap3A, %swap3A_1221] {strides = array<i32>} : memref<1024x16xi32, #tpu.memory_space<vmem>>, vector<16xi32>,
      tpu.vector_store %arg10[%swap3A, %swap3A_1221], %bitcast3A_1220 {strides = array<i32>} : memref<1024x16xi32, #tpu.memory_space<vmem>>, vector<16xi32>,
    }
    %scan3A_80 = arith.constant 32 : i32
    %mul3A_81 = arith.constant 32 : i32
    %mul3A_82 = arith.muli %add3A_68, %mul3A_81 : i32
    %dma_start3A_83 = arith.constant 0 : i32
    %dma_start3A_84 = tpu.memref_slice %arg6[%mul3A_82, %dma_start3A_83] : memref<131072x16xi32, #tpu.memory_space<hbm>> -> memref<1024x16xi32, #tpu.memory_space<hbm>>
    %dma_start3A_85 = arith.constant 0 : i32
    %dma_start3A_86 = tpu.memref_slice %arg6[%mul3A_82, %dma_start3A_85] : memref<131072x16xi32, #tpu.memory_space<hbm>> -> memref<1024x16xi32, #tpu.memory_space<hbm>>
    tpu.enqueue_dma source(%arg10 : memref<1024x16xi32, #tpu.memory_space<vmem>>) target(%dma_start3A_86 : memref<1024x16xi32, #tpu.memory_space<hbm>>) target_semaphore(%arg22 : memref<!tpu.dma_semaphore, #tpu.memory_space<semaphore_mem>>)
    %dma_wait3A_87 = arith.constant 0 : i32
    %dma_wait3A_88 = tpu.memref_slice %arg6[%mul3A_82, %dma_wait3A_87] : memref<131072x16xi32, #tpu.memory_space<hbm>> -> memref<1024x16xi32, #tpu.memory_space<hbm>>
    %dma_wait3A_89 = arith.constant 0 : i32
    %dma_wait3A_90 = tpu.memref_slice %arg6[%mul3A_82, %dma_wait3A_89] : memref<131072x16xi32, #tpu.memory_space<hbm>> -> memref<1024x16xi32, #tpu.memory_space<hbm>>
    tpu.wait_dma2 semaphore(%arg22 : memref<!tpu.dma_semaphore, #tpu.memory_space<semaphore_mem>>) src(%arg10 : memref<1024x16xi32, #tpu.memory_space<vmem>>) dst(%dma_wait3A_90 : memref<1024x16xi32, #tpu.memory_space<hbm>>)
    %add3A_91 = arith.constant 96 : i32
    %add3A_92 = arith.addi %mul3A_2, %add3A_91 : i32
    %mul3A_93 = arith.constant 32 : i32
    %mul3A_94 = arith.muli %add3A_92, %mul3A_93 : i32
    "tpu.region"() ({
      %run_scoped3A = tpu.sem_alloc : memref<!tpu.dma_semaphore, #tpu.memory_space<semaphore_mem>>
      %dma_start3A_153 = tpu.memref_slice %arg2[%mul3A_94] : memref<131072xi32, #tpu.memory_space<hbm>> -> memref<1024xi32, #tpu.memory_space<hbm>>
      %dma_start3A_154 = tpu.memref_slice %arg2[%mul3A_94] : memref<131072xi32, #tpu.memory_space<hbm>> -> memref<1024xi32, #tpu.memory_space<hbm>>
      tpu.enqueue_dma source(%dma_start3A_154 : memref<1024xi32, #tpu.memory_space<hbm>>) target(%arg8 : memref<1024xi32, #tpu.memory_space<vmem>>) target_semaphore(%run_scoped3A : memref<!tpu.dma_semaphore, #tpu.memory_space<semaphore_mem>>)
      %dma_wait3A_155 = tpu.memref_slice %arg2[%mul3A_94] : memref<131072xi32, #tpu.memory_space<hbm>> -> memref<1024xi32, #tpu.memory_space<hbm>>
      %dma_wait3A_156 = tpu.memref_slice %arg2[%mul3A_94] : memref<131072xi32, #tpu.memory_space<hbm>> -> memref<1024xi32, #tpu.memory_space<hbm>>
      tpu.wait_dma2 semaphore(%run_scoped3A : memref<!tpu.dma_semaphore, #tpu.memory_space<semaphore_mem>>) src(%dma_wait3A_156 : memref<1024xi32, #tpu.memory_space<hbm>>) dst(%arg8 : memref<1024xi32, #tpu.memory_space<vmem>>)
      tpu.yield
    }) : () -> ()
    %mul3A_95 = arith.constant 50 : i32
    %mul3A_96 = arith.muli %add3A_92, %mul3A_95 : i32
    "tpu.region"() ({
      %run_scoped3A = tpu.sem_alloc : memref<!tpu.dma_semaphore, #tpu.memory_space<semaphore_mem>>
      %dma_start3A_153 = tpu.memref_slice %arg3[%mul3A_96] : memref<204800xi32, #tpu.memory_space<hbm>> -> memref<1600xi32, #tpu.memory_space<hbm>>
      %dma_start3A_154 = tpu.memref_slice %arg3[%mul3A_96] : memref<204800xi32, #tpu.memory_space<hbm>> -> memref<1600xi32, #tpu.memory_space<hbm>>
      tpu.enqueue_dma source(%dma_start3A_154 : memref<1600xi32, #tpu.memory_space<hbm>>) target(%arg12 : memref<1600xi32, #tpu.memory_space<vmem>>) target_semaphore(%run_scoped3A : memref<!tpu.dma_semaphore, #tpu.memory_space<semaphore_mem>>)
      %dma_wait3A_155 = tpu.memref_slice %arg3[%mul3A_96] : memref<204800xi32, #tpu.memory_space<hbm>> -> memref<1600xi32, #tpu.memory_space<hbm>>
      %dma_wait3A_156 = tpu.memref_slice %arg3[%mul3A_96] : memref<204800xi32, #tpu.memory_space<hbm>> -> memref<1600xi32, #tpu.memory_space<hbm>>
      tpu.wait_dma2 semaphore(%run_scoped3A : memref<!tpu.dma_semaphore, #tpu.memory_space<semaphore_mem>>) src(%dma_wait3A_156 : memref<1600xi32, #tpu.memory_space<hbm>>) dst(%arg12 : memref<1600xi32, #tpu.memory_space<vmem>>)
      tpu.yield
    }) : () -> ()
    %mul3A_97 = arith.constant 50 : i32
    %mul3A_98 = arith.muli %add3A_92, %mul3A_97 : i32
    "tpu.region"() ({
      %run_scoped3A = tpu.sem_alloc : memref<!tpu.dma_semaphore, #tpu.memory_space<semaphore_mem>>
      %dma_start3A_153 = arith.constant 0 : i32
      %dma_start3A_154 = tpu.memref_slice %arg16[%dma_start3A_153] : memref<1616xf32, #tpu.memory_space<vmem>> -> memref<1600xf32, #tpu.memory_space<vmem>>
      %dma_start3A_155 = tpu.memref_slice %arg4[%mul3A_98] : memref<204800xf32, #tpu.memory_space<hbm>> -> memref<1600xf32, #tpu.memory_space<hbm>>
      %dma_start3A_156 = arith.constant 0 : i32
      %dma_start3A_157 = tpu.memref_slice %arg16[%dma_start3A_156] : memref<1616xf32, #tpu.memory_space<vmem>> -> memref<1600xf32, #tpu.memory_space<vmem>>
      %dma_start3A_158 = tpu.memref_slice %arg4[%mul3A_98] : memref<204800xf32, #tpu.memory_space<hbm>> -> memref<1600xf32, #tpu.memory_space<hbm>>
      tpu.enqueue_dma source(%dma_start3A_158 : memref<1600xf32, #tpu.memory_space<hbm>>) target(%dma_start3A_157 : memref<1600xf32, #tpu.memory_space<vmem>>) target_semaphore(%run_scoped3A : memref<!tpu.dma_semaphore, #tpu.memory_space<semaphore_mem>>)
      %dma_wait3A_159 = arith.constant 0 : i32
      %dma_wait3A_160 = tpu.memref_slice %arg16[%dma_wait3A_159] : memref<1616xf32, #tpu.memory_space<vmem>> -> memref<1600xf32, #tpu.memory_space<vmem>>
      %dma_wait3A_161 = tpu.memref_slice %arg4[%mul3A_98] : memref<204800xf32, #tpu.memory_space<hbm>> -> memref<1600xf32, #tpu.memory_space<hbm>>
      %dma_wait3A_162 = arith.constant 0 : i32
      %dma_wait3A_163 = tpu.memref_slice %arg16[%dma_wait3A_162] : memref<1616xf32, #tpu.memory_space<vmem>> -> memref<1600xf32, #tpu.memory_space<vmem>>
      %dma_wait3A_164 = tpu.memref_slice %arg4[%mul3A_98] : memref<204800xf32, #tpu.memory_space<hbm>> -> memref<1600xf32, #tpu.memory_space<hbm>>
      tpu.wait_dma2 semaphore(%run_scoped3A : memref<!tpu.dma_semaphore, #tpu.memory_space<semaphore_mem>>) src(%dma_wait3A_164 : memref<1600xf32, #tpu.memory_space<hbm>>) dst(%dma_wait3A_163 : memref<1600xf32, #tpu.memory_space<vmem>>)
      tpu.yield
    }) : () -> ()
    %dma_start3A_99 = arith.constant 0 : i32
    %dma_start3A_100 = arith.constant 0 : i32
    %dma_start3A_101 = tpu.memref_slice %arg5[%dma_start3A_99, %dma_start3A_100] : memref<1015808x16xi32, #tpu.memory_space<hbm>> -> memref<1015808x16xi32, #tpu.memory_space<hbm>>
    tpu.enqueue_indirect_dma source(%dma_start3A_101 : memref<1015808x16xi32, #tpu.memory_space<hbm>>) target(%arg10 : memref<1024x16xi32, #tpu.memory_space<vmem>>) offsets(%arg8 : memref<1024xi32, #tpu.memory_space<vmem>>) semaphore(%arg18 : memref<!tpu.dma_semaphore, #tpu.memory_space<semaphore_mem>>)
    %dma_start3A_102 = arith.constant 0 : i32
    %dma_start3A_103 = arith.constant 0 : i32
    %dma_start3A_104 = tpu.memref_slice %arg5[%dma_start3A_102, %dma_start3A_103] : memref<1015808x16xi32, #tpu.memory_space<hbm>> -> memref<1015808x16xi32, #tpu.memory_space<hbm>>
    tpu.enqueue_indirect_dma source(%dma_start3A_104 : memref<1015808x16xi32, #tpu.memory_space<hbm>>) target(%arg14 : memref<1600x16xi32, #tpu.memory_space<vmem>>) offsets(%arg12 : memref<1600xi32, #tpu.memory_space<vmem>>) semaphore(%arg20 : memref<!tpu.dma_semaphore, #tpu.memory_space<semaphore_mem>>)
    %add3A_105 = arith.constant 64 : i32
    %add3A_106 = arith.addi %mul3A_2, %add3A_105 : i32
    %dma_wait3A_107 = arith.constant 0 : i32
    %dma_wait3A_108 = arith.constant 0 : i32
    %dma_wait3A_109 = tpu.memref_slice %arg5[%dma_wait3A_107, %dma_wait3A_108] : memref<1015808x16xi32, #tpu.memory_space<hbm>> -> memref<1015808x16xi32, #tpu.memory_space<hbm>>
    tpu.wait_indirect_dma semaphore(%arg17 : memref<!tpu.dma_semaphore, #tpu.memory_space<semaphore_mem>>) src(%dma_wait3A_109 : memref<1015808x16xi32, #tpu.memory_space<hbm>>) dst(%arg9 : memref<1024x16xi32, #tpu.memory_space<vmem>>)
    %dma_wait3A_110 = arith.constant 0 : i32
    %dma_wait3A_111 = arith.constant 0 : i32
    %dma_wait3A_112 = tpu.memref_slice %arg5[%dma_wait3A_110, %dma_wait3A_111] : memref<1015808x16xi32, #tpu.memory_space<hbm>> -> memref<1015808x16xi32, #tpu.memory_space<hbm>>
    tpu.wait_indirect_dma semaphore(%arg19 : memref<!tpu.dma_semaphore, #tpu.memory_space<semaphore_mem>>) src(%dma_wait3A_112 : memref<1015808x16xi32, #tpu.memory_space<hbm>>) dst(%arg13 : memref<1600x16xi32, #tpu.memory_space<vmem>>)
    %scan3A_113 = arith.constant 0 : i32
    %scan3A_114 = arith.constant 0 : i32
    %scan3A_115 = arith.constant 32 : i32
    %scan3A_116 = arith.addi %scan3A_114, %scan3A_115 : i32
    %scan3A_117 = arith.constant 1 : i32
    scf.for %scan3A_153 = %scan3A_114 to %scan3A_116 step %scan3A_117  : i32 {
      %mul3A_154 = arith.constant 50 : i32
      %mul3A_155 = arith.muli %scan3A_153, %mul3A_154 : i32
      %add3A_156 = arith.constant 0 : i32
      %add3A_157 = arith.addi %mul3A_155, %add3A_156 : i32
      %get3A = arith.index_cast %add3A_157 : i32 to index
      %get3A_158 = tpu.vector_load %arg15[%get3A] {strides = array<i32>} : memref<1616xf32, #tpu.memory_space<vmem>>, vector<16xf32>,
      %slice3A = vector.extract_strided_slice %get3A_158 {offsets = [0], sizes = [1], strides = [1]} : vector<16xf32> to vector<1xf32>
      %squeeze3A = vector.extract %slice3A[0] : f32 from vector<1xf32>
      %add3A_159 = arith.constant 0 : i32
      %add3A_160 = arith.addi %mul3A_155, %add3A_159 : i32
      %get3A_161 = arith.index_cast %add3A_160 : i32 to index
      %get3A_162 = arith.constant 0 : index
      %get3A_163 = tpu.vector_load %arg13[%get3A_161, %get3A_162] {strides = array<i32>} : memref<1600x16xi32, #tpu.memory_space<vmem>>, vector<16xi32>,
      %shift_left3A = arith.constant 16 : i32
      %shift_left3A_164 = vector.broadcast %shift_left3A : i32 to vector<16xi32>
      %shift_left3A_165 = arith.shli %get3A_163, %shift_left3A_164 : vector<16xi32>
      %bitcast3A = vector.bitcast %shift_left3A_165 : vector<16xi32> to vector<16xf32>
      %and3A = arith.constant -65536 : i32
      %and3A_166 = vector.broadcast %and3A : i32 to vector<16xi32>
      %and3A_167 = arith.andi %get3A_163, %and3A_166 : vector<16xi32>
      %bitcast3A_168 = vector.bitcast %and3A_167 : vector<16xi32> to vector<16xf32>
      %mul3A_169 = vector.broadcast %squeeze3A : f32 to vector<16xf32>
      %mul3A_170 = arith.mulf %bitcast3A, %mul3A_169 : vector<16xf32>
      %add3A_171 = arith.addf %broadcast_in_dim3A_3, %mul3A_170 : vector<16xf32>
      %mul3A_172 = vector.broadcast %squeeze3A : f32 to vector<16xf32>
      %mul3A_173 = arith.mulf %bitcast3A_168, %mul3A_172 : vector<16xf32>
      %add3A_174 = arith.addf %broadcast_in_dim3A_3, %mul3A_173 : vector<16xf32>
      %slice3A_175 = vector.extract_strided_slice %get3A_158 {offsets = [1], sizes = [1], strides = [1]} : vector<16xf32> to vector<1xf32>
      %squeeze3A_176 = vector.extract %slice3A_175[0] : f32 from vector<1xf32>
      %add3A_177 = arith.constant 1 : i32
      %add3A_178 = arith.addi %mul3A_155, %add3A_177 : i32
      %get3A_179 = arith.index_cast %add3A_178 : i32 to index
      %get3A_180 = arith.constant 0 : index
      %get3A_181 = tpu.vector_load %arg13[%get3A_179, %get3A_180] {strides = array<i32>} : memref<1600x16xi32, #tpu.memory_space<vmem>>, vector<16xi32>,
      %shift_left3A_182 = arith.constant 16 : i32
      %shift_left3A_183 = vector.broadcast %shift_left3A_182 : i32 to vector<16xi32>
      %shift_left3A_184 = arith.shli %get3A_181, %shift_left3A_183 : vector<16xi32>
      %bitcast3A_185 = vector.bitcast %shift_left3A_184 : vector<16xi32> to vector<16xf32>
      %and3A_186 = arith.constant -65536 : i32
      %and3A_187 = vector.broadcast %and3A_186 : i32 to vector<16xi32>
      %and3A_188 = arith.andi %get3A_181, %and3A_187 : vector<16xi32>
      %bitcast3A_189 = vector.bitcast %and3A_188 : vector<16xi32> to vector<16xf32>
      %mul3A_190 = vector.broadcast %squeeze3A_176 : f32 to vector<16xf32>
      %mul3A_191 = arith.mulf %bitcast3A_185, %mul3A_190 : vector<16xf32>
      %add3A_192 = arith.addf %add3A_171, %mul3A_191 : vector<16xf32>
      %mul3A_193 = vector.broadcast %squeeze3A_176 : f32 to vector<16xf32>
      %mul3A_194 = arith.mulf %bitcast3A_189, %mul3A_193 : vector<16xf32>
      %add3A_195 = arith.addf %add3A_174, %mul3A_194 : vector<16xf32>
      %slice3A_196 = vector.extract_strided_slice %get3A_158 {offsets = [2], sizes = [1], strides = [1]} : vector<16xf32> to vector<1xf32>
      %squeeze3A_197 = vector.extract %slice3A_196[0] : f32 from vector<1xf32>
      %add3A_198 = arith.constant 2 : i32
      %add3A_199 = arith.addi %mul3A_155, %add3A_198 : i32
      %get3A_200 = arith.index_cast %add3A_199 : i32 to index
      %get3A_201 = arith.constant 0 : index
      %get3A_202 = tpu.vector_load %arg13[%get3A_200, %get3A_201] {strides = array<i32>} : memref<1600x16xi32, #tpu.memory_space<vmem>>, vector<16xi32>,
      %shift_left3A_203 = arith.constant 16 : i32
      %shift_left3A_204 = vector.broadcast %shift_left3A_203 : i32 to vector<16xi32>
      %shift_left3A_205 = arith.shli %get3A_202, %shift_left3A_204 : vector<16xi32>
      %bitcast3A_206 = vector.bitcast %shift_left3A_205 : vector<16xi32> to vector<16xf32>
      %and3A_207 = arith.constant -65536 : i32
      %and3A_208 = vector.broadcast %and3A_207 : i32 to vector<16xi32>
      %and3A_209 = arith.andi %get3A_202, %and3A_208 : vector<16xi32>
      %bitcast3A_210 = vector.bitcast %and3A_209 : vector<16xi32> to vector<16xf32>
      %mul3A_211 = vector.broadcast %squeeze3A_197 : f32 to vector<16xf32>
      %mul3A_212 = arith.mulf %bitcast3A_206, %mul3A_211 : vector<16xf32>
      %add3A_213 = arith.addf %add3A_192, %mul3A_212 : vector<16xf32>
      %mul3A_214 = vector.broadcast %squeeze3A_197 : f32 to vector<16xf32>
      %mul3A_215 = arith.mulf %bitcast3A_210, %mul3A_214 : vector<16xf32>
      %add3A_216 = arith.addf %add3A_195, %mul3A_215 : vector<16xf32>
      %slice3A_217 = vector.extract_strided_slice %get3A_158 {offsets = [3], sizes = [1], strides = [1]} : vector<16xf32> to vector<1xf32>
      %squeeze3A_218 = vector.extract %slice3A_217[0] : f32 from vector<1xf32>
      %add3A_219 = arith.constant 3 : i32
      %add3A_220 = arith.addi %mul3A_155, %add3A_219 : i32
      %get3A_221 = arith.index_cast %add3A_220 : i32 to index
      %get3A_222 = arith.constant 0 : index
      %get3A_223 = tpu.vector_load %arg13[%get3A_221, %get3A_222] {strides = array<i32>} : memref<1600x16xi32, #tpu.memory_space<vmem>>, vector<16xi32>,
      %shift_left3A_224 = arith.constant 16 : i32
      %shift_left3A_225 = vector.broadcast %shift_left3A_224 : i32 to vector<16xi32>
      %shift_left3A_226 = arith.shli %get3A_223, %shift_left3A_225 : vector<16xi32>
      %bitcast3A_227 = vector.bitcast %shift_left3A_226 : vector<16xi32> to vector<16xf32>
      %and3A_228 = arith.constant -65536 : i32
      %and3A_229 = vector.broadcast %and3A_228 : i32 to vector<16xi32>
      %and3A_230 = arith.andi %get3A_223, %and3A_229 : vector<16xi32>
      %bitcast3A_231 = vector.bitcast %and3A_230 : vector<16xi32> to vector<16xf32>
      %mul3A_232 = vector.broadcast %squeeze3A_218 : f32 to vector<16xf32>
      %mul3A_233 = arith.mulf %bitcast3A_227, %mul3A_232 : vector<16xf32>
      %add3A_234 = arith.addf %add3A_213, %mul3A_233 : vector<16xf32>
      %mul3A_235 = vector.broadcast %squeeze3A_218 : f32 to vector<16xf32>
      %mul3A_236 = arith.mulf %bitcast3A_231, %mul3A_235 : vector<16xf32>
      %add3A_237 = arith.addf %add3A_216, %mul3A_236 : vector<16xf32>
      %slice3A_238 = vector.extract_strided_slice %get3A_158 {offsets = [4], sizes = [1], strides = [1]} : vector<16xf32> to vector<1xf32>
      %squeeze3A_239 = vector.extract %slice3A_238[0] : f32 from vector<1xf32>
      %add3A_240 = arith.constant 4 : i32
      %add3A_241 = arith.addi %mul3A_155, %add3A_240 : i32
      %get3A_242 = arith.index_cast %add3A_241 : i32 to index
      %get3A_243 = arith.constant 0 : index
      %get3A_244 = tpu.vector_load %arg13[%get3A_242, %get3A_243] {strides = array<i32>} : memref<1600x16xi32, #tpu.memory_space<vmem>>, vector<16xi32>,
      %shift_left3A_245 = arith.constant 16 : i32
      %shift_left3A_246 = vector.broadcast %shift_left3A_245 : i32 to vector<16xi32>
      %shift_left3A_247 = arith.shli %get3A_244, %shift_left3A_246 : vector<16xi32>
      %bitcast3A_248 = vector.bitcast %shift_left3A_247 : vector<16xi32> to vector<16xf32>
      %and3A_249 = arith.constant -65536 : i32
      %and3A_250 = vector.broadcast %and3A_249 : i32 to vector<16xi32>
      %and3A_251 = arith.andi %get3A_244, %and3A_250 : vector<16xi32>
      %bitcast3A_252 = vector.bitcast %and3A_251 : vector<16xi32> to vector<16xf32>
      %mul3A_253 = vector.broadcast %squeeze3A_239 : f32 to vector<16xf32>
      %mul3A_254 = arith.mulf %bitcast3A_248, %mul3A_253 : vector<16xf32>
      %add3A_255 = arith.addf %add3A_234, %mul3A_254 : vector<16xf32>
      %mul3A_256 = vector.broadcast %squeeze3A_239 : f32 to vector<16xf32>
      %mul3A_257 = arith.mulf %bitcast3A_252, %mul3A_256 : vector<16xf32>
      %add3A_258 = arith.addf %add3A_237, %mul3A_257 : vector<16xf32>
      %slice3A_259 = vector.extract_strided_slice %get3A_158 {offsets = [5], sizes = [1], strides = [1]} : vector<16xf32> to vector<1xf32>
      %squeeze3A_260 = vector.extract %slice3A_259[0] : f32 from vector<1xf32>
      %add3A_261 = arith.constant 5 : i32
      %add3A_262 = arith.addi %mul3A_155, %add3A_261 : i32
      %get3A_263 = arith.index_cast %add3A_262 : i32 to index
      %get3A_264 = arith.constant 0 : index
      %get3A_265 = tpu.vector_load %arg13[%get3A_263, %get3A_264] {strides = array<i32>} : memref<1600x16xi32, #tpu.memory_space<vmem>>, vector<16xi32>,
      %shift_left3A_266 = arith.constant 16 : i32
      %shift_left3A_267 = vector.broadcast %shift_left3A_266 : i32 to vector<16xi32>
      %shift_left3A_268 = arith.shli %get3A_265, %shift_left3A_267 : vector<16xi32>
      %bitcast3A_269 = vector.bitcast %shift_left3A_268 : vector<16xi32> to vector<16xf32>
      %and3A_270 = arith.constant -65536 : i32
      %and3A_271 = vector.broadcast %and3A_270 : i32 to vector<16xi32>
      %and3A_272 = arith.andi %get3A_265, %and3A_271 : vector<16xi32>
      %bitcast3A_273 = vector.bitcast %and3A_272 : vector<16xi32> to vector<16xf32>
      %mul3A_274 = vector.broadcast %squeeze3A_260 : f32 to vector<16xf32>
      %mul3A_275 = arith.mulf %bitcast3A_269, %mul3A_274 : vector<16xf32>
      %add3A_276 = arith.addf %add3A_255, %mul3A_275 : vector<16xf32>
      %mul3A_277 = vector.broadcast %squeeze3A_260 : f32 to vector<16xf32>
      %mul3A_278 = arith.mulf %bitcast3A_273, %mul3A_277 : vector<16xf32>
      %add3A_279 = arith.addf %add3A_258, %mul3A_278 : vector<16xf32>
      %slice3A_280 = vector.extract_strided_slice %get3A_158 {offsets = [6], sizes = [1], strides = [1]} : vector<16xf32> to vector<1xf32>
      %squeeze3A_281 = vector.extract %slice3A_280[0] : f32 from vector<1xf32>
      %add3A_282 = arith.constant 6 : i32
      %add3A_283 = arith.addi %mul3A_155, %add3A_282 : i32
      %get3A_284 = arith.index_cast %add3A_283 : i32 to index
      %get3A_285 = arith.constant 0 : index
      %get3A_286 = tpu.vector_load %arg13[%get3A_284, %get3A_285] {strides = array<i32>} : memref<1600x16xi32, #tpu.memory_space<vmem>>, vector<16xi32>,
      %shift_left3A_287 = arith.constant 16 : i32
      %shift_left3A_288 = vector.broadcast %shift_left3A_287 : i32 to vector<16xi32>
      %shift_left3A_289 = arith.shli %get3A_286, %shift_left3A_288 : vector<16xi32>
      %bitcast3A_290 = vector.bitcast %shift_left3A_289 : vector<16xi32> to vector<16xf32>
      %and3A_291 = arith.constant -65536 : i32
      %and3A_292 = vector.broadcast %and3A_291 : i32 to vector<16xi32>
      %and3A_293 = arith.andi %get3A_286, %and3A_292 : vector<16xi32>
      %bitcast3A_294 = vector.bitcast %and3A_293 : vector<16xi32> to vector<16xf32>
      %mul3A_295 = vector.broadcast %squeeze3A_281 : f32 to vector<16xf32>
      %mul3A_296 = arith.mulf %bitcast3A_290, %mul3A_295 : vector<16xf32>
      %add3A_297 = arith.addf %add3A_276, %mul3A_296 : vector<16xf32>
      %mul3A_298 = vector.broadcast %squeeze3A_281 : f32 to vector<16xf32>
      %mul3A_299 = arith.mulf %bitcast3A_294, %mul3A_298 : vector<16xf32>
      %add3A_300 = arith.addf %add3A_279, %mul3A_299 : vector<16xf32>
      %slice3A_301 = vector.extract_strided_slice %get3A_158 {offsets = [7], sizes = [1], strides = [1]} : vector<16xf32> to vector<1xf32>
      %squeeze3A_302 = vector.extract %slice3A_301[0] : f32 from vector<1xf32>
      %add3A_303 = arith.constant 7 : i32
      %add3A_304 = arith.addi %mul3A_155, %add3A_303 : i32
      %get3A_305 = arith.index_cast %add3A_304 : i32 to index
      %get3A_306 = arith.constant 0 : index
      %get3A_307 = tpu.vector_load %arg13[%get3A_305, %get3A_306] {strides = array<i32>} : memref<1600x16xi32, #tpu.memory_space<vmem>>, vector<16xi32>,
      %shift_left3A_308 = arith.constant 16 : i32
      %shift_left3A_309 = vector.broadcast %shift_left3A_308 : i32 to vector<16xi32>
      %shift_left3A_310 = arith.shli %get3A_307, %shift_left3A_309 : vector<16xi32>
      %bitcast3A_311 = vector.bitcast %shift_left3A_310 : vector<16xi32> to vector<16xf32>
      %and3A_312 = arith.constant -65536 : i32
      %and3A_313 = vector.broadcast %and3A_312 : i32 to vector<16xi32>
      %and3A_314 = arith.andi %get3A_307, %and3A_313 : vector<16xi32>
      %bitcast3A_315 = vector.bitcast %and3A_314 : vector<16xi32> to vector<16xf32>
      %mul3A_316 = vector.broadcast %squeeze3A_302 : f32 to vector<16xf32>
      %mul3A_317 = arith.mulf %bitcast3A_311, %mul3A_316 : vector<16xf32>
      %add3A_318 = arith.addf %add3A_297, %mul3A_317 : vector<16xf32>
      %mul3A_319 = vector.broadcast %squeeze3A_302 : f32 to vector<16xf32>
      %mul3A_320 = arith.mulf %bitcast3A_315, %mul3A_319 : vector<16xf32>
      %add3A_321 = arith.addf %add3A_300, %mul3A_320 : vector<16xf32>
      %slice3A_322 = vector.extract_strided_slice %get3A_158 {offsets = [8], sizes = [1], strides = [1]} : vector<16xf32> to vector<1xf32>
      %squeeze3A_323 = vector.extract %slice3A_322[0] : f32 from vector<1xf32>
      %add3A_324 = arith.constant 8 : i32
      %add3A_325 = arith.addi %mul3A_155, %add3A_324 : i32
      %get3A_326 = arith.index_cast %add3A_325 : i32 to index
      %get3A_327 = arith.constant 0 : index
      %get3A_328 = tpu.vector_load %arg13[%get3A_326, %get3A_327] {strides = array<i32>} : memref<1600x16xi32, #tpu.memory_space<vmem>>, vector<16xi32>,
      %shift_left3A_329 = arith.constant 16 : i32
      %shift_left3A_330 = vector.broadcast %shift_left3A_329 : i32 to vector<16xi32>
      %shift_left3A_331 = arith.shli %get3A_328, %shift_left3A_330 : vector<16xi32>
      %bitcast3A_332 = vector.bitcast %shift_left3A_331 : vector<16xi32> to vector<16xf32>
      %and3A_333 = arith.constant -65536 : i32
      %and3A_334 = vector.broadcast %and3A_333 : i32 to vector<16xi32>
      %and3A_335 = arith.andi %get3A_328, %and3A_334 : vector<16xi32>
      %bitcast3A_336 = vector.bitcast %and3A_335 : vector<16xi32> to vector<16xf32>
      %mul3A_337 = vector.broadcast %squeeze3A_323 : f32 to vector<16xf32>
      %mul3A_338 = arith.mulf %bitcast3A_332, %mul3A_337 : vector<16xf32>
      %add3A_339 = arith.addf %add3A_318, %mul3A_338 : vector<16xf32>
      %mul3A_340 = vector.broadcast %squeeze3A_323 : f32 to vector<16xf32>
      %mul3A_341 = arith.mulf %bitcast3A_336, %mul3A_340 : vector<16xf32>
      %add3A_342 = arith.addf %add3A_321, %mul3A_341 : vector<16xf32>
      %slice3A_343 = vector.extract_strided_slice %get3A_158 {offsets = [9], sizes = [1], strides = [1]} : vector<16xf32> to vector<1xf32>
      %squeeze3A_344 = vector.extract %slice3A_343[0] : f32 from vector<1xf32>
      %add3A_345 = arith.constant 9 : i32
      %add3A_346 = arith.addi %mul3A_155, %add3A_345 : i32
      %get3A_347 = arith.index_cast %add3A_346 : i32 to index
      %get3A_348 = arith.constant 0 : index
      %get3A_349 = tpu.vector_load %arg13[%get3A_347, %get3A_348] {strides = array<i32>} : memref<1600x16xi32, #tpu.memory_space<vmem>>, vector<16xi32>,
      %shift_left3A_350 = arith.constant 16 : i32
      %shift_left3A_351 = vector.broadcast %shift_left3A_350 : i32 to vector<16xi32>
      %shift_left3A_352 = arith.shli %get3A_349, %shift_left3A_351 : vector<16xi32>
      %bitcast3A_353 = vector.bitcast %shift_left3A_352 : vector<16xi32> to vector<16xf32>
      %and3A_354 = arith.constant -65536 : i32
      %and3A_355 = vector.broadcast %and3A_354 : i32 to vector<16xi32>
      %and3A_356 = arith.andi %get3A_349, %and3A_355 : vector<16xi32>
      %bitcast3A_357 = vector.bitcast %and3A_356 : vector<16xi32> to vector<16xf32>
      %mul3A_358 = vector.broadcast %squeeze3A_344 : f32 to vector<16xf32>
      %mul3A_359 = arith.mulf %bitcast3A_353, %mul3A_358 : vector<16xf32>
      %add3A_360 = arith.addf %add3A_339, %mul3A_359 : vector<16xf32>
      %mul3A_361 = vector.broadcast %squeeze3A_344 : f32 to vector<16xf32>
      %mul3A_362 = arith.mulf %bitcast3A_357, %mul3A_361 : vector<16xf32>
      %add3A_363 = arith.addf %add3A_342, %mul3A_362 : vector<16xf32>
      %slice3A_364 = vector.extract_strided_slice %get3A_158 {offsets = [10], sizes = [1], strides = [1]} : vector<16xf32> to vector<1xf32>
      %squeeze3A_365 = vector.extract %slice3A_364[0] : f32 from vector<1xf32>
      %add3A_366 = arith.constant 10 : i32
      %add3A_367 = arith.addi %mul3A_155, %add3A_366 : i32
      %get3A_368 = arith.index_cast %add3A_367 : i32 to index
      %get3A_369 = arith.constant 0 : index
      %get3A_370 = tpu.vector_load %arg13[%get3A_368, %get3A_369] {strides = array<i32>} : memref<1600x16xi32, #tpu.memory_space<vmem>>, vector<16xi32>,
      %shift_left3A_371 = arith.constant 16 : i32
      %shift_left3A_372 = vector.broadcast %shift_left3A_371 : i32 to vector<16xi32>
      %shift_left3A_373 = arith.shli %get3A_370, %shift_left3A_372 : vector<16xi32>
      %bitcast3A_374 = vector.bitcast %shift_left3A_373 : vector<16xi32> to vector<16xf32>
      %and3A_375 = arith.constant -65536 : i32
      %and3A_376 = vector.broadcast %and3A_375 : i32 to vector<16xi32>
      %and3A_377 = arith.andi %get3A_370, %and3A_376 : vector<16xi32>
      %bitcast3A_378 = vector.bitcast %and3A_377 : vector<16xi32> to vector<16xf32>
      %mul3A_379 = vector.broadcast %squeeze3A_365 : f32 to vector<16xf32>
      %mul3A_380 = arith.mulf %bitcast3A_374, %mul3A_379 : vector<16xf32>
      %add3A_381 = arith.addf %add3A_360, %mul3A_380 : vector<16xf32>
      %mul3A_382 = vector.broadcast %squeeze3A_365 : f32 to vector<16xf32>
      %mul3A_383 = arith.mulf %bitcast3A_378, %mul3A_382 : vector<16xf32>
      %add3A_384 = arith.addf %add3A_363, %mul3A_383 : vector<16xf32>
      %slice3A_385 = vector.extract_strided_slice %get3A_158 {offsets = [11], sizes = [1], strides = [1]} : vector<16xf32> to vector<1xf32>
      %squeeze3A_386 = vector.extract %slice3A_385[0] : f32 from vector<1xf32>
      %add3A_387 = arith.constant 11 : i32
      %add3A_388 = arith.addi %mul3A_155, %add3A_387 : i32
      %get3A_389 = arith.index_cast %add3A_388 : i32 to index
      %get3A_390 = arith.constant 0 : index
      %get3A_391 = tpu.vector_load %arg13[%get3A_389, %get3A_390] {strides = array<i32>} : memref<1600x16xi32, #tpu.memory_space<vmem>>, vector<16xi32>,
      %shift_left3A_392 = arith.constant 16 : i32
      %shift_left3A_393 = vector.broadcast %shift_left3A_392 : i32 to vector<16xi32>
      %shift_left3A_394 = arith.shli %get3A_391, %shift_left3A_393 : vector<16xi32>
      %bitcast3A_395 = vector.bitcast %shift_left3A_394 : vector<16xi32> to vector<16xf32>
      %and3A_396 = arith.constant -65536 : i32
      %and3A_397 = vector.broadcast %and3A_396 : i32 to vector<16xi32>
      %and3A_398 = arith.andi %get3A_391, %and3A_397 : vector<16xi32>
      %bitcast3A_399 = vector.bitcast %and3A_398 : vector<16xi32> to vector<16xf32>
      %mul3A_400 = vector.broadcast %squeeze3A_386 : f32 to vector<16xf32>
      %mul3A_401 = arith.mulf %bitcast3A_395, %mul3A_400 : vector<16xf32>
      %add3A_402 = arith.addf %add3A_381, %mul3A_401 : vector<16xf32>
      %mul3A_403 = vector.broadcast %squeeze3A_386 : f32 to vector<16xf32>
      %mul3A_404 = arith.mulf %bitcast3A_399, %mul3A_403 : vector<16xf32>
      %add3A_405 = arith.addf %add3A_384, %mul3A_404 : vector<16xf32>
      %slice3A_406 = vector.extract_strided_slice %get3A_158 {offsets = [12], sizes = [1], strides = [1]} : vector<16xf32> to vector<1xf32>
      %squeeze3A_407 = vector.extract %slice3A_406[0] : f32 from vector<1xf32>
      %add3A_408 = arith.constant 12 : i32
      %add3A_409 = arith.addi %mul3A_155, %add3A_408 : i32
      %get3A_410 = arith.index_cast %add3A_409 : i32 to index
      %get3A_411 = arith.constant 0 : index
      %get3A_412 = tpu.vector_load %arg13[%get3A_410, %get3A_411] {strides = array<i32>} : memref<1600x16xi32, #tpu.memory_space<vmem>>, vector<16xi32>,
      %shift_left3A_413 = arith.constant 16 : i32
      %shift_left3A_414 = vector.broadcast %shift_left3A_413 : i32 to vector<16xi32>
      %shift_left3A_415 = arith.shli %get3A_412, %shift_left3A_414 : vector<16xi32>
      %bitcast3A_416 = vector.bitcast %shift_left3A_415 : vector<16xi32> to vector<16xf32>
      %and3A_417 = arith.constant -65536 : i32
      %and3A_418 = vector.broadcast %and3A_417 : i32 to vector<16xi32>
      %and3A_419 = arith.andi %get3A_412, %and3A_418 : vector<16xi32>
      %bitcast3A_420 = vector.bitcast %and3A_419 : vector<16xi32> to vector<16xf32>
      %mul3A_421 = vector.broadcast %squeeze3A_407 : f32 to vector<16xf32>
      %mul3A_422 = arith.mulf %bitcast3A_416, %mul3A_421 : vector<16xf32>
      %add3A_423 = arith.addf %add3A_402, %mul3A_422 : vector<16xf32>
      %mul3A_424 = vector.broadcast %squeeze3A_407 : f32 to vector<16xf32>
      %mul3A_425 = arith.mulf %bitcast3A_420, %mul3A_424 : vector<16xf32>
      %add3A_426 = arith.addf %add3A_405, %mul3A_425 : vector<16xf32>
      %slice3A_427 = vector.extract_strided_slice %get3A_158 {offsets = [13], sizes = [1], strides = [1]} : vector<16xf32> to vector<1xf32>
      %squeeze3A_428 = vector.extract %slice3A_427[0] : f32 from vector<1xf32>
      %add3A_429 = arith.constant 13 : i32
      %add3A_430 = arith.addi %mul3A_155, %add3A_429 : i32
      %get3A_431 = arith.index_cast %add3A_430 : i32 to index
      %get3A_432 = arith.constant 0 : index
      %get3A_433 = tpu.vector_load %arg13[%get3A_431, %get3A_432] {strides = array<i32>} : memref<1600x16xi32, #tpu.memory_space<vmem>>, vector<16xi32>,
      %shift_left3A_434 = arith.constant 16 : i32
      %shift_left3A_435 = vector.broadcast %shift_left3A_434 : i32 to vector<16xi32>
      %shift_left3A_436 = arith.shli %get3A_433, %shift_left3A_435 : vector<16xi32>
      %bitcast3A_437 = vector.bitcast %shift_left3A_436 : vector<16xi32> to vector<16xf32>
      %and3A_438 = arith.constant -65536 : i32
      %and3A_439 = vector.broadcast %and3A_438 : i32 to vector<16xi32>
      %and3A_440 = arith.andi %get3A_433, %and3A_439 : vector<16xi32>
      %bitcast3A_441 = vector.bitcast %and3A_440 : vector<16xi32> to vector<16xf32>
      %mul3A_442 = vector.broadcast %squeeze3A_428 : f32 to vector<16xf32>
      %mul3A_443 = arith.mulf %bitcast3A_437, %mul3A_442 : vector<16xf32>
      %add3A_444 = arith.addf %add3A_423, %mul3A_443 : vector<16xf32>
      %mul3A_445 = vector.broadcast %squeeze3A_428 : f32 to vector<16xf32>
      %mul3A_446 = arith.mulf %bitcast3A_441, %mul3A_445 : vector<16xf32>
      %add3A_447 = arith.addf %add3A_426, %mul3A_446 : vector<16xf32>
      %slice3A_448 = vector.extract_strided_slice %get3A_158 {offsets = [14], sizes = [1], strides = [1]} : vector<16xf32> to vector<1xf32>
      %squeeze3A_449 = vector.extract %slice3A_448[0] : f32 from vector<1xf32>
      %add3A_450 = arith.constant 14 : i32
      %add3A_451 = arith.addi %mul3A_155, %add3A_450 : i32
      %get3A_452 = arith.index_cast %add3A_451 : i32 to index
      %get3A_453 = arith.constant 0 : index
      %get3A_454 = tpu.vector_load %arg13[%get3A_452, %get3A_453] {strides = array<i32>} : memref<1600x16xi32, #tpu.memory_space<vmem>>, vector<16xi32>,
      %shift_left3A_455 = arith.constant 16 : i32
      %shift_left3A_456 = vector.broadcast %shift_left3A_455 : i32 to vector<16xi32>
      %shift_left3A_457 = arith.shli %get3A_454, %shift_left3A_456 : vector<16xi32>
      %bitcast3A_458 = vector.bitcast %shift_left3A_457 : vector<16xi32> to vector<16xf32>
      %and3A_459 = arith.constant -65536 : i32
      %and3A_460 = vector.broadcast %and3A_459 : i32 to vector<16xi32>
      %and3A_461 = arith.andi %get3A_454, %and3A_460 : vector<16xi32>
      %bitcast3A_462 = vector.bitcast %and3A_461 : vector<16xi32> to vector<16xf32>
      %mul3A_463 = vector.broadcast %squeeze3A_449 : f32 to vector<16xf32>
      %mul3A_464 = arith.mulf %bitcast3A_458, %mul3A_463 : vector<16xf32>
      %add3A_465 = arith.addf %add3A_444, %mul3A_464 : vector<16xf32>
      %mul3A_466 = vector.broadcast %squeeze3A_449 : f32 to vector<16xf32>
      %mul3A_467 = arith.mulf %bitcast3A_462, %mul3A_466 : vector<16xf32>
      %add3A_468 = arith.addf %add3A_447, %mul3A_467 : vector<16xf32>
      %slice3A_469 = vector.extract_strided_slice %get3A_158 {offsets = [15], sizes = [1], strides = [1]} : vector<16xf32> to vector<1xf32>
      %squeeze3A_470 = vector.extract %slice3A_469[0] : f32 from vector<1xf32>
      %add3A_471 = arith.constant 15 : i32
      %add3A_472 = arith.addi %mul3A_155, %add3A_471 : i32
      %get3A_473 = arith.index_cast %add3A_472 : i32 to index
      %get3A_474 = arith.constant 0 : index
      %get3A_475 = tpu.vector_load %arg13[%get3A_473, %get3A_474] {strides = array<i32>} : memref<1600x16xi32, #tpu.memory_space<vmem>>, vector<16xi32>,
      %shift_left3A_476 = arith.constant 16 : i32
      %shift_left3A_477 = vector.broadcast %shift_left3A_476 : i32 to vector<16xi32>
      %shift_left3A_478 = arith.shli %get3A_475, %shift_left3A_477 : vector<16xi32>
      %bitcast3A_479 = vector.bitcast %shift_left3A_478 : vector<16xi32> to vector<16xf32>
      %and3A_480 = arith.constant -65536 : i32
      %and3A_481 = vector.broadcast %and3A_480 : i32 to vector<16xi32>
      %and3A_482 = arith.andi %get3A_475, %and3A_481 : vector<16xi32>
      %bitcast3A_483 = vector.bitcast %and3A_482 : vector<16xi32> to vector<16xf32>
      %mul3A_484 = vector.broadcast %squeeze3A_470 : f32 to vector<16xf32>
      %mul3A_485 = arith.mulf %bitcast3A_479, %mul3A_484 : vector<16xf32>
      %add3A_486 = arith.addf %add3A_465, %mul3A_485 : vector<16xf32>
      %mul3A_487 = vector.broadcast %squeeze3A_470 : f32 to vector<16xf32>
      %mul3A_488 = arith.mulf %bitcast3A_483, %mul3A_487 : vector<16xf32>
      %add3A_489 = arith.addf %add3A_468, %mul3A_488 : vector<16xf32>
      %add3A_490 = arith.constant 16 : i32
      %add3A_491 = arith.addi %mul3A_155, %add3A_490 : i32
      %get3A_492 = arith.index_cast %add3A_491 : i32 to index
      %get3A_493 = tpu.vector_load %arg15[%get3A_492] {strides = array<i32>} : memref<1616xf32, #tpu.memory_space<vmem>>, vector<16xf32>,
      %slice3A_494 = vector.extract_strided_slice %get3A_493 {offsets = [0], sizes = [1], strides = [1]} : vector<16xf32> to vector<1xf32>
      %squeeze3A_495 = vector.extract %slice3A_494[0] : f32 from vector<1xf32>
      %add3A_496 = arith.constant 16 : i32
      %add3A_497 = arith.addi %mul3A_155, %add3A_496 : i32
      %get3A_498 = arith.index_cast %add3A_497 : i32 to index
      %get3A_499 = arith.constant 0 : index
      %get3A_500 = tpu.vector_load %arg13[%get3A_498, %get3A_499] {strides = array<i32>} : memref<1600x16xi32, #tpu.memory_space<vmem>>, vector<16xi32>,
      %shift_left3A_501 = arith.constant 16 : i32
      %shift_left3A_502 = vector.broadcast %shift_left3A_501 : i32 to vector<16xi32>
      %shift_left3A_503 = arith.shli %get3A_500, %shift_left3A_502 : vector<16xi32>
      %bitcast3A_504 = vector.bitcast %shift_left3A_503 : vector<16xi32> to vector<16xf32>
      %and3A_505 = arith.constant -65536 : i32
      %and3A_506 = vector.broadcast %and3A_505 : i32 to vector<16xi32>
      %and3A_507 = arith.andi %get3A_500, %and3A_506 : vector<16xi32>
      %bitcast3A_508 = vector.bitcast %and3A_507 : vector<16xi32> to vector<16xf32>
      %mul3A_509 = vector.broadcast %squeeze3A_495 : f32 to vector<16xf32>
      %mul3A_510 = arith.mulf %bitcast3A_504, %mul3A_509 : vector<16xf32>
      %add3A_511 = arith.addf %add3A_486, %mul3A_510 : vector<16xf32>
      %mul3A_512 = vector.broadcast %squeeze3A_495 : f32 to vector<16xf32>
      %mul3A_513 = arith.mulf %bitcast3A_508, %mul3A_512 : vector<16xf32>
      %add3A_514 = arith.addf %add3A_489, %mul3A_513 : vector<16xf32>
      %slice3A_515 = vector.extract_strided_slice %get3A_493 {offsets = [1], sizes = [1], strides = [1]} : vector<16xf32> to vector<1xf32>
      %squeeze3A_516 = vector.extract %slice3A_515[0] : f32 from vector<1xf32>
      %add3A_517 = arith.constant 17 : i32
      %add3A_518 = arith.addi %mul3A_155, %add3A_517 : i32
      %get3A_519 = arith.index_cast %add3A_518 : i32 to index
      %get3A_520 = arith.constant 0 : index
      %get3A_521 = tpu.vector_load %arg13[%get3A_519, %get3A_520] {strides = array<i32>} : memref<1600x16xi32, #tpu.memory_space<vmem>>, vector<16xi32>,
      %shift_left3A_522 = arith.constant 16 : i32
      %shift_left3A_523 = vector.broadcast %shift_left3A_522 : i32 to vector<16xi32>
      %shift_left3A_524 = arith.shli %get3A_521, %shift_left3A_523 : vector<16xi32>
      %bitcast3A_525 = vector.bitcast %shift_left3A_524 : vector<16xi32> to vector<16xf32>
      %and3A_526 = arith.constant -65536 : i32
      %and3A_527 = vector.broadcast %and3A_526 : i32 to vector<16xi32>
      %and3A_528 = arith.andi %get3A_521, %and3A_527 : vector<16xi32>
      %bitcast3A_529 = vector.bitcast %and3A_528 : vector<16xi32> to vector<16xf32>
      %mul3A_530 = vector.broadcast %squeeze3A_516 : f32 to vector<16xf32>
      %mul3A_531 = arith.mulf %bitcast3A_525, %mul3A_530 : vector<16xf32>
      %add3A_532 = arith.addf %add3A_511, %mul3A_531 : vector<16xf32>
      %mul3A_533 = vector.broadcast %squeeze3A_516 : f32 to vector<16xf32>
      %mul3A_534 = arith.mulf %bitcast3A_529, %mul3A_533 : vector<16xf32>
      %add3A_535 = arith.addf %add3A_514, %mul3A_534 : vector<16xf32>
      %slice3A_536 = vector.extract_strided_slice %get3A_493 {offsets = [2], sizes = [1], strides = [1]} : vector<16xf32> to vector<1xf32>
      %squeeze3A_537 = vector.extract %slice3A_536[0] : f32 from vector<1xf32>
      %add3A_538 = arith.constant 18 : i32
      %add3A_539 = arith.addi %mul3A_155, %add3A_538 : i32
      %get3A_540 = arith.index_cast %add3A_539 : i32 to index
      %get3A_541 = arith.constant 0 : index
      %get3A_542 = tpu.vector_load %arg13[%get3A_540, %get3A_541] {strides = array<i32>} : memref<1600x16xi32, #tpu.memory_space<vmem>>, vector<16xi32>,
      %shift_left3A_543 = arith.constant 16 : i32
      %shift_left3A_544 = vector.broadcast %shift_left3A_543 : i32 to vector<16xi32>
      %shift_left3A_545 = arith.shli %get3A_542, %shift_left3A_544 : vector<16xi32>
      %bitcast3A_546 = vector.bitcast %shift_left3A_545 : vector<16xi32> to vector<16xf32>
      %and3A_547 = arith.constant -65536 : i32
      %and3A_548 = vector.broadcast %and3A_547 : i32 to vector<16xi32>
      %and3A_549 = arith.andi %get3A_542, %and3A_548 : vector<16xi32>
      %bitcast3A_550 = vector.bitcast %and3A_549 : vector<16xi32> to vector<16xf32>
      %mul3A_551 = vector.broadcast %squeeze3A_537 : f32 to vector<16xf32>
      %mul3A_552 = arith.mulf %bitcast3A_546, %mul3A_551 : vector<16xf32>
      %add3A_553 = arith.addf %add3A_532, %mul3A_552 : vector<16xf32>
      %mul3A_554 = vector.broadcast %squeeze3A_537 : f32 to vector<16xf32>
      %mul3A_555 = arith.mulf %bitcast3A_550, %mul3A_554 : vector<16xf32>
      %add3A_556 = arith.addf %add3A_535, %mul3A_555 : vector<16xf32>
      %slice3A_557 = vector.extract_strided_slice %get3A_493 {offsets = [3], sizes = [1], strides = [1]} : vector<16xf32> to vector<1xf32>
      %squeeze3A_558 = vector.extract %slice3A_557[0] : f32 from vector<1xf32>
      %add3A_559 = arith.constant 19 : i32
      %add3A_560 = arith.addi %mul3A_155, %add3A_559 : i32
      %get3A_561 = arith.index_cast %add3A_560 : i32 to index
      %get3A_562 = arith.constant 0 : index
      %get3A_563 = tpu.vector_load %arg13[%get3A_561, %get3A_562] {strides = array<i32>} : memref<1600x16xi32, #tpu.memory_space<vmem>>, vector<16xi32>,
      %shift_left3A_564 = arith.constant 16 : i32
      %shift_left3A_565 = vector.broadcast %shift_left3A_564 : i32 to vector<16xi32>
      %shift_left3A_566 = arith.shli %get3A_563, %shift_left3A_565 : vector<16xi32>
      %bitcast3A_567 = vector.bitcast %shift_left3A_566 : vector<16xi32> to vector<16xf32>
      %and3A_568 = arith.constant -65536 : i32
      %and3A_569 = vector.broadcast %and3A_568 : i32 to vector<16xi32>
      %and3A_570 = arith.andi %get3A_563, %and3A_569 : vector<16xi32>
      %bitcast3A_571 = vector.bitcast %and3A_570 : vector<16xi32> to vector<16xf32>
      %mul3A_572 = vector.broadcast %squeeze3A_558 : f32 to vector<16xf32>
      %mul3A_573 = arith.mulf %bitcast3A_567, %mul3A_572 : vector<16xf32>
      %add3A_574 = arith.addf %add3A_553, %mul3A_573 : vector<16xf32>
      %mul3A_575 = vector.broadcast %squeeze3A_558 : f32 to vector<16xf32>
      %mul3A_576 = arith.mulf %bitcast3A_571, %mul3A_575 : vector<16xf32>
      %add3A_577 = arith.addf %add3A_556, %mul3A_576 : vector<16xf32>
      %slice3A_578 = vector.extract_strided_slice %get3A_493 {offsets = [4], sizes = [1], strides = [1]} : vector<16xf32> to vector<1xf32>
      %squeeze3A_579 = vector.extract %slice3A_578[0] : f32 from vector<1xf32>
      %add3A_580 = arith.constant 20 : i32
      %add3A_581 = arith.addi %mul3A_155, %add3A_580 : i32
      %get3A_582 = arith.index_cast %add3A_581 : i32 to index
      %get3A_583 = arith.constant 0 : index
      %get3A_584 = tpu.vector_load %arg13[%get3A_582, %get3A_583] {strides = array<i32>} : memref<1600x16xi32, #tpu.memory_space<vmem>>, vector<16xi32>,
      %shift_left3A_585 = arith.constant 16 : i32
      %shift_left3A_586 = vector.broadcast %shift_left3A_585 : i32 to vector<16xi32>
      %shift_left3A_587 = arith.shli %get3A_584, %shift_left3A_586 : vector<16xi32>
      %bitcast3A_588 = vector.bitcast %shift_left3A_587 : vector<16xi32> to vector<16xf32>
      %and3A_589 = arith.constant -65536 : i32
      %and3A_590 = vector.broadcast %and3A_589 : i32 to vector<16xi32>
      %and3A_591 = arith.andi %get3A_584, %and3A_590 : vector<16xi32>
      %bitcast3A_592 = vector.bitcast %and3A_591 : vector<16xi32> to vector<16xf32>
      %mul3A_593 = vector.broadcast %squeeze3A_579 : f32 to vector<16xf32>
      %mul3A_594 = arith.mulf %bitcast3A_588, %mul3A_593 : vector<16xf32>
      %add3A_595 = arith.addf %add3A_574, %mul3A_594 : vector<16xf32>
      %mul3A_596 = vector.broadcast %squeeze3A_579 : f32 to vector<16xf32>
      %mul3A_597 = arith.mulf %bitcast3A_592, %mul3A_596 : vector<16xf32>
      %add3A_598 = arith.addf %add3A_577, %mul3A_597 : vector<16xf32>
      %slice3A_599 = vector.extract_strided_slice %get3A_493 {offsets = [5], sizes = [1], strides = [1]} : vector<16xf32> to vector<1xf32>
      %squeeze3A_600 = vector.extract %slice3A_599[0] : f32 from vector<1xf32>
      %add3A_601 = arith.constant 21 : i32
      %add3A_602 = arith.addi %mul3A_155, %add3A_601 : i32
      %get3A_603 = arith.index_cast %add3A_602 : i32 to index
      %get3A_604 = arith.constant 0 : index
      %get3A_605 = tpu.vector_load %arg13[%get3A_603, %get3A_604] {strides = array<i32>} : memref<1600x16xi32, #tpu.memory_space<vmem>>, vector<16xi32>,
      %shift_left3A_606 = arith.constant 16 : i32
      %shift_left3A_607 = vector.broadcast %shift_left3A_606 : i32 to vector<16xi32>
      %shift_left3A_608 = arith.shli %get3A_605, %shift_left3A_607 : vector<16xi32>
      %bitcast3A_609 = vector.bitcast %shift_left3A_608 : vector<16xi32> to vector<16xf32>
      %and3A_610 = arith.constant -65536 : i32
      %and3A_611 = vector.broadcast %and3A_610 : i32 to vector<16xi32>
      %and3A_612 = arith.andi %get3A_605, %and3A_611 : vector<16xi32>
      %bitcast3A_613 = vector.bitcast %and3A_612 : vector<16xi32> to vector<16xf32>
      %mul3A_614 = vector.broadcast %squeeze3A_600 : f32 to vector<16xf32>
      %mul3A_615 = arith.mulf %bitcast3A_609, %mul3A_614 : vector<16xf32>
      %add3A_616 = arith.addf %add3A_595, %mul3A_615 : vector<16xf32>
      %mul3A_617 = vector.broadcast %squeeze3A_600 : f32 to vector<16xf32>
      %mul3A_618 = arith.mulf %bitcast3A_613, %mul3A_617 : vector<16xf32>
      %add3A_619 = arith.addf %add3A_598, %mul3A_618 : vector<16xf32>
      %slice3A_620 = vector.extract_strided_slice %get3A_493 {offsets = [6], sizes = [1], strides = [1]} : vector<16xf32> to vector<1xf32>
      %squeeze3A_621 = vector.extract %slice3A_620[0] : f32 from vector<1xf32>
      %add3A_622 = arith.constant 22 : i32
      %add3A_623 = arith.addi %mul3A_155, %add3A_622 : i32
      %get3A_624 = arith.index_cast %add3A_623 : i32 to index
      %get3A_625 = arith.constant 0 : index
      %get3A_626 = tpu.vector_load %arg13[%get3A_624, %get3A_625] {strides = array<i32>} : memref<1600x16xi32, #tpu.memory_space<vmem>>, vector<16xi32>,
      %shift_left3A_627 = arith.constant 16 : i32
      %shift_left3A_628 = vector.broadcast %shift_left3A_627 : i32 to vector<16xi32>
      %shift_left3A_629 = arith.shli %get3A_626, %shift_left3A_628 : vector<16xi32>
      %bitcast3A_630 = vector.bitcast %shift_left3A_629 : vector<16xi32> to vector<16xf32>
      %and3A_631 = arith.constant -65536 : i32
      %and3A_632 = vector.broadcast %and3A_631 : i32 to vector<16xi32>
      %and3A_633 = arith.andi %get3A_626, %and3A_632 : vector<16xi32>
      %bitcast3A_634 = vector.bitcast %and3A_633 : vector<16xi32> to vector<16xf32>
      %mul3A_635 = vector.broadcast %squeeze3A_621 : f32 to vector<16xf32>
      %mul3A_636 = arith.mulf %bitcast3A_630, %mul3A_635 : vector<16xf32>
      %add3A_637 = arith.addf %add3A_616, %mul3A_636 : vector<16xf32>
      %mul3A_638 = vector.broadcast %squeeze3A_621 : f32 to vector<16xf32>
      %mul3A_639 = arith.mulf %bitcast3A_634, %mul3A_638 : vector<16xf32>
      %add3A_640 = arith.addf %add3A_619, %mul3A_639 : vector<16xf32>
      %slice3A_641 = vector.extract_strided_slice %get3A_493 {offsets = [7], sizes = [1], strides = [1]} : vector<16xf32> to vector<1xf32>
      %squeeze3A_642 = vector.extract %slice3A_641[0] : f32 from vector<1xf32>
      %add3A_643 = arith.constant 23 : i32
      %add3A_644 = arith.addi %mul3A_155, %add3A_643 : i32
      %get3A_645 = arith.index_cast %add3A_644 : i32 to index
      %get3A_646 = arith.constant 0 : index
      %get3A_647 = tpu.vector_load %arg13[%get3A_645, %get3A_646] {strides = array<i32>} : memref<1600x16xi32, #tpu.memory_space<vmem>>, vector<16xi32>,
      %shift_left3A_648 = arith.constant 16 : i32
      %shift_left3A_649 = vector.broadcast %shift_left3A_648 : i32 to vector<16xi32>
      %shift_left3A_650 = arith.shli %get3A_647, %shift_left3A_649 : vector<16xi32>
      %bitcast3A_651 = vector.bitcast %shift_left3A_650 : vector<16xi32> to vector<16xf32>
      %and3A_652 = arith.constant -65536 : i32
      %and3A_653 = vector.broadcast %and3A_652 : i32 to vector<16xi32>
      %and3A_654 = arith.andi %get3A_647, %and3A_653 : vector<16xi32>
      %bitcast3A_655 = vector.bitcast %and3A_654 : vector<16xi32> to vector<16xf32>
      %mul3A_656 = vector.broadcast %squeeze3A_642 : f32 to vector<16xf32>
      %mul3A_657 = arith.mulf %bitcast3A_651, %mul3A_656 : vector<16xf32>
      %add3A_658 = arith.addf %add3A_637, %mul3A_657 : vector<16xf32>
      %mul3A_659 = vector.broadcast %squeeze3A_642 : f32 to vector<16xf32>
      %mul3A_660 = arith.mulf %bitcast3A_655, %mul3A_659 : vector<16xf32>
      %add3A_661 = arith.addf %add3A_640, %mul3A_660 : vector<16xf32>
      %slice3A_662 = vector.extract_strided_slice %get3A_493 {offsets = [8], sizes = [1], strides = [1]} : vector<16xf32> to vector<1xf32>
      %squeeze3A_663 = vector.extract %slice3A_662[0] : f32 from vector<1xf32>
      %add3A_664 = arith.constant 24 : i32
      %add3A_665 = arith.addi %mul3A_155, %add3A_664 : i32
      %get3A_666 = arith.index_cast %add3A_665 : i32 to index
      %get3A_667 = arith.constant 0 : index
      %get3A_668 = tpu.vector_load %arg13[%get3A_666, %get3A_667] {strides = array<i32>} : memref<1600x16xi32, #tpu.memory_space<vmem>>, vector<16xi32>,
      %shift_left3A_669 = arith.constant 16 : i32
      %shift_left3A_670 = vector.broadcast %shift_left3A_669 : i32 to vector<16xi32>
      %shift_left3A_671 = arith.shli %get3A_668, %shift_left3A_670 : vector<16xi32>
      %bitcast3A_672 = vector.bitcast %shift_left3A_671 : vector<16xi32> to vector<16xf32>
      %and3A_673 = arith.constant -65536 : i32
      %and3A_674 = vector.broadcast %and3A_673 : i32 to vector<16xi32>
      %and3A_675 = arith.andi %get3A_668, %and3A_674 : vector<16xi32>
      %bitcast3A_676 = vector.bitcast %and3A_675 : vector<16xi32> to vector<16xf32>
      %mul3A_677 = vector.broadcast %squeeze3A_663 : f32 to vector<16xf32>
      %mul3A_678 = arith.mulf %bitcast3A_672, %mul3A_677 : vector<16xf32>
      %add3A_679 = arith.addf %add3A_658, %mul3A_678 : vector<16xf32>
      %mul3A_680 = vector.broadcast %squeeze3A_663 : f32 to vector<16xf32>
      %mul3A_681 = arith.mulf %bitcast3A_676, %mul3A_680 : vector<16xf32>
      %add3A_682 = arith.addf %add3A_661, %mul3A_681 : vector<16xf32>
      %slice3A_683 = vector.extract_strided_slice %get3A_493 {offsets = [9], sizes = [1], strides = [1]} : vector<16xf32> to vector<1xf32>
      %squeeze3A_684 = vector.extract %slice3A_683[0] : f32 from vector<1xf32>
      %add3A_685 = arith.constant 25 : i32
      %add3A_686 = arith.addi %mul3A_155, %add3A_685 : i32
      %get3A_687 = arith.index_cast %add3A_686 : i32 to index
      %get3A_688 = arith.constant 0 : index
      %get3A_689 = tpu.vector_load %arg13[%get3A_687, %get3A_688] {strides = array<i32>} : memref<1600x16xi32, #tpu.memory_space<vmem>>, vector<16xi32>,
      %shift_left3A_690 = arith.constant 16 : i32
      %shift_left3A_691 = vector.broadcast %shift_left3A_690 : i32 to vector<16xi32>
      %shift_left3A_692 = arith.shli %get3A_689, %shift_left3A_691 : vector<16xi32>
      %bitcast3A_693 = vector.bitcast %shift_left3A_692 : vector<16xi32> to vector<16xf32>
      %and3A_694 = arith.constant -65536 : i32
      %and3A_695 = vector.broadcast %and3A_694 : i32 to vector<16xi32>
      %and3A_696 = arith.andi %get3A_689, %and3A_695 : vector<16xi32>
      %bitcast3A_697 = vector.bitcast %and3A_696 : vector<16xi32> to vector<16xf32>
      %mul3A_698 = vector.broadcast %squeeze3A_684 : f32 to vector<16xf32>
      %mul3A_699 = arith.mulf %bitcast3A_693, %mul3A_698 : vector<16xf32>
      %add3A_700 = arith.addf %add3A_679, %mul3A_699 : vector<16xf32>
      %mul3A_701 = vector.broadcast %squeeze3A_684 : f32 to vector<16xf32>
      %mul3A_702 = arith.mulf %bitcast3A_697, %mul3A_701 : vector<16xf32>
      %add3A_703 = arith.addf %add3A_682, %mul3A_702 : vector<16xf32>
      %slice3A_704 = vector.extract_strided_slice %get3A_493 {offsets = [10], sizes = [1], strides = [1]} : vector<16xf32> to vector<1xf32>
      %squeeze3A_705 = vector.extract %slice3A_704[0] : f32 from vector<1xf32>
      %add3A_706 = arith.constant 26 : i32
      %add3A_707 = arith.addi %mul3A_155, %add3A_706 : i32
      %get3A_708 = arith.index_cast %add3A_707 : i32 to index
      %get3A_709 = arith.constant 0 : index
      %get3A_710 = tpu.vector_load %arg13[%get3A_708, %get3A_709] {strides = array<i32>} : memref<1600x16xi32, #tpu.memory_space<vmem>>, vector<16xi32>,
      %shift_left3A_711 = arith.constant 16 : i32
      %shift_left3A_712 = vector.broadcast %shift_left3A_711 : i32 to vector<16xi32>
      %shift_left3A_713 = arith.shli %get3A_710, %shift_left3A_712 : vector<16xi32>
      %bitcast3A_714 = vector.bitcast %shift_left3A_713 : vector<16xi32> to vector<16xf32>
      %and3A_715 = arith.constant -65536 : i32
      %and3A_716 = vector.broadcast %and3A_715 : i32 to vector<16xi32>
      %and3A_717 = arith.andi %get3A_710, %and3A_716 : vector<16xi32>
      %bitcast3A_718 = vector.bitcast %and3A_717 : vector<16xi32> to vector<16xf32>
      %mul3A_719 = vector.broadcast %squeeze3A_705 : f32 to vector<16xf32>
      %mul3A_720 = arith.mulf %bitcast3A_714, %mul3A_719 : vector<16xf32>
      %add3A_721 = arith.addf %add3A_700, %mul3A_720 : vector<16xf32>
      %mul3A_722 = vector.broadcast %squeeze3A_705 : f32 to vector<16xf32>
      %mul3A_723 = arith.mulf %bitcast3A_718, %mul3A_722 : vector<16xf32>
      %add3A_724 = arith.addf %add3A_703, %mul3A_723 : vector<16xf32>
      %slice3A_725 = vector.extract_strided_slice %get3A_493 {offsets = [11], sizes = [1], strides = [1]} : vector<16xf32> to vector<1xf32>
      %squeeze3A_726 = vector.extract %slice3A_725[0] : f32 from vector<1xf32>
      %add3A_727 = arith.constant 27 : i32
      %add3A_728 = arith.addi %mul3A_155, %add3A_727 : i32
      %get3A_729 = arith.index_cast %add3A_728 : i32 to index
      %get3A_730 = arith.constant 0 : index
      %get3A_731 = tpu.vector_load %arg13[%get3A_729, %get3A_730] {strides = array<i32>} : memref<1600x16xi32, #tpu.memory_space<vmem>>, vector<16xi32>,
      %shift_left3A_732 = arith.constant 16 : i32
      %shift_left3A_733 = vector.broadcast %shift_left3A_732 : i32 to vector<16xi32>
      %shift_left3A_734 = arith.shli %get3A_731, %shift_left3A_733 : vector<16xi32>
      %bitcast3A_735 = vector.bitcast %shift_left3A_734 : vector<16xi32> to vector<16xf32>
      %and3A_736 = arith.constant -65536 : i32
      %and3A_737 = vector.broadcast %and3A_736 : i32 to vector<16xi32>
      %and3A_738 = arith.andi %get3A_731, %and3A_737 : vector<16xi32>
      %bitcast3A_739 = vector.bitcast %and3A_738 : vector<16xi32> to vector<16xf32>
      %mul3A_740 = vector.broadcast %squeeze3A_726 : f32 to vector<16xf32>
      %mul3A_741 = arith.mulf %bitcast3A_735, %mul3A_740 : vector<16xf32>
      %add3A_742 = arith.addf %add3A_721, %mul3A_741 : vector<16xf32>
      %mul3A_743 = vector.broadcast %squeeze3A_726 : f32 to vector<16xf32>
      %mul3A_744 = arith.mulf %bitcast3A_739, %mul3A_743 : vector<16xf32>
      %add3A_745 = arith.addf %add3A_724, %mul3A_744 : vector<16xf32>
      %slice3A_746 = vector.extract_strided_slice %get3A_493 {offsets = [12], sizes = [1], strides = [1]} : vector<16xf32> to vector<1xf32>
      %squeeze3A_747 = vector.extract %slice3A_746[0] : f32 from vector<1xf32>
      %add3A_748 = arith.constant 28 : i32
      %add3A_749 = arith.addi %mul3A_155, %add3A_748 : i32
      %get3A_750 = arith.index_cast %add3A_749 : i32 to index
      %get3A_751 = arith.constant 0 : index
      %get3A_752 = tpu.vector_load %arg13[%get3A_750, %get3A_751] {strides = array<i32>} : memref<1600x16xi32, #tpu.memory_space<vmem>>, vector<16xi32>,
      %shift_left3A_753 = arith.constant 16 : i32
      %shift_left3A_754 = vector.broadcast %shift_left3A_753 : i32 to vector<16xi32>
      %shift_left3A_755 = arith.shli %get3A_752, %shift_left3A_754 : vector<16xi32>
      %bitcast3A_756 = vector.bitcast %shift_left3A_755 : vector<16xi32> to vector<16xf32>
      %and3A_757 = arith.constant -65536 : i32
      %and3A_758 = vector.broadcast %and3A_757 : i32 to vector<16xi32>
      %and3A_759 = arith.andi %get3A_752, %and3A_758 : vector<16xi32>
      %bitcast3A_760 = vector.bitcast %and3A_759 : vector<16xi32> to vector<16xf32>
      %mul3A_761 = vector.broadcast %squeeze3A_747 : f32 to vector<16xf32>
      %mul3A_762 = arith.mulf %bitcast3A_756, %mul3A_761 : vector<16xf32>
      %add3A_763 = arith.addf %add3A_742, %mul3A_762 : vector<16xf32>
      %mul3A_764 = vector.broadcast %squeeze3A_747 : f32 to vector<16xf32>
      %mul3A_765 = arith.mulf %bitcast3A_760, %mul3A_764 : vector<16xf32>
      %add3A_766 = arith.addf %add3A_745, %mul3A_765 : vector<16xf32>
      %slice3A_767 = vector.extract_strided_slice %get3A_493 {offsets = [13], sizes = [1], strides = [1]} : vector<16xf32> to vector<1xf32>
      %squeeze3A_768 = vector.extract %slice3A_767[0] : f32 from vector<1xf32>
      %add3A_769 = arith.constant 29 : i32
      %add3A_770 = arith.addi %mul3A_155, %add3A_769 : i32
      %get3A_771 = arith.index_cast %add3A_770 : i32 to index
      %get3A_772 = arith.constant 0 : index
      %get3A_773 = tpu.vector_load %arg13[%get3A_771, %get3A_772] {strides = array<i32>} : memref<1600x16xi32, #tpu.memory_space<vmem>>, vector<16xi32>,
      %shift_left3A_774 = arith.constant 16 : i32
      %shift_left3A_775 = vector.broadcast %shift_left3A_774 : i32 to vector<16xi32>
      %shift_left3A_776 = arith.shli %get3A_773, %shift_left3A_775 : vector<16xi32>
      %bitcast3A_777 = vector.bitcast %shift_left3A_776 : vector<16xi32> to vector<16xf32>
      %and3A_778 = arith.constant -65536 : i32
      %and3A_779 = vector.broadcast %and3A_778 : i32 to vector<16xi32>
      %and3A_780 = arith.andi %get3A_773, %and3A_779 : vector<16xi32>
      %bitcast3A_781 = vector.bitcast %and3A_780 : vector<16xi32> to vector<16xf32>
      %mul3A_782 = vector.broadcast %squeeze3A_768 : f32 to vector<16xf32>
      %mul3A_783 = arith.mulf %bitcast3A_777, %mul3A_782 : vector<16xf32>
      %add3A_784 = arith.addf %add3A_763, %mul3A_783 : vector<16xf32>
      %mul3A_785 = vector.broadcast %squeeze3A_768 : f32 to vector<16xf32>
      %mul3A_786 = arith.mulf %bitcast3A_781, %mul3A_785 : vector<16xf32>
      %add3A_787 = arith.addf %add3A_766, %mul3A_786 : vector<16xf32>
      %slice3A_788 = vector.extract_strided_slice %get3A_493 {offsets = [14], sizes = [1], strides = [1]} : vector<16xf32> to vector<1xf32>
      %squeeze3A_789 = vector.extract %slice3A_788[0] : f32 from vector<1xf32>
      %add3A_790 = arith.constant 30 : i32
      %add3A_791 = arith.addi %mul3A_155, %add3A_790 : i32
      %get3A_792 = arith.index_cast %add3A_791 : i32 to index
      %get3A_793 = arith.constant 0 : index
      %get3A_794 = tpu.vector_load %arg13[%get3A_792, %get3A_793] {strides = array<i32>} : memref<1600x16xi32, #tpu.memory_space<vmem>>, vector<16xi32>,
      %shift_left3A_795 = arith.constant 16 : i32
      %shift_left3A_796 = vector.broadcast %shift_left3A_795 : i32 to vector<16xi32>
      %shift_left3A_797 = arith.shli %get3A_794, %shift_left3A_796 : vector<16xi32>
      %bitcast3A_798 = vector.bitcast %shift_left3A_797 : vector<16xi32> to vector<16xf32>
      %and3A_799 = arith.constant -65536 : i32
      %and3A_800 = vector.broadcast %and3A_799 : i32 to vector<16xi32>
      %and3A_801 = arith.andi %get3A_794, %and3A_800 : vector<16xi32>
      %bitcast3A_802 = vector.bitcast %and3A_801 : vector<16xi32> to vector<16xf32>
      %mul3A_803 = vector.broadcast %squeeze3A_789 : f32 to vector<16xf32>
      %mul3A_804 = arith.mulf %bitcast3A_798, %mul3A_803 : vector<16xf32>
      %add3A_805 = arith.addf %add3A_784, %mul3A_804 : vector<16xf32>
      %mul3A_806 = vector.broadcast %squeeze3A_789 : f32 to vector<16xf32>
      %mul3A_807 = arith.mulf %bitcast3A_802, %mul3A_806 : vector<16xf32>
      %add3A_808 = arith.addf %add3A_787, %mul3A_807 : vector<16xf32>
      %slice3A_809 = vector.extract_strided_slice %get3A_493 {offsets = [15], sizes = [1], strides = [1]} : vector<16xf32> to vector<1xf32>
      %squeeze3A_810 = vector.extract %slice3A_809[0] : f32 from vector<1xf32>
      %add3A_811 = arith.constant 31 : i32
      %add3A_812 = arith.addi %mul3A_155, %add3A_811 : i32
      %get3A_813 = arith.index_cast %add3A_812 : i32 to index
      %get3A_814 = arith.constant 0 : index
      %get3A_815 = tpu.vector_load %arg13[%get3A_813, %get3A_814] {strides = array<i32>} : memref<1600x16xi32, #tpu.memory_space<vmem>>, vector<16xi32>,
      %shift_left3A_816 = arith.constant 16 : i32
      %shift_left3A_817 = vector.broadcast %shift_left3A_816 : i32 to vector<16xi32>
      %shift_left3A_818 = arith.shli %get3A_815, %shift_left3A_817 : vector<16xi32>
      %bitcast3A_819 = vector.bitcast %shift_left3A_818 : vector<16xi32> to vector<16xf32>
      %and3A_820 = arith.constant -65536 : i32
      %and3A_821 = vector.broadcast %and3A_820 : i32 to vector<16xi32>
      %and3A_822 = arith.andi %get3A_815, %and3A_821 : vector<16xi32>
      %bitcast3A_823 = vector.bitcast %and3A_822 : vector<16xi32> to vector<16xf32>
      %mul3A_824 = vector.broadcast %squeeze3A_810 : f32 to vector<16xf32>
      %mul3A_825 = arith.mulf %bitcast3A_819, %mul3A_824 : vector<16xf32>
      %add3A_826 = arith.addf %add3A_805, %mul3A_825 : vector<16xf32>
      %mul3A_827 = vector.broadcast %squeeze3A_810 : f32 to vector<16xf32>
      %mul3A_828 = arith.mulf %bitcast3A_823, %mul3A_827 : vector<16xf32>
      %add3A_829 = arith.addf %add3A_808, %mul3A_828 : vector<16xf32>
      %add3A_830 = arith.constant 32 : i32
      %add3A_831 = arith.addi %mul3A_155, %add3A_830 : i32
      %get3A_832 = arith.index_cast %add3A_831 : i32 to index
      %get3A_833 = tpu.vector_load %arg15[%get3A_832] {strides = array<i32>} : memref<1616xf32, #tpu.memory_space<vmem>>, vector<16xf32>,
      %slice3A_834 = vector.extract_strided_slice %get3A_833 {offsets = [0], sizes = [1], strides = [1]} : vector<16xf32> to vector<1xf32>
      %squeeze3A_835 = vector.extract %slice3A_834[0] : f32 from vector<1xf32>
      %add3A_836 = arith.constant 32 : i32
      %add3A_837 = arith.addi %mul3A_155, %add3A_836 : i32
      %get3A_838 = arith.index_cast %add3A_837 : i32 to index
      %get3A_839 = arith.constant 0 : index
      %get3A_840 = tpu.vector_load %arg13[%get3A_838, %get3A_839] {strides = array<i32>} : memref<1600x16xi32, #tpu.memory_space<vmem>>, vector<16xi32>,
      %shift_left3A_841 = arith.constant 16 : i32
      %shift_left3A_842 = vector.broadcast %shift_left3A_841 : i32 to vector<16xi32>
      %shift_left3A_843 = arith.shli %get3A_840, %shift_left3A_842 : vector<16xi32>
      %bitcast3A_844 = vector.bitcast %shift_left3A_843 : vector<16xi32> to vector<16xf32>
      %and3A_845 = arith.constant -65536 : i32
      %and3A_846 = vector.broadcast %and3A_845 : i32 to vector<16xi32>
      %and3A_847 = arith.andi %get3A_840, %and3A_846 : vector<16xi32>
      %bitcast3A_848 = vector.bitcast %and3A_847 : vector<16xi32> to vector<16xf32>
      %mul3A_849 = vector.broadcast %squeeze3A_835 : f32 to vector<16xf32>
      %mul3A_850 = arith.mulf %bitcast3A_844, %mul3A_849 : vector<16xf32>
      %add3A_851 = arith.addf %add3A_826, %mul3A_850 : vector<16xf32>
      %mul3A_852 = vector.broadcast %squeeze3A_835 : f32 to vector<16xf32>
      %mul3A_853 = arith.mulf %bitcast3A_848, %mul3A_852 : vector<16xf32>
      %add3A_854 = arith.addf %add3A_829, %mul3A_853 : vector<16xf32>
      %slice3A_855 = vector.extract_strided_slice %get3A_833 {offsets = [1], sizes = [1], strides = [1]} : vector<16xf32> to vector<1xf32>
      %squeeze3A_856 = vector.extract %slice3A_855[0] : f32 from vector<1xf32>
      %add3A_857 = arith.constant 33 : i32
      %add3A_858 = arith.addi %mul3A_155, %add3A_857 : i32
      %get3A_859 = arith.index_cast %add3A_858 : i32 to index
      %get3A_860 = arith.constant 0 : index
      %get3A_861 = tpu.vector_load %arg13[%get3A_859, %get3A_860] {strides = array<i32>} : memref<1600x16xi32, #tpu.memory_space<vmem>>, vector<16xi32>,
      %shift_left3A_862 = arith.constant 16 : i32
      %shift_left3A_863 = vector.broadcast %shift_left3A_862 : i32 to vector<16xi32>
      %shift_left3A_864 = arith.shli %get3A_861, %shift_left3A_863 : vector<16xi32>
      %bitcast3A_865 = vector.bitcast %shift_left3A_864 : vector<16xi32> to vector<16xf32>
      %and3A_866 = arith.constant -65536 : i32
      %and3A_867 = vector.broadcast %and3A_866 : i32 to vector<16xi32>
      %and3A_868 = arith.andi %get3A_861, %and3A_867 : vector<16xi32>
      %bitcast3A_869 = vector.bitcast %and3A_868 : vector<16xi32> to vector<16xf32>
      %mul3A_870 = vector.broadcast %squeeze3A_856 : f32 to vector<16xf32>
      %mul3A_871 = arith.mulf %bitcast3A_865, %mul3A_870 : vector<16xf32>
      %add3A_872 = arith.addf %add3A_851, %mul3A_871 : vector<16xf32>
      %mul3A_873 = vector.broadcast %squeeze3A_856 : f32 to vector<16xf32>
      %mul3A_874 = arith.mulf %bitcast3A_869, %mul3A_873 : vector<16xf32>
      %add3A_875 = arith.addf %add3A_854, %mul3A_874 : vector<16xf32>
      %slice3A_876 = vector.extract_strided_slice %get3A_833 {offsets = [2], sizes = [1], strides = [1]} : vector<16xf32> to vector<1xf32>
      %squeeze3A_877 = vector.extract %slice3A_876[0] : f32 from vector<1xf32>
      %add3A_878 = arith.constant 34 : i32
      %add3A_879 = arith.addi %mul3A_155, %add3A_878 : i32
      %get3A_880 = arith.index_cast %add3A_879 : i32 to index
      %get3A_881 = arith.constant 0 : index
      %get3A_882 = tpu.vector_load %arg13[%get3A_880, %get3A_881] {strides = array<i32>} : memref<1600x16xi32, #tpu.memory_space<vmem>>, vector<16xi32>,
      %shift_left3A_883 = arith.constant 16 : i32
      %shift_left3A_884 = vector.broadcast %shift_left3A_883 : i32 to vector<16xi32>
      %shift_left3A_885 = arith.shli %get3A_882, %shift_left3A_884 : vector<16xi32>
      %bitcast3A_886 = vector.bitcast %shift_left3A_885 : vector<16xi32> to vector<16xf32>
      %and3A_887 = arith.constant -65536 : i32
      %and3A_888 = vector.broadcast %and3A_887 : i32 to vector<16xi32>
      %and3A_889 = arith.andi %get3A_882, %and3A_888 : vector<16xi32>
      %bitcast3A_890 = vector.bitcast %and3A_889 : vector<16xi32> to vector<16xf32>
      %mul3A_891 = vector.broadcast %squeeze3A_877 : f32 to vector<16xf32>
      %mul3A_892 = arith.mulf %bitcast3A_886, %mul3A_891 : vector<16xf32>
      %add3A_893 = arith.addf %add3A_872, %mul3A_892 : vector<16xf32>
      %mul3A_894 = vector.broadcast %squeeze3A_877 : f32 to vector<16xf32>
      %mul3A_895 = arith.mulf %bitcast3A_890, %mul3A_894 : vector<16xf32>
      %add3A_896 = arith.addf %add3A_875, %mul3A_895 : vector<16xf32>
      %slice3A_897 = vector.extract_strided_slice %get3A_833 {offsets = [3], sizes = [1], strides = [1]} : vector<16xf32> to vector<1xf32>
      %squeeze3A_898 = vector.extract %slice3A_897[0] : f32 from vector<1xf32>
      %add3A_899 = arith.constant 35 : i32
      %add3A_900 = arith.addi %mul3A_155, %add3A_899 : i32
      %get3A_901 = arith.index_cast %add3A_900 : i32 to index
      %get3A_902 = arith.constant 0 : index
      %get3A_903 = tpu.vector_load %arg13[%get3A_901, %get3A_902] {strides = array<i32>} : memref<1600x16xi32, #tpu.memory_space<vmem>>, vector<16xi32>,
      %shift_left3A_904 = arith.constant 16 : i32
      %shift_left3A_905 = vector.broadcast %shift_left3A_904 : i32 to vector<16xi32>
      %shift_left3A_906 = arith.shli %get3A_903, %shift_left3A_905 : vector<16xi32>
      %bitcast3A_907 = vector.bitcast %shift_left3A_906 : vector<16xi32> to vector<16xf32>
      %and3A_908 = arith.constant -65536 : i32
      %and3A_909 = vector.broadcast %and3A_908 : i32 to vector<16xi32>
      %and3A_910 = arith.andi %get3A_903, %and3A_909 : vector<16xi32>
      %bitcast3A_911 = vector.bitcast %and3A_910 : vector<16xi32> to vector<16xf32>
      %mul3A_912 = vector.broadcast %squeeze3A_898 : f32 to vector<16xf32>
      %mul3A_913 = arith.mulf %bitcast3A_907, %mul3A_912 : vector<16xf32>
      %add3A_914 = arith.addf %add3A_893, %mul3A_913 : vector<16xf32>
      %mul3A_915 = vector.broadcast %squeeze3A_898 : f32 to vector<16xf32>
      %mul3A_916 = arith.mulf %bitcast3A_911, %mul3A_915 : vector<16xf32>
      %add3A_917 = arith.addf %add3A_896, %mul3A_916 : vector<16xf32>
      %slice3A_918 = vector.extract_strided_slice %get3A_833 {offsets = [4], sizes = [1], strides = [1]} : vector<16xf32> to vector<1xf32>
      %squeeze3A_919 = vector.extract %slice3A_918[0] : f32 from vector<1xf32>
      %add3A_920 = arith.constant 36 : i32
      %add3A_921 = arith.addi %mul3A_155, %add3A_920 : i32
      %get3A_922 = arith.index_cast %add3A_921 : i32 to index
      %get3A_923 = arith.constant 0 : index
      %get3A_924 = tpu.vector_load %arg13[%get3A_922, %get3A_923] {strides = array<i32>} : memref<1600x16xi32, #tpu.memory_space<vmem>>, vector<16xi32>,
      %shift_left3A_925 = arith.constant 16 : i32
      %shift_left3A_926 = vector.broadcast %shift_left3A_925 : i32 to vector<16xi32>
      %shift_left3A_927 = arith.shli %get3A_924, %shift_left3A_926 : vector<16xi32>
      %bitcast3A_928 = vector.bitcast %shift_left3A_927 : vector<16xi32> to vector<16xf32>
      %and3A_929 = arith.constant -65536 : i32
      %and3A_930 = vector.broadcast %and3A_929 : i32 to vector<16xi32>
      %and3A_931 = arith.andi %get3A_924, %and3A_930 : vector<16xi32>
      %bitcast3A_932 = vector.bitcast %and3A_931 : vector<16xi32> to vector<16xf32>
      %mul3A_933 = vector.broadcast %squeeze3A_919 : f32 to vector<16xf32>
      %mul3A_934 = arith.mulf %bitcast3A_928, %mul3A_933 : vector<16xf32>
      %add3A_935 = arith.addf %add3A_914, %mul3A_934 : vector<16xf32>
      %mul3A_936 = vector.broadcast %squeeze3A_919 : f32 to vector<16xf32>
      %mul3A_937 = arith.mulf %bitcast3A_932, %mul3A_936 : vector<16xf32>
      %add3A_938 = arith.addf %add3A_917, %mul3A_937 : vector<16xf32>
      %slice3A_939 = vector.extract_strided_slice %get3A_833 {offsets = [5], sizes = [1], strides = [1]} : vector<16xf32> to vector<1xf32>
      %squeeze3A_940 = vector.extract %slice3A_939[0] : f32 from vector<1xf32>
      %add3A_941 = arith.constant 37 : i32
      %add3A_942 = arith.addi %mul3A_155, %add3A_941 : i32
      %get3A_943 = arith.index_cast %add3A_942 : i32 to index
      %get3A_944 = arith.constant 0 : index
      %get3A_945 = tpu.vector_load %arg13[%get3A_943, %get3A_944] {strides = array<i32>} : memref<1600x16xi32, #tpu.memory_space<vmem>>, vector<16xi32>,
      %shift_left3A_946 = arith.constant 16 : i32
      %shift_left3A_947 = vector.broadcast %shift_left3A_946 : i32 to vector<16xi32>
      %shift_left3A_948 = arith.shli %get3A_945, %shift_left3A_947 : vector<16xi32>
      %bitcast3A_949 = vector.bitcast %shift_left3A_948 : vector<16xi32> to vector<16xf32>
      %and3A_950 = arith.constant -65536 : i32
      %and3A_951 = vector.broadcast %and3A_950 : i32 to vector<16xi32>
      %and3A_952 = arith.andi %get3A_945, %and3A_951 : vector<16xi32>
      %bitcast3A_953 = vector.bitcast %and3A_952 : vector<16xi32> to vector<16xf32>
      %mul3A_954 = vector.broadcast %squeeze3A_940 : f32 to vector<16xf32>
      %mul3A_955 = arith.mulf %bitcast3A_949, %mul3A_954 : vector<16xf32>
      %add3A_956 = arith.addf %add3A_935, %mul3A_955 : vector<16xf32>
      %mul3A_957 = vector.broadcast %squeeze3A_940 : f32 to vector<16xf32>
      %mul3A_958 = arith.mulf %bitcast3A_953, %mul3A_957 : vector<16xf32>
      %add3A_959 = arith.addf %add3A_938, %mul3A_958 : vector<16xf32>
      %slice3A_960 = vector.extract_strided_slice %get3A_833 {offsets = [6], sizes = [1], strides = [1]} : vector<16xf32> to vector<1xf32>
      %squeeze3A_961 = vector.extract %slice3A_960[0] : f32 from vector<1xf32>
      %add3A_962 = arith.constant 38 : i32
      %add3A_963 = arith.addi %mul3A_155, %add3A_962 : i32
      %get3A_964 = arith.index_cast %add3A_963 : i32 to index
      %get3A_965 = arith.constant 0 : index
      %get3A_966 = tpu.vector_load %arg13[%get3A_964, %get3A_965] {strides = array<i32>} : memref<1600x16xi32, #tpu.memory_space<vmem>>, vector<16xi32>,
      %shift_left3A_967 = arith.constant 16 : i32
      %shift_left3A_968 = vector.broadcast %shift_left3A_967 : i32 to vector<16xi32>
      %shift_left3A_969 = arith.shli %get3A_966, %shift_left3A_968 : vector<16xi32>
      %bitcast3A_970 = vector.bitcast %shift_left3A_969 : vector<16xi32> to vector<16xf32>
      %and3A_971 = arith.constant -65536 : i32
      %and3A_972 = vector.broadcast %and3A_971 : i32 to vector<16xi32>
      %and3A_973 = arith.andi %get3A_966, %and3A_972 : vector<16xi32>
      %bitcast3A_974 = vector.bitcast %and3A_973 : vector<16xi32> to vector<16xf32>
      %mul3A_975 = vector.broadcast %squeeze3A_961 : f32 to vector<16xf32>
      %mul3A_976 = arith.mulf %bitcast3A_970, %mul3A_975 : vector<16xf32>
      %add3A_977 = arith.addf %add3A_956, %mul3A_976 : vector<16xf32>
      %mul3A_978 = vector.broadcast %squeeze3A_961 : f32 to vector<16xf32>
      %mul3A_979 = arith.mulf %bitcast3A_974, %mul3A_978 : vector<16xf32>
      %add3A_980 = arith.addf %add3A_959, %mul3A_979 : vector<16xf32>
      %slice3A_981 = vector.extract_strided_slice %get3A_833 {offsets = [7], sizes = [1], strides = [1]} : vector<16xf32> to vector<1xf32>
      %squeeze3A_982 = vector.extract %slice3A_981[0] : f32 from vector<1xf32>
      %add3A_983 = arith.constant 39 : i32
      %add3A_984 = arith.addi %mul3A_155, %add3A_983 : i32
      %get3A_985 = arith.index_cast %add3A_984 : i32 to index
      %get3A_986 = arith.constant 0 : index
      %get3A_987 = tpu.vector_load %arg13[%get3A_985, %get3A_986] {strides = array<i32>} : memref<1600x16xi32, #tpu.memory_space<vmem>>, vector<16xi32>,
      %shift_left3A_988 = arith.constant 16 : i32
      %shift_left3A_989 = vector.broadcast %shift_left3A_988 : i32 to vector<16xi32>
      %shift_left3A_990 = arith.shli %get3A_987, %shift_left3A_989 : vector<16xi32>
      %bitcast3A_991 = vector.bitcast %shift_left3A_990 : vector<16xi32> to vector<16xf32>
      %and3A_992 = arith.constant -65536 : i32
      %and3A_993 = vector.broadcast %and3A_992 : i32 to vector<16xi32>
      %and3A_994 = arith.andi %get3A_987, %and3A_993 : vector<16xi32>
      %bitcast3A_995 = vector.bitcast %and3A_994 : vector<16xi32> to vector<16xf32>
      %mul3A_996 = vector.broadcast %squeeze3A_982 : f32 to vector<16xf32>
      %mul3A_997 = arith.mulf %bitcast3A_991, %mul3A_996 : vector<16xf32>
      %add3A_998 = arith.addf %add3A_977, %mul3A_997 : vector<16xf32>
      %mul3A_999 = vector.broadcast %squeeze3A_982 : f32 to vector<16xf32>
      %mul3A_1000 = arith.mulf %bitcast3A_995, %mul3A_999 : vector<16xf32>
      %add3A_1001 = arith.addf %add3A_980, %mul3A_1000 : vector<16xf32>
      %slice3A_1002 = vector.extract_strided_slice %get3A_833 {offsets = [8], sizes = [1], strides = [1]} : vector<16xf32> to vector<1xf32>
      %squeeze3A_1003 = vector.extract %slice3A_1002[0] : f32 from vector<1xf32>
      %add3A_1004 = arith.constant 40 : i32
      %add3A_1005 = arith.addi %mul3A_155, %add3A_1004 : i32
      %get3A_1006 = arith.index_cast %add3A_1005 : i32 to index
      %get3A_1007 = arith.constant 0 : index
      %get3A_1008 = tpu.vector_load %arg13[%get3A_1006, %get3A_1007] {strides = array<i32>} : memref<1600x16xi32, #tpu.memory_space<vmem>>, vector<16xi32>,
      %shift_left3A_1009 = arith.constant 16 : i32
      %shift_left3A_1010 = vector.broadcast %shift_left3A_1009 : i32 to vector<16xi32>
      %shift_left3A_1011 = arith.shli %get3A_1008, %shift_left3A_1010 : vector<16xi32>
      %bitcast3A_1012 = vector.bitcast %shift_left3A_1011 : vector<16xi32> to vector<16xf32>
      %and3A_1013 = arith.constant -65536 : i32
      %and3A_1014 = vector.broadcast %and3A_1013 : i32 to vector<16xi32>
      %and3A_1015 = arith.andi %get3A_1008, %and3A_1014 : vector<16xi32>
      %bitcast3A_1016 = vector.bitcast %and3A_1015 : vector<16xi32> to vector<16xf32>
      %mul3A_1017 = vector.broadcast %squeeze3A_1003 : f32 to vector<16xf32>
      %mul3A_1018 = arith.mulf %bitcast3A_1012, %mul3A_1017 : vector<16xf32>
      %add3A_1019 = arith.addf %add3A_998, %mul3A_1018 : vector<16xf32>
      %mul3A_1020 = vector.broadcast %squeeze3A_1003 : f32 to vector<16xf32>
      %mul3A_1021 = arith.mulf %bitcast3A_1016, %mul3A_1020 : vector<16xf32>
      %add3A_1022 = arith.addf %add3A_1001, %mul3A_1021 : vector<16xf32>
      %slice3A_1023 = vector.extract_strided_slice %get3A_833 {offsets = [9], sizes = [1], strides = [1]} : vector<16xf32> to vector<1xf32>
      %squeeze3A_1024 = vector.extract %slice3A_1023[0] : f32 from vector<1xf32>
      %add3A_1025 = arith.constant 41 : i32
      %add3A_1026 = arith.addi %mul3A_155, %add3A_1025 : i32
      %get3A_1027 = arith.index_cast %add3A_1026 : i32 to index
      %get3A_1028 = arith.constant 0 : index
      %get3A_1029 = tpu.vector_load %arg13[%get3A_1027, %get3A_1028] {strides = array<i32>} : memref<1600x16xi32, #tpu.memory_space<vmem>>, vector<16xi32>,
      %shift_left3A_1030 = arith.constant 16 : i32
      %shift_left3A_1031 = vector.broadcast %shift_left3A_1030 : i32 to vector<16xi32>
      %shift_left3A_1032 = arith.shli %get3A_1029, %shift_left3A_1031 : vector<16xi32>
      %bitcast3A_1033 = vector.bitcast %shift_left3A_1032 : vector<16xi32> to vector<16xf32>
      %and3A_1034 = arith.constant -65536 : i32
      %and3A_1035 = vector.broadcast %and3A_1034 : i32 to vector<16xi32>
      %and3A_1036 = arith.andi %get3A_1029, %and3A_1035 : vector<16xi32>
      %bitcast3A_1037 = vector.bitcast %and3A_1036 : vector<16xi32> to vector<16xf32>
      %mul3A_1038 = vector.broadcast %squeeze3A_1024 : f32 to vector<16xf32>
      %mul3A_1039 = arith.mulf %bitcast3A_1033, %mul3A_1038 : vector<16xf32>
      %add3A_1040 = arith.addf %add3A_1019, %mul3A_1039 : vector<16xf32>
      %mul3A_1041 = vector.broadcast %squeeze3A_1024 : f32 to vector<16xf32>
      %mul3A_1042 = arith.mulf %bitcast3A_1037, %mul3A_1041 : vector<16xf32>
      %add3A_1043 = arith.addf %add3A_1022, %mul3A_1042 : vector<16xf32>
      %slice3A_1044 = vector.extract_strided_slice %get3A_833 {offsets = [10], sizes = [1], strides = [1]} : vector<16xf32> to vector<1xf32>
      %squeeze3A_1045 = vector.extract %slice3A_1044[0] : f32 from vector<1xf32>
      %add3A_1046 = arith.constant 42 : i32
      %add3A_1047 = arith.addi %mul3A_155, %add3A_1046 : i32
      %get3A_1048 = arith.index_cast %add3A_1047 : i32 to index
      %get3A_1049 = arith.constant 0 : index
      %get3A_1050 = tpu.vector_load %arg13[%get3A_1048, %get3A_1049] {strides = array<i32>} : memref<1600x16xi32, #tpu.memory_space<vmem>>, vector<16xi32>,
      %shift_left3A_1051 = arith.constant 16 : i32
      %shift_left3A_1052 = vector.broadcast %shift_left3A_1051 : i32 to vector<16xi32>
      %shift_left3A_1053 = arith.shli %get3A_1050, %shift_left3A_1052 : vector<16xi32>
      %bitcast3A_1054 = vector.bitcast %shift_left3A_1053 : vector<16xi32> to vector<16xf32>
      %and3A_1055 = arith.constant -65536 : i32
      %and3A_1056 = vector.broadcast %and3A_1055 : i32 to vector<16xi32>
      %and3A_1057 = arith.andi %get3A_1050, %and3A_1056 : vector<16xi32>
      %bitcast3A_1058 = vector.bitcast %and3A_1057 : vector<16xi32> to vector<16xf32>
      %mul3A_1059 = vector.broadcast %squeeze3A_1045 : f32 to vector<16xf32>
      %mul3A_1060 = arith.mulf %bitcast3A_1054, %mul3A_1059 : vector<16xf32>
      %add3A_1061 = arith.addf %add3A_1040, %mul3A_1060 : vector<16xf32>
      %mul3A_1062 = vector.broadcast %squeeze3A_1045 : f32 to vector<16xf32>
      %mul3A_1063 = arith.mulf %bitcast3A_1058, %mul3A_1062 : vector<16xf32>
      %add3A_1064 = arith.addf %add3A_1043, %mul3A_1063 : vector<16xf32>
      %slice3A_1065 = vector.extract_strided_slice %get3A_833 {offsets = [11], sizes = [1], strides = [1]} : vector<16xf32> to vector<1xf32>
      %squeeze3A_1066 = vector.extract %slice3A_1065[0] : f32 from vector<1xf32>
      %add3A_1067 = arith.constant 43 : i32
      %add3A_1068 = arith.addi %mul3A_155, %add3A_1067 : i32
      %get3A_1069 = arith.index_cast %add3A_1068 : i32 to index
      %get3A_1070 = arith.constant 0 : index
      %get3A_1071 = tpu.vector_load %arg13[%get3A_1069, %get3A_1070] {strides = array<i32>} : memref<1600x16xi32, #tpu.memory_space<vmem>>, vector<16xi32>,
      %shift_left3A_1072 = arith.constant 16 : i32
      %shift_left3A_1073 = vector.broadcast %shift_left3A_1072 : i32 to vector<16xi32>
      %shift_left3A_1074 = arith.shli %get3A_1071, %shift_left3A_1073 : vector<16xi32>
      %bitcast3A_1075 = vector.bitcast %shift_left3A_1074 : vector<16xi32> to vector<16xf32>
      %and3A_1076 = arith.constant -65536 : i32
      %and3A_1077 = vector.broadcast %and3A_1076 : i32 to vector<16xi32>
      %and3A_1078 = arith.andi %get3A_1071, %and3A_1077 : vector<16xi32>
      %bitcast3A_1079 = vector.bitcast %and3A_1078 : vector<16xi32> to vector<16xf32>
      %mul3A_1080 = vector.broadcast %squeeze3A_1066 : f32 to vector<16xf32>
      %mul3A_1081 = arith.mulf %bitcast3A_1075, %mul3A_1080 : vector<16xf32>
      %add3A_1082 = arith.addf %add3A_1061, %mul3A_1081 : vector<16xf32>
      %mul3A_1083 = vector.broadcast %squeeze3A_1066 : f32 to vector<16xf32>
      %mul3A_1084 = arith.mulf %bitcast3A_1079, %mul3A_1083 : vector<16xf32>
      %add3A_1085 = arith.addf %add3A_1064, %mul3A_1084 : vector<16xf32>
      %slice3A_1086 = vector.extract_strided_slice %get3A_833 {offsets = [12], sizes = [1], strides = [1]} : vector<16xf32> to vector<1xf32>
      %squeeze3A_1087 = vector.extract %slice3A_1086[0] : f32 from vector<1xf32>
      %add3A_1088 = arith.constant 44 : i32
      %add3A_1089 = arith.addi %mul3A_155, %add3A_1088 : i32
      %get3A_1090 = arith.index_cast %add3A_1089 : i32 to index
      %get3A_1091 = arith.constant 0 : index
      %get3A_1092 = tpu.vector_load %arg13[%get3A_1090, %get3A_1091] {strides = array<i32>} : memref<1600x16xi32, #tpu.memory_space<vmem>>, vector<16xi32>,
      %shift_left3A_1093 = arith.constant 16 : i32
      %shift_left3A_1094 = vector.broadcast %shift_left3A_1093 : i32 to vector<16xi32>
      %shift_left3A_1095 = arith.shli %get3A_1092, %shift_left3A_1094 : vector<16xi32>
      %bitcast3A_1096 = vector.bitcast %shift_left3A_1095 : vector<16xi32> to vector<16xf32>
      %and3A_1097 = arith.constant -65536 : i32
      %and3A_1098 = vector.broadcast %and3A_1097 : i32 to vector<16xi32>
      %and3A_1099 = arith.andi %get3A_1092, %and3A_1098 : vector<16xi32>
      %bitcast3A_1100 = vector.bitcast %and3A_1099 : vector<16xi32> to vector<16xf32>
      %mul3A_1101 = vector.broadcast %squeeze3A_1087 : f32 to vector<16xf32>
      %mul3A_1102 = arith.mulf %bitcast3A_1096, %mul3A_1101 : vector<16xf32>
      %add3A_1103 = arith.addf %add3A_1082, %mul3A_1102 : vector<16xf32>
      %mul3A_1104 = vector.broadcast %squeeze3A_1087 : f32 to vector<16xf32>
      %mul3A_1105 = arith.mulf %bitcast3A_1100, %mul3A_1104 : vector<16xf32>
      %add3A_1106 = arith.addf %add3A_1085, %mul3A_1105 : vector<16xf32>
      %slice3A_1107 = vector.extract_strided_slice %get3A_833 {offsets = [13], sizes = [1], strides = [1]} : vector<16xf32> to vector<1xf32>
      %squeeze3A_1108 = vector.extract %slice3A_1107[0] : f32 from vector<1xf32>
      %add3A_1109 = arith.constant 45 : i32
      %add3A_1110 = arith.addi %mul3A_155, %add3A_1109 : i32
      %get3A_1111 = arith.index_cast %add3A_1110 : i32 to index
      %get3A_1112 = arith.constant 0 : index
      %get3A_1113 = tpu.vector_load %arg13[%get3A_1111, %get3A_1112] {strides = array<i32>} : memref<1600x16xi32, #tpu.memory_space<vmem>>, vector<16xi32>,
      %shift_left3A_1114 = arith.constant 16 : i32
      %shift_left3A_1115 = vector.broadcast %shift_left3A_1114 : i32 to vector<16xi32>
      %shift_left3A_1116 = arith.shli %get3A_1113, %shift_left3A_1115 : vector<16xi32>
      %bitcast3A_1117 = vector.bitcast %shift_left3A_1116 : vector<16xi32> to vector<16xf32>
      %and3A_1118 = arith.constant -65536 : i32
      %and3A_1119 = vector.broadcast %and3A_1118 : i32 to vector<16xi32>
      %and3A_1120 = arith.andi %get3A_1113, %and3A_1119 : vector<16xi32>
      %bitcast3A_1121 = vector.bitcast %and3A_1120 : vector<16xi32> to vector<16xf32>
      %mul3A_1122 = vector.broadcast %squeeze3A_1108 : f32 to vector<16xf32>
      %mul3A_1123 = arith.mulf %bitcast3A_1117, %mul3A_1122 : vector<16xf32>
      %add3A_1124 = arith.addf %add3A_1103, %mul3A_1123 : vector<16xf32>
      %mul3A_1125 = vector.broadcast %squeeze3A_1108 : f32 to vector<16xf32>
      %mul3A_1126 = arith.mulf %bitcast3A_1121, %mul3A_1125 : vector<16xf32>
      %add3A_1127 = arith.addf %add3A_1106, %mul3A_1126 : vector<16xf32>
      %slice3A_1128 = vector.extract_strided_slice %get3A_833 {offsets = [14], sizes = [1], strides = [1]} : vector<16xf32> to vector<1xf32>
      %squeeze3A_1129 = vector.extract %slice3A_1128[0] : f32 from vector<1xf32>
      %add3A_1130 = arith.constant 46 : i32
      %add3A_1131 = arith.addi %mul3A_155, %add3A_1130 : i32
      %get3A_1132 = arith.index_cast %add3A_1131 : i32 to index
      %get3A_1133 = arith.constant 0 : index
      %get3A_1134 = tpu.vector_load %arg13[%get3A_1132, %get3A_1133] {strides = array<i32>} : memref<1600x16xi32, #tpu.memory_space<vmem>>, vector<16xi32>,
      %shift_left3A_1135 = arith.constant 16 : i32
      %shift_left3A_1136 = vector.broadcast %shift_left3A_1135 : i32 to vector<16xi32>
      %shift_left3A_1137 = arith.shli %get3A_1134, %shift_left3A_1136 : vector<16xi32>
      %bitcast3A_1138 = vector.bitcast %shift_left3A_1137 : vector<16xi32> to vector<16xf32>
      %and3A_1139 = arith.constant -65536 : i32
      %and3A_1140 = vector.broadcast %and3A_1139 : i32 to vector<16xi32>
      %and3A_1141 = arith.andi %get3A_1134, %and3A_1140 : vector<16xi32>
      %bitcast3A_1142 = vector.bitcast %and3A_1141 : vector<16xi32> to vector<16xf32>
      %mul3A_1143 = vector.broadcast %squeeze3A_1129 : f32 to vector<16xf32>
      %mul3A_1144 = arith.mulf %bitcast3A_1138, %mul3A_1143 : vector<16xf32>
      %add3A_1145 = arith.addf %add3A_1124, %mul3A_1144 : vector<16xf32>
      %mul3A_1146 = vector.broadcast %squeeze3A_1129 : f32 to vector<16xf32>
      %mul3A_1147 = arith.mulf %bitcast3A_1142, %mul3A_1146 : vector<16xf32>
      %add3A_1148 = arith.addf %add3A_1127, %mul3A_1147 : vector<16xf32>
      %slice3A_1149 = vector.extract_strided_slice %get3A_833 {offsets = [15], sizes = [1], strides = [1]} : vector<16xf32> to vector<1xf32>
      %squeeze3A_1150 = vector.extract %slice3A_1149[0] : f32 from vector<1xf32>
      %add3A_1151 = arith.constant 47 : i32
      %add3A_1152 = arith.addi %mul3A_155, %add3A_1151 : i32
      %get3A_1153 = arith.index_cast %add3A_1152 : i32 to index
      %get3A_1154 = arith.constant 0 : index
      %get3A_1155 = tpu.vector_load %arg13[%get3A_1153, %get3A_1154] {strides = array<i32>} : memref<1600x16xi32, #tpu.memory_space<vmem>>, vector<16xi32>,
      %shift_left3A_1156 = arith.constant 16 : i32
      %shift_left3A_1157 = vector.broadcast %shift_left3A_1156 : i32 to vector<16xi32>
      %shift_left3A_1158 = arith.shli %get3A_1155, %shift_left3A_1157 : vector<16xi32>
      %bitcast3A_1159 = vector.bitcast %shift_left3A_1158 : vector<16xi32> to vector<16xf32>
      %and3A_1160 = arith.constant -65536 : i32
      %and3A_1161 = vector.broadcast %and3A_1160 : i32 to vector<16xi32>
      %and3A_1162 = arith.andi %get3A_1155, %and3A_1161 : vector<16xi32>
      %bitcast3A_1163 = vector.bitcast %and3A_1162 : vector<16xi32> to vector<16xf32>
      %mul3A_1164 = vector.broadcast %squeeze3A_1150 : f32 to vector<16xf32>
      %mul3A_1165 = arith.mulf %bitcast3A_1159, %mul3A_1164 : vector<16xf32>
      %add3A_1166 = arith.addf %add3A_1145, %mul3A_1165 : vector<16xf32>
      %mul3A_1167 = vector.broadcast %squeeze3A_1150 : f32 to vector<16xf32>
      %mul3A_1168 = arith.mulf %bitcast3A_1163, %mul3A_1167 : vector<16xf32>
      %add3A_1169 = arith.addf %add3A_1148, %mul3A_1168 : vector<16xf32>
      %add3A_1170 = arith.constant 48 : i32
      %add3A_1171 = arith.addi %mul3A_155, %add3A_1170 : i32
      %get3A_1172 = arith.index_cast %add3A_1171 : i32 to index
      %get3A_1173 = tpu.vector_load %arg15[%get3A_1172] {strides = array<i32>} : memref<1616xf32, #tpu.memory_space<vmem>>, vector<16xf32>,
      %slice3A_1174 = vector.extract_strided_slice %get3A_1173 {offsets = [0], sizes = [1], strides = [1]} : vector<16xf32> to vector<1xf32>
      %squeeze3A_1175 = vector.extract %slice3A_1174[0] : f32 from vector<1xf32>
      %add3A_1176 = arith.constant 48 : i32
      %add3A_1177 = arith.addi %mul3A_155, %add3A_1176 : i32
      %get3A_1178 = arith.index_cast %add3A_1177 : i32 to index
      %get3A_1179 = arith.constant 0 : index
      %get3A_1180 = tpu.vector_load %arg13[%get3A_1178, %get3A_1179] {strides = array<i32>} : memref<1600x16xi32, #tpu.memory_space<vmem>>, vector<16xi32>,
      %shift_left3A_1181 = arith.constant 16 : i32
      %shift_left3A_1182 = vector.broadcast %shift_left3A_1181 : i32 to vector<16xi32>
      %shift_left3A_1183 = arith.shli %get3A_1180, %shift_left3A_1182 : vector<16xi32>
      %bitcast3A_1184 = vector.bitcast %shift_left3A_1183 : vector<16xi32> to vector<16xf32>
      %and3A_1185 = arith.constant -65536 : i32
      %and3A_1186 = vector.broadcast %and3A_1185 : i32 to vector<16xi32>
      %and3A_1187 = arith.andi %get3A_1180, %and3A_1186 : vector<16xi32>
      %bitcast3A_1188 = vector.bitcast %and3A_1187 : vector<16xi32> to vector<16xf32>
      %mul3A_1189 = vector.broadcast %squeeze3A_1175 : f32 to vector<16xf32>
      %mul3A_1190 = arith.mulf %bitcast3A_1184, %mul3A_1189 : vector<16xf32>
      %add3A_1191 = arith.addf %add3A_1166, %mul3A_1190 : vector<16xf32>
      %mul3A_1192 = vector.broadcast %squeeze3A_1175 : f32 to vector<16xf32>
      %mul3A_1193 = arith.mulf %bitcast3A_1188, %mul3A_1192 : vector<16xf32>
      %add3A_1194 = arith.addf %add3A_1169, %mul3A_1193 : vector<16xf32>
      %slice3A_1195 = vector.extract_strided_slice %get3A_1173 {offsets = [1], sizes = [1], strides = [1]} : vector<16xf32> to vector<1xf32>
      %squeeze3A_1196 = vector.extract %slice3A_1195[0] : f32 from vector<1xf32>
      %add3A_1197 = arith.constant 49 : i32
      %add3A_1198 = arith.addi %mul3A_155, %add3A_1197 : i32
      %get3A_1199 = arith.index_cast %add3A_1198 : i32 to index
      %get3A_1200 = arith.constant 0 : index
      %get3A_1201 = tpu.vector_load %arg13[%get3A_1199, %get3A_1200] {strides = array<i32>} : memref<1600x16xi32, #tpu.memory_space<vmem>>, vector<16xi32>,
      %shift_left3A_1202 = arith.constant 16 : i32
      %shift_left3A_1203 = vector.broadcast %shift_left3A_1202 : i32 to vector<16xi32>
      %shift_left3A_1204 = arith.shli %get3A_1201, %shift_left3A_1203 : vector<16xi32>
      %bitcast3A_1205 = vector.bitcast %shift_left3A_1204 : vector<16xi32> to vector<16xf32>
      %and3A_1206 = arith.constant -65536 : i32
      %and3A_1207 = vector.broadcast %and3A_1206 : i32 to vector<16xi32>
      %and3A_1208 = arith.andi %get3A_1201, %and3A_1207 : vector<16xi32>
      %bitcast3A_1209 = vector.bitcast %and3A_1208 : vector<16xi32> to vector<16xf32>
      %mul3A_1210 = vector.broadcast %squeeze3A_1196 : f32 to vector<16xf32>
      %mul3A_1211 = arith.mulf %bitcast3A_1205, %mul3A_1210 : vector<16xf32>
      %add3A_1212 = arith.addf %add3A_1191, %mul3A_1211 : vector<16xf32>
      %mul3A_1213 = vector.broadcast %squeeze3A_1196 : f32 to vector<16xf32>
      %mul3A_1214 = arith.mulf %bitcast3A_1209, %mul3A_1213 : vector<16xf32>
      %add3A_1215 = arith.addf %add3A_1194, %mul3A_1214 : vector<16xf32>
      %mul3A_1216 = arith.constant 32 : i32
      %mul3A_1217 = arith.muli %scan3A_153, %mul3A_1216 : i32
      %add3A_1218 = arith.constant 26 : i32
      %add3A_1219 = arith.addi %mul3A_1217, %add3A_1218 : i32
      %pack3A = tpu.pack_subelements %add3A_1212, %add3A_1215 {pack_format = #tpu.pack_format<interleaved>, positions = array<i32: 0, 1>} : vector<16xf32>, vector<16xf32> -> vector<32xbf16>
      %bitcast3A_1220 = vector.bitcast %pack3A : vector<32xbf16> to vector<16xi32>
      %swap3A = arith.index_cast %add3A_1219 : i32 to index
      %swap3A_1221 = arith.constant 0 : index
      %swap3A_1222 = tpu.vector_load %arg9[%swap3A, %swap3A_1221] {strides = array<i32>} : memref<1024x16xi32, #tpu.memory_space<vmem>>, vector<16xi32>,
      tpu.vector_store %arg9[%swap3A, %swap3A_1221], %bitcast3A_1220 {strides = array<i32>} : memref<1024x16xi32, #tpu.memory_space<vmem>>, vector<16xi32>,
    }
    %scan3A_118 = arith.constant 32 : i32
    %mul3A_119 = arith.constant 32 : i32
    %mul3A_120 = arith.muli %add3A_106, %mul3A_119 : i32
    %dma_start3A_121 = arith.constant 0 : i32
    %dma_start3A_122 = tpu.memref_slice %arg6[%mul3A_120, %dma_start3A_121] : memref<131072x16xi32, #tpu.memory_space<hbm>> -> memref<1024x16xi32, #tpu.memory_space<hbm>>
    %dma_start3A_123 = arith.constant 0 : i32
    %dma_start3A_124 = tpu.memref_slice %arg6[%mul3A_120, %dma_start3A_123] : memref<131072x16xi32, #tpu.memory_space<hbm>> -> memref<1024x16xi32, #tpu.memory_space<hbm>>
    tpu.enqueue_dma source(%arg9 : memref<1024x16xi32, #tpu.memory_space<vmem>>) target(%dma_start3A_124 : memref<1024x16xi32, #tpu.memory_space<hbm>>) target_semaphore(%arg21 : memref<!tpu.dma_semaphore, #tpu.memory_space<semaphore_mem>>)
    %add3A_125 = arith.constant 96 : i32
    %add3A_126 = arith.addi %mul3A_2, %add3A_125 : i32
    %dma_wait3A_127 = arith.constant 0 : i32
    %dma_wait3A_128 = arith.constant 0 : i32
    %dma_wait3A_129 = tpu.memref_slice %arg5[%dma_wait3A_127, %dma_wait3A_128] : memref<1015808x16xi32, #tpu.memory_space<hbm>> -> memref<1015808x16xi32, #tpu.memory_space<hbm>>
    tpu.wait_indirect_dma semaphore(%arg18 : memref<!tpu.dma_semaphore, #tpu.memory_space<semaphore_mem>>) src(%dma_wait3A_129 : memref<1015808x16xi32, #tpu.memory_space<hbm>>) dst(%arg10 : memref<1024x16xi32, #tpu.memory_space<vmem>>)
    %dma_wait3A_130 = arith.constant 0 : i32
    %dma_wait3A_131 = arith.constant 0 : i32
    %dma_wait3A_132 = tpu.memref_slice %arg5[%dma_wait3A_130, %dma_wait3A_131] : memref<1015808x16xi32, #tpu.memory_space<hbm>> -> memref<1015808x16xi32, #tpu.memory_space<hbm>>
    tpu.wait_indirect_dma semaphore(%arg20 : memref<!tpu.dma_semaphore, #tpu.memory_space<semaphore_mem>>) src(%dma_wait3A_132 : memref<1015808x16xi32, #tpu.memory_space<hbm>>) dst(%arg14 : memref<1600x16xi32, #tpu.memory_space<vmem>>)
    %scan3A_133 = arith.constant 0 : i32
    %scan3A_134 = arith.constant 0 : i32
    %scan3A_135 = arith.constant 32 : i32
    %scan3A_136 = arith.addi %scan3A_134, %scan3A_135 : i32
    %scan3A_137 = arith.constant 1 : i32
    scf.for %scan3A_153 = %scan3A_134 to %scan3A_136 step %scan3A_137  : i32 {
      %mul3A_154 = arith.constant 50 : i32
      %mul3A_155 = arith.muli %scan3A_153, %mul3A_154 : i32
      %add3A_156 = arith.constant 0 : i32
      %add3A_157 = arith.addi %mul3A_155, %add3A_156 : i32
      %get3A = arith.index_cast %add3A_157 : i32 to index
      %get3A_158 = tpu.vector_load %arg16[%get3A] {strides = array<i32>} : memref<1616xf32, #tpu.memory_space<vmem>>, vector<16xf32>,
      %slice3A = vector.extract_strided_slice %get3A_158 {offsets = [0], sizes = [1], strides = [1]} : vector<16xf32> to vector<1xf32>
      %squeeze3A = vector.extract %slice3A[0] : f32 from vector<1xf32>
      %add3A_159 = arith.constant 0 : i32
      %add3A_160 = arith.addi %mul3A_155, %add3A_159 : i32
      %get3A_161 = arith.index_cast %add3A_160 : i32 to index
      %get3A_162 = arith.constant 0 : index
      %get3A_163 = tpu.vector_load %arg14[%get3A_161, %get3A_162] {strides = array<i32>} : memref<1600x16xi32, #tpu.memory_space<vmem>>, vector<16xi32>,
      %shift_left3A = arith.constant 16 : i32
      %shift_left3A_164 = vector.broadcast %shift_left3A : i32 to vector<16xi32>
      %shift_left3A_165 = arith.shli %get3A_163, %shift_left3A_164 : vector<16xi32>
      %bitcast3A = vector.bitcast %shift_left3A_165 : vector<16xi32> to vector<16xf32>
      %and3A = arith.constant -65536 : i32
      %and3A_166 = vector.broadcast %and3A : i32 to vector<16xi32>
      %and3A_167 = arith.andi %get3A_163, %and3A_166 : vector<16xi32>
      %bitcast3A_168 = vector.bitcast %and3A_167 : vector<16xi32> to vector<16xf32>
      %mul3A_169 = vector.broadcast %squeeze3A : f32 to vector<16xf32>
      %mul3A_170 = arith.mulf %bitcast3A, %mul3A_169 : vector<16xf32>
      %add3A_171 = arith.addf %broadcast_in_dim3A_3, %mul3A_170 : vector<16xf32>
      %mul3A_172 = vector.broadcast %squeeze3A : f32 to vector<16xf32>
      %mul3A_173 = arith.mulf %bitcast3A_168, %mul3A_172 : vector<16xf32>
      %add3A_174 = arith.addf %broadcast_in_dim3A_3, %mul3A_173 : vector<16xf32>
      %slice3A_175 = vector.extract_strided_slice %get3A_158 {offsets = [1], sizes = [1], strides = [1]} : vector<16xf32> to vector<1xf32>
      %squeeze3A_176 = vector.extract %slice3A_175[0] : f32 from vector<1xf32>
      %add3A_177 = arith.constant 1 : i32
      %add3A_178 = arith.addi %mul3A_155, %add3A_177 : i32
      %get3A_179 = arith.index_cast %add3A_178 : i32 to index
      %get3A_180 = arith.constant 0 : index
      %get3A_181 = tpu.vector_load %arg14[%get3A_179, %get3A_180] {strides = array<i32>} : memref<1600x16xi32, #tpu.memory_space<vmem>>, vector<16xi32>,
      %shift_left3A_182 = arith.constant 16 : i32
      %shift_left3A_183 = vector.broadcast %shift_left3A_182 : i32 to vector<16xi32>
      %shift_left3A_184 = arith.shli %get3A_181, %shift_left3A_183 : vector<16xi32>
      %bitcast3A_185 = vector.bitcast %shift_left3A_184 : vector<16xi32> to vector<16xf32>
      %and3A_186 = arith.constant -65536 : i32
      %and3A_187 = vector.broadcast %and3A_186 : i32 to vector<16xi32>
      %and3A_188 = arith.andi %get3A_181, %and3A_187 : vector<16xi32>
      %bitcast3A_189 = vector.bitcast %and3A_188 : vector<16xi32> to vector<16xf32>
      %mul3A_190 = vector.broadcast %squeeze3A_176 : f32 to vector<16xf32>
      %mul3A_191 = arith.mulf %bitcast3A_185, %mul3A_190 : vector<16xf32>
      %add3A_192 = arith.addf %add3A_171, %mul3A_191 : vector<16xf32>
      %mul3A_193 = vector.broadcast %squeeze3A_176 : f32 to vector<16xf32>
      %mul3A_194 = arith.mulf %bitcast3A_189, %mul3A_193 : vector<16xf32>
      %add3A_195 = arith.addf %add3A_174, %mul3A_194 : vector<16xf32>
      %slice3A_196 = vector.extract_strided_slice %get3A_158 {offsets = [2], sizes = [1], strides = [1]} : vector<16xf32> to vector<1xf32>
      %squeeze3A_197 = vector.extract %slice3A_196[0] : f32 from vector<1xf32>
      %add3A_198 = arith.constant 2 : i32
      %add3A_199 = arith.addi %mul3A_155, %add3A_198 : i32
      %get3A_200 = arith.index_cast %add3A_199 : i32 to index
      %get3A_201 = arith.constant 0 : index
      %get3A_202 = tpu.vector_load %arg14[%get3A_200, %get3A_201] {strides = array<i32>} : memref<1600x16xi32, #tpu.memory_space<vmem>>, vector<16xi32>,
      %shift_left3A_203 = arith.constant 16 : i32
      %shift_left3A_204 = vector.broadcast %shift_left3A_203 : i32 to vector<16xi32>
      %shift_left3A_205 = arith.shli %get3A_202, %shift_left3A_204 : vector<16xi32>
      %bitcast3A_206 = vector.bitcast %shift_left3A_205 : vector<16xi32> to vector<16xf32>
      %and3A_207 = arith.constant -65536 : i32
      %and3A_208 = vector.broadcast %and3A_207 : i32 to vector<16xi32>
      %and3A_209 = arith.andi %get3A_202, %and3A_208 : vector<16xi32>
      %bitcast3A_210 = vector.bitcast %and3A_209 : vector<16xi32> to vector<16xf32>
      %mul3A_211 = vector.broadcast %squeeze3A_197 : f32 to vector<16xf32>
      %mul3A_212 = arith.mulf %bitcast3A_206, %mul3A_211 : vector<16xf32>
      %add3A_213 = arith.addf %add3A_192, %mul3A_212 : vector<16xf32>
      %mul3A_214 = vector.broadcast %squeeze3A_197 : f32 to vector<16xf32>
      %mul3A_215 = arith.mulf %bitcast3A_210, %mul3A_214 : vector<16xf32>
      %add3A_216 = arith.addf %add3A_195, %mul3A_215 : vector<16xf32>
      %slice3A_217 = vector.extract_strided_slice %get3A_158 {offsets = [3], sizes = [1], strides = [1]} : vector<16xf32> to vector<1xf32>
      %squeeze3A_218 = vector.extract %slice3A_217[0] : f32 from vector<1xf32>
      %add3A_219 = arith.constant 3 : i32
      %add3A_220 = arith.addi %mul3A_155, %add3A_219 : i32
      %get3A_221 = arith.index_cast %add3A_220 : i32 to index
      %get3A_222 = arith.constant 0 : index
      %get3A_223 = tpu.vector_load %arg14[%get3A_221, %get3A_222] {strides = array<i32>} : memref<1600x16xi32, #tpu.memory_space<vmem>>, vector<16xi32>,
      %shift_left3A_224 = arith.constant 16 : i32
      %shift_left3A_225 = vector.broadcast %shift_left3A_224 : i32 to vector<16xi32>
      %shift_left3A_226 = arith.shli %get3A_223, %shift_left3A_225 : vector<16xi32>
      %bitcast3A_227 = vector.bitcast %shift_left3A_226 : vector<16xi32> to vector<16xf32>
      %and3A_228 = arith.constant -65536 : i32
      %and3A_229 = vector.broadcast %and3A_228 : i32 to vector<16xi32>
      %and3A_230 = arith.andi %get3A_223, %and3A_229 : vector<16xi32>
      %bitcast3A_231 = vector.bitcast %and3A_230 : vector<16xi32> to vector<16xf32>
      %mul3A_232 = vector.broadcast %squeeze3A_218 : f32 to vector<16xf32>
      %mul3A_233 = arith.mulf %bitcast3A_227, %mul3A_232 : vector<16xf32>
      %add3A_234 = arith.addf %add3A_213, %mul3A_233 : vector<16xf32>
      %mul3A_235 = vector.broadcast %squeeze3A_218 : f32 to vector<16xf32>
      %mul3A_236 = arith.mulf %bitcast3A_231, %mul3A_235 : vector<16xf32>
      %add3A_237 = arith.addf %add3A_216, %mul3A_236 : vector<16xf32>
      %slice3A_238 = vector.extract_strided_slice %get3A_158 {offsets = [4], sizes = [1], strides = [1]} : vector<16xf32> to vector<1xf32>
      %squeeze3A_239 = vector.extract %slice3A_238[0] : f32 from vector<1xf32>
      %add3A_240 = arith.constant 4 : i32
      %add3A_241 = arith.addi %mul3A_155, %add3A_240 : i32
      %get3A_242 = arith.index_cast %add3A_241 : i32 to index
      %get3A_243 = arith.constant 0 : index
      %get3A_244 = tpu.vector_load %arg14[%get3A_242, %get3A_243] {strides = array<i32>} : memref<1600x16xi32, #tpu.memory_space<vmem>>, vector<16xi32>,
      %shift_left3A_245 = arith.constant 16 : i32
      %shift_left3A_246 = vector.broadcast %shift_left3A_245 : i32 to vector<16xi32>
      %shift_left3A_247 = arith.shli %get3A_244, %shift_left3A_246 : vector<16xi32>
      %bitcast3A_248 = vector.bitcast %shift_left3A_247 : vector<16xi32> to vector<16xf32>
      %and3A_249 = arith.constant -65536 : i32
      %and3A_250 = vector.broadcast %and3A_249 : i32 to vector<16xi32>
      %and3A_251 = arith.andi %get3A_244, %and3A_250 : vector<16xi32>
      %bitcast3A_252 = vector.bitcast %and3A_251 : vector<16xi32> to vector<16xf32>
      %mul3A_253 = vector.broadcast %squeeze3A_239 : f32 to vector<16xf32>
      %mul3A_254 = arith.mulf %bitcast3A_248, %mul3A_253 : vector<16xf32>
      %add3A_255 = arith.addf %add3A_234, %mul3A_254 : vector<16xf32>
      %mul3A_256 = vector.broadcast %squeeze3A_239 : f32 to vector<16xf32>
      %mul3A_257 = arith.mulf %bitcast3A_252, %mul3A_256 : vector<16xf32>
      %add3A_258 = arith.addf %add3A_237, %mul3A_257 : vector<16xf32>
      %slice3A_259 = vector.extract_strided_slice %get3A_158 {offsets = [5], sizes = [1], strides = [1]} : vector<16xf32> to vector<1xf32>
      %squeeze3A_260 = vector.extract %slice3A_259[0] : f32 from vector<1xf32>
      %add3A_261 = arith.constant 5 : i32
      %add3A_262 = arith.addi %mul3A_155, %add3A_261 : i32
      %get3A_263 = arith.index_cast %add3A_262 : i32 to index
      %get3A_264 = arith.constant 0 : index
      %get3A_265 = tpu.vector_load %arg14[%get3A_263, %get3A_264] {strides = array<i32>} : memref<1600x16xi32, #tpu.memory_space<vmem>>, vector<16xi32>,
      %shift_left3A_266 = arith.constant 16 : i32
      %shift_left3A_267 = vector.broadcast %shift_left3A_266 : i32 to vector<16xi32>
      %shift_left3A_268 = arith.shli %get3A_265, %shift_left3A_267 : vector<16xi32>
      %bitcast3A_269 = vector.bitcast %shift_left3A_268 : vector<16xi32> to vector<16xf32>
      %and3A_270 = arith.constant -65536 : i32
      %and3A_271 = vector.broadcast %and3A_270 : i32 to vector<16xi32>
      %and3A_272 = arith.andi %get3A_265, %and3A_271 : vector<16xi32>
      %bitcast3A_273 = vector.bitcast %and3A_272 : vector<16xi32> to vector<16xf32>
      %mul3A_274 = vector.broadcast %squeeze3A_260 : f32 to vector<16xf32>
      %mul3A_275 = arith.mulf %bitcast3A_269, %mul3A_274 : vector<16xf32>
      %add3A_276 = arith.addf %add3A_255, %mul3A_275 : vector<16xf32>
      %mul3A_277 = vector.broadcast %squeeze3A_260 : f32 to vector<16xf32>
      %mul3A_278 = arith.mulf %bitcast3A_273, %mul3A_277 : vector<16xf32>
      %add3A_279 = arith.addf %add3A_258, %mul3A_278 : vector<16xf32>
      %slice3A_280 = vector.extract_strided_slice %get3A_158 {offsets = [6], sizes = [1], strides = [1]} : vector<16xf32> to vector<1xf32>
      %squeeze3A_281 = vector.extract %slice3A_280[0] : f32 from vector<1xf32>
      %add3A_282 = arith.constant 6 : i32
      %add3A_283 = arith.addi %mul3A_155, %add3A_282 : i32
      %get3A_284 = arith.index_cast %add3A_283 : i32 to index
      %get3A_285 = arith.constant 0 : index
      %get3A_286 = tpu.vector_load %arg14[%get3A_284, %get3A_285] {strides = array<i32>} : memref<1600x16xi32, #tpu.memory_space<vmem>>, vector<16xi32>,
      %shift_left3A_287 = arith.constant 16 : i32
      %shift_left3A_288 = vector.broadcast %shift_left3A_287 : i32 to vector<16xi32>
      %shift_left3A_289 = arith.shli %get3A_286, %shift_left3A_288 : vector<16xi32>
      %bitcast3A_290 = vector.bitcast %shift_left3A_289 : vector<16xi32> to vector<16xf32>
      %and3A_291 = arith.constant -65536 : i32
      %and3A_292 = vector.broadcast %and3A_291 : i32 to vector<16xi32>
      %and3A_293 = arith.andi %get3A_286, %and3A_292 : vector<16xi32>
      %bitcast3A_294 = vector.bitcast %and3A_293 : vector<16xi32> to vector<16xf32>
      %mul3A_295 = vector.broadcast %squeeze3A_281 : f32 to vector<16xf32>
      %mul3A_296 = arith.mulf %bitcast3A_290, %mul3A_295 : vector<16xf32>
      %add3A_297 = arith.addf %add3A_276, %mul3A_296 : vector<16xf32>
      %mul3A_298 = vector.broadcast %squeeze3A_281 : f32 to vector<16xf32>
      %mul3A_299 = arith.mulf %bitcast3A_294, %mul3A_298 : vector<16xf32>
      %add3A_300 = arith.addf %add3A_279, %mul3A_299 : vector<16xf32>
      %slice3A_301 = vector.extract_strided_slice %get3A_158 {offsets = [7], sizes = [1], strides = [1]} : vector<16xf32> to vector<1xf32>
      %squeeze3A_302 = vector.extract %slice3A_301[0] : f32 from vector<1xf32>
      %add3A_303 = arith.constant 7 : i32
      %add3A_304 = arith.addi %mul3A_155, %add3A_303 : i32
      %get3A_305 = arith.index_cast %add3A_304 : i32 to index
      %get3A_306 = arith.constant 0 : index
      %get3A_307 = tpu.vector_load %arg14[%get3A_305, %get3A_306] {strides = array<i32>} : memref<1600x16xi32, #tpu.memory_space<vmem>>, vector<16xi32>,
      %shift_left3A_308 = arith.constant 16 : i32
      %shift_left3A_309 = vector.broadcast %shift_left3A_308 : i32 to vector<16xi32>
      %shift_left3A_310 = arith.shli %get3A_307, %shift_left3A_309 : vector<16xi32>
      %bitcast3A_311 = vector.bitcast %shift_left3A_310 : vector<16xi32> to vector<16xf32>
      %and3A_312 = arith.constant -65536 : i32
      %and3A_313 = vector.broadcast %and3A_312 : i32 to vector<16xi32>
      %and3A_314 = arith.andi %get3A_307, %and3A_313 : vector<16xi32>
      %bitcast3A_315 = vector.bitcast %and3A_314 : vector<16xi32> to vector<16xf32>
      %mul3A_316 = vector.broadcast %squeeze3A_302 : f32 to vector<16xf32>
      %mul3A_317 = arith.mulf %bitcast3A_311, %mul3A_316 : vector<16xf32>
      %add3A_318 = arith.addf %add3A_297, %mul3A_317 : vector<16xf32>
      %mul3A_319 = vector.broadcast %squeeze3A_302 : f32 to vector<16xf32>
      %mul3A_320 = arith.mulf %bitcast3A_315, %mul3A_319 : vector<16xf32>
      %add3A_321 = arith.addf %add3A_300, %mul3A_320 : vector<16xf32>
      %slice3A_322 = vector.extract_strided_slice %get3A_158 {offsets = [8], sizes = [1], strides = [1]} : vector<16xf32> to vector<1xf32>
      %squeeze3A_323 = vector.extract %slice3A_322[0] : f32 from vector<1xf32>
      %add3A_324 = arith.constant 8 : i32
      %add3A_325 = arith.addi %mul3A_155, %add3A_324 : i32
      %get3A_326 = arith.index_cast %add3A_325 : i32 to index
      %get3A_327 = arith.constant 0 : index
      %get3A_328 = tpu.vector_load %arg14[%get3A_326, %get3A_327] {strides = array<i32>} : memref<1600x16xi32, #tpu.memory_space<vmem>>, vector<16xi32>,
      %shift_left3A_329 = arith.constant 16 : i32
      %shift_left3A_330 = vector.broadcast %shift_left3A_329 : i32 to vector<16xi32>
      %shift_left3A_331 = arith.shli %get3A_328, %shift_left3A_330 : vector<16xi32>
      %bitcast3A_332 = vector.bitcast %shift_left3A_331 : vector<16xi32> to vector<16xf32>
      %and3A_333 = arith.constant -65536 : i32
      %and3A_334 = vector.broadcast %and3A_333 : i32 to vector<16xi32>
      %and3A_335 = arith.andi %get3A_328, %and3A_334 : vector<16xi32>
      %bitcast3A_336 = vector.bitcast %and3A_335 : vector<16xi32> to vector<16xf32>
      %mul3A_337 = vector.broadcast %squeeze3A_323 : f32 to vector<16xf32>
      %mul3A_338 = arith.mulf %bitcast3A_332, %mul3A_337 : vector<16xf32>
      %add3A_339 = arith.addf %add3A_318, %mul3A_338 : vector<16xf32>
      %mul3A_340 = vector.broadcast %squeeze3A_323 : f32 to vector<16xf32>
      %mul3A_341 = arith.mulf %bitcast3A_336, %mul3A_340 : vector<16xf32>
      %add3A_342 = arith.addf %add3A_321, %mul3A_341 : vector<16xf32>
      %slice3A_343 = vector.extract_strided_slice %get3A_158 {offsets = [9], sizes = [1], strides = [1]} : vector<16xf32> to vector<1xf32>
      %squeeze3A_344 = vector.extract %slice3A_343[0] : f32 from vector<1xf32>
      %add3A_345 = arith.constant 9 : i32
      %add3A_346 = arith.addi %mul3A_155, %add3A_345 : i32
      %get3A_347 = arith.index_cast %add3A_346 : i32 to index
      %get3A_348 = arith.constant 0 : index
      %get3A_349 = tpu.vector_load %arg14[%get3A_347, %get3A_348] {strides = array<i32>} : memref<1600x16xi32, #tpu.memory_space<vmem>>, vector<16xi32>,
      %shift_left3A_350 = arith.constant 16 : i32
      %shift_left3A_351 = vector.broadcast %shift_left3A_350 : i32 to vector<16xi32>
      %shift_left3A_352 = arith.shli %get3A_349, %shift_left3A_351 : vector<16xi32>
      %bitcast3A_353 = vector.bitcast %shift_left3A_352 : vector<16xi32> to vector<16xf32>
      %and3A_354 = arith.constant -65536 : i32
      %and3A_355 = vector.broadcast %and3A_354 : i32 to vector<16xi32>
      %and3A_356 = arith.andi %get3A_349, %and3A_355 : vector<16xi32>
      %bitcast3A_357 = vector.bitcast %and3A_356 : vector<16xi32> to vector<16xf32>
      %mul3A_358 = vector.broadcast %squeeze3A_344 : f32 to vector<16xf32>
      %mul3A_359 = arith.mulf %bitcast3A_353, %mul3A_358 : vector<16xf32>
      %add3A_360 = arith.addf %add3A_339, %mul3A_359 : vector<16xf32>
      %mul3A_361 = vector.broadcast %squeeze3A_344 : f32 to vector<16xf32>
      %mul3A_362 = arith.mulf %bitcast3A_357, %mul3A_361 : vector<16xf32>
      %add3A_363 = arith.addf %add3A_342, %mul3A_362 : vector<16xf32>
      %slice3A_364 = vector.extract_strided_slice %get3A_158 {offsets = [10], sizes = [1], strides = [1]} : vector<16xf32> to vector<1xf32>
      %squeeze3A_365 = vector.extract %slice3A_364[0] : f32 from vector<1xf32>
      %add3A_366 = arith.constant 10 : i32
      %add3A_367 = arith.addi %mul3A_155, %add3A_366 : i32
      %get3A_368 = arith.index_cast %add3A_367 : i32 to index
      %get3A_369 = arith.constant 0 : index
      %get3A_370 = tpu.vector_load %arg14[%get3A_368, %get3A_369] {strides = array<i32>} : memref<1600x16xi32, #tpu.memory_space<vmem>>, vector<16xi32>,
      %shift_left3A_371 = arith.constant 16 : i32
      %shift_left3A_372 = vector.broadcast %shift_left3A_371 : i32 to vector<16xi32>
      %shift_left3A_373 = arith.shli %get3A_370, %shift_left3A_372 : vector<16xi32>
      %bitcast3A_374 = vector.bitcast %shift_left3A_373 : vector<16xi32> to vector<16xf32>
      %and3A_375 = arith.constant -65536 : i32
      %and3A_376 = vector.broadcast %and3A_375 : i32 to vector<16xi32>
      %and3A_377 = arith.andi %get3A_370, %and3A_376 : vector<16xi32>
      %bitcast3A_378 = vector.bitcast %and3A_377 : vector<16xi32> to vector<16xf32>
      %mul3A_379 = vector.broadcast %squeeze3A_365 : f32 to vector<16xf32>
      %mul3A_380 = arith.mulf %bitcast3A_374, %mul3A_379 : vector<16xf32>
      %add3A_381 = arith.addf %add3A_360, %mul3A_380 : vector<16xf32>
      %mul3A_382 = vector.broadcast %squeeze3A_365 : f32 to vector<16xf32>
      %mul3A_383 = arith.mulf %bitcast3A_378, %mul3A_382 : vector<16xf32>
      %add3A_384 = arith.addf %add3A_363, %mul3A_383 : vector<16xf32>
      %slice3A_385 = vector.extract_strided_slice %get3A_158 {offsets = [11], sizes = [1], strides = [1]} : vector<16xf32> to vector<1xf32>
      %squeeze3A_386 = vector.extract %slice3A_385[0] : f32 from vector<1xf32>
      %add3A_387 = arith.constant 11 : i32
      %add3A_388 = arith.addi %mul3A_155, %add3A_387 : i32
      %get3A_389 = arith.index_cast %add3A_388 : i32 to index
      %get3A_390 = arith.constant 0 : index
      %get3A_391 = tpu.vector_load %arg14[%get3A_389, %get3A_390] {strides = array<i32>} : memref<1600x16xi32, #tpu.memory_space<vmem>>, vector<16xi32>,
      %shift_left3A_392 = arith.constant 16 : i32
      %shift_left3A_393 = vector.broadcast %shift_left3A_392 : i32 to vector<16xi32>
      %shift_left3A_394 = arith.shli %get3A_391, %shift_left3A_393 : vector<16xi32>
      %bitcast3A_395 = vector.bitcast %shift_left3A_394 : vector<16xi32> to vector<16xf32>
      %and3A_396 = arith.constant -65536 : i32
      %and3A_397 = vector.broadcast %and3A_396 : i32 to vector<16xi32>
      %and3A_398 = arith.andi %get3A_391, %and3A_397 : vector<16xi32>
      %bitcast3A_399 = vector.bitcast %and3A_398 : vector<16xi32> to vector<16xf32>
      %mul3A_400 = vector.broadcast %squeeze3A_386 : f32 to vector<16xf32>
      %mul3A_401 = arith.mulf %bitcast3A_395, %mul3A_400 : vector<16xf32>
      %add3A_402 = arith.addf %add3A_381, %mul3A_401 : vector<16xf32>
      %mul3A_403 = vector.broadcast %squeeze3A_386 : f32 to vector<16xf32>
      %mul3A_404 = arith.mulf %bitcast3A_399, %mul3A_403 : vector<16xf32>
      %add3A_405 = arith.addf %add3A_384, %mul3A_404 : vector<16xf32>
      %slice3A_406 = vector.extract_strided_slice %get3A_158 {offsets = [12], sizes = [1], strides = [1]} : vector<16xf32> to vector<1xf32>
      %squeeze3A_407 = vector.extract %slice3A_406[0] : f32 from vector<1xf32>
      %add3A_408 = arith.constant 12 : i32
      %add3A_409 = arith.addi %mul3A_155, %add3A_408 : i32
      %get3A_410 = arith.index_cast %add3A_409 : i32 to index
      %get3A_411 = arith.constant 0 : index
      %get3A_412 = tpu.vector_load %arg14[%get3A_410, %get3A_411] {strides = array<i32>} : memref<1600x16xi32, #tpu.memory_space<vmem>>, vector<16xi32>,
      %shift_left3A_413 = arith.constant 16 : i32
      %shift_left3A_414 = vector.broadcast %shift_left3A_413 : i32 to vector<16xi32>
      %shift_left3A_415 = arith.shli %get3A_412, %shift_left3A_414 : vector<16xi32>
      %bitcast3A_416 = vector.bitcast %shift_left3A_415 : vector<16xi32> to vector<16xf32>
      %and3A_417 = arith.constant -65536 : i32
      %and3A_418 = vector.broadcast %and3A_417 : i32 to vector<16xi32>
      %and3A_419 = arith.andi %get3A_412, %and3A_418 : vector<16xi32>
      %bitcast3A_420 = vector.bitcast %and3A_419 : vector<16xi32> to vector<16xf32>
      %mul3A_421 = vector.broadcast %squeeze3A_407 : f32 to vector<16xf32>
      %mul3A_422 = arith.mulf %bitcast3A_416, %mul3A_421 : vector<16xf32>
      %add3A_423 = arith.addf %add3A_402, %mul3A_422 : vector<16xf32>
      %mul3A_424 = vector.broadcast %squeeze3A_407 : f32 to vector<16xf32>
      %mul3A_425 = arith.mulf %bitcast3A_420, %mul3A_424 : vector<16xf32>
      %add3A_426 = arith.addf %add3A_405, %mul3A_425 : vector<16xf32>
      %slice3A_427 = vector.extract_strided_slice %get3A_158 {offsets = [13], sizes = [1], strides = [1]} : vector<16xf32> to vector<1xf32>
      %squeeze3A_428 = vector.extract %slice3A_427[0] : f32 from vector<1xf32>
      %add3A_429 = arith.constant 13 : i32
      %add3A_430 = arith.addi %mul3A_155, %add3A_429 : i32
      %get3A_431 = arith.index_cast %add3A_430 : i32 to index
      %get3A_432 = arith.constant 0 : index
      %get3A_433 = tpu.vector_load %arg14[%get3A_431, %get3A_432] {strides = array<i32>} : memref<1600x16xi32, #tpu.memory_space<vmem>>, vector<16xi32>,
      %shift_left3A_434 = arith.constant 16 : i32
      %shift_left3A_435 = vector.broadcast %shift_left3A_434 : i32 to vector<16xi32>
      %shift_left3A_436 = arith.shli %get3A_433, %shift_left3A_435 : vector<16xi32>
      %bitcast3A_437 = vector.bitcast %shift_left3A_436 : vector<16xi32> to vector<16xf32>
      %and3A_438 = arith.constant -65536 : i32
      %and3A_439 = vector.broadcast %and3A_438 : i32 to vector<16xi32>
      %and3A_440 = arith.andi %get3A_433, %and3A_439 : vector<16xi32>
      %bitcast3A_441 = vector.bitcast %and3A_440 : vector<16xi32> to vector<16xf32>
      %mul3A_442 = vector.broadcast %squeeze3A_428 : f32 to vector<16xf32>
      %mul3A_443 = arith.mulf %bitcast3A_437, %mul3A_442 : vector<16xf32>
      %add3A_444 = arith.addf %add3A_423, %mul3A_443 : vector<16xf32>
      %mul3A_445 = vector.broadcast %squeeze3A_428 : f32 to vector<16xf32>
      %mul3A_446 = arith.mulf %bitcast3A_441, %mul3A_445 : vector<16xf32>
      %add3A_447 = arith.addf %add3A_426, %mul3A_446 : vector<16xf32>
      %slice3A_448 = vector.extract_strided_slice %get3A_158 {offsets = [14], sizes = [1], strides = [1]} : vector<16xf32> to vector<1xf32>
      %squeeze3A_449 = vector.extract %slice3A_448[0] : f32 from vector<1xf32>
      %add3A_450 = arith.constant 14 : i32
      %add3A_451 = arith.addi %mul3A_155, %add3A_450 : i32
      %get3A_452 = arith.index_cast %add3A_451 : i32 to index
      %get3A_453 = arith.constant 0 : index
      %get3A_454 = tpu.vector_load %arg14[%get3A_452, %get3A_453] {strides = array<i32>} : memref<1600x16xi32, #tpu.memory_space<vmem>>, vector<16xi32>,
      %shift_left3A_455 = arith.constant 16 : i32
      %shift_left3A_456 = vector.broadcast %shift_left3A_455 : i32 to vector<16xi32>
      %shift_left3A_457 = arith.shli %get3A_454, %shift_left3A_456 : vector<16xi32>
      %bitcast3A_458 = vector.bitcast %shift_left3A_457 : vector<16xi32> to vector<16xf32>
      %and3A_459 = arith.constant -65536 : i32
      %and3A_460 = vector.broadcast %and3A_459 : i32 to vector<16xi32>
      %and3A_461 = arith.andi %get3A_454, %and3A_460 : vector<16xi32>
      %bitcast3A_462 = vector.bitcast %and3A_461 : vector<16xi32> to vector<16xf32>
      %mul3A_463 = vector.broadcast %squeeze3A_449 : f32 to vector<16xf32>
      %mul3A_464 = arith.mulf %bitcast3A_458, %mul3A_463 : vector<16xf32>
      %add3A_465 = arith.addf %add3A_444, %mul3A_464 : vector<16xf32>
      %mul3A_466 = vector.broadcast %squeeze3A_449 : f32 to vector<16xf32>
      %mul3A_467 = arith.mulf %bitcast3A_462, %mul3A_466 : vector<16xf32>
      %add3A_468 = arith.addf %add3A_447, %mul3A_467 : vector<16xf32>
      %slice3A_469 = vector.extract_strided_slice %get3A_158 {offsets = [15], sizes = [1], strides = [1]} : vector<16xf32> to vector<1xf32>
      %squeeze3A_470 = vector.extract %slice3A_469[0] : f32 from vector<1xf32>
      %add3A_471 = arith.constant 15 : i32
      %add3A_472 = arith.addi %mul3A_155, %add3A_471 : i32
      %get3A_473 = arith.index_cast %add3A_472 : i32 to index
      %get3A_474 = arith.constant 0 : index
      %get3A_475 = tpu.vector_load %arg14[%get3A_473, %get3A_474] {strides = array<i32>} : memref<1600x16xi32, #tpu.memory_space<vmem>>, vector<16xi32>,
      %shift_left3A_476 = arith.constant 16 : i32
      %shift_left3A_477 = vector.broadcast %shift_left3A_476 : i32 to vector<16xi32>
      %shift_left3A_478 = arith.shli %get3A_475, %shift_left3A_477 : vector<16xi32>
      %bitcast3A_479 = vector.bitcast %shift_left3A_478 : vector<16xi32> to vector<16xf32>
      %and3A_480 = arith.constant -65536 : i32
      %and3A_481 = vector.broadcast %and3A_480 : i32 to vector<16xi32>
      %and3A_482 = arith.andi %get3A_475, %and3A_481 : vector<16xi32>
      %bitcast3A_483 = vector.bitcast %and3A_482 : vector<16xi32> to vector<16xf32>
      %mul3A_484 = vector.broadcast %squeeze3A_470 : f32 to vector<16xf32>
      %mul3A_485 = arith.mulf %bitcast3A_479, %mul3A_484 : vector<16xf32>
      %add3A_486 = arith.addf %add3A_465, %mul3A_485 : vector<16xf32>
      %mul3A_487 = vector.broadcast %squeeze3A_470 : f32 to vector<16xf32>
      %mul3A_488 = arith.mulf %bitcast3A_483, %mul3A_487 : vector<16xf32>
      %add3A_489 = arith.addf %add3A_468, %mul3A_488 : vector<16xf32>
      %add3A_490 = arith.constant 16 : i32
      %add3A_491 = arith.addi %mul3A_155, %add3A_490 : i32
      %get3A_492 = arith.index_cast %add3A_491 : i32 to index
      %get3A_493 = tpu.vector_load %arg16[%get3A_492] {strides = array<i32>} : memref<1616xf32, #tpu.memory_space<vmem>>, vector<16xf32>,
      %slice3A_494 = vector.extract_strided_slice %get3A_493 {offsets = [0], sizes = [1], strides = [1]} : vector<16xf32> to vector<1xf32>
      %squeeze3A_495 = vector.extract %slice3A_494[0] : f32 from vector<1xf32>
      %add3A_496 = arith.constant 16 : i32
      %add3A_497 = arith.addi %mul3A_155, %add3A_496 : i32
      %get3A_498 = arith.index_cast %add3A_497 : i32 to index
      %get3A_499 = arith.constant 0 : index
      %get3A_500 = tpu.vector_load %arg14[%get3A_498, %get3A_499] {strides = array<i32>} : memref<1600x16xi32, #tpu.memory_space<vmem>>, vector<16xi32>,
      %shift_left3A_501 = arith.constant 16 : i32
      %shift_left3A_502 = vector.broadcast %shift_left3A_501 : i32 to vector<16xi32>
      %shift_left3A_503 = arith.shli %get3A_500, %shift_left3A_502 : vector<16xi32>
      %bitcast3A_504 = vector.bitcast %shift_left3A_503 : vector<16xi32> to vector<16xf32>
      %and3A_505 = arith.constant -65536 : i32
      %and3A_506 = vector.broadcast %and3A_505 : i32 to vector<16xi32>
      %and3A_507 = arith.andi %get3A_500, %and3A_506 : vector<16xi32>
      %bitcast3A_508 = vector.bitcast %and3A_507 : vector<16xi32> to vector<16xf32>
      %mul3A_509 = vector.broadcast %squeeze3A_495 : f32 to vector<16xf32>
      %mul3A_510 = arith.mulf %bitcast3A_504, %mul3A_509 : vector<16xf32>
      %add3A_511 = arith.addf %add3A_486, %mul3A_510 : vector<16xf32>
      %mul3A_512 = vector.broadcast %squeeze3A_495 : f32 to vector<16xf32>
      %mul3A_513 = arith.mulf %bitcast3A_508, %mul3A_512 : vector<16xf32>
      %add3A_514 = arith.addf %add3A_489, %mul3A_513 : vector<16xf32>
      %slice3A_515 = vector.extract_strided_slice %get3A_493 {offsets = [1], sizes = [1], strides = [1]} : vector<16xf32> to vector<1xf32>
      %squeeze3A_516 = vector.extract %slice3A_515[0] : f32 from vector<1xf32>
      %add3A_517 = arith.constant 17 : i32
      %add3A_518 = arith.addi %mul3A_155, %add3A_517 : i32
      %get3A_519 = arith.index_cast %add3A_518 : i32 to index
      %get3A_520 = arith.constant 0 : index
      %get3A_521 = tpu.vector_load %arg14[%get3A_519, %get3A_520] {strides = array<i32>} : memref<1600x16xi32, #tpu.memory_space<vmem>>, vector<16xi32>,
      %shift_left3A_522 = arith.constant 16 : i32
      %shift_left3A_523 = vector.broadcast %shift_left3A_522 : i32 to vector<16xi32>
      %shift_left3A_524 = arith.shli %get3A_521, %shift_left3A_523 : vector<16xi32>
      %bitcast3A_525 = vector.bitcast %shift_left3A_524 : vector<16xi32> to vector<16xf32>
      %and3A_526 = arith.constant -65536 : i32
      %and3A_527 = vector.broadcast %and3A_526 : i32 to vector<16xi32>
      %and3A_528 = arith.andi %get3A_521, %and3A_527 : vector<16xi32>
      %bitcast3A_529 = vector.bitcast %and3A_528 : vector<16xi32> to vector<16xf32>
      %mul3A_530 = vector.broadcast %squeeze3A_516 : f32 to vector<16xf32>
      %mul3A_531 = arith.mulf %bitcast3A_525, %mul3A_530 : vector<16xf32>
      %add3A_532 = arith.addf %add3A_511, %mul3A_531 : vector<16xf32>
      %mul3A_533 = vector.broadcast %squeeze3A_516 : f32 to vector<16xf32>
      %mul3A_534 = arith.mulf %bitcast3A_529, %mul3A_533 : vector<16xf32>
      %add3A_535 = arith.addf %add3A_514, %mul3A_534 : vector<16xf32>
      %slice3A_536 = vector.extract_strided_slice %get3A_493 {offsets = [2], sizes = [1], strides = [1]} : vector<16xf32> to vector<1xf32>
      %squeeze3A_537 = vector.extract %slice3A_536[0] : f32 from vector<1xf32>
      %add3A_538 = arith.constant 18 : i32
      %add3A_539 = arith.addi %mul3A_155, %add3A_538 : i32
      %get3A_540 = arith.index_cast %add3A_539 : i32 to index
      %get3A_541 = arith.constant 0 : index
      %get3A_542 = tpu.vector_load %arg14[%get3A_540, %get3A_541] {strides = array<i32>} : memref<1600x16xi32, #tpu.memory_space<vmem>>, vector<16xi32>,
      %shift_left3A_543 = arith.constant 16 : i32
      %shift_left3A_544 = vector.broadcast %shift_left3A_543 : i32 to vector<16xi32>
      %shift_left3A_545 = arith.shli %get3A_542, %shift_left3A_544 : vector<16xi32>
      %bitcast3A_546 = vector.bitcast %shift_left3A_545 : vector<16xi32> to vector<16xf32>
      %and3A_547 = arith.constant -65536 : i32
      %and3A_548 = vector.broadcast %and3A_547 : i32 to vector<16xi32>
      %and3A_549 = arith.andi %get3A_542, %and3A_548 : vector<16xi32>
      %bitcast3A_550 = vector.bitcast %and3A_549 : vector<16xi32> to vector<16xf32>
      %mul3A_551 = vector.broadcast %squeeze3A_537 : f32 to vector<16xf32>
      %mul3A_552 = arith.mulf %bitcast3A_546, %mul3A_551 : vector<16xf32>
      %add3A_553 = arith.addf %add3A_532, %mul3A_552 : vector<16xf32>
      %mul3A_554 = vector.broadcast %squeeze3A_537 : f32 to vector<16xf32>
      %mul3A_555 = arith.mulf %bitcast3A_550, %mul3A_554 : vector<16xf32>
      %add3A_556 = arith.addf %add3A_535, %mul3A_555 : vector<16xf32>
      %slice3A_557 = vector.extract_strided_slice %get3A_493 {offsets = [3], sizes = [1], strides = [1]} : vector<16xf32> to vector<1xf32>
      %squeeze3A_558 = vector.extract %slice3A_557[0] : f32 from vector<1xf32>
      %add3A_559 = arith.constant 19 : i32
      %add3A_560 = arith.addi %mul3A_155, %add3A_559 : i32
      %get3A_561 = arith.index_cast %add3A_560 : i32 to index
      %get3A_562 = arith.constant 0 : index
      %get3A_563 = tpu.vector_load %arg14[%get3A_561, %get3A_562] {strides = array<i32>} : memref<1600x16xi32, #tpu.memory_space<vmem>>, vector<16xi32>,
      %shift_left3A_564 = arith.constant 16 : i32
      %shift_left3A_565 = vector.broadcast %shift_left3A_564 : i32 to vector<16xi32>
      %shift_left3A_566 = arith.shli %get3A_563, %shift_left3A_565 : vector<16xi32>
      %bitcast3A_567 = vector.bitcast %shift_left3A_566 : vector<16xi32> to vector<16xf32>
      %and3A_568 = arith.constant -65536 : i32
      %and3A_569 = vector.broadcast %and3A_568 : i32 to vector<16xi32>
      %and3A_570 = arith.andi %get3A_563, %and3A_569 : vector<16xi32>
      %bitcast3A_571 = vector.bitcast %and3A_570 : vector<16xi32> to vector<16xf32>
      %mul3A_572 = vector.broadcast %squeeze3A_558 : f32 to vector<16xf32>
      %mul3A_573 = arith.mulf %bitcast3A_567, %mul3A_572 : vector<16xf32>
      %add3A_574 = arith.addf %add3A_553, %mul3A_573 : vector<16xf32>
      %mul3A_575 = vector.broadcast %squeeze3A_558 : f32 to vector<16xf32>
      %mul3A_576 = arith.mulf %bitcast3A_571, %mul3A_575 : vector<16xf32>
      %add3A_577 = arith.addf %add3A_556, %mul3A_576 : vector<16xf32>
      %slice3A_578 = vector.extract_strided_slice %get3A_493 {offsets = [4], sizes = [1], strides = [1]} : vector<16xf32> to vector<1xf32>
      %squeeze3A_579 = vector.extract %slice3A_578[0] : f32 from vector<1xf32>
      %add3A_580 = arith.constant 20 : i32
      %add3A_581 = arith.addi %mul3A_155, %add3A_580 : i32
      %get3A_582 = arith.index_cast %add3A_581 : i32 to index
      %get3A_583 = arith.constant 0 : index
      %get3A_584 = tpu.vector_load %arg14[%get3A_582, %get3A_583] {strides = array<i32>} : memref<1600x16xi32, #tpu.memory_space<vmem>>, vector<16xi32>,
      %shift_left3A_585 = arith.constant 16 : i32
      %shift_left3A_586 = vector.broadcast %shift_left3A_585 : i32 to vector<16xi32>
      %shift_left3A_587 = arith.shli %get3A_584, %shift_left3A_586 : vector<16xi32>
      %bitcast3A_588 = vector.bitcast %shift_left3A_587 : vector<16xi32> to vector<16xf32>
      %and3A_589 = arith.constant -65536 : i32
      %and3A_590 = vector.broadcast %and3A_589 : i32 to vector<16xi32>
      %and3A_591 = arith.andi %get3A_584, %and3A_590 : vector<16xi32>
      %bitcast3A_592 = vector.bitcast %and3A_591 : vector<16xi32> to vector<16xf32>
      %mul3A_593 = vector.broadcast %squeeze3A_579 : f32 to vector<16xf32>
      %mul3A_594 = arith.mulf %bitcast3A_588, %mul3A_593 : vector<16xf32>
      %add3A_595 = arith.addf %add3A_574, %mul3A_594 : vector<16xf32>
      %mul3A_596 = vector.broadcast %squeeze3A_579 : f32 to vector<16xf32>
      %mul3A_597 = arith.mulf %bitcast3A_592, %mul3A_596 : vector<16xf32>
      %add3A_598 = arith.addf %add3A_577, %mul3A_597 : vector<16xf32>
      %slice3A_599 = vector.extract_strided_slice %get3A_493 {offsets = [5], sizes = [1], strides = [1]} : vector<16xf32> to vector<1xf32>
      %squeeze3A_600 = vector.extract %slice3A_599[0] : f32 from vector<1xf32>
      %add3A_601 = arith.constant 21 : i32
      %add3A_602 = arith.addi %mul3A_155, %add3A_601 : i32
      %get3A_603 = arith.index_cast %add3A_602 : i32 to index
      %get3A_604 = arith.constant 0 : index
      %get3A_605 = tpu.vector_load %arg14[%get3A_603, %get3A_604] {strides = array<i32>} : memref<1600x16xi32, #tpu.memory_space<vmem>>, vector<16xi32>,
      %shift_left3A_606 = arith.constant 16 : i32
      %shift_left3A_607 = vector.broadcast %shift_left3A_606 : i32 to vector<16xi32>
      %shift_left3A_608 = arith.shli %get3A_605, %shift_left3A_607 : vector<16xi32>
      %bitcast3A_609 = vector.bitcast %shift_left3A_608 : vector<16xi32> to vector<16xf32>
      %and3A_610 = arith.constant -65536 : i32
      %and3A_611 = vector.broadcast %and3A_610 : i32 to vector<16xi32>
      %and3A_612 = arith.andi %get3A_605, %and3A_611 : vector<16xi32>
      %bitcast3A_613 = vector.bitcast %and3A_612 : vector<16xi32> to vector<16xf32>
      %mul3A_614 = vector.broadcast %squeeze3A_600 : f32 to vector<16xf32>
      %mul3A_615 = arith.mulf %bitcast3A_609, %mul3A_614 : vector<16xf32>
      %add3A_616 = arith.addf %add3A_595, %mul3A_615 : vector<16xf32>
      %mul3A_617 = vector.broadcast %squeeze3A_600 : f32 to vector<16xf32>
      %mul3A_618 = arith.mulf %bitcast3A_613, %mul3A_617 : vector<16xf32>
      %add3A_619 = arith.addf %add3A_598, %mul3A_618 : vector<16xf32>
      %slice3A_620 = vector.extract_strided_slice %get3A_493 {offsets = [6], sizes = [1], strides = [1]} : vector<16xf32> to vector<1xf32>
      %squeeze3A_621 = vector.extract %slice3A_620[0] : f32 from vector<1xf32>
      %add3A_622 = arith.constant 22 : i32
      %add3A_623 = arith.addi %mul3A_155, %add3A_622 : i32
      %get3A_624 = arith.index_cast %add3A_623 : i32 to index
      %get3A_625 = arith.constant 0 : index
      %get3A_626 = tpu.vector_load %arg14[%get3A_624, %get3A_625] {strides = array<i32>} : memref<1600x16xi32, #tpu.memory_space<vmem>>, vector<16xi32>,
      %shift_left3A_627 = arith.constant 16 : i32
      %shift_left3A_628 = vector.broadcast %shift_left3A_627 : i32 to vector<16xi32>
      %shift_left3A_629 = arith.shli %get3A_626, %shift_left3A_628 : vector<16xi32>
      %bitcast3A_630 = vector.bitcast %shift_left3A_629 : vector<16xi32> to vector<16xf32>
      %and3A_631 = arith.constant -65536 : i32
      %and3A_632 = vector.broadcast %and3A_631 : i32 to vector<16xi32>
      %and3A_633 = arith.andi %get3A_626, %and3A_632 : vector<16xi32>
      %bitcast3A_634 = vector.bitcast %and3A_633 : vector<16xi32> to vector<16xf32>
      %mul3A_635 = vector.broadcast %squeeze3A_621 : f32 to vector<16xf32>
      %mul3A_636 = arith.mulf %bitcast3A_630, %mul3A_635 : vector<16xf32>
      %add3A_637 = arith.addf %add3A_616, %mul3A_636 : vector<16xf32>
      %mul3A_638 = vector.broadcast %squeeze3A_621 : f32 to vector<16xf32>
      %mul3A_639 = arith.mulf %bitcast3A_634, %mul3A_638 : vector<16xf32>
      %add3A_640 = arith.addf %add3A_619, %mul3A_639 : vector<16xf32>
      %slice3A_641 = vector.extract_strided_slice %get3A_493 {offsets = [7], sizes = [1], strides = [1]} : vector<16xf32> to vector<1xf32>
      %squeeze3A_642 = vector.extract %slice3A_641[0] : f32 from vector<1xf32>
      %add3A_643 = arith.constant 23 : i32
      %add3A_644 = arith.addi %mul3A_155, %add3A_643 : i32
      %get3A_645 = arith.index_cast %add3A_644 : i32 to index
      %get3A_646 = arith.constant 0 : index
      %get3A_647 = tpu.vector_load %arg14[%get3A_645, %get3A_646] {strides = array<i32>} : memref<1600x16xi32, #tpu.memory_space<vmem>>, vector<16xi32>,
      %shift_left3A_648 = arith.constant 16 : i32
      %shift_left3A_649 = vector.broadcast %shift_left3A_648 : i32 to vector<16xi32>
      %shift_left3A_650 = arith.shli %get3A_647, %shift_left3A_649 : vector<16xi32>
      %bitcast3A_651 = vector.bitcast %shift_left3A_650 : vector<16xi32> to vector<16xf32>
      %and3A_652 = arith.constant -65536 : i32
      %and3A_653 = vector.broadcast %and3A_652 : i32 to vector<16xi32>
      %and3A_654 = arith.andi %get3A_647, %and3A_653 : vector<16xi32>
      %bitcast3A_655 = vector.bitcast %and3A_654 : vector<16xi32> to vector<16xf32>
      %mul3A_656 = vector.broadcast %squeeze3A_642 : f32 to vector<16xf32>
      %mul3A_657 = arith.mulf %bitcast3A_651, %mul3A_656 : vector<16xf32>
      %add3A_658 = arith.addf %add3A_637, %mul3A_657 : vector<16xf32>
      %mul3A_659 = vector.broadcast %squeeze3A_642 : f32 to vector<16xf32>
      %mul3A_660 = arith.mulf %bitcast3A_655, %mul3A_659 : vector<16xf32>
      %add3A_661 = arith.addf %add3A_640, %mul3A_660 : vector<16xf32>
      %slice3A_662 = vector.extract_strided_slice %get3A_493 {offsets = [8], sizes = [1], strides = [1]} : vector<16xf32> to vector<1xf32>
      %squeeze3A_663 = vector.extract %slice3A_662[0] : f32 from vector<1xf32>
      %add3A_664 = arith.constant 24 : i32
      %add3A_665 = arith.addi %mul3A_155, %add3A_664 : i32
      %get3A_666 = arith.index_cast %add3A_665 : i32 to index
      %get3A_667 = arith.constant 0 : index
      %get3A_668 = tpu.vector_load %arg14[%get3A_666, %get3A_667] {strides = array<i32>} : memref<1600x16xi32, #tpu.memory_space<vmem>>, vector<16xi32>,
      %shift_left3A_669 = arith.constant 16 : i32
      %shift_left3A_670 = vector.broadcast %shift_left3A_669 : i32 to vector<16xi32>
      %shift_left3A_671 = arith.shli %get3A_668, %shift_left3A_670 : vector<16xi32>
      %bitcast3A_672 = vector.bitcast %shift_left3A_671 : vector<16xi32> to vector<16xf32>
      %and3A_673 = arith.constant -65536 : i32
      %and3A_674 = vector.broadcast %and3A_673 : i32 to vector<16xi32>
      %and3A_675 = arith.andi %get3A_668, %and3A_674 : vector<16xi32>
      %bitcast3A_676 = vector.bitcast %and3A_675 : vector<16xi32> to vector<16xf32>
      %mul3A_677 = vector.broadcast %squeeze3A_663 : f32 to vector<16xf32>
      %mul3A_678 = arith.mulf %bitcast3A_672, %mul3A_677 : vector<16xf32>
      %add3A_679 = arith.addf %add3A_658, %mul3A_678 : vector<16xf32>
      %mul3A_680 = vector.broadcast %squeeze3A_663 : f32 to vector<16xf32>
      %mul3A_681 = arith.mulf %bitcast3A_676, %mul3A_680 : vector<16xf32>
      %add3A_682 = arith.addf %add3A_661, %mul3A_681 : vector<16xf32>
      %slice3A_683 = vector.extract_strided_slice %get3A_493 {offsets = [9], sizes = [1], strides = [1]} : vector<16xf32> to vector<1xf32>
      %squeeze3A_684 = vector.extract %slice3A_683[0] : f32 from vector<1xf32>
      %add3A_685 = arith.constant 25 : i32
      %add3A_686 = arith.addi %mul3A_155, %add3A_685 : i32
      %get3A_687 = arith.index_cast %add3A_686 : i32 to index
      %get3A_688 = arith.constant 0 : index
      %get3A_689 = tpu.vector_load %arg14[%get3A_687, %get3A_688] {strides = array<i32>} : memref<1600x16xi32, #tpu.memory_space<vmem>>, vector<16xi32>,
      %shift_left3A_690 = arith.constant 16 : i32
      %shift_left3A_691 = vector.broadcast %shift_left3A_690 : i32 to vector<16xi32>
      %shift_left3A_692 = arith.shli %get3A_689, %shift_left3A_691 : vector<16xi32>
      %bitcast3A_693 = vector.bitcast %shift_left3A_692 : vector<16xi32> to vector<16xf32>
      %and3A_694 = arith.constant -65536 : i32
      %and3A_695 = vector.broadcast %and3A_694 : i32 to vector<16xi32>
      %and3A_696 = arith.andi %get3A_689, %and3A_695 : vector<16xi32>
      %bitcast3A_697 = vector.bitcast %and3A_696 : vector<16xi32> to vector<16xf32>
      %mul3A_698 = vector.broadcast %squeeze3A_684 : f32 to vector<16xf32>
      %mul3A_699 = arith.mulf %bitcast3A_693, %mul3A_698 : vector<16xf32>
      %add3A_700 = arith.addf %add3A_679, %mul3A_699 : vector<16xf32>
      %mul3A_701 = vector.broadcast %squeeze3A_684 : f32 to vector<16xf32>
      %mul3A_702 = arith.mulf %bitcast3A_697, %mul3A_701 : vector<16xf32>
      %add3A_703 = arith.addf %add3A_682, %mul3A_702 : vector<16xf32>
      %slice3A_704 = vector.extract_strided_slice %get3A_493 {offsets = [10], sizes = [1], strides = [1]} : vector<16xf32> to vector<1xf32>
      %squeeze3A_705 = vector.extract %slice3A_704[0] : f32 from vector<1xf32>
      %add3A_706 = arith.constant 26 : i32
      %add3A_707 = arith.addi %mul3A_155, %add3A_706 : i32
      %get3A_708 = arith.index_cast %add3A_707 : i32 to index
      %get3A_709 = arith.constant 0 : index
      %get3A_710 = tpu.vector_load %arg14[%get3A_708, %get3A_709] {strides = array<i32>} : memref<1600x16xi32, #tpu.memory_space<vmem>>, vector<16xi32>,
      %shift_left3A_711 = arith.constant 16 : i32
      %shift_left3A_712 = vector.broadcast %shift_left3A_711 : i32 to vector<16xi32>
      %shift_left3A_713 = arith.shli %get3A_710, %shift_left3A_712 : vector<16xi32>
      %bitcast3A_714 = vector.bitcast %shift_left3A_713 : vector<16xi32> to vector<16xf32>
      %and3A_715 = arith.constant -65536 : i32
      %and3A_716 = vector.broadcast %and3A_715 : i32 to vector<16xi32>
      %and3A_717 = arith.andi %get3A_710, %and3A_716 : vector<16xi32>
      %bitcast3A_718 = vector.bitcast %and3A_717 : vector<16xi32> to vector<16xf32>
      %mul3A_719 = vector.broadcast %squeeze3A_705 : f32 to vector<16xf32>
      %mul3A_720 = arith.mulf %bitcast3A_714, %mul3A_719 : vector<16xf32>
      %add3A_721 = arith.addf %add3A_700, %mul3A_720 : vector<16xf32>
      %mul3A_722 = vector.broadcast %squeeze3A_705 : f32 to vector<16xf32>
      %mul3A_723 = arith.mulf %bitcast3A_718, %mul3A_722 : vector<16xf32>
      %add3A_724 = arith.addf %add3A_703, %mul3A_723 : vector<16xf32>
      %slice3A_725 = vector.extract_strided_slice %get3A_493 {offsets = [11], sizes = [1], strides = [1]} : vector<16xf32> to vector<1xf32>
      %squeeze3A_726 = vector.extract %slice3A_725[0] : f32 from vector<1xf32>
      %add3A_727 = arith.constant 27 : i32
      %add3A_728 = arith.addi %mul3A_155, %add3A_727 : i32
      %get3A_729 = arith.index_cast %add3A_728 : i32 to index
      %get3A_730 = arith.constant 0 : index
      %get3A_731 = tpu.vector_load %arg14[%get3A_729, %get3A_730] {strides = array<i32>} : memref<1600x16xi32, #tpu.memory_space<vmem>>, vector<16xi32>,
      %shift_left3A_732 = arith.constant 16 : i32
      %shift_left3A_733 = vector.broadcast %shift_left3A_732 : i32 to vector<16xi32>
      %shift_left3A_734 = arith.shli %get3A_731, %shift_left3A_733 : vector<16xi32>
      %bitcast3A_735 = vector.bitcast %shift_left3A_734 : vector<16xi32> to vector<16xf32>
      %and3A_736 = arith.constant -65536 : i32
      %and3A_737 = vector.broadcast %and3A_736 : i32 to vector<16xi32>
      %and3A_738 = arith.andi %get3A_731, %and3A_737 : vector<16xi32>
      %bitcast3A_739 = vector.bitcast %and3A_738 : vector<16xi32> to vector<16xf32>
      %mul3A_740 = vector.broadcast %squeeze3A_726 : f32 to vector<16xf32>
      %mul3A_741 = arith.mulf %bitcast3A_735, %mul3A_740 : vector<16xf32>
      %add3A_742 = arith.addf %add3A_721, %mul3A_741 : vector<16xf32>
      %mul3A_743 = vector.broadcast %squeeze3A_726 : f32 to vector<16xf32>
      %mul3A_744 = arith.mulf %bitcast3A_739, %mul3A_743 : vector<16xf32>
      %add3A_745 = arith.addf %add3A_724, %mul3A_744 : vector<16xf32>
      %slice3A_746 = vector.extract_strided_slice %get3A_493 {offsets = [12], sizes = [1], strides = [1]} : vector<16xf32> to vector<1xf32>
      %squeeze3A_747 = vector.extract %slice3A_746[0] : f32 from vector<1xf32>
      %add3A_748 = arith.constant 28 : i32
      %add3A_749 = arith.addi %mul3A_155, %add3A_748 : i32
      %get3A_750 = arith.index_cast %add3A_749 : i32 to index
      %get3A_751 = arith.constant 0 : index
      %get3A_752 = tpu.vector_load %arg14[%get3A_750, %get3A_751] {strides = array<i32>} : memref<1600x16xi32, #tpu.memory_space<vmem>>, vector<16xi32>,
      %shift_left3A_753 = arith.constant 16 : i32
      %shift_left3A_754 = vector.broadcast %shift_left3A_753 : i32 to vector<16xi32>
      %shift_left3A_755 = arith.shli %get3A_752, %shift_left3A_754 : vector<16xi32>
      %bitcast3A_756 = vector.bitcast %shift_left3A_755 : vector<16xi32> to vector<16xf32>
      %and3A_757 = arith.constant -65536 : i32
      %and3A_758 = vector.broadcast %and3A_757 : i32 to vector<16xi32>
      %and3A_759 = arith.andi %get3A_752, %and3A_758 : vector<16xi32>
      %bitcast3A_760 = vector.bitcast %and3A_759 : vector<16xi32> to vector<16xf32>
      %mul3A_761 = vector.broadcast %squeeze3A_747 : f32 to vector<16xf32>
      %mul3A_762 = arith.mulf %bitcast3A_756, %mul3A_761 : vector<16xf32>
      %add3A_763 = arith.addf %add3A_742, %mul3A_762 : vector<16xf32>
      %mul3A_764 = vector.broadcast %squeeze3A_747 : f32 to vector<16xf32>
      %mul3A_765 = arith.mulf %bitcast3A_760, %mul3A_764 : vector<16xf32>
      %add3A_766 = arith.addf %add3A_745, %mul3A_765 : vector<16xf32>
      %slice3A_767 = vector.extract_strided_slice %get3A_493 {offsets = [13], sizes = [1], strides = [1]} : vector<16xf32> to vector<1xf32>
      %squeeze3A_768 = vector.extract %slice3A_767[0] : f32 from vector<1xf32>
      %add3A_769 = arith.constant 29 : i32
      %add3A_770 = arith.addi %mul3A_155, %add3A_769 : i32
      %get3A_771 = arith.index_cast %add3A_770 : i32 to index
      %get3A_772 = arith.constant 0 : index
      %get3A_773 = tpu.vector_load %arg14[%get3A_771, %get3A_772] {strides = array<i32>} : memref<1600x16xi32, #tpu.memory_space<vmem>>, vector<16xi32>,
      %shift_left3A_774 = arith.constant 16 : i32
      %shift_left3A_775 = vector.broadcast %shift_left3A_774 : i32 to vector<16xi32>
      %shift_left3A_776 = arith.shli %get3A_773, %shift_left3A_775 : vector<16xi32>
      %bitcast3A_777 = vector.bitcast %shift_left3A_776 : vector<16xi32> to vector<16xf32>
      %and3A_778 = arith.constant -65536 : i32
      %and3A_779 = vector.broadcast %and3A_778 : i32 to vector<16xi32>
      %and3A_780 = arith.andi %get3A_773, %and3A_779 : vector<16xi32>
      %bitcast3A_781 = vector.bitcast %and3A_780 : vector<16xi32> to vector<16xf32>
      %mul3A_782 = vector.broadcast %squeeze3A_768 : f32 to vector<16xf32>
      %mul3A_783 = arith.mulf %bitcast3A_777, %mul3A_782 : vector<16xf32>
      %add3A_784 = arith.addf %add3A_763, %mul3A_783 : vector<16xf32>
      %mul3A_785 = vector.broadcast %squeeze3A_768 : f32 to vector<16xf32>
      %mul3A_786 = arith.mulf %bitcast3A_781, %mul3A_785 : vector<16xf32>
      %add3A_787 = arith.addf %add3A_766, %mul3A_786 : vector<16xf32>
      %slice3A_788 = vector.extract_strided_slice %get3A_493 {offsets = [14], sizes = [1], strides = [1]} : vector<16xf32> to vector<1xf32>
      %squeeze3A_789 = vector.extract %slice3A_788[0] : f32 from vector<1xf32>
      %add3A_790 = arith.constant 30 : i32
      %add3A_791 = arith.addi %mul3A_155, %add3A_790 : i32
      %get3A_792 = arith.index_cast %add3A_791 : i32 to index
      %get3A_793 = arith.constant 0 : index
      %get3A_794 = tpu.vector_load %arg14[%get3A_792, %get3A_793] {strides = array<i32>} : memref<1600x16xi32, #tpu.memory_space<vmem>>, vector<16xi32>,
      %shift_left3A_795 = arith.constant 16 : i32
      %shift_left3A_796 = vector.broadcast %shift_left3A_795 : i32 to vector<16xi32>
      %shift_left3A_797 = arith.shli %get3A_794, %shift_left3A_796 : vector<16xi32>
      %bitcast3A_798 = vector.bitcast %shift_left3A_797 : vector<16xi32> to vector<16xf32>
      %and3A_799 = arith.constant -65536 : i32
      %and3A_800 = vector.broadcast %and3A_799 : i32 to vector<16xi32>
      %and3A_801 = arith.andi %get3A_794, %and3A_800 : vector<16xi32>
      %bitcast3A_802 = vector.bitcast %and3A_801 : vector<16xi32> to vector<16xf32>
      %mul3A_803 = vector.broadcast %squeeze3A_789 : f32 to vector<16xf32>
      %mul3A_804 = arith.mulf %bitcast3A_798, %mul3A_803 : vector<16xf32>
      %add3A_805 = arith.addf %add3A_784, %mul3A_804 : vector<16xf32>
      %mul3A_806 = vector.broadcast %squeeze3A_789 : f32 to vector<16xf32>
      %mul3A_807 = arith.mulf %bitcast3A_802, %mul3A_806 : vector<16xf32>
      %add3A_808 = arith.addf %add3A_787, %mul3A_807 : vector<16xf32>
      %slice3A_809 = vector.extract_strided_slice %get3A_493 {offsets = [15], sizes = [1], strides = [1]} : vector<16xf32> to vector<1xf32>
      %squeeze3A_810 = vector.extract %slice3A_809[0] : f32 from vector<1xf32>
      %add3A_811 = arith.constant 31 : i32
      %add3A_812 = arith.addi %mul3A_155, %add3A_811 : i32
      %get3A_813 = arith.index_cast %add3A_812 : i32 to index
      %get3A_814 = arith.constant 0 : index
      %get3A_815 = tpu.vector_load %arg14[%get3A_813, %get3A_814] {strides = array<i32>} : memref<1600x16xi32, #tpu.memory_space<vmem>>, vector<16xi32>,
      %shift_left3A_816 = arith.constant 16 : i32
      %shift_left3A_817 = vector.broadcast %shift_left3A_816 : i32 to vector<16xi32>
      %shift_left3A_818 = arith.shli %get3A_815, %shift_left3A_817 : vector<16xi32>
      %bitcast3A_819 = vector.bitcast %shift_left3A_818 : vector<16xi32> to vector<16xf32>
      %and3A_820 = arith.constant -65536 : i32
      %and3A_821 = vector.broadcast %and3A_820 : i32 to vector<16xi32>
      %and3A_822 = arith.andi %get3A_815, %and3A_821 : vector<16xi32>
      %bitcast3A_823 = vector.bitcast %and3A_822 : vector<16xi32> to vector<16xf32>
      %mul3A_824 = vector.broadcast %squeeze3A_810 : f32 to vector<16xf32>
      %mul3A_825 = arith.mulf %bitcast3A_819, %mul3A_824 : vector<16xf32>
      %add3A_826 = arith.addf %add3A_805, %mul3A_825 : vector<16xf32>
      %mul3A_827 = vector.broadcast %squeeze3A_810 : f32 to vector<16xf32>
      %mul3A_828 = arith.mulf %bitcast3A_823, %mul3A_827 : vector<16xf32>
      %add3A_829 = arith.addf %add3A_808, %mul3A_828 : vector<16xf32>
      %add3A_830 = arith.constant 32 : i32
      %add3A_831 = arith.addi %mul3A_155, %add3A_830 : i32
      %get3A_832 = arith.index_cast %add3A_831 : i32 to index
      %get3A_833 = tpu.vector_load %arg16[%get3A_832] {strides = array<i32>} : memref<1616xf32, #tpu.memory_space<vmem>>, vector<16xf32>,
      %slice3A_834 = vector.extract_strided_slice %get3A_833 {offsets = [0], sizes = [1], strides = [1]} : vector<16xf32> to vector<1xf32>
      %squeeze3A_835 = vector.extract %slice3A_834[0] : f32 from vector<1xf32>
      %add3A_836 = arith.constant 32 : i32
      %add3A_837 = arith.addi %mul3A_155, %add3A_836 : i32
      %get3A_838 = arith.index_cast %add3A_837 : i32 to index
      %get3A_839 = arith.constant 0 : index
      %get3A_840 = tpu.vector_load %arg14[%get3A_838, %get3A_839] {strides = array<i32>} : memref<1600x16xi32, #tpu.memory_space<vmem>>, vector<16xi32>,
      %shift_left3A_841 = arith.constant 16 : i32
      %shift_left3A_842 = vector.broadcast %shift_left3A_841 : i32 to vector<16xi32>
      %shift_left3A_843 = arith.shli %get3A_840, %shift_left3A_842 : vector<16xi32>
      %bitcast3A_844 = vector.bitcast %shift_left3A_843 : vector<16xi32> to vector<16xf32>
      %and3A_845 = arith.constant -65536 : i32
      %and3A_846 = vector.broadcast %and3A_845 : i32 to vector<16xi32>
      %and3A_847 = arith.andi %get3A_840, %and3A_846 : vector<16xi32>
      %bitcast3A_848 = vector.bitcast %and3A_847 : vector<16xi32> to vector<16xf32>
      %mul3A_849 = vector.broadcast %squeeze3A_835 : f32 to vector<16xf32>
      %mul3A_850 = arith.mulf %bitcast3A_844, %mul3A_849 : vector<16xf32>
      %add3A_851 = arith.addf %add3A_826, %mul3A_850 : vector<16xf32>
      %mul3A_852 = vector.broadcast %squeeze3A_835 : f32 to vector<16xf32>
      %mul3A_853 = arith.mulf %bitcast3A_848, %mul3A_852 : vector<16xf32>
      %add3A_854 = arith.addf %add3A_829, %mul3A_853 : vector<16xf32>
      %slice3A_855 = vector.extract_strided_slice %get3A_833 {offsets = [1], sizes = [1], strides = [1]} : vector<16xf32> to vector<1xf32>
      %squeeze3A_856 = vector.extract %slice3A_855[0] : f32 from vector<1xf32>
      %add3A_857 = arith.constant 33 : i32
      %add3A_858 = arith.addi %mul3A_155, %add3A_857 : i32
      %get3A_859 = arith.index_cast %add3A_858 : i32 to index
      %get3A_860 = arith.constant 0 : index
      %get3A_861 = tpu.vector_load %arg14[%get3A_859, %get3A_860] {strides = array<i32>} : memref<1600x16xi32, #tpu.memory_space<vmem>>, vector<16xi32>,
      %shift_left3A_862 = arith.constant 16 : i32
      %shift_left3A_863 = vector.broadcast %shift_left3A_862 : i32 to vector<16xi32>
      %shift_left3A_864 = arith.shli %get3A_861, %shift_left3A_863 : vector<16xi32>
      %bitcast3A_865 = vector.bitcast %shift_left3A_864 : vector<16xi32> to vector<16xf32>
      %and3A_866 = arith.constant -65536 : i32
      %and3A_867 = vector.broadcast %and3A_866 : i32 to vector<16xi32>
      %and3A_868 = arith.andi %get3A_861, %and3A_867 : vector<16xi32>
      %bitcast3A_869 = vector.bitcast %and3A_868 : vector<16xi32> to vector<16xf32>
      %mul3A_870 = vector.broadcast %squeeze3A_856 : f32 to vector<16xf32>
      %mul3A_871 = arith.mulf %bitcast3A_865, %mul3A_870 : vector<16xf32>
      %add3A_872 = arith.addf %add3A_851, %mul3A_871 : vector<16xf32>
      %mul3A_873 = vector.broadcast %squeeze3A_856 : f32 to vector<16xf32>
      %mul3A_874 = arith.mulf %bitcast3A_869, %mul3A_873 : vector<16xf32>
      %add3A_875 = arith.addf %add3A_854, %mul3A_874 : vector<16xf32>
      %slice3A_876 = vector.extract_strided_slice %get3A_833 {offsets = [2], sizes = [1], strides = [1]} : vector<16xf32> to vector<1xf32>
      %squeeze3A_877 = vector.extract %slice3A_876[0] : f32 from vector<1xf32>
      %add3A_878 = arith.constant 34 : i32
      %add3A_879 = arith.addi %mul3A_155, %add3A_878 : i32
      %get3A_880 = arith.index_cast %add3A_879 : i32 to index
      %get3A_881 = arith.constant 0 : index
      %get3A_882 = tpu.vector_load %arg14[%get3A_880, %get3A_881] {strides = array<i32>} : memref<1600x16xi32, #tpu.memory_space<vmem>>, vector<16xi32>,
      %shift_left3A_883 = arith.constant 16 : i32
      %shift_left3A_884 = vector.broadcast %shift_left3A_883 : i32 to vector<16xi32>
      %shift_left3A_885 = arith.shli %get3A_882, %shift_left3A_884 : vector<16xi32>
      %bitcast3A_886 = vector.bitcast %shift_left3A_885 : vector<16xi32> to vector<16xf32>
      %and3A_887 = arith.constant -65536 : i32
      %and3A_888 = vector.broadcast %and3A_887 : i32 to vector<16xi32>
      %and3A_889 = arith.andi %get3A_882, %and3A_888 : vector<16xi32>
      %bitcast3A_890 = vector.bitcast %and3A_889 : vector<16xi32> to vector<16xf32>
      %mul3A_891 = vector.broadcast %squeeze3A_877 : f32 to vector<16xf32>
      %mul3A_892 = arith.mulf %bitcast3A_886, %mul3A_891 : vector<16xf32>
      %add3A_893 = arith.addf %add3A_872, %mul3A_892 : vector<16xf32>
      %mul3A_894 = vector.broadcast %squeeze3A_877 : f32 to vector<16xf32>
      %mul3A_895 = arith.mulf %bitcast3A_890, %mul3A_894 : vector<16xf32>
      %add3A_896 = arith.addf %add3A_875, %mul3A_895 : vector<16xf32>
      %slice3A_897 = vector.extract_strided_slice %get3A_833 {offsets = [3], sizes = [1], strides = [1]} : vector<16xf32> to vector<1xf32>
      %squeeze3A_898 = vector.extract %slice3A_897[0] : f32 from vector<1xf32>
      %add3A_899 = arith.constant 35 : i32
      %add3A_900 = arith.addi %mul3A_155, %add3A_899 : i32
      %get3A_901 = arith.index_cast %add3A_900 : i32 to index
      %get3A_902 = arith.constant 0 : index
      %get3A_903 = tpu.vector_load %arg14[%get3A_901, %get3A_902] {strides = array<i32>} : memref<1600x16xi32, #tpu.memory_space<vmem>>, vector<16xi32>,
      %shift_left3A_904 = arith.constant 16 : i32
      %shift_left3A_905 = vector.broadcast %shift_left3A_904 : i32 to vector<16xi32>
      %shift_left3A_906 = arith.shli %get3A_903, %shift_left3A_905 : vector<16xi32>
      %bitcast3A_907 = vector.bitcast %shift_left3A_906 : vector<16xi32> to vector<16xf32>
      %and3A_908 = arith.constant -65536 : i32
      %and3A_909 = vector.broadcast %and3A_908 : i32 to vector<16xi32>
      %and3A_910 = arith.andi %get3A_903, %and3A_909 : vector<16xi32>
      %bitcast3A_911 = vector.bitcast %and3A_910 : vector<16xi32> to vector<16xf32>
      %mul3A_912 = vector.broadcast %squeeze3A_898 : f32 to vector<16xf32>
      %mul3A_913 = arith.mulf %bitcast3A_907, %mul3A_912 : vector<16xf32>
      %add3A_914 = arith.addf %add3A_893, %mul3A_913 : vector<16xf32>
      %mul3A_915 = vector.broadcast %squeeze3A_898 : f32 to vector<16xf32>
      %mul3A_916 = arith.mulf %bitcast3A_911, %mul3A_915 : vector<16xf32>
      %add3A_917 = arith.addf %add3A_896, %mul3A_916 : vector<16xf32>
      %slice3A_918 = vector.extract_strided_slice %get3A_833 {offsets = [4], sizes = [1], strides = [1]} : vector<16xf32> to vector<1xf32>
      %squeeze3A_919 = vector.extract %slice3A_918[0] : f32 from vector<1xf32>
      %add3A_920 = arith.constant 36 : i32
      %add3A_921 = arith.addi %mul3A_155, %add3A_920 : i32
      %get3A_922 = arith.index_cast %add3A_921 : i32 to index
      %get3A_923 = arith.constant 0 : index
      %get3A_924 = tpu.vector_load %arg14[%get3A_922, %get3A_923] {strides = array<i32>} : memref<1600x16xi32, #tpu.memory_space<vmem>>, vector<16xi32>,
      %shift_left3A_925 = arith.constant 16 : i32
      %shift_left3A_926 = vector.broadcast %shift_left3A_925 : i32 to vector<16xi32>
      %shift_left3A_927 = arith.shli %get3A_924, %shift_left3A_926 : vector<16xi32>
      %bitcast3A_928 = vector.bitcast %shift_left3A_927 : vector<16xi32> to vector<16xf32>
      %and3A_929 = arith.constant -65536 : i32
      %and3A_930 = vector.broadcast %and3A_929 : i32 to vector<16xi32>
      %and3A_931 = arith.andi %get3A_924, %and3A_930 : vector<16xi32>
      %bitcast3A_932 = vector.bitcast %and3A_931 : vector<16xi32> to vector<16xf32>
      %mul3A_933 = vector.broadcast %squeeze3A_919 : f32 to vector<16xf32>
      %mul3A_934 = arith.mulf %bitcast3A_928, %mul3A_933 : vector<16xf32>
      %add3A_935 = arith.addf %add3A_914, %mul3A_934 : vector<16xf32>
      %mul3A_936 = vector.broadcast %squeeze3A_919 : f32 to vector<16xf32>
      %mul3A_937 = arith.mulf %bitcast3A_932, %mul3A_936 : vector<16xf32>
      %add3A_938 = arith.addf %add3A_917, %mul3A_937 : vector<16xf32>
      %slice3A_939 = vector.extract_strided_slice %get3A_833 {offsets = [5], sizes = [1], strides = [1]} : vector<16xf32> to vector<1xf32>
      %squeeze3A_940 = vector.extract %slice3A_939[0] : f32 from vector<1xf32>
      %add3A_941 = arith.constant 37 : i32
      %add3A_942 = arith.addi %mul3A_155, %add3A_941 : i32
      %get3A_943 = arith.index_cast %add3A_942 : i32 to index
      %get3A_944 = arith.constant 0 : index
      %get3A_945 = tpu.vector_load %arg14[%get3A_943, %get3A_944] {strides = array<i32>} : memref<1600x16xi32, #tpu.memory_space<vmem>>, vector<16xi32>,
      %shift_left3A_946 = arith.constant 16 : i32
      %shift_left3A_947 = vector.broadcast %shift_left3A_946 : i32 to vector<16xi32>
      %shift_left3A_948 = arith.shli %get3A_945, %shift_left3A_947 : vector<16xi32>
      %bitcast3A_949 = vector.bitcast %shift_left3A_948 : vector<16xi32> to vector<16xf32>
      %and3A_950 = arith.constant -65536 : i32
      %and3A_951 = vector.broadcast %and3A_950 : i32 to vector<16xi32>
      %and3A_952 = arith.andi %get3A_945, %and3A_951 : vector<16xi32>
      %bitcast3A_953 = vector.bitcast %and3A_952 : vector<16xi32> to vector<16xf32>
      %mul3A_954 = vector.broadcast %squeeze3A_940 : f32 to vector<16xf32>
      %mul3A_955 = arith.mulf %bitcast3A_949, %mul3A_954 : vector<16xf32>
      %add3A_956 = arith.addf %add3A_935, %mul3A_955 : vector<16xf32>
      %mul3A_957 = vector.broadcast %squeeze3A_940 : f32 to vector<16xf32>
      %mul3A_958 = arith.mulf %bitcast3A_953, %mul3A_957 : vector<16xf32>
      %add3A_959 = arith.addf %add3A_938, %mul3A_958 : vector<16xf32>
      %slice3A_960 = vector.extract_strided_slice %get3A_833 {offsets = [6], sizes = [1], strides = [1]} : vector<16xf32> to vector<1xf32>
      %squeeze3A_961 = vector.extract %slice3A_960[0] : f32 from vector<1xf32>
      %add3A_962 = arith.constant 38 : i32
      %add3A_963 = arith.addi %mul3A_155, %add3A_962 : i32
      %get3A_964 = arith.index_cast %add3A_963 : i32 to index
      %get3A_965 = arith.constant 0 : index
      %get3A_966 = tpu.vector_load %arg14[%get3A_964, %get3A_965] {strides = array<i32>} : memref<1600x16xi32, #tpu.memory_space<vmem>>, vector<16xi32>,
      %shift_left3A_967 = arith.constant 16 : i32
      %shift_left3A_968 = vector.broadcast %shift_left3A_967 : i32 to vector<16xi32>
      %shift_left3A_969 = arith.shli %get3A_966, %shift_left3A_968 : vector<16xi32>
      %bitcast3A_970 = vector.bitcast %shift_left3A_969 : vector<16xi32> to vector<16xf32>
      %and3A_971 = arith.constant -65536 : i32
      %and3A_972 = vector.broadcast %and3A_971 : i32 to vector<16xi32>
      %and3A_973 = arith.andi %get3A_966, %and3A_972 : vector<16xi32>
      %bitcast3A_974 = vector.bitcast %and3A_973 : vector<16xi32> to vector<16xf32>
      %mul3A_975 = vector.broadcast %squeeze3A_961 : f32 to vector<16xf32>
      %mul3A_976 = arith.mulf %bitcast3A_970, %mul3A_975 : vector<16xf32>
      %add3A_977 = arith.addf %add3A_956, %mul3A_976 : vector<16xf32>
      %mul3A_978 = vector.broadcast %squeeze3A_961 : f32 to vector<16xf32>
      %mul3A_979 = arith.mulf %bitcast3A_974, %mul3A_978 : vector<16xf32>
      %add3A_980 = arith.addf %add3A_959, %mul3A_979 : vector<16xf32>
      %slice3A_981 = vector.extract_strided_slice %get3A_833 {offsets = [7], sizes = [1], strides = [1]} : vector<16xf32> to vector<1xf32>
      %squeeze3A_982 = vector.extract %slice3A_981[0] : f32 from vector<1xf32>
      %add3A_983 = arith.constant 39 : i32
      %add3A_984 = arith.addi %mul3A_155, %add3A_983 : i32
      %get3A_985 = arith.index_cast %add3A_984 : i32 to index
      %get3A_986 = arith.constant 0 : index
      %get3A_987 = tpu.vector_load %arg14[%get3A_985, %get3A_986] {strides = array<i32>} : memref<1600x16xi32, #tpu.memory_space<vmem>>, vector<16xi32>,
      %shift_left3A_988 = arith.constant 16 : i32
      %shift_left3A_989 = vector.broadcast %shift_left3A_988 : i32 to vector<16xi32>
      %shift_left3A_990 = arith.shli %get3A_987, %shift_left3A_989 : vector<16xi32>
      %bitcast3A_991 = vector.bitcast %shift_left3A_990 : vector<16xi32> to vector<16xf32>
      %and3A_992 = arith.constant -65536 : i32
      %and3A_993 = vector.broadcast %and3A_992 : i32 to vector<16xi32>
      %and3A_994 = arith.andi %get3A_987, %and3A_993 : vector<16xi32>
      %bitcast3A_995 = vector.bitcast %and3A_994 : vector<16xi32> to vector<16xf32>
      %mul3A_996 = vector.broadcast %squeeze3A_982 : f32 to vector<16xf32>
      %mul3A_997 = arith.mulf %bitcast3A_991, %mul3A_996 : vector<16xf32>
      %add3A_998 = arith.addf %add3A_977, %mul3A_997 : vector<16xf32>
      %mul3A_999 = vector.broadcast %squeeze3A_982 : f32 to vector<16xf32>
      %mul3A_1000 = arith.mulf %bitcast3A_995, %mul3A_999 : vector<16xf32>
      %add3A_1001 = arith.addf %add3A_980, %mul3A_1000 : vector<16xf32>
      %slice3A_1002 = vector.extract_strided_slice %get3A_833 {offsets = [8], sizes = [1], strides = [1]} : vector<16xf32> to vector<1xf32>
      %squeeze3A_1003 = vector.extract %slice3A_1002[0] : f32 from vector<1xf32>
      %add3A_1004 = arith.constant 40 : i32
      %add3A_1005 = arith.addi %mul3A_155, %add3A_1004 : i32
      %get3A_1006 = arith.index_cast %add3A_1005 : i32 to index
      %get3A_1007 = arith.constant 0 : index
      %get3A_1008 = tpu.vector_load %arg14[%get3A_1006, %get3A_1007] {strides = array<i32>} : memref<1600x16xi32, #tpu.memory_space<vmem>>, vector<16xi32>,
      %shift_left3A_1009 = arith.constant 16 : i32
      %shift_left3A_1010 = vector.broadcast %shift_left3A_1009 : i32 to vector<16xi32>
      %shift_left3A_1011 = arith.shli %get3A_1008, %shift_left3A_1010 : vector<16xi32>
      %bitcast3A_1012 = vector.bitcast %shift_left3A_1011 : vector<16xi32> to vector<16xf32>
      %and3A_1013 = arith.constant -65536 : i32
      %and3A_1014 = vector.broadcast %and3A_1013 : i32 to vector<16xi32>
      %and3A_1015 = arith.andi %get3A_1008, %and3A_1014 : vector<16xi32>
      %bitcast3A_1016 = vector.bitcast %and3A_1015 : vector<16xi32> to vector<16xf32>
      %mul3A_1017 = vector.broadcast %squeeze3A_1003 : f32 to vector<16xf32>
      %mul3A_1018 = arith.mulf %bitcast3A_1012, %mul3A_1017 : vector<16xf32>
      %add3A_1019 = arith.addf %add3A_998, %mul3A_1018 : vector<16xf32>
      %mul3A_1020 = vector.broadcast %squeeze3A_1003 : f32 to vector<16xf32>
      %mul3A_1021 = arith.mulf %bitcast3A_1016, %mul3A_1020 : vector<16xf32>
      %add3A_1022 = arith.addf %add3A_1001, %mul3A_1021 : vector<16xf32>
      %slice3A_1023 = vector.extract_strided_slice %get3A_833 {offsets = [9], sizes = [1], strides = [1]} : vector<16xf32> to vector<1xf32>
      %squeeze3A_1024 = vector.extract %slice3A_1023[0] : f32 from vector<1xf32>
      %add3A_1025 = arith.constant 41 : i32
      %add3A_1026 = arith.addi %mul3A_155, %add3A_1025 : i32
      %get3A_1027 = arith.index_cast %add3A_1026 : i32 to index
      %get3A_1028 = arith.constant 0 : index
      %get3A_1029 = tpu.vector_load %arg14[%get3A_1027, %get3A_1028] {strides = array<i32>} : memref<1600x16xi32, #tpu.memory_space<vmem>>, vector<16xi32>,
      %shift_left3A_1030 = arith.constant 16 : i32
      %shift_left3A_1031 = vector.broadcast %shift_left3A_1030 : i32 to vector<16xi32>
      %shift_left3A_1032 = arith.shli %get3A_1029, %shift_left3A_1031 : vector<16xi32>
      %bitcast3A_1033 = vector.bitcast %shift_left3A_1032 : vector<16xi32> to vector<16xf32>
      %and3A_1034 = arith.constant -65536 : i32
      %and3A_1035 = vector.broadcast %and3A_1034 : i32 to vector<16xi32>
      %and3A_1036 = arith.andi %get3A_1029, %and3A_1035 : vector<16xi32>
      %bitcast3A_1037 = vector.bitcast %and3A_1036 : vector<16xi32> to vector<16xf32>
      %mul3A_1038 = vector.broadcast %squeeze3A_1024 : f32 to vector<16xf32>
      %mul3A_1039 = arith.mulf %bitcast3A_1033, %mul3A_1038 : vector<16xf32>
      %add3A_1040 = arith.addf %add3A_1019, %mul3A_1039 : vector<16xf32>
      %mul3A_1041 = vector.broadcast %squeeze3A_1024 : f32 to vector<16xf32>
      %mul3A_1042 = arith.mulf %bitcast3A_1037, %mul3A_1041 : vector<16xf32>
      %add3A_1043 = arith.addf %add3A_1022, %mul3A_1042 : vector<16xf32>
      %slice3A_1044 = vector.extract_strided_slice %get3A_833 {offsets = [10], sizes = [1], strides = [1]} : vector<16xf32> to vector<1xf32>
      %squeeze3A_1045 = vector.extract %slice3A_1044[0] : f32 from vector<1xf32>
      %add3A_1046 = arith.constant 42 : i32
      %add3A_1047 = arith.addi %mul3A_155, %add3A_1046 : i32
      %get3A_1048 = arith.index_cast %add3A_1047 : i32 to index
      %get3A_1049 = arith.constant 0 : index
      %get3A_1050 = tpu.vector_load %arg14[%get3A_1048, %get3A_1049] {strides = array<i32>} : memref<1600x16xi32, #tpu.memory_space<vmem>>, vector<16xi32>,
      %shift_left3A_1051 = arith.constant 16 : i32
      %shift_left3A_1052 = vector.broadcast %shift_left3A_1051 : i32 to vector<16xi32>
      %shift_left3A_1053 = arith.shli %get3A_1050, %shift_left3A_1052 : vector<16xi32>
      %bitcast3A_1054 = vector.bitcast %shift_left3A_1053 : vector<16xi32> to vector<16xf32>
      %and3A_1055 = arith.constant -65536 : i32
      %and3A_1056 = vector.broadcast %and3A_1055 : i32 to vector<16xi32>
      %and3A_1057 = arith.andi %get3A_1050, %and3A_1056 : vector<16xi32>
      %bitcast3A_1058 = vector.bitcast %and3A_1057 : vector<16xi32> to vector<16xf32>
      %mul3A_1059 = vector.broadcast %squeeze3A_1045 : f32 to vector<16xf32>
      %mul3A_1060 = arith.mulf %bitcast3A_1054, %mul3A_1059 : vector<16xf32>
      %add3A_1061 = arith.addf %add3A_1040, %mul3A_1060 : vector<16xf32>
      %mul3A_1062 = vector.broadcast %squeeze3A_1045 : f32 to vector<16xf32>
      %mul3A_1063 = arith.mulf %bitcast3A_1058, %mul3A_1062 : vector<16xf32>
      %add3A_1064 = arith.addf %add3A_1043, %mul3A_1063 : vector<16xf32>
      %slice3A_1065 = vector.extract_strided_slice %get3A_833 {offsets = [11], sizes = [1], strides = [1]} : vector<16xf32> to vector<1xf32>
      %squeeze3A_1066 = vector.extract %slice3A_1065[0] : f32 from vector<1xf32>
      %add3A_1067 = arith.constant 43 : i32
      %add3A_1068 = arith.addi %mul3A_155, %add3A_1067 : i32
      %get3A_1069 = arith.index_cast %add3A_1068 : i32 to index
      %get3A_1070 = arith.constant 0 : index
      %get3A_1071 = tpu.vector_load %arg14[%get3A_1069, %get3A_1070] {strides = array<i32>} : memref<1600x16xi32, #tpu.memory_space<vmem>>, vector<16xi32>,
      %shift_left3A_1072 = arith.constant 16 : i32
      %shift_left3A_1073 = vector.broadcast %shift_left3A_1072 : i32 to vector<16xi32>
      %shift_left3A_1074 = arith.shli %get3A_1071, %shift_left3A_1073 : vector<16xi32>
      %bitcast3A_1075 = vector.bitcast %shift_left3A_1074 : vector<16xi32> to vector<16xf32>
      %and3A_1076 = arith.constant -65536 : i32
      %and3A_1077 = vector.broadcast %and3A_1076 : i32 to vector<16xi32>
      %and3A_1078 = arith.andi %get3A_1071, %and3A_1077 : vector<16xi32>
      %bitcast3A_1079 = vector.bitcast %and3A_1078 : vector<16xi32> to vector<16xf32>
      %mul3A_1080 = vector.broadcast %squeeze3A_1066 : f32 to vector<16xf32>
      %mul3A_1081 = arith.mulf %bitcast3A_1075, %mul3A_1080 : vector<16xf32>
      %add3A_1082 = arith.addf %add3A_1061, %mul3A_1081 : vector<16xf32>
      %mul3A_1083 = vector.broadcast %squeeze3A_1066 : f32 to vector<16xf32>
      %mul3A_1084 = arith.mulf %bitcast3A_1079, %mul3A_1083 : vector<16xf32>
      %add3A_1085 = arith.addf %add3A_1064, %mul3A_1084 : vector<16xf32>
      %slice3A_1086 = vector.extract_strided_slice %get3A_833 {offsets = [12], sizes = [1], strides = [1]} : vector<16xf32> to vector<1xf32>
      %squeeze3A_1087 = vector.extract %slice3A_1086[0] : f32 from vector<1xf32>
      %add3A_1088 = arith.constant 44 : i32
      %add3A_1089 = arith.addi %mul3A_155, %add3A_1088 : i32
      %get3A_1090 = arith.index_cast %add3A_1089 : i32 to index
      %get3A_1091 = arith.constant 0 : index
      %get3A_1092 = tpu.vector_load %arg14[%get3A_1090, %get3A_1091] {strides = array<i32>} : memref<1600x16xi32, #tpu.memory_space<vmem>>, vector<16xi32>,
      %shift_left3A_1093 = arith.constant 16 : i32
      %shift_left3A_1094 = vector.broadcast %shift_left3A_1093 : i32 to vector<16xi32>
      %shift_left3A_1095 = arith.shli %get3A_1092, %shift_left3A_1094 : vector<16xi32>
      %bitcast3A_1096 = vector.bitcast %shift_left3A_1095 : vector<16xi32> to vector<16xf32>
      %and3A_1097 = arith.constant -65536 : i32
      %and3A_1098 = vector.broadcast %and3A_1097 : i32 to vector<16xi32>
      %and3A_1099 = arith.andi %get3A_1092, %and3A_1098 : vector<16xi32>
      %bitcast3A_1100 = vector.bitcast %and3A_1099 : vector<16xi32> to vector<16xf32>
      %mul3A_1101 = vector.broadcast %squeeze3A_1087 : f32 to vector<16xf32>
      %mul3A_1102 = arith.mulf %bitcast3A_1096, %mul3A_1101 : vector<16xf32>
      %add3A_1103 = arith.addf %add3A_1082, %mul3A_1102 : vector<16xf32>
      %mul3A_1104 = vector.broadcast %squeeze3A_1087 : f32 to vector<16xf32>
      %mul3A_1105 = arith.mulf %bitcast3A_1100, %mul3A_1104 : vector<16xf32>
      %add3A_1106 = arith.addf %add3A_1085, %mul3A_1105 : vector<16xf32>
      %slice3A_1107 = vector.extract_strided_slice %get3A_833 {offsets = [13], sizes = [1], strides = [1]} : vector<16xf32> to vector<1xf32>
      %squeeze3A_1108 = vector.extract %slice3A_1107[0] : f32 from vector<1xf32>
      %add3A_1109 = arith.constant 45 : i32
      %add3A_1110 = arith.addi %mul3A_155, %add3A_1109 : i32
      %get3A_1111 = arith.index_cast %add3A_1110 : i32 to index
      %get3A_1112 = arith.constant 0 : index
      %get3A_1113 = tpu.vector_load %arg14[%get3A_1111, %get3A_1112] {strides = array<i32>} : memref<1600x16xi32, #tpu.memory_space<vmem>>, vector<16xi32>,
      %shift_left3A_1114 = arith.constant 16 : i32
      %shift_left3A_1115 = vector.broadcast %shift_left3A_1114 : i32 to vector<16xi32>
      %shift_left3A_1116 = arith.shli %get3A_1113, %shift_left3A_1115 : vector<16xi32>
      %bitcast3A_1117 = vector.bitcast %shift_left3A_1116 : vector<16xi32> to vector<16xf32>
      %and3A_1118 = arith.constant -65536 : i32
      %and3A_1119 = vector.broadcast %and3A_1118 : i32 to vector<16xi32>
      %and3A_1120 = arith.andi %get3A_1113, %and3A_1119 : vector<16xi32>
      %bitcast3A_1121 = vector.bitcast %and3A_1120 : vector<16xi32> to vector<16xf32>
      %mul3A_1122 = vector.broadcast %squeeze3A_1108 : f32 to vector<16xf32>
      %mul3A_1123 = arith.mulf %bitcast3A_1117, %mul3A_1122 : vector<16xf32>
      %add3A_1124 = arith.addf %add3A_1103, %mul3A_1123 : vector<16xf32>
      %mul3A_1125 = vector.broadcast %squeeze3A_1108 : f32 to vector<16xf32>
      %mul3A_1126 = arith.mulf %bitcast3A_1121, %mul3A_1125 : vector<16xf32>
      %add3A_1127 = arith.addf %add3A_1106, %mul3A_1126 : vector<16xf32>
      %slice3A_1128 = vector.extract_strided_slice %get3A_833 {offsets = [14], sizes = [1], strides = [1]} : vector<16xf32> to vector<1xf32>
      %squeeze3A_1129 = vector.extract %slice3A_1128[0] : f32 from vector<1xf32>
      %add3A_1130 = arith.constant 46 : i32
      %add3A_1131 = arith.addi %mul3A_155, %add3A_1130 : i32
      %get3A_1132 = arith.index_cast %add3A_1131 : i32 to index
      %get3A_1133 = arith.constant 0 : index
      %get3A_1134 = tpu.vector_load %arg14[%get3A_1132, %get3A_1133] {strides = array<i32>} : memref<1600x16xi32, #tpu.memory_space<vmem>>, vector<16xi32>,
      %shift_left3A_1135 = arith.constant 16 : i32
      %shift_left3A_1136 = vector.broadcast %shift_left3A_1135 : i32 to vector<16xi32>
      %shift_left3A_1137 = arith.shli %get3A_1134, %shift_left3A_1136 : vector<16xi32>
      %bitcast3A_1138 = vector.bitcast %shift_left3A_1137 : vector<16xi32> to vector<16xf32>
      %and3A_1139 = arith.constant -65536 : i32
      %and3A_1140 = vector.broadcast %and3A_1139 : i32 to vector<16xi32>
      %and3A_1141 = arith.andi %get3A_1134, %and3A_1140 : vector<16xi32>
      %bitcast3A_1142 = vector.bitcast %and3A_1141 : vector<16xi32> to vector<16xf32>
      %mul3A_1143 = vector.broadcast %squeeze3A_1129 : f32 to vector<16xf32>
      %mul3A_1144 = arith.mulf %bitcast3A_1138, %mul3A_1143 : vector<16xf32>
      %add3A_1145 = arith.addf %add3A_1124, %mul3A_1144 : vector<16xf32>
      %mul3A_1146 = vector.broadcast %squeeze3A_1129 : f32 to vector<16xf32>
      %mul3A_1147 = arith.mulf %bitcast3A_1142, %mul3A_1146 : vector<16xf32>
      %add3A_1148 = arith.addf %add3A_1127, %mul3A_1147 : vector<16xf32>
      %slice3A_1149 = vector.extract_strided_slice %get3A_833 {offsets = [15], sizes = [1], strides = [1]} : vector<16xf32> to vector<1xf32>
      %squeeze3A_1150 = vector.extract %slice3A_1149[0] : f32 from vector<1xf32>
      %add3A_1151 = arith.constant 47 : i32
      %add3A_1152 = arith.addi %mul3A_155, %add3A_1151 : i32
      %get3A_1153 = arith.index_cast %add3A_1152 : i32 to index
      %get3A_1154 = arith.constant 0 : index
      %get3A_1155 = tpu.vector_load %arg14[%get3A_1153, %get3A_1154] {strides = array<i32>} : memref<1600x16xi32, #tpu.memory_space<vmem>>, vector<16xi32>,
      %shift_left3A_1156 = arith.constant 16 : i32
      %shift_left3A_1157 = vector.broadcast %shift_left3A_1156 : i32 to vector<16xi32>
      %shift_left3A_1158 = arith.shli %get3A_1155, %shift_left3A_1157 : vector<16xi32>
      %bitcast3A_1159 = vector.bitcast %shift_left3A_1158 : vector<16xi32> to vector<16xf32>
      %and3A_1160 = arith.constant -65536 : i32
      %and3A_1161 = vector.broadcast %and3A_1160 : i32 to vector<16xi32>
      %and3A_1162 = arith.andi %get3A_1155, %and3A_1161 : vector<16xi32>
      %bitcast3A_1163 = vector.bitcast %and3A_1162 : vector<16xi32> to vector<16xf32>
      %mul3A_1164 = vector.broadcast %squeeze3A_1150 : f32 to vector<16xf32>
      %mul3A_1165 = arith.mulf %bitcast3A_1159, %mul3A_1164 : vector<16xf32>
      %add3A_1166 = arith.addf %add3A_1145, %mul3A_1165 : vector<16xf32>
      %mul3A_1167 = vector.broadcast %squeeze3A_1150 : f32 to vector<16xf32>
      %mul3A_1168 = arith.mulf %bitcast3A_1163, %mul3A_1167 : vector<16xf32>
      %add3A_1169 = arith.addf %add3A_1148, %mul3A_1168 : vector<16xf32>
      %add3A_1170 = arith.constant 48 : i32
      %add3A_1171 = arith.addi %mul3A_155, %add3A_1170 : i32
      %get3A_1172 = arith.index_cast %add3A_1171 : i32 to index
      %get3A_1173 = tpu.vector_load %arg16[%get3A_1172] {strides = array<i32>} : memref<1616xf32, #tpu.memory_space<vmem>>, vector<16xf32>,
      %slice3A_1174 = vector.extract_strided_slice %get3A_1173 {offsets = [0], sizes = [1], strides = [1]} : vector<16xf32> to vector<1xf32>
      %squeeze3A_1175 = vector.extract %slice3A_1174[0] : f32 from vector<1xf32>
      %add3A_1176 = arith.constant 48 : i32
      %add3A_1177 = arith.addi %mul3A_155, %add3A_1176 : i32
      %get3A_1178 = arith.index_cast %add3A_1177 : i32 to index
      %get3A_1179 = arith.constant 0 : index
      %get3A_1180 = tpu.vector_load %arg14[%get3A_1178, %get3A_1179] {strides = array<i32>} : memref<1600x16xi32, #tpu.memory_space<vmem>>, vector<16xi32>,
      %shift_left3A_1181 = arith.constant 16 : i32
      %shift_left3A_1182 = vector.broadcast %shift_left3A_1181 : i32 to vector<16xi32>
      %shift_left3A_1183 = arith.shli %get3A_1180, %shift_left3A_1182 : vector<16xi32>
      %bitcast3A_1184 = vector.bitcast %shift_left3A_1183 : vector<16xi32> to vector<16xf32>
      %and3A_1185 = arith.constant -65536 : i32
      %and3A_1186 = vector.broadcast %and3A_1185 : i32 to vector<16xi32>
      %and3A_1187 = arith.andi %get3A_1180, %and3A_1186 : vector<16xi32>
      %bitcast3A_1188 = vector.bitcast %and3A_1187 : vector<16xi32> to vector<16xf32>
      %mul3A_1189 = vector.broadcast %squeeze3A_1175 : f32 to vector<16xf32>
      %mul3A_1190 = arith.mulf %bitcast3A_1184, %mul3A_1189 : vector<16xf32>
      %add3A_1191 = arith.addf %add3A_1166, %mul3A_1190 : vector<16xf32>
      %mul3A_1192 = vector.broadcast %squeeze3A_1175 : f32 to vector<16xf32>
      %mul3A_1193 = arith.mulf %bitcast3A_1188, %mul3A_1192 : vector<16xf32>
      %add3A_1194 = arith.addf %add3A_1169, %mul3A_1193 : vector<16xf32>
      %slice3A_1195 = vector.extract_strided_slice %get3A_1173 {offsets = [1], sizes = [1], strides = [1]} : vector<16xf32> to vector<1xf32>
      %squeeze3A_1196 = vector.extract %slice3A_1195[0] : f32 from vector<1xf32>
      %add3A_1197 = arith.constant 49 : i32
      %add3A_1198 = arith.addi %mul3A_155, %add3A_1197 : i32
      %get3A_1199 = arith.index_cast %add3A_1198 : i32 to index
      %get3A_1200 = arith.constant 0 : index
      %get3A_1201 = tpu.vector_load %arg14[%get3A_1199, %get3A_1200] {strides = array<i32>} : memref<1600x16xi32, #tpu.memory_space<vmem>>, vector<16xi32>,
      %shift_left3A_1202 = arith.constant 16 : i32
      %shift_left3A_1203 = vector.broadcast %shift_left3A_1202 : i32 to vector<16xi32>
      %shift_left3A_1204 = arith.shli %get3A_1201, %shift_left3A_1203 : vector<16xi32>
      %bitcast3A_1205 = vector.bitcast %shift_left3A_1204 : vector<16xi32> to vector<16xf32>
      %and3A_1206 = arith.constant -65536 : i32
      %and3A_1207 = vector.broadcast %and3A_1206 : i32 to vector<16xi32>
      %and3A_1208 = arith.andi %get3A_1201, %and3A_1207 : vector<16xi32>
      %bitcast3A_1209 = vector.bitcast %and3A_1208 : vector<16xi32> to vector<16xf32>
      %mul3A_1210 = vector.broadcast %squeeze3A_1196 : f32 to vector<16xf32>
      %mul3A_1211 = arith.mulf %bitcast3A_1205, %mul3A_1210 : vector<16xf32>
      %add3A_1212 = arith.addf %add3A_1191, %mul3A_1211 : vector<16xf32>
      %mul3A_1213 = vector.broadcast %squeeze3A_1196 : f32 to vector<16xf32>
      %mul3A_1214 = arith.mulf %bitcast3A_1209, %mul3A_1213 : vector<16xf32>
      %add3A_1215 = arith.addf %add3A_1194, %mul3A_1214 : vector<16xf32>
      %mul3A_1216 = arith.constant 32 : i32
      %mul3A_1217 = arith.muli %scan3A_153, %mul3A_1216 : i32
      %add3A_1218 = arith.constant 26 : i32
      %add3A_1219 = arith.addi %mul3A_1217, %add3A_1218 : i32
      %pack3A = tpu.pack_subelements %add3A_1212, %add3A_1215 {pack_format = #tpu.pack_format<interleaved>, positions = array<i32: 0, 1>} : vector<16xf32>, vector<16xf32> -> vector<32xbf16>
      %bitcast3A_1220 = vector.bitcast %pack3A : vector<32xbf16> to vector<16xi32>
      %swap3A = arith.index_cast %add3A_1219 : i32 to index
      %swap3A_1221 = arith.constant 0 : index
      %swap3A_1222 = tpu.vector_load %arg10[%swap3A, %swap3A_1221] {strides = array<i32>} : memref<1024x16xi32, #tpu.memory_space<vmem>>, vector<16xi32>,
      tpu.vector_store %arg10[%swap3A, %swap3A_1221], %bitcast3A_1220 {strides = array<i32>} : memref<1024x16xi32, #tpu.memory_space<vmem>>, vector<16xi32>,
    }
    %scan3A_138 = arith.constant 32 : i32
    %mul3A_139 = arith.constant 32 : i32
    %mul3A_140 = arith.muli %add3A_126, %mul3A_139 : i32
    %dma_start3A_141 = arith.constant 0 : i32
    %dma_start3A_142 = tpu.memref_slice %arg6[%mul3A_140, %dma_start3A_141] : memref<131072x16xi32, #tpu.memory_space<hbm>> -> memref<1024x16xi32, #tpu.memory_space<hbm>>
    %dma_start3A_143 = arith.constant 0 : i32
    %dma_start3A_144 = tpu.memref_slice %arg6[%mul3A_140, %dma_start3A_143] : memref<131072x16xi32, #tpu.memory_space<hbm>> -> memref<1024x16xi32, #tpu.memory_space<hbm>>
    tpu.enqueue_dma source(%arg10 : memref<1024x16xi32, #tpu.memory_space<vmem>>) target(%dma_start3A_144 : memref<1024x16xi32, #tpu.memory_space<hbm>>) target_semaphore(%arg22 : memref<!tpu.dma_semaphore, #tpu.memory_space<semaphore_mem>>)
    %dma_wait3A_145 = arith.constant 0 : i32
    %dma_wait3A_146 = tpu.memref_slice %arg6[%mul3A_140, %dma_wait3A_145] : memref<131072x16xi32, #tpu.memory_space<hbm>> -> memref<1024x16xi32, #tpu.memory_space<hbm>>
    %dma_wait3A_147 = arith.constant 0 : i32
    %dma_wait3A_148 = tpu.memref_slice %arg6[%mul3A_140, %dma_wait3A_147] : memref<131072x16xi32, #tpu.memory_space<hbm>> -> memref<1024x16xi32, #tpu.memory_space<hbm>>
    tpu.wait_dma2 semaphore(%arg22 : memref<!tpu.dma_semaphore, #tpu.memory_space<semaphore_mem>>) src(%arg10 : memref<1024x16xi32, #tpu.memory_space<vmem>>) dst(%dma_wait3A_148 : memref<1024x16xi32, #tpu.memory_space<hbm>>)
    %dma_wait3A_149 = arith.constant 0 : i32
    %dma_wait3A_150 = tpu.memref_slice %arg6[%mul3A_120, %dma_wait3A_149] : memref<131072x16xi32, #tpu.memory_space<hbm>> -> memref<1024x16xi32, #tpu.memory_space<hbm>>
    %dma_wait3A_151 = arith.constant 0 : i32
    %dma_wait3A_152 = tpu.memref_slice %arg6[%mul3A_120, %dma_wait3A_151] : memref<131072x16xi32, #tpu.memory_space<hbm>> -> memref<1024x16xi32, #tpu.memory_space<hbm>>
    tpu.wait_dma2 semaphore(%arg21 : memref<!tpu.dma_semaphore, #tpu.memory_space<semaphore_mem>>) src(%arg9 : memref<1024x16xi32, #tpu.memory_space<vmem>>) dst(%dma_wait3A_152 : memref<1024x16xi32, #tpu.memory_space<hbm>>)
    return
  }
}

#map = affine_map<(d0, d1) -> (0)>
module attributes {stable_mosaic.version = 14 : i64} {
  func.func @k(%arg0: i32, %arg1: i32, %arg2: memref<131072xi32, #tpu.memory_space<hbm>>, %arg3: memref<131072xi32, #tpu.memory_space<hbm>>, %arg4: memref<4096xi32, #tpu.memory_space<vmem>>) attributes {dimension_semantics = [#tpu.dimension_semantics<core_parallel>, #tpu.dimension_semantics<subcore_parallel>], iteration_bounds = array<i64: 2, 16>, scalar_prefetch = 0 : i64, scratch_operands = 1 : i64, tpu.core_type = #tpu.core_type<sc_vector_subcore>, window_params = [{transform_indices = #map}, {transform_indices = #map}]} {
    %mul3A = arith.constant 2 : i32
    %mul3A_0 = arith.muli %arg1, %mul3A : i32
    %add3A = arith.addi %mul3A_0, %arg0 : i32
    %mul3A_1 = arith.constant 4096 : i32
    %mul3A_2 = arith.muli %add3A, %mul3A_1 : i32
    "tpu.region"() ({
      %run_scoped3A = tpu.sem_alloc : memref<!tpu.dma_semaphore, #tpu.memory_space<semaphore_mem>>
      %dma_start3A = tpu.memref_slice %arg2[%mul3A_2] : memref<131072xi32, #tpu.memory_space<hbm>> -> memref<4096xi32, #tpu.memory_space<hbm>>
      %dma_start3A_8 = tpu.memref_slice %arg2[%mul3A_2] : memref<131072xi32, #tpu.memory_space<hbm>> -> memref<4096xi32, #tpu.memory_space<hbm>>
      tpu.enqueue_dma source(%dma_start3A_8 : memref<4096xi32, #tpu.memory_space<hbm>>) target(%arg4 : memref<4096xi32, #tpu.memory_space<vmem>>) target_semaphore(%run_scoped3A : memref<!tpu.dma_semaphore, #tpu.memory_space<semaphore_mem>>)
      %dma_wait3A = tpu.memref_slice %arg2[%mul3A_2] : memref<131072xi32, #tpu.memory_space<hbm>> -> memref<4096xi32, #tpu.memory_space<hbm>>
      %dma_wait3A_9 = tpu.memref_slice %arg2[%mul3A_2] : memref<131072xi32, #tpu.memory_space<hbm>> -> memref<4096xi32, #tpu.memory_space<hbm>>
      tpu.wait_dma2 semaphore(%run_scoped3A : memref<!tpu.dma_semaphore, #tpu.memory_space<semaphore_mem>>) src(%dma_wait3A_9 : memref<4096xi32, #tpu.memory_space<hbm>>) dst(%arg4 : memref<4096xi32, #tpu.memory_space<vmem>>)
      tpu.yield
    }) : () -> ()
    %scan3A = arith.constant 0 : i32
    %scan3A_3 = arith.constant 0 : i32
    %scan3A_4 = arith.constant 256 : i32
    %scan3A_5 = arith.addi %scan3A_3, %scan3A_4 : i32
    %scan3A_6 = arith.constant 1 : i32
    scf.for %scan3A_8 = %scan3A_3 to %scan3A_5 step %scan3A_6  : i32 {
      %mul3A_9 = arith.constant 16 : i32
      %mul3A_10 = arith.muli %scan3A_8, %mul3A_9 : i32
      %get3A = arith.index_cast %mul3A_10 : i32 to index
      %get3A_11 = tpu.vector_load %arg4[%get3A] {strides = array<i32>} : memref<4096xi32, #tpu.memory_space<vmem>>, vector<16xi32>,
      %jit3A = arith.constant 32768 : i32
      %eq3A = arith.constant 0 : i32
      %eq3A_12 = arith.cmpi eq, %jit3A, %eq3A : i32
      %jit3A_13 = arith.constant 1 : i32
      %select_n3A = arith.select %eq3A_12, %jit3A_13, %jit3A : i32
      %rem3A = vector.broadcast %select_n3A : i32 to vector<16xi32>
      %rem3A_14 = arith.remsi %get3A_11, %rem3A : vector<16xi32>
      %ne3A = arith.constant 0 : i32
      %ne3A_15 = vector.broadcast %ne3A : i32 to vector<16xi32>
      %ne3A_16 = arith.cmpi ne, %rem3A_14, %ne3A_15 : vector<16xi32>
      %lt3A = arith.constant 0 : i32
      %lt3A_17 = vector.broadcast %lt3A : i32 to vector<16xi32>
      %lt3A_18 = arith.cmpi slt, %rem3A_14, %lt3A_17 : vector<16xi32>
      %lt3A_19 = arith.constant 0 : i32
      %lt3A_20 = arith.cmpi slt, %select_n3A, %lt3A_19 : i32
      %ne3A_21 = vector.broadcast %lt3A_20 : i1 to vector<16xi1>
      %ne3A_22 = vector.broadcast %ne3A_21 : vector<16xi1> to vector<16xi1>
      %ne3A_23 = arith.xori %lt3A_18, %ne3A_22 : vector<16xi1>
      %and3A = arith.andi %ne3A_23, %ne3A_16 : vector<16xi1>
      %add3A_24 = vector.broadcast %select_n3A : i32 to vector<16xi32>
      %add3A_25 = arith.addi %rem3A_14, %add3A_24 : vector<16xi32>
      %select_n3A_26 = arith.select %and3A, %add3A_25, %rem3A_14 : vector<16xi1>, vector<16xi32>
      %sub3A = arith.subi %get3A_11, %select_n3A_26 : vector<16xi32>
      %jit3A_27 = arith.constant 4096 : i32
      %eq3A_28 = arith.constant 0 : i32
      %eq3A_29 = arith.cmpi eq, %jit3A_27, %eq3A_28 : i32
      %jit3A_30 = arith.constant 1 : i32
      %select_n3A_31 = arith.select %eq3A_29, %jit3A_30, %jit3A_27 : i32
      %rem3A_32 = vector.broadcast %select_n3A_31 : i32 to vector<16xi32>
      %rem3A_33 = arith.remsi %select_n3A_26, %rem3A_32 : vector<16xi32>
      %ne3A_34 = arith.constant 0 : i32
      %ne3A_35 = vector.broadcast %ne3A_34 : i32 to vector<16xi32>
      %ne3A_36 = arith.cmpi ne, %rem3A_33, %ne3A_35 : vector<16xi32>
      %lt3A_37 = arith.constant 0 : i32
      %lt3A_38 = vector.broadcast %lt3A_37 : i32 to vector<16xi32>
      %lt3A_39 = arith.cmpi slt, %rem3A_33, %lt3A_38 : vector<16xi32>
      %lt3A_40 = arith.constant 0 : i32
      %lt3A_41 = arith.cmpi slt, %select_n3A_31, %lt3A_40 : i32
      %ne3A_42 = vector.broadcast %lt3A_41 : i1 to vector<16xi1>
      %ne3A_43 = vector.broadcast %ne3A_42 : vector<16xi1> to vector<16xi1>
      %ne3A_44 = arith.xori %lt3A_39, %ne3A_43 : vector<16xi1>
      %and3A_45 = arith.andi %ne3A_44, %ne3A_36 : vector<16xi1>
      %add3A_46 = vector.broadcast %select_n3A_31 : i32 to vector<16xi32>
      %add3A_47 = arith.addi %rem3A_33, %add3A_46 : vector<16xi32>
      %select_n3A_48 = arith.select %and3A_45, %add3A_47, %rem3A_33 : vector<16xi1>, vector<16xi32>
      %mul3A_49 = arith.constant 8 : i32
      %mul3A_50 = vector.broadcast %mul3A_49 : i32 to vector<16xi32>
      %mul3A_51 = arith.muli %mul3A_50, %select_n3A_48 : vector<16xi32>
      %add3A_52 = arith.addi %sub3A, %mul3A_51 : vector<16xi32>
      %jit3A_53 = arith.constant 4096 : i32
      %div3A = vector.broadcast %jit3A_53 : i32 to vector<16xi32>
      %div3A_54 = arith.divsi %select_n3A_26, %div3A : vector<16xi32>
      %sign3A = arith.constant 0 : i32
      %sign3A_55 = vector.broadcast %sign3A : i32 to vector<16xi32>
      %sign3A_56 = arith.cmpi sgt, %select_n3A_26, %sign3A_55 : vector<16xi32>
      %sign3A_57 = arith.extui %sign3A_56 : vector<16xi1> to vector<16xi32>
      %sign3A_58 = arith.constant 0 : i32
      %sign3A_59 = vector.broadcast %sign3A_58 : i32 to vector<16xi32>
      %sign3A_60 = arith.cmpi slt, %select_n3A_26, %sign3A_59 : vector<16xi32>
      %sign3A_61 = arith.extui %sign3A_60 : vector<16xi1> to vector<16xi32>
      %sign3A_62 = arith.subi %sign3A_57, %sign3A_61 : vector<16xi32>
      %sign3A_63 = arith.constant 0 : i32
      %sign3A_64 = arith.cmpi sgt, %jit3A_53, %sign3A_63 : i32
      %sign3A_65 = arith.extui %sign3A_64 : i1 to i32
      %sign3A_66 = arith.constant 0 : i32
      %sign3A_67 = arith.cmpi slt, %jit3A_53, %sign3A_66 : i32
      %sign3A_68 = arith.extui %sign3A_67 : i1 to i32
      %sign3A_69 = arith.subi %sign3A_65, %sign3A_68 : i32
      %ne3A_70 = vector.broadcast %sign3A_69 : i32 to vector<16xi32>
      %ne3A_71 = arith.cmpi ne, %sign3A_62, %ne3A_70 : vector<16xi32>
      %rem3A_72 = vector.broadcast %jit3A_53 : i32 to vector<16xi32>
      %rem3A_73 = arith.remsi %select_n3A_26, %rem3A_72 : vector<16xi32>
      %ne3A_74 = arith.constant 0 : i32
      %ne3A_75 = vector.broadcast %ne3A_74 : i32 to vector<16xi32>
      %ne3A_76 = arith.cmpi ne, %rem3A_73, %ne3A_75 : vector<16xi32>
      %and3A_77 = arith.andi %ne3A_71, %ne3A_76 : vector<16xi1>
      %sub3A_78 = arith.constant 1 : i32
      %sub3A_79 = vector.broadcast %sub3A_78 : i32 to vector<16xi32>
      %sub3A_80 = arith.subi %div3A_54, %sub3A_79 : vector<16xi32>
      %select_n3A_81 = arith.select %and3A_77, %sub3A_80, %div3A_54 : vector<16xi1>, vector<16xi32>
      %add3A_82 = arith.addi %add3A_52, %select_n3A_81 : vector<16xi32>
      %mul3A_83 = arith.constant 16 : i32
      %mul3A_84 = arith.muli %scan3A_8, %mul3A_83 : i32
      %swap3A = arith.index_cast %mul3A_84 : i32 to index
      %swap3A_85 = tpu.vector_load %arg4[%swap3A] {strides = array<i32>} : memref<4096xi32, #tpu.memory_space<vmem>>, vector<16xi32>,
      tpu.vector_store %arg4[%swap3A], %add3A_82 {strides = array<i32>} : memref<4096xi32, #tpu.memory_space<vmem>>, vector<16xi32>,
    }
    %scan3A_7 = arith.constant 256 : i32
    "tpu.region"() ({
      %run_scoped3A = tpu.sem_alloc : memref<!tpu.dma_semaphore, #tpu.memory_space<semaphore_mem>>
      %dma_start3A = tpu.memref_slice %arg3[%mul3A_2] : memref<131072xi32, #tpu.memory_space<hbm>> -> memref<4096xi32, #tpu.memory_space<hbm>>
      %dma_start3A_8 = tpu.memref_slice %arg3[%mul3A_2] : memref<131072xi32, #tpu.memory_space<hbm>> -> memref<4096xi32, #tpu.memory_space<hbm>>
      tpu.enqueue_dma source(%arg4 : memref<4096xi32, #tpu.memory_space<vmem>>) target(%dma_start3A_8 : memref<4096xi32, #tpu.memory_space<hbm>>) target_semaphore(%run_scoped3A : memref<!tpu.dma_semaphore, #tpu.memory_space<semaphore_mem>>)
      %dma_wait3A = tpu.memref_slice %arg3[%mul3A_2] : memref<131072xi32, #tpu.memory_space<hbm>> -> memref<4096xi32, #tpu.memory_space<hbm>>
      %dma_wait3A_9 = tpu.memref_slice %arg3[%mul3A_2] : memref<131072xi32, #tpu.memory_space<hbm>> -> memref<4096xi32, #tpu.memory_space<hbm>>
      tpu.wait_dma2 semaphore(%run_scoped3A : memref<!tpu.dma_semaphore, #tpu.memory_space<semaphore_mem>>) src(%arg4 : memref<4096xi32, #tpu.memory_space<vmem>>) dst(%dma_wait3A_9 : memref<4096xi32, #tpu.memory_space<hbm>>)
      tpu.yield
    }) : () -> ()
    return
  }
}

#map = affine_map<(d0, d1) -> (0)>
module attributes {stable_mosaic.version = 14 : i64} {
  func.func @k(%arg0: i32, %arg1: i32, %arg2: memref<204800xi32, #tpu.memory_space<hbm>>, %arg3: memref<204800xi32, #tpu.memory_space<hbm>>, %arg4: memref<6400xi32, #tpu.memory_space<vmem>>) attributes {dimension_semantics = [#tpu.dimension_semantics<core_parallel>, #tpu.dimension_semantics<subcore_parallel>], iteration_bounds = array<i64: 2, 16>, scalar_prefetch = 0 : i64, scratch_operands = 1 : i64, tpu.core_type = #tpu.core_type<sc_vector_subcore>, window_params = [{transform_indices = #map}, {transform_indices = #map}]} {
    %mul3A = arith.constant 2 : i32
    %mul3A_0 = arith.muli %arg1, %mul3A : i32
    %add3A = arith.addi %mul3A_0, %arg0 : i32
    %mul3A_1 = arith.constant 6400 : i32
    %mul3A_2 = arith.muli %add3A, %mul3A_1 : i32
    "tpu.region"() ({
      %run_scoped3A = tpu.sem_alloc : memref<!tpu.dma_semaphore, #tpu.memory_space<semaphore_mem>>
      %dma_start3A = tpu.memref_slice %arg2[%mul3A_2] : memref<204800xi32, #tpu.memory_space<hbm>> -> memref<6400xi32, #tpu.memory_space<hbm>>
      %dma_start3A_8 = tpu.memref_slice %arg2[%mul3A_2] : memref<204800xi32, #tpu.memory_space<hbm>> -> memref<6400xi32, #tpu.memory_space<hbm>>
      tpu.enqueue_dma source(%dma_start3A_8 : memref<6400xi32, #tpu.memory_space<hbm>>) target(%arg4 : memref<6400xi32, #tpu.memory_space<vmem>>) target_semaphore(%run_scoped3A : memref<!tpu.dma_semaphore, #tpu.memory_space<semaphore_mem>>)
      %dma_wait3A = tpu.memref_slice %arg2[%mul3A_2] : memref<204800xi32, #tpu.memory_space<hbm>> -> memref<6400xi32, #tpu.memory_space<hbm>>
      %dma_wait3A_9 = tpu.memref_slice %arg2[%mul3A_2] : memref<204800xi32, #tpu.memory_space<hbm>> -> memref<6400xi32, #tpu.memory_space<hbm>>
      tpu.wait_dma2 semaphore(%run_scoped3A : memref<!tpu.dma_semaphore, #tpu.memory_space<semaphore_mem>>) src(%dma_wait3A_9 : memref<6400xi32, #tpu.memory_space<hbm>>) dst(%arg4 : memref<6400xi32, #tpu.memory_space<vmem>>)
      tpu.yield
    }) : () -> ()
    %scan3A = arith.constant 0 : i32
    %scan3A_3 = arith.constant 0 : i32
    %scan3A_4 = arith.constant 400 : i32
    %scan3A_5 = arith.addi %scan3A_3, %scan3A_4 : i32
    %scan3A_6 = arith.constant 1 : i32
    scf.for %scan3A_8 = %scan3A_3 to %scan3A_5 step %scan3A_6  : i32 {
      %mul3A_9 = arith.constant 16 : i32
      %mul3A_10 = arith.muli %scan3A_8, %mul3A_9 : i32
      %get3A = arith.index_cast %mul3A_10 : i32 to index
      %get3A_11 = tpu.vector_load %arg4[%get3A] {strides = array<i32>} : memref<6400xi32, #tpu.memory_space<vmem>>, vector<16xi32>,
      %jit3A = arith.constant 32768 : i32
      %eq3A = arith.constant 0 : i32
      %eq3A_12 = arith.cmpi eq, %jit3A, %eq3A : i32
      %jit3A_13 = arith.constant 1 : i32
      %select_n3A = arith.select %eq3A_12, %jit3A_13, %jit3A : i32
      %rem3A = vector.broadcast %select_n3A : i32 to vector<16xi32>
      %rem3A_14 = arith.remsi %get3A_11, %rem3A : vector<16xi32>
      %ne3A = arith.constant 0 : i32
      %ne3A_15 = vector.broadcast %ne3A : i32 to vector<16xi32>
      %ne3A_16 = arith.cmpi ne, %rem3A_14, %ne3A_15 : vector<16xi32>
      %lt3A = arith.constant 0 : i32
      %lt3A_17 = vector.broadcast %lt3A : i32 to vector<16xi32>
      %lt3A_18 = arith.cmpi slt, %rem3A_14, %lt3A_17 : vector<16xi32>
      %lt3A_19 = arith.constant 0 : i32
      %lt3A_20 = arith.cmpi slt, %select_n3A, %lt3A_19 : i32
      %ne3A_21 = vector.broadcast %lt3A_20 : i1 to vector<16xi1>
      %ne3A_22 = vector.broadcast %ne3A_21 : vector<16xi1> to vector<16xi1>
      %ne3A_23 = arith.xori %lt3A_18, %ne3A_22 : vector<16xi1>
      %and3A = arith.andi %ne3A_23, %ne3A_16 : vector<16xi1>
      %add3A_24 = vector.broadcast %select_n3A : i32 to vector<16xi32>
      %add3A_25 = arith.addi %rem3A_14, %add3A_24 : vector<16xi32>
      %select_n3A_26 = arith.select %and3A, %add3A_25, %rem3A_14 : vector<16xi1>, vector<16xi32>
      %sub3A = arith.subi %get3A_11, %select_n3A_26 : vector<16xi32>
      %jit3A_27 = arith.constant 4096 : i32
      %eq3A_28 = arith.constant 0 : i32
      %eq3A_29 = arith.cmpi eq, %jit3A_27, %eq3A_28 : i32
      %jit3A_30 = arith.constant 1 : i32
      %select_n3A_31 = arith.select %eq3A_29, %jit3A_30, %jit3A_27 : i32
      %rem3A_32 = vector.broadcast %select_n3A_31 : i32 to vector<16xi32>
      %rem3A_33 = arith.remsi %select_n3A_26, %rem3A_32 : vector<16xi32>
      %ne3A_34 = arith.constant 0 : i32
      %ne3A_35 = vector.broadcast %ne3A_34 : i32 to vector<16xi32>
      %ne3A_36 = arith.cmpi ne, %rem3A_33, %ne3A_35 : vector<16xi32>
      %lt3A_37 = arith.constant 0 : i32
      %lt3A_38 = vector.broadcast %lt3A_37 : i32 to vector<16xi32>
      %lt3A_39 = arith.cmpi slt, %rem3A_33, %lt3A_38 : vector<16xi32>
      %lt3A_40 = arith.constant 0 : i32
      %lt3A_41 = arith.cmpi slt, %select_n3A_31, %lt3A_40 : i32
      %ne3A_42 = vector.broadcast %lt3A_41 : i1 to vector<16xi1>
      %ne3A_43 = vector.broadcast %ne3A_42 : vector<16xi1> to vector<16xi1>
      %ne3A_44 = arith.xori %lt3A_39, %ne3A_43 : vector<16xi1>
      %and3A_45 = arith.andi %ne3A_44, %ne3A_36 : vector<16xi1>
      %add3A_46 = vector.broadcast %select_n3A_31 : i32 to vector<16xi32>
      %add3A_47 = arith.addi %rem3A_33, %add3A_46 : vector<16xi32>
      %select_n3A_48 = arith.select %and3A_45, %add3A_47, %rem3A_33 : vector<16xi1>, vector<16xi32>
      %mul3A_49 = arith.constant 8 : i32
      %mul3A_50 = vector.broadcast %mul3A_49 : i32 to vector<16xi32>
      %mul3A_51 = arith.muli %mul3A_50, %select_n3A_48 : vector<16xi32>
      %add3A_52 = arith.addi %sub3A, %mul3A_51 : vector<16xi32>
      %jit3A_53 = arith.constant 4096 : i32
      %div3A = vector.broadcast %jit3A_53 : i32 to vector<16xi32>
      %div3A_54 = arith.divsi %select_n3A_26, %div3A : vector<16xi32>
      %sign3A = arith.constant 0 : i32
      %sign3A_55 = vector.broadcast %sign3A : i32 to vector<16xi32>
      %sign3A_56 = arith.cmpi sgt, %select_n3A_26, %sign3A_55 : vector<16xi32>
      %sign3A_57 = arith.extui %sign3A_56 : vector<16xi1> to vector<16xi32>
      %sign3A_58 = arith.constant 0 : i32
      %sign3A_59 = vector.broadcast %sign3A_58 : i32 to vector<16xi32>
      %sign3A_60 = arith.cmpi slt, %select_n3A_26, %sign3A_59 : vector<16xi32>
      %sign3A_61 = arith.extui %sign3A_60 : vector<16xi1> to vector<16xi32>
      %sign3A_62 = arith.subi %sign3A_57, %sign3A_61 : vector<16xi32>
      %sign3A_63 = arith.constant 0 : i32
      %sign3A_64 = arith.cmpi sgt, %jit3A_53, %sign3A_63 : i32
      %sign3A_65 = arith.extui %sign3A_64 : i1 to i32
      %sign3A_66 = arith.constant 0 : i32
      %sign3A_67 = arith.cmpi slt, %jit3A_53, %sign3A_66 : i32
      %sign3A_68 = arith.extui %sign3A_67 : i1 to i32
      %sign3A_69 = arith.subi %sign3A_65, %sign3A_68 : i32
      %ne3A_70 = vector.broadcast %sign3A_69 : i32 to vector<16xi32>
      %ne3A_71 = arith.cmpi ne, %sign3A_62, %ne3A_70 : vector<16xi32>
      %rem3A_72 = vector.broadcast %jit3A_53 : i32 to vector<16xi32>
      %rem3A_73 = arith.remsi %select_n3A_26, %rem3A_72 : vector<16xi32>
      %ne3A_74 = arith.constant 0 : i32
      %ne3A_75 = vector.broadcast %ne3A_74 : i32 to vector<16xi32>
      %ne3A_76 = arith.cmpi ne, %rem3A_73, %ne3A_75 : vector<16xi32>
      %and3A_77 = arith.andi %ne3A_71, %ne3A_76 : vector<16xi1>
      %sub3A_78 = arith.constant 1 : i32
      %sub3A_79 = vector.broadcast %sub3A_78 : i32 to vector<16xi32>
      %sub3A_80 = arith.subi %div3A_54, %sub3A_79 : vector<16xi32>
      %select_n3A_81 = arith.select %and3A_77, %sub3A_80, %div3A_54 : vector<16xi1>, vector<16xi32>
      %add3A_82 = arith.addi %add3A_52, %select_n3A_81 : vector<16xi32>
      %mul3A_83 = arith.constant 16 : i32
      %mul3A_84 = arith.muli %scan3A_8, %mul3A_83 : i32
      %swap3A = arith.index_cast %mul3A_84 : i32 to index
      %swap3A_85 = tpu.vector_load %arg4[%swap3A] {strides = array<i32>} : memref<6400xi32, #tpu.memory_space<vmem>>, vector<16xi32>,
      tpu.vector_store %arg4[%swap3A], %add3A_82 {strides = array<i32>} : memref<6400xi32, #tpu.memory_space<vmem>>, vector<16xi32>,
    }
    %scan3A_7 = arith.constant 400 : i32
    "tpu.region"() ({
      %run_scoped3A = tpu.sem_alloc : memref<!tpu.dma_semaphore, #tpu.memory_space<semaphore_mem>>
      %dma_start3A = tpu.memref_slice %arg3[%mul3A_2] : memref<204800xi32, #tpu.memory_space<hbm>> -> memref<6400xi32, #tpu.memory_space<hbm>>
      %dma_start3A_8 = tpu.memref_slice %arg3[%mul3A_2] : memref<204800xi32, #tpu.memory_space<hbm>> -> memref<6400xi32, #tpu.memory_space<hbm>>
      tpu.enqueue_dma source(%arg4 : memref<6400xi32, #tpu.memory_space<vmem>>) target(%dma_start3A_8 : memref<6400xi32, #tpu.memory_space<hbm>>) target_semaphore(%run_scoped3A : memref<!tpu.dma_semaphore, #tpu.memory_space<semaphore_mem>>)
      %dma_wait3A = tpu.memref_slice %arg3[%mul3A_2] : memref<204800xi32, #tpu.memory_space<hbm>> -> memref<6400xi32, #tpu.memory_space<hbm>>
      %dma_wait3A_9 = tpu.memref_slice %arg3[%mul3A_2] : memref<204800xi32, #tpu.memory_space<hbm>> -> memref<6400xi32, #tpu.memory_space<hbm>>
      tpu.wait_dma2 semaphore(%run_scoped3A : memref<!tpu.dma_semaphore, #tpu.memory_space<semaphore_mem>>) src(%arg4 : memref<6400xi32, #tpu.memory_space<vmem>>) dst(%dma_wait3A_9 : memref<6400xi32, #tpu.memory_space<hbm>>)
      tpu.yield
    }) : () -> ()
    return
  }
}

module attributes {stable_mosaic.version = 14 : i64} {
  func.func @_transpose_body(%arg0: i32, %arg1: memref<32x32768xf32, #tpu.memory_space<vmem>>, %arg2: memref<4096x128xi32, #tpu.memory_space<vmem>>) attributes {dimension_semantics = [#tpu.dimension_semantics<arbitrary>], iteration_bounds = array<i64: 31>, scalar_prefetch = 0 : i64, scratch_operands = 0 : i64, tpu.core_type = #tpu.core_type<tc>, window_params = [{transform_indices = @transform_0, window_bounds = array<i64: 32, 32768>}, {transform_indices = @transform_1, window_bounds = array<i64: 4096, 128>}]} {
    %get3A = arith.constant 0 : index
    %get3A_0 = arith.constant 0 : index
    %get3A_1 = vector.load %arg1[%get3A, %get3A_0] : memref<32x32768xf32, #tpu.memory_space<vmem>>, vector<32x32768xf32>
    %slice3A = vector.extract_strided_slice %get3A_1 {offsets = [0, 0], sizes = [32, 4096], strides = [1, 1]} : vector<32x32768xf32> to vector<32x4096xf32>
    %slice3A_2 = vector.extract_strided_slice %get3A_1 {offsets = [0, 4096], sizes = [32, 4096], strides = [1, 1]} : vector<32x32768xf32> to vector<32x4096xf32>
    %slice3A_3 = vector.extract_strided_slice %get3A_1 {offsets = [0, 8192], sizes = [32, 4096], strides = [1, 1]} : vector<32x32768xf32> to vector<32x4096xf32>
    %slice3A_4 = vector.extract_strided_slice %get3A_1 {offsets = [0, 12288], sizes = [32, 4096], strides = [1, 1]} : vector<32x32768xf32> to vector<32x4096xf32>
    %slice3A_5 = vector.extract_strided_slice %get3A_1 {offsets = [0, 16384], sizes = [32, 4096], strides = [1, 1]} : vector<32x32768xf32> to vector<32x4096xf32>
    %slice3A_6 = vector.extract_strided_slice %get3A_1 {offsets = [0, 20480], sizes = [32, 4096], strides = [1, 1]} : vector<32x32768xf32> to vector<32x4096xf32>
    %slice3A_7 = vector.extract_strided_slice %get3A_1 {offsets = [0, 24576], sizes = [32, 4096], strides = [1, 1]} : vector<32x32768xf32> to vector<32x4096xf32>
    %slice3A_8 = vector.extract_strided_slice %get3A_1 {offsets = [0, 28672], sizes = [32, 4096], strides = [1, 1]} : vector<32x32768xf32> to vector<32x4096xf32>
    %concatenate3A = tpu.concatenate %slice3A, %slice3A_2, %slice3A_3, %slice3A_4, %slice3A_5, %slice3A_6, %slice3A_7, %slice3A_8 in 0 : vector<32x4096xf32>, vector<32x4096xf32>, vector<32x4096xf32>, vector<32x4096xf32>, vector<32x4096xf32>, vector<32x4096xf32>, vector<32x4096xf32>, vector<32x4096xf32> -> vector<256x4096xf32>
    %convert_element_type3A = arith.truncf %concatenate3A : vector<256x4096xf32> to vector<256x4096xbf16>
    %bitcast3A = tpu.bitcast %convert_element_type3A : vector<256x4096xbf16> -> vector<128x4096xi32>
    %transpose3A = tpu.transpose %bitcast3A, [1, 0] : vector<128x4096xi32> -> vector<4096x128xi32>
    %swap3A = arith.constant 0 : index
    %swap3A_9 = arith.constant 0 : index
    %swap3A_10 = vector.load %arg2[%swap3A, %swap3A_9] : memref<4096x128xi32, #tpu.memory_space<vmem>>, vector<4096x128xi32>
    tpu.vector_store %arg2[%swap3A, %swap3A_9], %transpose3A {strides = array<i32>} : memref<4096x128xi32, #tpu.memory_space<vmem>>, vector<4096x128xi32>,
    return
  }
  func.func @transform_0(%arg0: i32) -> (i32, i32) {
    %c0_i32 = arith.constant 0 : i32
    %c0_i32_0 = arith.constant 0 : i32
    return %c0_i32, %arg0 : i32, i32
  }
  func.func @transform_1(%arg0: i32) -> (i32, i32) {
    %c0_i32 = arith.constant 0 : i32
    %c0_i32_0 = arith.constant 0 : i32
    return %arg0, %c0_i32 : i32, i32
  }
}

module attributes {stable_mosaic.version = 14 : i64} {
  func.func @_mlp_body(%arg0: i32, %arg1: memref<512x1024xi32, #tpu.memory_space<vmem>>, %arg2: memref<512x13xf32, #tpu.memory_space<vmem>>, %arg3: memref<512x13xf32, #tpu.memory_space<vmem>>, %arg4: memref<512x256xf32, #tpu.memory_space<vmem>>, %arg5: memref<512x256xf32, #tpu.memory_space<vmem>>, %arg6: memref<13x256xf32, #tpu.memory_space<vmem>>, %arg7: memref<1x256xf32, #tpu.memory_space<vmem>>, %arg8: memref<1x256xf32, #tpu.memory_space<vmem>>, %arg9: memref<1x1xf32, #tpu.memory_space<smem>>, %arg10: memref<512x2xf32, #tpu.memory_space<vmem>>) attributes {dimension_semantics = [#tpu.dimension_semantics<arbitrary>], iteration_bounds = array<i64: 4>, scalar_prefetch = 0 : i64, scratch_operands = 0 : i64, tpu.core_type = #tpu.core_type<tc>, window_params = [{transform_indices = @transform_0, window_bounds = array<i64: 512, 1024>}, {transform_indices = @transform_1, window_bounds = array<i64: 512, 13>}, {transform_indices = @transform_2, window_bounds = array<i64: 512, 13>}, {pipeline_mode = #tpu.pipeline_mode<synchronous>, transform_indices = @transform_3, window_bounds = array<i64: 512, 256>}, {pipeline_mode = #tpu.pipeline_mode<synchronous>, transform_indices = @transform_4, window_bounds = array<i64: 512, 256>}, {pipeline_mode = #tpu.pipeline_mode<synchronous>, transform_indices = @transform_5, window_bounds = array<i64: 13, 256>}, {pipeline_mode = #tpu.pipeline_mode<synchronous>, transform_indices = @transform_6, window_bounds = array<i64: 1, 256>}, {pipeline_mode = #tpu.pipeline_mode<synchronous>, transform_indices = @transform_7, window_bounds = array<i64: 1, 256>}, {transform_indices = @transform_8, window_bounds = array<i64: 1, 1>}, {transform_indices = @transform_9, window_bounds = array<i64: 512, 2>}]} {
    %get3A = arith.constant 0 : index
    %get3A_0 = arith.constant 0 : index
    %get3A_1 = vector.load %arg1[%get3A, %get3A_0] : memref<512x1024xi32, #tpu.memory_space<vmem>>, vector<512x1024xi32>
    %shift_left3A = arith.constant 16 : i32
    %shift_left3A_2 = vector.broadcast %shift_left3A : i32 to vector<512x1024xi32>
    %shift_left3A_3 = arith.shli %get3A_1, %shift_left3A_2 : vector<512x1024xi32>
    %bitcast_convert_type3A = tpu.bitcast %shift_left3A_3 : vector<512x1024xi32> -> vector<512x1024xf32>
    %and3A = arith.constant -65536 : i32
    %and3A_4 = vector.broadcast %and3A : i32 to vector<512x1024xi32>
    %and3A_5 = arith.andi %get3A_1, %and3A_4 : vector<512x1024xi32>
    %bitcast_convert_type3A_6 = tpu.bitcast %and3A_5 : vector<512x1024xi32> -> vector<512x1024xf32>
    %slice3A = vector.extract_strided_slice %bitcast_convert_type3A {offsets = [0, 0], sizes = [512, 512], strides = [1, 1]} : vector<512x1024xf32> to vector<512x512xf32>
    %slice3A_7 = vector.extract_strided_slice %bitcast_convert_type3A_6 {offsets = [0, 0], sizes = [512, 512], strides = [1, 1]} : vector<512x1024xf32> to vector<512x512xf32>
    %get3A_8 = arith.constant 0 : index
    %get3A_9 = arith.constant 0 : index
    %get3A_10 = vector.load %arg2[%get3A_8, %get3A_9] : memref<512x13xf32, #tpu.memory_space<vmem>>, vector<512x13xf32>
    %get3A_11 = arith.constant 0 : index
    %get3A_12 = arith.constant 0 : index
    %get3A_13 = vector.load %arg4[%get3A_11, %get3A_12] : memref<512x256xf32, #tpu.memory_space<vmem>>, vector<512x256xf32>
    %dot_general3A = arith.constant dense<0.000000e+00> : vector<512x256xf32>
    %dot_general3A_14 = tpu.matmul %slice3A, %get3A_13, %dot_general3A {dimension_numbers = #tpu.dot_dimension_numbers<[1], [0], [0], [1], [0, 0, 1, 1], [], []>, transpose_lhs_hint = false} : vector<512x512xf32>, vector<512x256xf32>, vector<512x256xf32> -> vector<512x256xf32>
    %get3A_15 = arith.constant 0 : index
    %get3A_16 = arith.constant 0 : index
    %get3A_17 = vector.load %arg5[%get3A_15, %get3A_16] : memref<512x256xf32, #tpu.memory_space<vmem>>, vector<512x256xf32>
    %dot_general3A_18 = arith.constant dense<0.000000e+00> : vector<512x256xf32>
    %dot_general3A_19 = tpu.matmul %slice3A_7, %get3A_17, %dot_general3A_18 {dimension_numbers = #tpu.dot_dimension_numbers<[1], [0], [0], [1], [0, 0, 1, 1], [], []>, transpose_lhs_hint = false} : vector<512x512xf32>, vector<512x256xf32>, vector<512x256xf32> -> vector<512x256xf32>
    %add3A = arith.addf %dot_general3A_14, %dot_general3A_19 : vector<512x256xf32>
    %get3A_20 = arith.constant 0 : index
    %get3A_21 = arith.constant 0 : index
    %get3A_22 = vector.load %arg6[%get3A_20, %get3A_21] : memref<13x256xf32, #tpu.memory_space<vmem>>, vector<13x256xf32>
    %dot_general3A_23 = arith.constant dense<0.000000e+00> : vector<512x256xf32>
    %dot_general3A_24 = tpu.matmul %get3A_10, %get3A_22, %dot_general3A_23 {dimension_numbers = #tpu.dot_dimension_numbers<[1], [0], [0], [1], [0, 0, 1, 1], [], []>, transpose_lhs_hint = false} : vector<512x13xf32>, vector<13x256xf32>, vector<512x256xf32> -> vector<512x256xf32>
    %add3A_25 = arith.addf %add3A, %dot_general3A_24 : vector<512x256xf32>
    %get3A_26 = arith.constant 0 : index
    %get3A_27 = arith.constant 0 : index
    %get3A_28 = vector.load %arg7[%get3A_26, %get3A_27] : memref<1x256xf32, #tpu.memory_space<vmem>>, vector<1x256xf32>
    %add3A_29 = vector.broadcast %get3A_28 : vector<1x256xf32> to vector<512x256xf32>
    %add3A_30 = arith.addf %add3A_25, %add3A_29 : vector<512x256xf32>
    %max3A = arith.constant 0.000000e+00 : f32
    %max3A_31 = vector.broadcast %max3A : f32 to vector<512x256xf32>
    %max3A_32 = arith.maximumf %add3A_30, %max3A_31 : vector<512x256xf32>
    %get3A_33 = arith.constant 0 : index
    %get3A_34 = arith.constant 0 : index
    %get3A_35 = vector.load %arg8[%get3A_33, %get3A_34] : memref<1x256xf32, #tpu.memory_space<vmem>>, vector<1x256xf32>
    %mul3A = vector.broadcast %get3A_35 : vector<1x256xf32> to vector<512x256xf32>
    %mul3A_36 = arith.mulf %max3A_32, %mul3A : vector<512x256xf32>
    %reduce_sum3A = arith.constant dense<0.000000e+00> : vector<512xf32>
    %reduce_sum3A_37 = vector.multi_reduction <add>, %mul3A_36, %reduce_sum3A [1] : vector<512x256xf32> to vector<512xf32>
    %broadcast_in_dim3A = vector.shape_cast %reduce_sum3A_37 : vector<512xf32> to vector<512x1xf32>
    %get3A_38 = arith.constant 0 : index
    %get3A_39 = arith.constant 0 : index
    %get3A_40 = memref.load %arg9[%get3A_38, %get3A_39] : memref<1x1xf32, #tpu.memory_space<smem>>
    %add3A_41 = vector.broadcast %get3A_40 : f32 to vector<512x1xf32>
    %add3A_42 = arith.addf %broadcast_in_dim3A, %add3A_41 : vector<512x1xf32>
    %neg3A = arith.constant 0.000000e+00 : f32
    %neg3A_43 = vector.broadcast %neg3A : f32 to vector<512x1xf32>
    %neg3A_44 = arith.subf %neg3A_43, %add3A_42 : vector<512x1xf32>
    %exp3A = math.exp %neg3A_44 : vector<512x1xf32>
    %add3A_45 = arith.constant 1.000000e+00 : f32
    %add3A_46 = vector.broadcast %add3A_45 : f32 to vector<512x1xf32>
    %add3A_47 = arith.addf %add3A_46, %exp3A : vector<512x1xf32>
    %div3A = arith.constant 1.000000e+00 : f32
    %div3A_48 = vector.broadcast %div3A : f32 to vector<512x1xf32>
    %div3A_49 = arith.divf %div3A_48, %add3A_47 : vector<512x1xf32>
    %slice3A_50 = vector.extract_strided_slice %bitcast_convert_type3A {offsets = [0, 512], sizes = [512, 512], strides = [1, 1]} : vector<512x1024xf32> to vector<512x512xf32>
    %slice3A_51 = vector.extract_strided_slice %bitcast_convert_type3A_6 {offsets = [0, 512], sizes = [512, 512], strides = [1, 1]} : vector<512x1024xf32> to vector<512x512xf32>
    %get3A_52 = arith.constant 0 : index
    %get3A_53 = arith.constant 0 : index
    %get3A_54 = vector.load %arg3[%get3A_52, %get3A_53] : memref<512x13xf32, #tpu.memory_space<vmem>>, vector<512x13xf32>
    %get3A_55 = arith.constant 0 : index
    %get3A_56 = arith.constant 0 : index
    %get3A_57 = vector.load %arg4[%get3A_55, %get3A_56] : memref<512x256xf32, #tpu.memory_space<vmem>>, vector<512x256xf32>
    %dot_general3A_58 = arith.constant dense<0.000000e+00> : vector<512x256xf32>
    %dot_general3A_59 = tpu.matmul %slice3A_50, %get3A_57, %dot_general3A_58 {dimension_numbers = #tpu.dot_dimension_numbers<[1], [0], [0], [1], [0, 0, 1, 1], [], []>, transpose_lhs_hint = false} : vector<512x512xf32>, vector<512x256xf32>, vector<512x256xf32> -> vector<512x256xf32>
    %get3A_60 = arith.constant 0 : index
    %get3A_61 = arith.constant 0 : index
    %get3A_62 = vector.load %arg5[%get3A_60, %get3A_61] : memref<512x256xf32, #tpu.memory_space<vmem>>, vector<512x256xf32>
    %dot_general3A_63 = arith.constant dense<0.000000e+00> : vector<512x256xf32>
    %dot_general3A_64 = tpu.matmul %slice3A_51, %get3A_62, %dot_general3A_63 {dimension_numbers = #tpu.dot_dimension_numbers<[1], [0], [0], [1], [0, 0, 1, 1], [], []>, transpose_lhs_hint = false} : vector<512x512xf32>, vector<512x256xf32>, vector<512x256xf32> -> vector<512x256xf32>
    %add3A_65 = arith.addf %dot_general3A_59, %dot_general3A_64 : vector<512x256xf32>
    %get3A_66 = arith.constant 0 : index
    %get3A_67 = arith.constant 0 : index
    %get3A_68 = vector.load %arg6[%get3A_66, %get3A_67] : memref<13x256xf32, #tpu.memory_space<vmem>>, vector<13x256xf32>
    %dot_general3A_69 = arith.constant dense<0.000000e+00> : vector<512x256xf32>
    %dot_general3A_70 = tpu.matmul %get3A_54, %get3A_68, %dot_general3A_69 {dimension_numbers = #tpu.dot_dimension_numbers<[1], [0], [0], [1], [0, 0, 1, 1], [], []>, transpose_lhs_hint = false} : vector<512x13xf32>, vector<13x256xf32>, vector<512x256xf32> -> vector<512x256xf32>
    %add3A_71 = arith.addf %add3A_65, %dot_general3A_70 : vector<512x256xf32>
    %get3A_72 = arith.constant 0 : index
    %get3A_73 = arith.constant 0 : index
    %get3A_74 = vector.load %arg7[%get3A_72, %get3A_73] : memref<1x256xf32, #tpu.memory_space<vmem>>, vector<1x256xf32>
    %add3A_75 = vector.broadcast %get3A_74 : vector<1x256xf32> to vector<512x256xf32>
    %add3A_76 = arith.addf %add3A_71, %add3A_75 : vector<512x256xf32>
    %max3A_77 = arith.constant 0.000000e+00 : f32
    %max3A_78 = vector.broadcast %max3A_77 : f32 to vector<512x256xf32>
    %max3A_79 = arith.maximumf %add3A_76, %max3A_78 : vector<512x256xf32>
    %get3A_80 = arith.constant 0 : index
    %get3A_81 = arith.constant 0 : index
    %get3A_82 = vector.load %arg8[%get3A_80, %get3A_81] : memref<1x256xf32, #tpu.memory_space<vmem>>, vector<1x256xf32>
    %mul3A_83 = vector.broadcast %get3A_82 : vector<1x256xf32> to vector<512x256xf32>
    %mul3A_84 = arith.mulf %max3A_79, %mul3A_83 : vector<512x256xf32>
    %reduce_sum3A_85 = arith.constant dense<0.000000e+00> : vector<512xf32>
    %reduce_sum3A_86 = vector.multi_reduction <add>, %mul3A_84, %reduce_sum3A_85 [1] : vector<512x256xf32> to vector<512xf32>
    %broadcast_in_dim3A_87 = vector.shape_cast %reduce_sum3A_86 : vector<512xf32> to vector<512x1xf32>
    %get3A_88 = arith.constant 0 : index
    %get3A_89 = arith.constant 0 : index
    %get3A_90 = memref.load %arg9[%get3A_88, %get3A_89] : memref<1x1xf32, #tpu.memory_space<smem>>
    %add3A_91 = vector.broadcast %get3A_90 : f32 to vector<512x1xf32>
    %add3A_92 = arith.addf %broadcast_in_dim3A_87, %add3A_91 : vector<512x1xf32>
    %neg3A_93 = arith.constant 0.000000e+00 : f32
    %neg3A_94 = vector.broadcast %neg3A_93 : f32 to vector<512x1xf32>
    %neg3A_95 = arith.subf %neg3A_94, %add3A_92 : vector<512x1xf32>
    %exp3A_96 = math.exp %neg3A_95 : vector<512x1xf32>
    %add3A_97 = arith.constant 1.000000e+00 : f32
    %add3A_98 = vector.broadcast %add3A_97 : f32 to vector<512x1xf32>
    %add3A_99 = arith.addf %add3A_98, %exp3A_96 : vector<512x1xf32>
    %div3A_100 = arith.constant 1.000000e+00 : f32
    %div3A_101 = vector.broadcast %div3A_100 : f32 to vector<512x1xf32>
    %div3A_102 = arith.divf %div3A_101, %add3A_99 : vector<512x1xf32>
    %concatenate3A = tpu.concatenate %div3A_49, %div3A_102 in 1 : vector<512x1xf32>, vector<512x1xf32> -> vector<512x2xf32>
    %swap3A = arith.constant 0 : index
    %swap3A_103 = arith.constant 0 : index
    %swap3A_104 = vector.load %arg10[%swap3A, %swap3A_103] : memref<512x2xf32, #tpu.memory_space<vmem>>, vector<512x2xf32>
    tpu.vector_store %arg10[%swap3A, %swap3A_103], %concatenate3A {strides = array<i32>} : memref<512x2xf32, #tpu.memory_space<vmem>>, vector<512x2xf32>,
    return
  }
  func.func @transform_0(%arg0: i32) -> (i32, i32) {
    %c0_i32 = arith.constant 0 : i32
    %c0_i32_0 = arith.constant 0 : i32
    return %arg0, %c0_i32 : i32, i32
  }
  func.func @transform_1(%arg0: i32) -> (i32, i32) {
    %c0_i32 = arith.constant 0 : i32
    %c0_i32_0 = arith.constant 0 : i32
    return %arg0, %c0_i32 : i32, i32
  }
  func.func @transform_2(%arg0: i32) -> (i32, i32) {
    %c0_i32 = arith.constant 0 : i32
    %c0_i32_0 = arith.constant 0 : i32
    return %arg0, %c0_i32 : i32, i32
  }
  func.func @transform_3(%arg0: i32) -> (i32, i32) {
    %c0_i32 = arith.constant 0 : i32
    %c0_i32_0 = arith.constant 0 : i32
    %c0_i32_1 = arith.constant 0 : i32
    return %c0_i32, %c0_i32_0 : i32, i32
  }
  func.func @transform_4(%arg0: i32) -> (i32, i32) {
    %c0_i32 = arith.constant 0 : i32
    %c0_i32_0 = arith.constant 0 : i32
    %c0_i32_1 = arith.constant 0 : i32
    return %c0_i32, %c0_i32_0 : i32, i32
  }
  func.func @transform_5(%arg0: i32) -> (i32, i32) {
    %c0_i32 = arith.constant 0 : i32
    %c0_i32_0 = arith.constant 0 : i32
    %c0_i32_1 = arith.constant 0 : i32
    return %c0_i32, %c0_i32_0 : i32, i32
  }
  func.func @transform_6(%arg0: i32) -> (i32, i32) {
    %c0_i32 = arith.constant 0 : i32
    %c0_i32_0 = arith.constant 0 : i32
    %c0_i32_1 = arith.constant 0 : i32
    return %c0_i32, %c0_i32_0 : i32, i32
  }
  func.func @transform_7(%arg0: i32) -> (i32, i32) {
    %c0_i32 = arith.constant 0 : i32
    %c0_i32_0 = arith.constant 0 : i32
    %c0_i32_1 = arith.constant 0 : i32
    return %c0_i32, %c0_i32_0 : i32, i32
  }
  func.func @transform_8(%arg0: i32) -> (i32, i32) {
    %c0_i32 = arith.constant 0 : i32
    %c0_i32_0 = arith.constant 0 : i32
    %c0_i32_1 = arith.constant 0 : i32
    return %c0_i32, %c0_i32_0 : i32, i32
  }
  func.func @transform_9(%arg0: i32) -> (i32, i32) {
    %c0_i32 = arith.constant 0 : i32
    %c0_i32_0 = arith.constant 0 : i32
    return %arg0, %c0_i32 : i32, i32
  }
}

</mosaic_0001>

<sc_bundles>
// kernel: kernel.10.cloned.1.call-start
scs
__scs_entry_jumppad:
0x0: {  	(pc) =	sbr.rel $0x88, $3  }
0x1: {  	(tag) =	ssettag $0x0;
	lr =	simm.s32 $0x1  }
0x2: {  	[smem:$0x3F98] =	sst lr;
	_ =	strace $0xD0000000  }
0x3: {  	_ = 	snop  }
0x4: {  	_ = 	snop  }
0x5: {  	_ = 	snop  }
0x6: {  	_ = 	snop  }
0x7: {  	_ = 	snop  }
__scs_overlays_trampoline_lowered:
0x8: {  	[smem:$0x3FA7] =	sst s0  }
0x9: {  	[smem:$0x3FA8] =	sst s1  }
0xa: {  	[smem:$0x3FA9] =	sst s2  }
0xb: {  	[smem:$0x3FAA] =	sst s3  }
0xc: {  	[smem:$0x3FAB] =	sst s4  }
0xd: {  	[smem:$0x3FAC] =	sst s5  }
0xe: {  	[smem:$0x3FAD] =	sst s6  }
0xf: {  	[smem:$0x3FAE] =	sst s7  }
0x10: {  	[smem:$0x3FAF] =	sst s8  }
0x11: {  	[smem:$0x3FB0] =	sst s9;
	s0 =	simm.s32 @!p0 $0x0  }
0x12: {  	s1 =	sld [smem:$0x3F96];
	s0 =	simm.s32 @p0 $0x1  }
0x13: {  	[smem:$0x3FB1] =	sst s0;
	s0 =	simm.s32 @!p1 $0x0  }
0x14: {  	s2 =	sld [smem:$0x3F95];
	s0 =	simm.s32 @p1 $0x1  }
0x15: {  	[smem:$0x3FB2] =	sst s0;
	s0 =	simm.s32 @!p2 $0x0  }
0x16: {  	s3 =	sld [smem:$0x3FDB];
	s0 =	simm.s32 @p2 $0x1  }
0x17: {  	s4 =	simm.s32 $0x1BF5;
	[smem:$0x3FB4] =	sst s0  }
0x18: {  	s0 =	sld [smem:$0x3F97];
	_ =	swait.ge [sflag:s4], $0x0  }
0x19: {  	s7 =	sld [smem:$0x3F98]  }
0x1a: {  	s8 =	sadd.s32 $0xFFFFE003, lr  }
0x1b: {  	s9 =	sadd.s32 $0xFFFFFEF7, lr;
	s5 =	simm.s32 $0xFFFFFFFF;
	p2 =	slt.u32 s8, $0xFFFFF086  }
0x1c: {  	p1 =	slt.u32 s9, $0xF7A;
	s5 =	simm.s32 @!p2 $0x0  }
0x1d: {  	s5 =	simm.s32 @p1 $0x1;
	p0 =	seq.s32 s7, s2  }
0x1e: {  	s7 =	smul.u32 @!p0 $0xF7A, s2;
	p2 =	seq.s32 @!p0 s5, $0x0  }
0x1f: {  	s9 =	smul.u32 $0xF7A, s1;
	s8 =	simm.s32 @!p0 $0x1BF5;
	p2 =	por !p2, p0  }
0x20: {  	[sflag:s8] =	ssyncset.s32 @!p0 $0xFFFFF086;
	s6 =	sadd.s32 @!p0 s3, s7;
	s7 =	simm.s32 @!p0 $0x108  }
0x21: {  	s3 =	sadd.s32 s3, s9;
	s6 =	sadd.s32 @!p0 $0x88, s6;
	s7 =	simm.s32 @p2 $0x1082  }
0x22: {  	[simem:s7], [sflag:s8] =	dma.local @!p0 [hbm:s6], $0xF7A  }
0x23: {  	s9 =	sor.u32 $0xD0000000, s2;
	s6 =	simm.s32 $0x108;
	_ =	swait.ge @!p0 [sflag:s8], $0x0  }
0x24: {  	s3 =	sadd.s32 $0x88, s3;
	s6 =	simm.s32 @!p1 $0x1082;
	[sflag:s4] =	ssyncset.s32 $0xFFFFF086  }
0x25: {  	[simem:s6], [sflag:s4] =	dma.local [hbm:s3], $0xF7A  }
0x26: {  	[smem:$0x3F98] =	sst s1;
	(tag) =	ssettag s2;
	_ =	strace s9  }
0x27: {  	s1 =	sld [smem:$0x3FA8]  }
0x28: {  	s2 =	sld [smem:$0x3FA9]  }
0x29: {  	s4 =	sld [smem:$0x3FAB]  }
0x2a: {  	p0 =	seq.s32 s5, $0x0;
	s5 =	sld [smem:$0x3FAC]  }
0x2b: {  	s6 =	sld [smem:$0x3FAD]  }
0x2c: {  	s7 =	sld [smem:$0x3FAE]  }
0x2d: {  	s3 =	simm.s32 $0x108;
	s8 =	sld [smem:$0x3FAF]  }
0x2e: {  	s3 =	simm.s32 @!p0 $0x1082;
	s9 =	sld [smem:$0x3FB0]  }
0x2f: {  	lr =	sadd.s32 s0, s3;
	s0 =	sld [smem:$0x3FA7]  }
0x30: {  	s3 =	sld [smem:$0x3FAA]  }
0x31: {  	[smem:$0x3FB3] =	sst s10  }
0x32: {  	s10 =	sld [smem:$0x3FB1];
	_ =	sdelay $0x3  }
0x33: {  	p0 =	seq.s32 s10, $0x1;
	s10 =	sld [smem:$0x3FB3];
	_ =	sdelay $0x3  }
0x34: {  	[smem:$0x3FB3] =	sst s10  }
0x35: {  	s10 =	sld [smem:$0x3FB2];
	_ =	sdelay $0x3  }
0x36: {  	p1 =	seq.s32 s10, $0x1;
	s10 =	sld [smem:$0x3FB3];
	_ =	sdelay $0x3  }
0x37: {  	[smem:$0x3FB3] =	sst s10  }
0x38: {  	s10 =	sld [smem:$0x3FB4]  }
0x39: {  	_ = 	snop;
	(pc) =	sbr.ind lr, $3  }
0x3a: {  	_ = 	snop  }
0x3b: {  	_ = 	snop  }
0x3c: {  	p2 =	seq.s32 s10, $0x1;
	s10 =	sld [smem:$0x3FB3]  }
0x3d: {  	_ =	shalt  }
0x3e: {  	_ =	shalt  }
0x3f: {  	_ =	shalt  }
0x40: {  	_ =	shalt  }
0x41: {  	_ =	shalt  }
0x42: {  	_ =	shalt  }
0x43: {  	_ =	shalt  }
0x44: {  	_ =	shalt  }
0x45: {  	_ =	shalt  }
0x46: {  	_ =	shalt  }
0x47: {  	_ =	shalt  }
0x48: {  	_ =	shalt  }
0x49: {  	_ =	shalt  }
0x4a: {  	_ =	shalt  }
0x4b: {  	_ =	shalt  }
0x4c: {  	_ =	shalt  }
0x4d: {  	_ =	shalt  }
0x4e: {  	_ =	shalt  }
0x4f: {  	_ =	shalt  }
0x50: {  	_ =	shalt  }
0x51: {  	_ =	shalt  }
0x52: {  	_ =	shalt  }
0x53: {  	_ =	shalt  }
0x54: {  	_ =	shalt  }
0x55: {  	_ =	shalt  }
0x56: {  	_ =	shalt  }
0x57: {  	_ =	shalt  }
0x58: {  	_ =	shalt  }
0x59: {  	_ =	shalt  }
0x5a: {  	_ =	shalt  }
0x5b: {  	_ =	shalt  }
0x5c: {  	_ =	shalt  }
0x5d: {  	_ =	shalt  }
0x5e: {  	_ =	shalt  }
0x5f: {  	_ =	shalt  }
0x60: {  	_ =	shalt  }
0x61: {  	_ =	shalt  }
0x62: {  	_ =	shalt  }
0x63: {  	_ =	shalt  }
0x64: {  	_ =	shalt  }
0x65: {  	_ =	shalt  }
0x66: {  	_ =	shalt  }
0x67: {  	_ =	shalt  }
0x68: {  	_ =	shalt  }
0x69: {  	_ =	shalt  }
0x6a: {  	_ =	shalt  }
0x6b: {  	_ =	shalt  }
0x6c: {  	_ =	shalt  }
0x6d: {  	_ =	shalt  }
0x6e: {  	_ =	shalt  }
0x6f: {  	_ =	shalt  }
0x70: {  	_ =	shalt  }
0x71: {  	_ =	shalt  }
0x72: {  	_ =	shalt  }
0x73: {  	_ =	shalt  }
0x74: {  	_ =	shalt  }
0x75: {  	_ =	shalt  }
0x76: {  	_ =	shalt  }
0x77: {  	_ =	shalt  }
0x78: {  	_ =	shalt  }
0x79: {  	_ =	shalt  }
0x7a: {  	_ =	shalt  }
0x7b: {  	_ =	shalt  }
0x7c: {  	_ =	shalt  }
0x7d: {  	_ =	shalt  }
0x7e: {  	_ =	shalt  }
0x7f: {  	_ =	shalt  }
0x80: {  	_ =	shalt  }
0x81: {  	_ =	shalt  }
0x82: {  	_ =	shalt  }
0x83: {  	_ =	shalt  }
0x84: {  	_ =	shalt  }
0x85: {  	_ =	shalt  }
0x86: {  	_ =	shalt  }
0x87: {  	_ =	shalt  }
.Lfunc_end0:
.L_simem_size_0:
called_computation.1_lowered:
.L_overlay_start_0:
0x88: {  	s2 =	sld [smem:$0x3FD9]  }
0x89: {  	s3 =	sld [smem:$0x3FFE];
	_ =	sdelay $0x1  }
0x8a: {  	s1 =	srdreg.scid  }
0x8b: {  	s0 =	sand.u32 $0x1, s1  }
0x8c: {  	s17 =	sshll.u32 s0, $0xA;
	s2 =	sadd.s32 s3, s2  }
0x8d: {  	s2 =	sadd.s32 s2, s17  }
0x8e: {  	[smem:$0x3FBF] =	sst s2  }
0x8f: {  	_ = 	snop  }
0x90: {  	(tm) =	ssettm $0x1  }
0x91: {  	s18 =	sld [smem:$0x3FFB];
	_ =	sdelay $0x3  }
0x92: {  	_ =	strace s18  }
0x93: {  	s2 =	sld [smem:$0x3FFC];
	_ =	sdelay $0x3  }
0x94: {  	_ =	strace s2  }
0x95: {  	s2 =	sld [smem:$0x3FFD];
	_ =	sdelay $0x3  }
0x96: {  	_ =	strace s2  }
0x97: {  	_ =	strace $0x8FFFFFFF  }
0x98: {  	s19 =	sld [smem:$0x3FDB];
	_ =	sdelay $0x1  }
0x99: {  	s20 =	simm.s32 $_scs_section_size  }
0x9a: {  	s4 =	simm.s32 $_size__tile_overlayer_lowered;
	s5 =	simm.s32 $_tile_overlayer_lowered  }
0x9b: {  	s6 =	simm.s32 $0x1BFF;
	s21 =	sshll.u32 s5, $0x1;
	s3 =	sadd.s32 s20, s19  }
0x9c: {  	s22 =	simm.s32 $0x0;
	s4 =	sshll.u32 s4, $0x1;
	s5 =	sadd.s32 s21, s3  }
0x9d: {  	[timem:s22], [sflag:s6] =	dma.local [hbm:s5], s4  }
0x9e: {  	_ =	swait.ge [sflag:s6], s4  }
0x9f: {  	s4 =	ssub.s32 $0x0, s4;
	[sflag:s6] =	ssyncset.done $0x0  }
0xa0: {  	[sflag:s6] =	ssyncadd.s32 s4;
	_ =	sdelay $0x1  }
0xa1: {  	s23 =	simm.s32 $0x1B8B  }
0xa2: {  	_ =	swait.ge [sflag:s23], $0x1  }
0xa3: {  	[sflag:s23] =	ssyncset.done $0x0  }
0xa4: {  	[sflag:s23] =	ssyncadd.s32 $0xFFFFFFFF  }
0xa5: {  	s4 =	sld [smem:$0x0]  }
0xa6: {  	s5 =	sand.u32 $0xFFFFFFFE, s1  }
0xa7: {  	p0 =	sne.s32 s1, s5  }
0xa8: {  	s5 =	sshll.u32 @p0 s5, $0xE  }
0xa9: {  	s5 =	sadd.s32 @p0 $0x11B8D, s5;
	s6 =	sshll.u32 @p0 s4, $0x11  }
0xaa: {  	s5 =	sor.u32 @p0 s6, s5  }
0xab: {  	[sflag:s5] =	ssyncadd.remote.s32 @p0 $0x1;
	_ =	sdelay $0x1  }
0xac: {  	s5 =	simm.s32 @p0 $0x1B8D  }
0xad: {  	_ =	swait.eq @p0 [sflag:s5], $0x1  }
0xae: {  	[sflag:s5] =	ssyncadd.s32 @p0 $0xFFFFFFFF  }
0xaf: {  	s6 =	sshll.u32 @!p0 s1, $0xE  }
0xb0: {  	s6 =	sor.u32 @!p0 $0x4000, s6;
	s5 =	simm.s32 @!p0 $0x1B8D  }
0xb1: {  	s4 =	sshll.u32 @!p0 s4, $0x11;
	s6 =	sadd.s32 @!p0 $0x11B8D, s6;
	_ =	swait.eq @!p0 [sflag:s5], $0x1  }
0xb2: {  	s4 =	sor.u32 @!p0 s4, s6;
	[sflag:s5] =	ssyncadd.s32 @!p0 $0xFFFFFFFF  }
0xb3: {  	s25 =	simm.s32 $0x1B8E;
	s24 =	sld [smem:$0x3FFE];
	[sflag:s4] =	ssyncadd.remote.s32 @!p0 $0x1  }
0xb4: {  	s26 =	simm.s32 $execute0_lowered;
	[smem:$0x3FD2] =	sst s25  }
0xb5: {  	s5 =	sshll.u32 s26, $0x1;
	_ =	strace $0x80000049;
	[dreg:$0x1] =	wrdreg $0xFFFFFFFF  }
0xb6: {  	s28 =	simm.s32 $_size_execute0_lowered;
	s3 =	sadd.s32 s3, s5;
	[dreg:$0x0] =	wrdreg $0x0  }
0xb7: {  	s5 =	sshll.u32 s28, $0x1;
	[dreg:$0x2] =	wrdreg s3  }
0xb8: {  	[dreg:$0x3] =	wrdreg s5  }
0xb9: {  	[dreg:$0x4] =	wrdreg $0xC0  }
0xba: {  	_ =	task [dreg:s22], $0x5FFFF  }
0xbb: {  	[dreg:$0x1] =	wrdreg $0xFFFFFFFF  }
0xbc: {  	[dreg:$0x0] =	wrdreg $0x60  }
0xbd: {  	[dreg:$0x2] =	wrdreg s24  }
0xbe: {  	[dreg:$0x3] =	wrdreg $0xA  }
0xbf: {  	_ =	task.clear_ibuf [dreg:s22], $0x4FFFF;
	_ =	strace $0x90000049  }
0xc0: {  	s29 =	simm.s32 $0xA;
	_ =	strace $0x8000004B  }
0xc1: {  	_ =	swait.ge [sflag:s29], $0x1  }
0xc2: {  	[sflag:s29] =	ssyncadd.s32 $0xFFFFFFFF  }
0xc3: {  	_ =	strace $0x9000004B  }
0xc4: {  	_ =	sfence  }
0xc5: {  	s30 =	sld [smem:$0x0];
	_ =	sdelay $0x2  }
0xc6: {  	s31 =	sshll.u32 s1, $0xD;
	s1 =	sshrl.u32 s1, $0x2  }
0xc7: {  	s4 =	sand.u32 $0x4000, s31;
	s1 =	sadd.s32 s1, s30  }
0xc8: {  	s0 =	sor.u32 s4, s0;
	s1 =	sshll.u32 s1, $0x11  }
0xc9: {  	s0 =	sor.u32 s1, s0  }
0xca: {  	s0 =	sadd.s32 $0x8F2B, s0  }
0xcb: {  	[sflag:s0] =	ssyncadd.remote.s32 $0x1  }
0xcc: {  	_ =	sfence.sel $0xFFFF  }
0xcd: {  	[dreg:$0x0] =	wrdreg $0xFFFFFFFF;
	(pc) =	sbr.abs _section_cstart, $3  }
0xce: {  	[dreg:$0x1] =	wrdreg $0xFFFFFFFF  }
0xcf: {  	_ =	task.clear_ibuf [dreg:s22], $0x2FFFF;
	_ =	strace $0x9FFFFFFF  }
0xd0: {  	(tm) =	ssettm $0x7FFFFFFF  }
0xd1: {  	_ =	shalt  }
tec
execute0_lowered:
.L_overlay_start_1:
0x0: {  	(tag) =	ssettag $0x1  }
0x1: {  	s1 =	srdreg.scid;
	s0 =	stileid.u32  }
0x2: {  	s4 =	rddreg [dreg:$0x0];
	s3 =	sand.u32 $0x1, s1;
	s30 =	sshll.u32 s0, $0x1  }
0x3: {  	s2 =	simm.s32 $0x0;
	s6 =	simm.s32 $0x1;
	s5 =	sor.u32 s3, s30  }
0x4: {  	s1 =	rddreg [dreg:$0x1];
	s3 =	ssub.s32 $0x2, s3;
	s5 =	smul.u32 $0x320, s5  }
0x5: {  	s7 =	simm.s32 $0x0;
	[smem:$0x7FF] =	sst s2;
	s31 =	sshrl.u32 s3, $0x1  }
0x6: {  	_ =	strace $0x8000004A;
	s4 =	sadd.s32 s5, s4;
	s5 =	ssub.s32 s3, s31  }
0x7: {  	s3 =	sadd.s32 $0x9800, s4;
	s4 =	sadd.s32 $0xFC00, s4;
	s5 =	smax.u32 s5, $0x1  }
.LBB2_1:
0x8: {  	[tilespmem:s2], [sflag:$0x1] =	stream.linear.gather [hbm4b:s3+s2], $0x1900, $0x38;
	[tilespmem:$0x1900] =	vst v63  }
0x9: {  	_ =	swait.ge [sflag:s6], $0x1900  }
0xa: {  	[sflag:s6] =	ssyncset.done $0x0  }
0xb: {  	s8 =	simm.s32 $0x0;
	s9 =	simm.s32 $0x40;
	[sflag:s6] =	ssyncadd.s32 $0xFFFFE700  }
.LBB2_2:
0xc: {  	p0 =	sne.s32 s9, $0x63C0;
	v0 =	vld [tilespmem:s8+$0x0];
	_ =	sdelay $0x4  }
.Ltmp0:
0xd: {  	v1 =	vshll.u32 v0, $0x3;
	(pc) =	sbr.rel @p0 .LBB2_2-.Ltmp0, $4  }
0xe: {  	v2 =	vand.u32 $0xFFFF8000, v0;
	v0 =	vshrl.u32 v0, $0xC;
	v1 =	vand.u32 $0x7FF8, v1  }
0xf: {  	v0 =	vand.u32 $0x7, v0;
	v1 =	vor.u32 v2, v1  }
0x10: {  	v0 =	vor.u32 v0, v1  }
0x11: {  	[tilespmem:s8+$0x0] =	vst v0;
	s8 =	sshra.s32 s9, $0x2;
	s9 =	sadd.s32 $0x40, s9  }
0x12: {  	v0 =	vld [tilespmem:s8+$0x0];
	_ =	sdelay $0x4  }
0x13: {  	v1 =	vshll.u32 v0, $0x3  }
0x14: {  	v2 =	vand.u32 $0xFFFF8000, v0;
	v0 =	vshrl.u32 v0, $0xC;
	v1 =	vand.u32 $0x7FF8, v1  }
0x15: {  	s7 =	sadd.s32 $0x1, s7;
	v0 =	vand.u32 $0x7, v0;
	v1 =	vor.u32 v2, v1  }
0x16: {  	p0 =	sne.s32 s7, s5;
	v0 =	vor.u32 v0, v1  }
.Ltmp1:
0x17: {  	[tilespmem:s8+$0x0] =	vst v0;
	(pc) =	sbr.rel @p0 .LBB2_1-.Ltmp1, $4  }
0x18: {  	[hbm4b:s4+s2] =	stream.linear.scatter [tilespmem:s2], [sflag:$0x1], $0x1900, $0x38;
	[tilespmem:$0x1900] =	vst v63  }
0x19: {  	_ =	swait.ge [sflag:s6], $0x1900  }
0x1a: {  	[sflag:s6] =	ssyncset.done $0x0  }
0x1b: {  	[sflag:s6] =	ssyncadd.s32 $0xFFFFE700  }
0x1c: {  	_ =	sfence.sel $0x180000  }
0x1d: {  	[bflag:$0x0] =	sbarrier.arrive $0xFFFF  }
0x1e: {  	p0 =	sne.s32 s0, $0x0;
	_ =	strace $0x9000004A  }
0x1f: {  	s0 =	sadd.s32 @!p0 $0x100000, s1;
	[bflag:$0x2] =	sbarrier.arrive $0xFFFF  }
0x20: {  	[sflag:s0] =	ssyncadd.tile.s32 @!p0 $0x1;
	_ =	shalt  }
.Lfunc_end2:
_tile_overlayer_lowered:
.L_overlay_start_2:
0x21: {  	(tag) =	ssettag $0x2  }
0x22: {  	s0 =	rddreg [dreg:$0x0];
	s2 =	stileid.u32  }
0x23: {  	s1 =	rddreg [dreg:$0x1];
	p0 =	sne.s32 s2, $0x0  }
0x24: {  	s3 =	rddreg [dreg:$0x2];
	[bflag:$0x3] =	sbarrier.arrive $0xFFFF;
	s2 =	simm.s32 @!p0 $0x1C01  }
0x25: {  	[timem:s3], [sflag:s2] =	dma.local @!p0 [hbm:s0], s1  }
0x26: {  	s0 =	simm.s32 @!p0 $0x1  }
0x27: {  	_ =	swait.ge @!p0 [sflag:s0], s1  }
0x28: {  	s1 =	ssub.s32 @!p0 $0x0, s1;
	[sflag:s0] =	ssyncset.done @!p0 $0x0  }
0x29: {  	[sflag:s0] =	ssyncadd.s32 @!p0 s1  }
0x2a: {  	[bflag:$0x3] =	sbarrier.arrive $0xFFFF  }
0x2b: {  	_ =	shalt  }

// kernel: kernel.13.cloned.1.call-start
scs
__scs_entry_jumppad:
0x0: {  	(pc) =	sbr.rel $0x88, $3  }
0x1: {  	(tag) =	ssettag $0x0;
	lr =	simm.s32 $0x1  }
0x2: {  	[smem:$0x3F98] =	sst lr;
	_ =	strace $0xD0000000  }
0x3: {  	_ = 	snop  }
0x4: {  	_ = 	snop  }
0x5: {  	_ = 	snop  }
0x6: {  	_ = 	snop  }
0x7: {  	_ = 	snop  }
__scs_overlays_trampoline_lowered:
0x8: {  	[smem:$0x3FA7] =	sst s0  }
0x9: {  	[smem:$0x3FA8] =	sst s1  }
0xa: {  	[smem:$0x3FA9] =	sst s2  }
0xb: {  	[smem:$0x3FAA] =	sst s3  }
0xc: {  	[smem:$0x3FAB] =	sst s4  }
0xd: {  	[smem:$0x3FAC] =	sst s5  }
0xe: {  	[smem:$0x3FAD] =	sst s6  }
0xf: {  	[smem:$0x3FAE] =	sst s7  }
0x10: {  	[smem:$0x3FAF] =	sst s8  }
0x11: {  	[smem:$0x3FB0] =	sst s9;
	s0 =	simm.s32 @!p0 $0x0  }
0x12: {  	s1 =	sld [smem:$0x3F96];
	s0 =	simm.s32 @p0 $0x1  }
0x13: {  	[smem:$0x3FB1] =	sst s0;
	s0 =	simm.s32 @!p1 $0x0  }
0x14: {  	s2 =	sld [smem:$0x3F95];
	s0 =	simm.s32 @p1 $0x1  }
0x15: {  	[smem:$0x3FB2] =	sst s0;
	s0 =	simm.s32 @!p2 $0x0  }
0x16: {  	s3 =	sld [smem:$0x3FDB];
	s0 =	simm.s32 @p2 $0x1  }
0x17: {  	s4 =	simm.s32 $0x1BF5;
	[smem:$0x3FB4] =	sst s0  }
0x18: {  	s0 =	sld [smem:$0x3F97];
	_ =	swait.ge [sflag:s4], $0x0  }
0x19: {  	s7 =	sld [smem:$0x3F98]  }
0x1a: {  	s8 =	sadd.s32 $0xFFFFE003, lr  }
0x1b: {  	s9 =	sadd.s32 $0xFFFFFEF7, lr;
	s5 =	simm.s32 $0xFFFFFFFF;
	p2 =	slt.u32 s8, $0xFFFFF086  }
0x1c: {  	p1 =	slt.u32 s9, $0xF7A;
	s5 =	simm.s32 @!p2 $0x0  }
0x1d: {  	s5 =	simm.s32 @p1 $0x1;
	p0 =	seq.s32 s7, s2  }
0x1e: {  	s7 =	smul.u32 @!p0 $0xF7A, s2;
	p2 =	seq.s32 @!p0 s5, $0x0  }
0x1f: {  	s9 =	smul.u32 $0xF7A, s1;
	s8 =	simm.s32 @!p0 $0x1BF5;
	p2 =	por !p2, p0  }
0x20: {  	[sflag:s8] =	ssyncset.s32 @!p0 $0xFFFFF086;
	s6 =	sadd.s32 @!p0 s3, s7;
	s7 =	simm.s32 @!p0 $0x108  }
0x21: {  	s3 =	sadd.s32 s3, s9;
	s6 =	sadd.s32 @!p0 $0x88, s6;
	s7 =	simm.s32 @p2 $0x1082  }
0x22: {  	[simem:s7], [sflag:s8] =	dma.local @!p0 [hbm:s6], $0xF7A  }
0x23: {  	s9 =	sor.u32 $0xD0000000, s2;
	s6 =	simm.s32 $0x108;
	_ =	swait.ge @!p0 [sflag:s8], $0x0  }
0x24: {  	s3 =	sadd.s32 $0x88, s3;
	s6 =	simm.s32 @!p1 $0x1082;
	[sflag:s4] =	ssyncset.s32 $0xFFFFF086  }
0x25: {  	[simem:s6], [sflag:s4] =	dma.local [hbm:s3], $0xF7A  }
0x26: {  	[smem:$0x3F98] =	sst s1;
	(tag) =	ssettag s2;
	_ =	strace s9  }
0x27: {  	s1 =	sld [smem:$0x3FA8]  }
0x28: {  	s2 =	sld [smem:$0x3FA9]  }
0x29: {  	s4 =	sld [smem:$0x3FAB]  }
0x2a: {  	p0 =	seq.s32 s5, $0x0;
	s5 =	sld [smem:$0x3FAC]  }
0x2b: {  	s6 =	sld [smem:$0x3FAD]  }
0x2c: {  	s7 =	sld [smem:$0x3FAE]  }
0x2d: {  	s3 =	simm.s32 $0x108;
	s8 =	sld [smem:$0x3FAF]  }
0x2e: {  	s3 =	simm.s32 @!p0 $0x1082;
	s9 =	sld [smem:$0x3FB0]  }
0x2f: {  	lr =	sadd.s32 s0, s3;
	s0 =	sld [smem:$0x3FA7]  }
0x30: {  	s3 =	sld [smem:$0x3FAA]  }
0x31: {  	[smem:$0x3FB3] =	sst s10  }
0x32: {  	s10 =	sld [smem:$0x3FB1];
	_ =	sdelay $0x3  }
0x33: {  	p0 =	seq.s32 s10, $0x1;
	s10 =	sld [smem:$0x3FB3];
	_ =	sdelay $0x3  }
0x34: {  	[smem:$0x3FB3] =	sst s10  }
0x35: {  	s10 =	sld [smem:$0x3FB2];
	_ =	sdelay $0x3  }
0x36: {  	p1 =	seq.s32 s10, $0x1;
	s10 =	sld [smem:$0x3FB3];
	_ =	sdelay $0x3  }
0x37: {  	[smem:$0x3FB3] =	sst s10  }
0x38: {  	s10 =	sld [smem:$0x3FB4]  }
0x39: {  	_ = 	snop;
	(pc) =	sbr.ind lr, $3  }
0x3a: {  	_ = 	snop  }
0x3b: {  	_ = 	snop  }
0x3c: {  	p2 =	seq.s32 s10, $0x1;
	s10 =	sld [smem:$0x3FB3]  }
0x3d: {  	_ =	shalt  }
0x3e: {  	_ =	shalt  }
0x3f: {  	_ =	shalt  }
0x40: {  	_ =	shalt  }
0x41: {  	_ =	shalt  }
0x42: {  	_ =	shalt  }
0x43: {  	_ =	shalt  }
0x44: {  	_ =	shalt  }
0x45: {  	_ =	shalt  }
0x46: {  	_ =	shalt  }
0x47: {  	_ =	shalt  }
0x48: {  	_ =	shalt  }
0x49: {  	_ =	shalt  }
0x4a: {  	_ =	shalt  }
0x4b: {  	_ =	shalt  }
0x4c: {  	_ =	shalt  }
0x4d: {  	_ =	shalt  }
0x4e: {  	_ =	shalt  }
0x4f: {  	_ =	shalt  }
0x50: {  	_ =	shalt  }
0x51: {  	_ =	shalt  }
0x52: {  	_ =	shalt  }
0x53: {  	_ =	shalt  }
0x54: {  	_ =	shalt  }
0x55: {  	_ =	shalt  }
0x56: {  	_ =	shalt  }
0x57: {  	_ =	shalt  }
0x58: {  	_ =	shalt  }
0x59: {  	_ =	shalt  }
0x5a: {  	_ =	shalt  }
0x5b: {  	_ =	shalt  }
0x5c: {  	_ =	shalt  }
0x5d: {  	_ =	shalt  }
0x5e: {  	_ =	shalt  }
0x5f: {  	_ =	shalt  }
0x60: {  	_ =	shalt  }
0x61: {  	_ =	shalt  }
0x62: {  	_ =	shalt  }
0x63: {  	_ =	shalt  }
0x64: {  	_ =	shalt  }
0x65: {  	_ =	shalt  }
0x66: {  	_ =	shalt  }
0x67: {  	_ =	shalt  }
0x68: {  	_ =	shalt  }
0x69: {  	_ =	shalt  }
0x6a: {  	_ =	shalt  }
0x6b: {  	_ =	shalt  }
0x6c: {  	_ =	shalt  }
0x6d: {  	_ =	shalt  }
0x6e: {  	_ =	shalt  }
0x6f: {  	_ =	shalt  }
0x70: {  	_ =	shalt  }
0x71: {  	_ =	shalt  }
0x72: {  	_ =	shalt  }
0x73: {  	_ =	shalt  }
0x74: {  	_ =	shalt  }
0x75: {  	_ =	shalt  }
0x76: {  	_ =	shalt  }
0x77: {  	_ =	shalt  }
0x78: {  	_ =	shalt  }
0x79: {  	_ =	shalt  }
0x7a: {  	_ =	shalt  }
0x7b: {  	_ =	shalt  }
0x7c: {  	_ =	shalt  }
0x7d: {  	_ =	shalt  }
0x7e: {  	_ =	shalt  }
0x7f: {  	_ =	shalt  }
0x80: {  	_ =	shalt  }
0x81: {  	_ =	shalt  }
0x82: {  	_ =	shalt  }
0x83: {  	_ =	shalt  }
0x84: {  	_ =	shalt  }
0x85: {  	_ =	shalt  }
0x86: {  	_ =	shalt  }
0x87: {  	_ =	shalt  }
.Lfunc_end0:
.L_simem_size_0:
called_computation.2_lowered:
.L_overlay_start_0:
0x88: {  	s2 =	sld [smem:$0x3FD9]  }
0x89: {  	s3 =	sld [smem:$0x3FFE];
	_ =	sdelay $0x1  }
0x8a: {  	s1 =	srdreg.scid  }
0x8b: {  	s0 =	sand.u32 $0x1, s1  }
0x8c: {  	s16 =	sshll.u32 s0, $0xA;
	s2 =	sadd.s32 s3, s2  }
0x8d: {  	s2 =	sadd.s32 s2, s16  }
0x8e: {  	[smem:$0x3FBF] =	sst s2  }
0x8f: {  	_ = 	snop  }
0x90: {  	(tm) =	ssettm $0x1  }
0x91: {  	s17 =	sld [smem:$0x3FFB];
	_ =	sdelay $0x3  }
0x92: {  	_ =	strace s17  }
0x93: {  	s2 =	sld [smem:$0x3FFC];
	_ =	sdelay $0x3  }
0x94: {  	_ =	strace s2  }
0x95: {  	s2 =	sld [smem:$0x3FFD];
	_ =	sdelay $0x3  }
0x96: {  	_ =	strace s2  }
0x97: {  	_ =	strace $0x8FFFFFFF  }
0x98: {  	s18 =	sld [smem:$0x3FDB];
	_ =	sdelay $0x1  }
0x99: {  	s19 =	simm.s32 $_scs_section_size  }
0x9a: {  	s4 =	simm.s32 $_size__tile_overlayer_lowered;
	s5 =	simm.s32 $_tile_overlayer_lowered  }
0x9b: {  	s22 =	simm.s32 $0x1BFF;
	s21 =	sshll.u32 s5, $0x1;
	s2 =	sadd.s32 s19, s18  }
0x9c: {  	s6 =	simm.s32 $0x0;
	s20 =	sshll.u32 s4, $0x1;
	s4 =	sadd.s32 s21, s2  }
0x9d: {  	[timem:s6], [sflag:s22] =	dma.local [hbm:s4], s20  }
0x9e: {  	_ =	swait.ge [sflag:s22], s20  }
0x9f: {  	s3 =	ssub.s32 $0x0, s20;
	[sflag:s22] =	ssyncset.done $0x0  }
0xa0: {  	[sflag:s22] =	ssyncadd.s32 s3;
	_ =	sdelay $0x1  }
0xa1: {  	s23 =	simm.s32 $0x1B8B  }
0xa2: {  	_ =	swait.ge [sflag:s23], $0x1  }
0xa3: {  	[sflag:s23] =	ssyncset.done $0x0  }
0xa4: {  	s25 =	simm.s32 $0x1B8E;
	s24 =	sld [smem:$0x3FFE];
	[sflag:s23] =	ssyncadd.s32 $0xFFFFFFFF  }
0xa5: {  	s26 =	simm.s32 $execute0_lowered;
	[smem:$0x3FD2] =	sst s25  }
0xa6: {  	s4 =	sshll.u32 s26, $0x1;
	_ =	strace $0x8000004C;
	[dreg:$0x1] =	wrdreg $0xFFFFFFFF  }
0xa7: {  	s28 =	simm.s32 $_size_execute0_lowered;
	s2 =	sadd.s32 s2, s4;
	[dreg:$0x0] =	wrdreg $0x0  }
0xa8: {  	s4 =	sshll.u32 s28, $0x1;
	[dreg:$0x2] =	wrdreg s2  }
0xa9: {  	[dreg:$0x3] =	wrdreg s4  }
0xaa: {  	[dreg:$0x4] =	wrdreg $0xC0  }
0xab: {  	_ =	task [dreg:s6], $0x5FFFF  }
0xac: {  	[dreg:$0x1] =	wrdreg $0xFFFFFFFF  }
0xad: {  	[dreg:$0x0] =	wrdreg $0x60  }
0xae: {  	[dreg:$0x2] =	wrdreg s24  }
0xaf: {  	[dreg:$0x3] =	wrdreg $0x9  }
0xb0: {  	_ =	task.clear_ibuf [dreg:s6], $0x4FFFF;
	_ =	strace $0x9000004C  }
0xb1: {  	s29 =	simm.s32 $0x9;
	_ =	strace $0x8000004E  }
0xb2: {  	_ =	swait.ge [sflag:s29], $0x1  }
0xb3: {  	[sflag:s29] =	ssyncadd.s32 $0xFFFFFFFF  }
0xb4: {  	_ =	strace $0x9000004E  }
0xb5: {  	_ =	sfence  }
0xb6: {  	s30 =	sld [smem:$0x0];
	_ =	sdelay $0x2  }
0xb7: {  	s31 =	sshll.u32 s1, $0xD;
	s1 =	sshrl.u32 s1, $0x2  }
0xb8: {  	s3 =	sand.u32 $0x4000, s31;
	s1 =	sadd.s32 s1, s30  }
0xb9: {  	s0 =	sor.u32 s3, s0;
	s1 =	sshll.u32 s1, $0x11  }
0xba: {  	s0 =	sor.u32 s1, s0  }
0xbb: {  	s0 =	sadd.s32 $0x8F2B, s0  }
0xbc: {  	[sflag:s0] =	ssyncadd.remote.s32 $0x1  }
0xbd: {  	_ =	sfence.sel $0xFFFF  }
0xbe: {  	[dreg:$0x0] =	wrdreg $0xFFFFFFFF;
	(pc) =	sbr.abs _section_cstart, $3  }
0xbf: {  	[dreg:$0x1] =	wrdreg $0xFFFFFFFF  }
0xc0: {  	_ =	task.clear_ibuf [dreg:s6], $0x2FFFF;
	_ =	strace $0x9FFFFFFF  }
0xc1: {  	(tm) =	ssettm $0x7FFFFFFF  }
tec
execute0_lowered:
.L_overlay_start_1:
0x0: {  	(tag) =	ssettag $0x1  }
0x1: {  	s0 =	rddreg [dreg:$0x0];
	s1 =	simm.s32 $0x0;
	s3 =	srdreg.scid  }
0x2: {  	s7 =	stileid.u32;
	s28 =	simm.s32 $0x8E40;
	s30 =	simm.s32 $0x4800  }
0x3: {  	[smem:$0x7FF] =	sst s1;
	s2 =	sadd.s32 $0x5800, s0;
	s4 =	sadd.s32 $0xFC00, s0  }
0x4: {  	s5 =	sadd.s32 $0x16000, s0;
	s6 =	sand.u32 $0x1, s3;
	s7 =	sshll.u32 s7, $0x1  }
0x5: {  	s3 =	sadd.s32 $0x1C400, s0;
	s0 =	sadd.s32 $0x20C400, s0;
	s8 =	ssub.s32 $0x2, s6  }
0x6: {  	_ =	strace $0x8000004D;
	s6 =	sor.u32 s6, s7;
	s12 =	sshrl.u32 s8, $0x1  }
0x7: {  	s9 =	sshll.u32 s6, $0x7;
	s10 =	sshll.u32 s6, $0x9;
	s11 =	smul.u32 $0x320, s6  }
0x8: {  	s6 =	sshll.u32 s6, $0xD;
	s14 =	sor.u32 $0x20, s9;
	s7 =	ssub.s32 s8, s12  }
0x9: {  	s13 =	sadd.s32 s2, s10;
	s19 =	sor.u32 $0x40, s9;
	s6 =	sadd.s32 s0, s6  }
0xa: {  	s22 =	sor.u32 $0x60, s9;
	[dreg:$0x2] =	wrdreg s13;
	s15 =	smul.u32 $0x32, s14  }
0xb: {  	s16 =	sadd.s32 s4, s11;
	s17 =	sadd.s32 s5, s11;
	s18 =	sshll.u32 s14, $0x2  }
0xc: {  	s21 =	smul.u32 $0x32, s19;
	[dreg:$0x8] =	wrdreg s6;
	s23 =	sshll.u32 s19, $0x2  }
0xd: {  	s25 =	sshll.u32 s14, $0x6;
	s26 =	sshll.u32 s22, $0x2;
	s29 =	sshll.u32 s19, $0x6  }
0xe: {  	s31 =	sshll.u32 s22, $0x6;
	s6 =	simm.s32 $0x2;
	[dreg:$0x3] =	wrdreg s16  }
0xf: {  	[dreg:$0x4] =	wrdreg s17;
	s10 =	sadd.s32 s2, s18;
	s14 =	sadd.s32 s0, s25  }
0x10: {  	s18 =	sadd.s32 s0, s29;
	s19 =	sadd.s32 s0, s31;
	s25 =	simm.s32 $0x640  }
0x11: {  	s0 =	simm.s32 $0x1;
	[dreg:$0x5] =	wrdreg s10;
	s8 =	sshrl.u32 s15, $0x3  }
0x12: {  	s24 =	sshrl.u32 s21, $0x3;
	s15 =	smul.u32 $0x32, s22;
	s21 =	simm.s32 $0x7  }
0x13: {  	s22 =	simm.s32 $0x8800;
	s20 =	sadd.s32 s4, s8;
	s8 =	sadd.s32 s5, s8  }
0x14: {  	s12 =	sadd.s32 s4, s24;
	s13 =	sadd.s32 s5, s24;
	[dreg:$0x6] =	wrdreg s20  }
0x15: {  	s24 =	simm.s32 $0x800;
	[dreg:$0x7] =	wrdreg s8;
	s8 =	sadd.s32 s2, s23  }
0x16: {  	s17 =	sshrl.u32 s15, $0x3;
	s15 =	sadd.s32 s2, s26;
	s20 =	smax.u32 s7, $0x1  }
0x17: {  	s23 =	simm.s32 $0x400;
	s2 =	simm.s32 $0x3;
	s7 =	simm.s32 $0x4  }
0x18: {  	s26 =	simm.s32 $0x0;
	[dreg:$0x9] =	wrdreg s8;
	s16 =	sadd.s32 s4, s17  }
0x19: {  	s17 =	sadd.s32 s5, s17;
	s4 =	simm.s32 $0x5;
	s8 =	simm.s32 $0x6  }
.LBB2_1:
0x1a: {  	s5 =	rddreg [dreg:$0x2]  }
0x1b: {  	[tilespmem:s1], [sflag:$0x7] =	stream.linear.gather [hbm4b:s5+s1], $0x400, $0x38;
	[tilespmem:$0x16920] =	vst v63  }
0x1c: {  	_ =	swait.ge [sflag:s21], $0x400  }
0x1d: {  	[sflag:s21] =	ssyncset.done $0x0  }
0x1e: {  	s10 =	rddreg [dreg:$0x3];
	[sflag:s21] =	ssyncadd.s32 $0xFFFFFC00  }
0x1f: {  	[tilespmem:s22], [sflag:$0x7] =	stream.linear.gather [hbm4b:s10+s1], $0x640, $0x38;
	[tilespmem:$0x16920] =	vst v63  }
0x20: {  	_ =	swait.ge [sflag:s21], $0x640  }
0x21: {  	[sflag:s21] =	ssyncset.done $0x0  }
0x22: {  	s9 =	simm.s32 $0x15C80;
	s11 =	rddreg [dreg:$0x4];
	[sflag:s21] =	ssyncadd.s32 $0xFFFFF9C0  }
0x23: {  	[tilespmem:s9], [sflag:$0x7] =	stream.linear.gather [hbm4b:s11+s1], $0x640, $0x38;
	[tilespmem:$0x16920] =	vst v63  }
0x24: {  	_ =	swait.ge [sflag:s21], $0x640  }
0x25: {  	[sflag:s21] =	ssyncset.done $0x0  }
0x26: {  	[sflag:s21] =	ssyncadd.s32 $0xFFFFF9C0  }
0x27: {  	[tilespmem:s24], [sflag:$0x1] =	stream.indirect.gather [hbm4b:s3+s23], $0x10, s1, s23, $0xb8;
	[tilespmem:$0x16920] =	vst v63  }
0x28: {  	s9 =	simm.s32 $0x9480  }
0x29: {  	[tilespmem:s9], [sflag:$0x3] =	stream.indirect.gather [hbm4b:s3+s25], $0x10, s22, s25, $0xb8;
	[tilespmem:$0x16920] =	vst v63  }
0x2a: {  	s10 =	rddreg [dreg:$0x5]  }
0x2b: {  	[tilespmem:s23], [sflag:$0x7] =	stream.linear.gather [hbm4b:s10+s1], $0x400, $0x38;
	[tilespmem:$0x16920] =	vst v63  }
0x2c: {  	_ =	swait.ge [sflag:s21], $0x400  }
0x2d: {  	[sflag:s21] =	ssyncset.done $0x0  }
0x2e: {  	s11 =	rddreg [dreg:$0x6];
	[sflag:s21] =	ssyncadd.s32 $0xFFFFFC00  }
0x2f: {  	[tilespmem:s28], [sflag:$0x7] =	stream.linear.gather [hbm4b:s11+s1], $0x640, $0x38;
	[tilespmem:$0x16920] =	vst v63  }
0x30: {  	_ =	swait.ge [sflag:s21], $0x640  }
0x31: {  	[sflag:s21] =	ssyncset.done $0x0  }
0x32: {  	s10 =	simm.s32 $0x162D0;
	s9 =	rddreg [dreg:$0x7];
	[sflag:s21] =	ssyncadd.s32 $0xFFFFF9C0  }
0x33: {  	[tilespmem:s10], [sflag:$0x7] =	stream.linear.gather [hbm4b:s9+s1], $0x640, $0x38;
	[tilespmem:$0x16920] =	vst v63  }
0x34: {  	_ =	swait.ge [sflag:s21], $0x640  }
0x35: {  	[sflag:s21] =	ssyncset.done $0x0  }
0x36: {  	[sflag:s21] =	ssyncadd.s32 $0xFFFFF9C0  }
0x37: {  	[tilespmem:s30], [sflag:$0x2] =	stream.indirect.gather [hbm4b:s3+s23], $0x10, s23, s23, $0xb8;
	[tilespmem:$0x16920] =	vst v63  }
0x38: {  	s11 =	simm.s32 $0xF880  }
0x39: {  	[tilespmem:s11], [sflag:$0x4] =	stream.indirect.gather [hbm4b:s3+s25], $0x10, s28, s25, $0xb8;
	[tilespmem:$0x16920] =	vst v63  }
0x3a: {  	_ =	swait.ge [sflag:s0], $0x4000  }
0x3b: {  	[sflag:s0] =	ssyncset.done $0x0  }
0x3c: {  	[sflag:s0] =	ssyncadd.s32 $0xFFFFC000  }
0x3d: {  	_ =	swait.ge [sflag:s2], $0x6400  }
0x3e: {  	s29 =	simm.s32 $0x30;
	s31 =	simm.s32 $0x15C80;
	[sflag:s2] =	ssyncset.done $0x0  }
0x3f: {  	s9 =	simm.s32 $0x9A0;
	s10 =	simm.s32 $0x9610;
	[sflag:s2] =	ssyncadd.s32 $0xFFFF9C00  }
.LBB2_2:
0x40: {  	v1 =	vld [tilespmem:s31+$0x0]  }
0x41: {  	v0 =	vld [tilespmem:s10+$0xFFFFFE70]  }
0x42: {  	v2 =	vld [tilespmem:s10+$0xFFFFFE80]  }
0x43: {  	v5 =	vld [tilespmem:s10+$0xFFFFFE90]  }
0x44: {  	v7 =	vld [tilespmem:s10+$0xFFFFFEA0]  }
0x45: {  	v9 =	vld [tilespmem:s10+$0xFFFFFEB0]  }
0x46: {  	v18 =	vld [tilespmem:s10+$0xFFFFFEC0];
	v3 =	vbroadcast v1, $0x0  }
0x47: {  	v22 =	vld [tilespmem:s10+$0xFFFFFED0];
	v4 =	vshll.u32 v0, $0x10;
	v0 =	vand.u32 $0xFFFF0000, v0;
	v6 =	vbroadcast v1, $0x1  }
0x48: {  	v27 =	vld [tilespmem:s10+$0xFFFFFEE0];
	v12 =	vshll.u32 v2, $0x10;
	v2 =	vand.u32 $0xFFFF0000, v2;
	v8 =	vbroadcast v1, $0x2  }
0x49: {  	v31 =	vld [tilespmem:s10+$0xFFFFFEF0];
	v13 =	vshll.u32 v5, $0x10;
	v15 =	vand.u32 $0xFFFF0000, v5;
	v16 =	vbroadcast v1, $0x3  }
0x4a: {  	v36 =	vld [tilespmem:s10+$0xFFFFFF00];
	v17 =	vshll.u32 v7, $0x10;
	v7 =	vand.u32 $0xFFFF0000, v7;
	v19 =	vbroadcast v1, $0x4  }
0x4b: {  	v40 =	vld [tilespmem:s10+$0xFFFFFF10];
	v21 =	vshll.u32 v9, $0x10;
	v24 =	vand.u32 $0xFFFF0000, v9;
	v25 =	vbroadcast v1, $0x5  }
0x4c: {  	v45 =	vld [tilespmem:s10+$0xFFFFFF20];
	v26 =	vshll.u32 v18, $0x10;
	v28 =	vbroadcast v1, $0x6;
	v30 =	vshll.u32 v22, $0x10  }
0x4d: {  	v49 =	vld [tilespmem:s10+$0xFFFFFF30];
	v33 =	vand.u32 $0xFFFF0000, v22;
	v34 =	vbroadcast v1, $0x7;
	v35 =	vshll.u32 v27, $0x10  }
0x4e: {  	v37 =	vbroadcast v1, $0x8;
	v39 =	vshll.u32 v31, $0x10;
	v42 =	vand.u32 $0xFFFF0000, v31  }
0x4f: {  	v54 =	vld [tilespmem:s10+$0xFFFFFF40];
	v43 =	vbroadcast v1, $0x9;
	v44 =	vshll.u32 v36, $0x10;
	v46 =	vbroadcast v1, $0xA  }
0x50: {  	v48 =	vshll.u32 v40, $0x10;
	v51 =	vand.u32 $0xFFFF0000, v40;
	v52 =	vbroadcast v1, $0xB  }
0x51: {  	v53 =	vshll.u32 v45, $0x10;
	v55 =	vbroadcast v1, $0xC;
	v0 =	vmul.f32 v0, v3  }
0x52: {  	v57 =	vshll.u32 v49, $0x10;
	v60 =	vand.u32 $0xFFFF0000, v49;
	v61 =	vbroadcast v1, $0xD  }
0x53: {  	v10 =	vbroadcast v1, $0xE;
	v2 =	vmul.f32 v2, v6;
	v0 =	vadd.f32 $0.0e+00, v0  }
0x54: {  	v63 =	vshll.u32 v54, $0x10;
	v1 =	vbroadcast v1, $0xF;
	v4 =	vmul.f32 v4, v3  }
0x55: {  	v3 =	vmul.f32 v12, v6;
	v0 =	vadd.f32 v2, v0;
	v2 =	vmul.f32 v15, v8  }
0x56: {  	v14 =	vmul.f32 v13, v8;
	v20 =	vmul.f32 v7, v16;
	v4 =	vadd.f32 $0.0e+00, v4  }
0x57: {  	v23 =	vmul.f32 v21, v19;
	v6 =	vand.u32 $0xFFFF0000, v18;
	v0 =	vadd.f32 v2, v0  }
0x58: {  	v32 =	vmul.f32 v30, v28;
	v41 =	vmul.f32 v39, v37;
	v3 =	vadd.f32 v3, v4  }
0x59: {  	v7 =	vand.u32 $0xFFFF0000, v36;
	v2 =	vmul.f32 v24, v19;
	v0 =	vadd.f32 v20, v0  }
0x5a: {  	v50 =	vmul.f32 v48, v46;
	v4 =	vmul.f32 v17, v16;
	v3 =	vadd.f32 v14, v3  }
0x5b: {  	v58 =	vld [tilespmem:s10+$0xFFFFFF50];
	v59 =	vmul.f32 v57, v55;
	v29 =	vmul.f32 v6, v25;
	v0 =	vadd.f32 v2, v0  }
0x5c: {  	v62 =	vmul.f32 v60, v55;
	v13 =	vmul.f32 v63, v61;
	v3 =	vadd.f32 v4, v3  }
0x5d: {  	v22 =	vld [tilespmem:s10+$0xFFFFFF90];
	v47 =	vmul.f32 v7, v43;
	v2 =	vmul.f32 v33, v28;
	v0 =	vadd.f32 v29, v0  }
0x5e: {  	v12 =	vld [tilespmem:s10+$0xFFFFFF60];
	v8 =	vand.u32 $0xFFFF0000, v27;
	v4 =	vmul.f32 v26, v25;
	v3 =	vadd.f32 v23, v3  }
0x5f: {  	v30 =	vld [tilespmem:s10+$0xFFFFFFB0];
	v6 =	vand.u32 $0xFFFF0000, v45;
	v38 =	vmul.f32 v8, v34;
	v0 =	vadd.f32 v2, v0  }
0x60: {  	v56 =	vmul.f32 v6, v52;
	v15 =	vshll.u32 v58, $0x10;
	v16 =	vld [tilespmem:s10+$0xFFFFFF70];
	v3 =	vadd.f32 v4, v3  }
0x61: {  	v57 =	vld [tilespmem:s10+$0x10];
	v17 =	vand.u32 $0xFFFF0000, v58;
	v2 =	vmul.f32 v42, v37;
	v0 =	vadd.f32 v38, v0  }
0x62: {  	v8 =	vand.u32 $0xFFFF0000, v54;
	v19 =	vld [tilespmem:s10+$0xFFFFFF80];
	v4 =	vmul.f32 v35, v34;
	v3 =	vadd.f32 v32, v3  }
0x63: {  	v39 =	vld [tilespmem:s10+$0xFFFFFFD0];
	v5 =	vmul.f32 v15, v10;
	v18 =	vshll.u32 v12, $0x10;
	v0 =	vadd.f32 v2, v0  }
0x64: {  	v7 =	vand.u32 $0xFFFF0000, v12;
	v14 =	vmul.f32 v8, v61;
	v26 =	vld [tilespmem:s10+$0xFFFFFFA0];
	v3 =	vadd.f32 v4, v3  }
0x65: {  	v48 =	vld [tilespmem:s10+$0xFFFFFFF0];
	v21 =	vshll.u32 v16, $0x10;
	v2 =	vmul.f32 v51, v46;
	v0 =	vadd.f32 v47, v0  }
0x66: {  	s5 =	sadd.s32 $0xFFFFFFD0, s29;
	s11 =	sadd.s32 $0xFFFFFFE0, s29;
	v23 =	vand.u32 $0xFFFF0000, v16;
	v35 =	vld [tilespmem:s10+$0xFFFFFFC0];
	v4 =	vmul.f32 v44, v43;
	v3 =	vadd.f32 v41, v3  }
0x67: {  	s11 =	sand.u32 $0xFF8, s11;
	s5 =	sand.u32 $0x6, s5;
	v16 =	vand.u32 $0xFFFF0000, v57;
	v25 =	vshll.u32 v19, $0x10;
	v44 =	vld [tilespmem:s10+$0xFFFFFFE0];
	v0 =	vadd.f32 v2, v0  }
0x68: {  	s11 =	sor.u32 s5, s11;
	v6 =	vand.u32 $0xFFFF0000, v19;
	v3 =	vadd.f32 v4, v3;
	v4 =	vmul.f32 v53, v52;
	v53 =	vld [tilespmem:s10+$0x0]  }
0x69: {  	v29 =	vshll.u32 v22, $0x10;
	v34 =	vshll.u32 v26, $0x10;
	v2 =	vadd.f32 v56, v0;
	v0 =	vld [tilespmem:s11+$0x15C80]  }
0x6a: {  	v8 =	vand.u32 $0xFFFF0000, v26;
	v32 =	vand.u32 $0xFFFF0000, v22;
	v3 =	vadd.f32 v50, v3  }
0x6b: {  	v38 =	vshll.u32 v30, $0x10;
	v43 =	vshll.u32 v35, $0x10;
	v41 =	vand.u32 $0xFFFF0000, v30  }
0x6c: {  	v47 =	vshll.u32 v39, $0x10;
	v52 =	vshll.u32 v44, $0x10;
	v3 =	vadd.f32 v4, v3  }
0x6d: {  	v50 =	vand.u32 $0xFFFF0000, v39;
	v4 =	vmul.f32 v17, v10;
	v56 =	vshll.u32 v48, $0x10  }
0x6e: {  	v61 =	vshll.u32 v53, $0x10;
	v3 =	vadd.f32 v59, v3;
	v20 =	vbroadcast v0, $0x0  }
0x6f: {  	v2 =	vadd.f32 v62, v2;
	v24 =	vbroadcast v0, $0x1;
	v27 =	vbroadcast v0, $0x2  }
0x70: {  	v59 =	vand.u32 $0xFFFF0000, v48;
	v33 =	vbroadcast v0, $0x3;
	v36 =	vbroadcast v0, $0x4  }
0x71: {  	v3 =	vadd.f32 v13, v3;
	v42 =	vbroadcast v0, $0x5;
	v45 =	vbroadcast v0, $0x6  }
0x72: {  	v2 =	vadd.f32 v14, v2;
	v51 =	vbroadcast v0, $0x7;
	v54 =	vbroadcast v0, $0x8  }
0x73: {  	v60 =	vbroadcast v0, $0x9;
	v63 =	vbroadcast v0, $0xA;
	v3 =	vadd.f32 v5, v3  }
0x74: {  	v5 =	vmul.f32 v18, v1;
	v2 =	vadd.f32 v4, v2;
	v1 =	vmul.f32 v7, v1  }
0x75: {  	v13 =	vshll.u32 v57, $0x10;
	v17 =	vbroadcast v0, $0xB;
	v26 =	vbroadcast v0, $0xD  }
0x76: {  	v7 =	vand.u32 $0xFFFF0000, v35;
	v1 =	vadd.f32 v1, v2;
	v2 =	vmul.f32 v23, v20  }
0x77: {  	v4 =	vmul.f32 v21, v20;
	v28 =	vmul.f32 v6, v24;
	v3 =	vadd.f32 v5, v3  }
0x78: {  	v31 =	vmul.f32 v29, v27;
	v37 =	vmul.f32 v8, v33;
	v1 =	vadd.f32 v2, v1  }
0x79: {  	v62 =	vld [tilespmem:s10+$0x20];
	v40 =	vmul.f32 v38, v36;
	v3 =	vadd.f32 v4, v3;
	v4 =	vmul.f32 v25, v24  }
0x7a: {  	v48 =	vld [tilespmem:s10+$0xB0];
	v46 =	vmul.f32 v7, v42;
	v2 =	vmul.f32 v32, v27;
	v1 =	vadd.f32 v28, v1  }
0x7b: {  	v49 =	vmul.f32 v47, v45;
	v6 =	vand.u32 $0xFFFF0000, v44;
	v3 =	vadd.f32 v4, v3  }
0x7c: {  	v58 =	vmul.f32 v56, v54;
	v8 =	vand.u32 $0xFFFF0000, v53;
	v1 =	vadd.f32 v2, v1  }
0x7d: {  	v19 =	vld [tilespmem:s10+$0x40];
	v15 =	vmul.f32 v13, v63;
	v4 =	vmul.f32 v34, v33;
	v3 =	vadd.f32 v31, v3  }
0x7e: {  	v14 =	vld [tilespmem:s10+$0x30];
	v18 =	vshll.u32 v62, $0x10;
	v2 =	vmul.f32 v41, v36;
	v1 =	vadd.f32 v37, v1  }
0x7f: {  	v57 =	vld [tilespmem:s10+$0xD0];
	v7 =	vand.u32 $0xFFFF0000, v62;
	v56 =	vshll.u32 v48, $0x10;
	v3 =	vadd.f32 v4, v3  }
0x80: {  	v55 =	vmul.f32 v6, v51;
	v12 =	vmul.f32 v8, v60;
	v1 =	vadd.f32 v2, v1  }
0x81: {  	v20 =	vbroadcast v0, $0xC;
	v4 =	vmul.f32 v43, v42;
	v3 =	vadd.f32 v40, v3  }
0x82: {  	v29 =	vld [tilespmem:s10+$0x60];
	v21 =	vmul.f32 v7, v17;
	v2 =	vmul.f32 v50, v45;
	v1 =	vadd.f32 v46, v1  }
0x83: {  	v44 =	vld [tilespmem:s10+$0xA0];
	v6 =	vand.u32 $0xFFFF0000, v19;
	v22 =	vshll.u32 v14, $0x10;
	v3 =	vadd.f32 v4, v3  }
0x84: {  	v23 =	vld [tilespmem:s10+$0x50];
	v13 =	vshll.u32 v57, $0x10;
	v24 =	vmul.f32 v22, v20;
	v1 =	vadd.f32 v2, v1  }
0x85: {  	v25 =	vand.u32 $0xFFFF0000, v14;
	v4 =	vmul.f32 v52, v51;
	v3 =	vadd.f32 v49, v3  }
0x86: {  	v32 =	vmul.f32 v6, v26;
	v2 =	vmul.f32 v59, v54;
	v1 =	vadd.f32 v55, v1  }
0x87: {  	v27 =	vmul.f32 v25, v20;
	v28 =	vshll.u32 v19, $0x10;
	v3 =	vadd.f32 v4, v3  }
0x88: {  	v14 =	vld [tilespmem:s10+$0xF0];
	v8 =	vand.u32 $0xFFFF0000, v29;
	v6 =	vand.u32 $0xFFFF0000, v44;
	v1 =	vadd.f32 v2, v1  }
0x89: {  	v34 =	vld [tilespmem:s10+$0x70];
	v33 =	vshll.u32 v23, $0x10;
	v4 =	vmul.f32 v61, v60;
	v3 =	vadd.f32 v58, v3  }
0x8a: {  	v35 =	vand.u32 $0xFFFF0000, v23;
	v23 =	vld [tilespmem:s10+$0x110];
	v2 =	vmul.f32 v16, v63;
	v1 =	vadd.f32 v12, v1  }
0x8b: {  	s11 =	sadd.s32 $0xFFFFFFF0, s29;
	v30 =	vmul.f32 v28, v26;
	v31 =	vbroadcast v0, $0xE;
	v37 =	vld [tilespmem:s10+$0x80];
	v3 =	vadd.f32 v4, v3  }
0x8c: {  	s11 =	sand.u32 $0xFF8, s11;
	v0 =	vbroadcast v0, $0xF;
	v36 =	vshll.u32 v29, $0x10;
	v1 =	vadd.f32 v2, v1  }
0x8d: {  	s11 =	sor.u32 s5, s11;
	v22 =	vshll.u32 v14, $0x10;
	v40 =	vld [tilespmem:s10+$0x90];
	v4 =	vmul.f32 v18, v17;
	v3 =	vadd.f32 v15, v3  }
0x8e: {  	v25 =	vand.u32 $0xFFFF0000, v14;
	v5 =	vmul.f32 v33, v31;
	v2 =	vadd.f32 v21, v1;
	v1 =	vld [tilespmem:s11+$0x15C80]  }
0x8f: {  	v39 =	vshll.u32 v34, $0x10;
	v41 =	vand.u32 $0xFFFF0000, v34;
	v3 =	vadd.f32 v4, v3  }
0x90: {  	v34 =	vand.u32 $0xFFFF0000, v23;
	v52 =	vshll.u32 v44, $0x10;
	v43 =	vshll.u32 v37, $0x10  }
0x91: {  	v7 =	vand.u32 $0xFFFF0000, v37;
	v59 =	vand.u32 $0xFFFF0000, v48;
	v3 =	vadd.f32 v24, v3  }
0x92: {  	v47 =	vshll.u32 v40, $0x10;
	v4 =	vmul.f32 v35, v31;
	v2 =	vadd.f32 v27, v2  }
0x93: {  	v3 =	vadd.f32 v30, v3;
	v38 =	vbroadcast v1, $0x0;
	v42 =	vbroadcast v1, $0x1  }
0x94: {  	v53 =	vld [tilespmem:s10+$0xC0];
	v2 =	vadd.f32 v32, v2;
	v45 =	vbroadcast v1, $0x2;
	v51 =	vbroadcast v1, $0x3  }
0x95: {  	v54 =	vbroadcast v1, $0x4;
	v60 =	vbroadcast v1, $0x5;
	v3 =	vadd.f32 v5, v3  }
0x96: {  	v5 =	vmul.f32 v36, v0;
	v2 =	vadd.f32 v4, v2;
	v0 =	vmul.f32 v8, v0  }
0x97: {  	v50 =	vand.u32 $0xFFFF0000, v40;
	v63 =	vbroadcast v1, $0x6;
	v4 =	vmul.f32 v39, v38  }
0x98: {  	v62 =	vld [tilespmem:s10+$0xE0];
	v3 =	vadd.f32 v5, v3;
	v0 =	vadd.f32 v0, v2;
	v2 =	vmul.f32 v41, v38  }
0x99: {  	v61 =	vshll.u32 v53, $0x10;
	v17 =	vbroadcast v1, $0x7;
	v46 =	vmul.f32 v7, v42  }
0x9a: {  	v3 =	vadd.f32 v4, v3;
	v4 =	vmul.f32 v43, v42;
	v0 =	vadd.f32 v2, v0  }
0x9b: {  	v16 =	vand.u32 $0xFFFF0000, v57;
	v20 =	vbroadcast v1, $0x8;
	v49 =	vmul.f32 v47, v45  }
0x9c: {  	v2 =	vmul.f32 v50, v45;
	v3 =	vadd.f32 v4, v3;
	v0 =	vadd.f32 v46, v0  }
0x9d: {  	v18 =	vshll.u32 v62, $0x10;
	v26 =	vbroadcast v1, $0x9;
	v55 =	vmul.f32 v6, v51  }
0x9e: {  	v4 =	vmul.f32 v52, v51;
	v3 =	vadd.f32 v49, v3;
	v0 =	vadd.f32 v2, v0  }
0x9f: {  	v29 =	vbroadcast v1, $0xA;
	v8 =	vand.u32 $0xFFFF0000, v53;
	v58 =	vmul.f32 v56, v54  }
0xa0: {  	v19 =	vld [tilespmem:s10+$0x100];
	v2 =	vmul.f32 v59, v54;
	v3 =	vadd.f32 v4, v3;
	v0 =	vadd.f32 v55, v0  }
0xa1: {  	v31 =	vshll.u32 v23, $0x10;
	v35 =	vbroadcast v1, $0xB;
	v12 =	vmul.f32 v8, v60  }
0xa2: {  	s11 =	sand.u32 $0xFF8, s29;
	v4 =	vmul.f32 v61, v60;
	v3 =	vadd.f32 v58, v3;
	v0 =	vadd.f32 v2, v0  }
0xa3: {  	v28 =	vld [tilespmem:s10+$0x120];
	s5 =	sor.u32 s5, s11;
	v44 =	vbroadcast v1, $0xD;
	v15 =	vmul.f32 v13, v63;
	v7 =	vand.u32 $0xFFFF0000, v62  }
0xa4: {  	v48 =	vld [tilespmem:s5+$0x15C80];
	v2 =	vmul.f32 v16, v63;
	v3 =	vadd.f32 v4, v3;
	v0 =	vadd.f32 v12, v0  }
0xa5: {  	v27 =	vshll.u32 v19, $0x10;
	v24 =	vmul.f32 v22, v20;
	v21 =	vmul.f32 v7, v17  }
0xa6: {  	v4 =	vmul.f32 v18, v17;
	v3 =	vadd.f32 v15, v3;
	v0 =	vadd.f32 v2, v0  }
0xa7: {  	v37 =	vld [tilespmem:s10+$0x140];
	v6 =	vand.u32 $0xFFFF0000, v19;
	v33 =	vmul.f32 v31, v29;
	v47 =	vbroadcast v1, $0xE  }
0xa8: {  	v32 =	vld [tilespmem:s10+$0x130];
	v2 =	vmul.f32 v25, v20;
	v3 =	vadd.f32 v4, v3;
	v0 =	vadd.f32 v21, v0  }
0xa9: {  	v8 =	vand.u32 $0xFFFF0000, v28;
	v56 =	vbroadcast v48, $0x0;
	v30 =	vmul.f32 v6, v26  }
0xaa: {  	v4 =	vmul.f32 v27, v26;
	v3 =	vadd.f32 v24, v3;
	v0 =	vadd.f32 v2, v0  }
0xab: {  	v36 =	vshll.u32 v28, $0x10;
	v38 =	vbroadcast v1, $0xC;
	v39 =	vmul.f32 v8, v35  }
0xac: {  	v41 =	vld [tilespmem:s10+$0x150];
	v2 =	vmul.f32 v34, v29;
	v3 =	vadd.f32 v4, v3;
	v0 =	vadd.f32 v30, v0  }
0xad: {  	v7 =	vand.u32 $0xFFFF0000, v37;
	v1 =	vbroadcast v1, $0xF;
	v40 =	vshll.u32 v32, $0x10  }
0xae: {  	v46 =	vld [tilespmem:s10+$0x160];
	v4 =	vmul.f32 v36, v35;
	v3 =	vadd.f32 v33, v3;
	v0 =	vadd.f32 v2, v0  }
0xaf: {  	v42 =	vmul.f32 v40, v38;
	v43 =	vand.u32 $0xFFFF0000, v32;
	v45 =	vshll.u32 v37, $0x10  }
0xb0: {  	v51 =	vld [tilespmem:s10+$0x170];
	v2 =	vmul.f32 v43, v38;
	v3 =	vadd.f32 v4, v3;
	v0 =	vadd.f32 v39, v0  }
0xb1: {  	v50 =	vshll.u32 v41, $0x10;
	v53 =	vand.u32 $0xFFFF0000, v41;
	v49 =	vmul.f32 v7, v44  }
0xb2: {  	v55 =	vld [tilespmem:s10+$0x180];
	v4 =	vmul.f32 v45, v44;
	v3 =	vadd.f32 v42, v3;
	v0 =	vadd.f32 v2, v0  }
0xb3: {  	v52 =	vmul.f32 v50, v47;
	v60 =	vbroadcast v48, $0x1;
	v54 =	vshll.u32 v46, $0x10  }
0xb4: {  	v2 =	vmul.f32 v53, v47;
	v3 =	vadd.f32 v4, v3;
	v0 =	vadd.f32 v49, v0  }
0xb5: {  	v6 =	vand.u32 $0xFFFF0000, v46;
	v58 =	vand.u32 $0xFFFF0000, v51;
	v4 =	vmul.f32 v54, v1  }
0xb6: {  	v1 =	vmul.f32 v6, v1;
	v3 =	vadd.f32 v52, v3;
	v0 =	vadd.f32 v2, v0  }
0xb7: {  	v57 =	vshll.u32 v51, $0x10;
	v59 =	vmul.f32 v58, v56;
	v61 =	vshll.u32 v55, $0x10  }
0xb8: {  	v2 =	vmul.f32 v57, v56;
	v3 =	vadd.f32 v4, v3;
	v0 =	vadd.f32 v1, v0  }
0xb9: {  	v5 =	vand.u32 $0xFFFF0000, v55;
	v62 =	vmul.f32 v61, v60  }
0xba: {  	p0 =	sne.s32 s29, $0x63E;
	v63 =	vmul.f32 v5, v60;
	v2 =	vadd.f32 v2, v3;
	v0 =	vadd.f32 v59, v0  }
.Ltmp0:
0xbb: {  	_ = 	snop;
	(pc) =	sbr.rel @p0 .LBB2_2-.Ltmp0, $3  }
0xbc: {  	v1 =	vadd.f32 v62, v2;
	v0 =	vadd.f32 v63, v0;
	_ =	sdelay $0x1  }
0xbd: {  	s31 =	sadd.s32 $0x32, s31;
	v0 =	vpack.i.f32.bf16 v0, v1  }
0xbe: {  	s29 =	sadd.s32 $0x32, s29;
	s10 =	sadd.s32 $0x320, s10;
	[tilespmem:s9+$0x0] =	vst v0;
	s9 =	sadd.s32 $0x200, s9  }
0xbf: {  	s5 =	rddreg [dreg:$0x8]  }
0xc0: {  	[hbm4b:s5+s1] =	stream.linear.scatter [tilespmem:s24], [sflag:$0x5], $0x4000, $0x38;
	[tilespmem:$0x16920] =	vst v63  }
0xc1: {  	_ =	swait.ge [sflag:s4], $0x4000  }
0xc2: {  	[sflag:s4] =	ssyncset.done $0x0  }
0xc3: {  	s9 =	rddreg [dreg:$0x9];
	[sflag:s4] =	ssyncadd.s32 $0xFFFFC000  }
0xc4: {  	[tilespmem:s1], [sflag:$0x7] =	stream.linear.gather [hbm4b:s9+s1], $0x400, $0x38;
	[tilespmem:$0x16920] =	vst v63  }
0xc5: {  	_ =	swait.ge [sflag:s21], $0x400  }
0xc6: {  	[sflag:s21] =	ssyncset.done $0x0  }
0xc7: {  	[sflag:s21] =	ssyncadd.s32 $0xFFFFFC00  }
0xc8: {  	[tilespmem:s22], [sflag:$0x7] =	stream.linear.gather [hbm4b:s12+s1], $0x640, $0x38;
	[tilespmem:$0x16920] =	vst v63  }
0xc9: {  	_ =	swait.ge [sflag:s21], $0x640  }
0xca: {  	[sflag:s21] =	ssyncset.done $0x0  }
0xcb: {  	s10 =	simm.s32 $0x15C80;
	[sflag:s21] =	ssyncadd.s32 $0xFFFFF9C0  }
0xcc: {  	[tilespmem:s10], [sflag:$0x7] =	stream.linear.gather [hbm4b:s13+s1], $0x640, $0x38;
	[tilespmem:$0x16920] =	vst v63  }
0xcd: {  	_ =	swait.ge [sflag:s21], $0x640  }
0xce: {  	[sflag:s21] =	ssyncset.done $0x0  }
0xcf: {  	[sflag:s21] =	ssyncadd.s32 $0xFFFFF9C0  }
0xd0: {  	[tilespmem:s24], [sflag:$0x1] =	stream.indirect.gather [hbm4b:s3+s23], $0x10, s1, s23, $0xb8;
	[tilespmem:$0x16920] =	vst v63  }
0xd1: {  	s11 =	simm.s32 $0x9480  }
0xd2: {  	[tilespmem:s11], [sflag:$0x3] =	stream.indirect.gather [hbm4b:s3+s25], $0x10, s22, s25, $0xb8;
	[tilespmem:$0x16920] =	vst v63  }
0xd3: {  	_ =	swait.ge [sflag:s6], $0x4000  }
0xd4: {  	[sflag:s6] =	ssyncset.done $0x0  }
0xd5: {  	[sflag:s6] =	ssyncadd.s32 $0xFFFFC000  }
0xd6: {  	_ =	swait.ge [sflag:s7], $0x6400  }
0xd7: {  	s29 =	simm.s32 $0x30;
	s31 =	simm.s32 $0xFA10;
	[sflag:s7] =	ssyncset.done $0x0  }
0xd8: {  	s9 =	simm.s32 $0x49A0;
	s10 =	simm.s32 $0x162D0;
	[sflag:s7] =	ssyncadd.s32 $0xFFFF9C00  }
.LBB2_4:
0xd9: {  	v1 =	vld [tilespmem:s10+$0x0]  }
0xda: {  	v0 =	vld [tilespmem:s31+$0xFFFFFE70]  }
0xdb: {  	v2 =	vld [tilespmem:s31+$0xFFFFFE80]  }
0xdc: {  	v5 =	vld [tilespmem:s31+$0xFFFFFE90]  }
0xdd: {  	v7 =	vld [tilespmem:s31+$0xFFFFFEA0]  }
0xde: {  	v9 =	vld [tilespmem:s31+$0xFFFFFEB0]  }
0xdf: {  	v18 =	vld [tilespmem:s31+$0xFFFFFEC0];
	v3 =	vbroadcast v1, $0x0  }
0xe0: {  	v22 =	vld [tilespmem:s31+$0xFFFFFED0];
	v4 =	vshll.u32 v0, $0x10;
	v0 =	vand.u32 $0xFFFF0000, v0;
	v6 =	vbroadcast v1, $0x1  }
0xe1: {  	v27 =	vld [tilespmem:s31+$0xFFFFFEE0];
	v12 =	vshll.u32 v2, $0x10;
	v2 =	vand.u32 $0xFFFF0000, v2;
	v8 =	vbroadcast v1, $0x2  }
0xe2: {  	v31 =	vld [tilespmem:s31+$0xFFFFFEF0];
	v13 =	vshll.u32 v5, $0x10;
	v15 =	vand.u32 $0xFFFF0000, v5;
	v16 =	vbroadcast v1, $0x3  }
0xe3: {  	v36 =	vld [tilespmem:s31+$0xFFFFFF00];
	v17 =	vshll.u32 v7, $0x10;
	v7 =	vand.u32 $0xFFFF0000, v7;
	v19 =	vbroadcast v1, $0x4  }
0xe4: {  	v40 =	vld [tilespmem:s31+$0xFFFFFF10];
	v21 =	vshll.u32 v9, $0x10;
	v24 =	vand.u32 $0xFFFF0000, v9;
	v25 =	vbroadcast v1, $0x5  }
0xe5: {  	v45 =	vld [tilespmem:s31+$0xFFFFFF20];
	v26 =	vshll.u32 v18, $0x10;
	v28 =	vbroadcast v1, $0x6;
	v30 =	vshll.u32 v22, $0x10  }
0xe6: {  	v49 =	vld [tilespmem:s31+$0xFFFFFF30];
	v33 =	vand.u32 $0xFFFF0000, v22;
	v34 =	vbroadcast v1, $0x7;
	v35 =	vshll.u32 v27, $0x10  }
0xe7: {  	v37 =	vbroadcast v1, $0x8;
	v39 =	vshll.u32 v31, $0x10;
	v42 =	vand.u32 $0xFFFF0000, v31  }
0xe8: {  	v54 =	vld [tilespmem:s31+$0xFFFFFF40];
	v43 =	vbroadcast v1, $0x9;
	v44 =	vshll.u32 v36, $0x10;
	v46 =	vbroadcast v1, $0xA  }
0xe9: {  	v48 =	vshll.u32 v40, $0x10;
	v51 =	vand.u32 $0xFFFF0000, v40;
	v52 =	vbroadcast v1, $0xB  }
0xea: {  	v53 =	vshll.u32 v45, $0x10;
	v55 =	vbroadcast v1, $0xC;
	v0 =	vmul.f32 v0, v3  }
0xeb: {  	v57 =	vshll.u32 v49, $0x10;
	v60 =	vand.u32 $0xFFFF0000, v49;
	v61 =	vbroadcast v1, $0xD  }
0xec: {  	v10 =	vbroadcast v1, $0xE;
	v2 =	vmul.f32 v2, v6;
	v0 =	vadd.f32 $0.0e+00, v0  }
0xed: {  	v63 =	vshll.u32 v54, $0x10;
	v1 =	vbroadcast v1, $0xF;
	v4 =	vmul.f32 v4, v3  }
0xee: {  	v3 =	vmul.f32 v12, v6;
	v0 =	vadd.f32 v2, v0;
	v2 =	vmul.f32 v15, v8  }
0xef: {  	v14 =	vmul.f32 v13, v8;
	v20 =	vmul.f32 v7, v16;
	v4 =	vadd.f32 $0.0e+00, v4  }
0xf0: {  	v23 =	vmul.f32 v21, v19;
	v6 =	vand.u32 $0xFFFF0000, v18;
	v0 =	vadd.f32 v2, v0  }
0xf1: {  	v32 =	vmul.f32 v30, v28;
	v41 =	vmul.f32 v39, v37;
	v3 =	vadd.f32 v3, v4  }
0xf2: {  	v7 =	vand.u32 $0xFFFF0000, v36;
	v2 =	vmul.f32 v24, v19;
	v0 =	vadd.f32 v20, v0  }
0xf3: {  	v50 =	vmul.f32 v48, v46;
	v4 =	vmul.f32 v17, v16;
	v3 =	vadd.f32 v14, v3  }
0xf4: {  	v58 =	vld [tilespmem:s31+$0xFFFFFF50];
	v59 =	vmul.f32 v57, v55;
	v29 =	vmul.f32 v6, v25;
	v0 =	vadd.f32 v2, v0  }
0xf5: {  	v62 =	vmul.f32 v60, v55;
	v13 =	vmul.f32 v63, v61;
	v3 =	vadd.f32 v4, v3  }
0xf6: {  	v22 =	vld [tilespmem:s31+$0xFFFFFF90];
	v47 =	vmul.f32 v7, v43;
	v2 =	vmul.f32 v33, v28;
	v0 =	vadd.f32 v29, v0  }
0xf7: {  	v12 =	vld [tilespmem:s31+$0xFFFFFF60];
	v8 =	vand.u32 $0xFFFF0000, v27;
	v4 =	vmul.f32 v26, v25;
	v3 =	vadd.f32 v23, v3  }
0xf8: {  	v30 =	vld [tilespmem:s31+$0xFFFFFFB0];
	v6 =	vand.u32 $0xFFFF0000, v45;
	v38 =	vmul.f32 v8, v34;
	v0 =	vadd.f32 v2, v0  }
0xf9: {  	v56 =	vmul.f32 v6, v52;
	v15 =	vshll.u32 v58, $0x10;
	v16 =	vld [tilespmem:s31+$0xFFFFFF70];
	v3 =	vadd.f32 v4, v3  }
0xfa: {  	v57 =	vld [tilespmem:s31+$0x10];
	v17 =	vand.u32 $0xFFFF0000, v58;
	v2 =	vmul.f32 v42, v37;
	v0 =	vadd.f32 v38, v0  }
0xfb: {  	v8 =	vand.u32 $0xFFFF0000, v54;
	v19 =	vld [tilespmem:s31+$0xFFFFFF80];
	v4 =	vmul.f32 v35, v34;
	v3 =	vadd.f32 v32, v3  }
0xfc: {  	v39 =	vld [tilespmem:s31+$0xFFFFFFD0];
	v5 =	vmul.f32 v15, v10;
	v18 =	vshll.u32 v12, $0x10;
	v0 =	vadd.f32 v2, v0  }
0xfd: {  	v7 =	vand.u32 $0xFFFF0000, v12;
	v14 =	vmul.f32 v8, v61;
	v26 =	vld [tilespmem:s31+$0xFFFFFFA0];
	v3 =	vadd.f32 v4, v3  }
0xfe: {  	v48 =	vld [tilespmem:s31+$0xFFFFFFF0];
	v21 =	vshll.u32 v16, $0x10;
	v2 =	vmul.f32 v51, v46;
	v0 =	vadd.f32 v47, v0  }
0xff: {  	s5 =	sadd.s32 $0xFFFFFFD0, s29;
	s11 =	sadd.s32 $0xFFFFFFE0, s29;
	v23 =	vand.u32 $0xFFFF0000, v16;
	v35 =	vld [tilespmem:s31+$0xFFFFFFC0];
	v4 =	vmul.f32 v44, v43;
	v3 =	vadd.f32 v41, v3  }
0x100: {  	s11 =	sand.u32 $0xFF8, s11;
	s5 =	sand.u32 $0x6, s5;
	v16 =	vand.u32 $0xFFFF0000, v57;
	v25 =	vshll.u32 v19, $0x10;
	v44 =	vld [tilespmem:s31+$0xFFFFFFE0];
	v0 =	vadd.f32 v2, v0  }
0x101: {  	s11 =	sor.u32 s5, s11;
	v6 =	vand.u32 $0xFFFF0000, v19;
	v3 =	vadd.f32 v4, v3;
	v4 =	vmul.f32 v53, v52;
	v53 =	vld [tilespmem:s31+$0x0]  }
0x102: {  	v29 =	vshll.u32 v22, $0x10;
	v34 =	vshll.u32 v26, $0x10;
	v2 =	vadd.f32 v56, v0;
	v0 =	vld [tilespmem:s11+$0x162D0]  }
0x103: {  	v8 =	vand.u32 $0xFFFF0000, v26;
	v32 =	vand.u32 $0xFFFF0000, v22;
	v3 =	vadd.f32 v50, v3  }
0x104: {  	v38 =	vshll.u32 v30, $0x10;
	v43 =	vshll.u32 v35, $0x10;
	v41 =	vand.u32 $0xFFFF0000, v30  }
0x105: {  	v47 =	vshll.u32 v39, $0x10;
	v52 =	vshll.u32 v44, $0x10;
	v3 =	vadd.f32 v4, v3  }
0x106: {  	v50 =	vand.u32 $0xFFFF0000, v39;
	v4 =	vmul.f32 v17, v10;
	v56 =	vshll.u32 v48, $0x10  }
0x107: {  	v61 =	vshll.u32 v53, $0x10;
	v3 =	vadd.f32 v59, v3;
	v20 =	vbroadcast v0, $0x0  }
0x108: {  	v2 =	vadd.f32 v62, v2;
	v24 =	vbroadcast v0, $0x1;
	v27 =	vbroadcast v0, $0x2  }
0x109: {  	v59 =	vand.u32 $0xFFFF0000, v48;
	v33 =	vbroadcast v0, $0x3;
	v36 =	vbroadcast v0, $0x4  }
0x10a: {  	v3 =	vadd.f32 v13, v3;
	v42 =	vbroadcast v0, $0x5;
	v45 =	vbroadcast v0, $0x6  }
0x10b: {  	v2 =	vadd.f32 v14, v2;
	v51 =	vbroadcast v0, $0x7;
	v54 =	vbroadcast v0, $0x8  }
0x10c: {  	v60 =	vbroadcast v0, $0x9;
	v63 =	vbroadcast v0, $0xA;
	v3 =	vadd.f32 v5, v3  }
0x10d: {  	v5 =	vmul.f32 v18, v1;
	v2 =	vadd.f32 v4, v2;
	v1 =	vmul.f32 v7, v1  }
0x10e: {  	v13 =	vshll.u32 v57, $0x10;
	v17 =	vbroadcast v0, $0xB;
	v26 =	vbroadcast v0, $0xD  }
0x10f: {  	v7 =	vand.u32 $0xFFFF0000, v35;
	v1 =	vadd.f32 v1, v2;
	v2 =	vmul.f32 v23, v20  }
0x110: {  	v4 =	vmul.f32 v21, v20;
	v28 =	vmul.f32 v6, v24;
	v3 =	vadd.f32 v5, v3  }
0x111: {  	v31 =	vmul.f32 v29, v27;
	v37 =	vmul.f32 v8, v33;
	v1 =	vadd.f32 v2, v1  }
0x112: {  	v62 =	vld [tilespmem:s31+$0x20];
	v40 =	vmul.f32 v38, v36;
	v3 =	vadd.f32 v4, v3;
	v4 =	vmul.f32 v25, v24  }
0x113: {  	v48 =	vld [tilespmem:s31+$0xB0];
	v46 =	vmul.f32 v7, v42;
	v2 =	vmul.f32 v32, v27;
	v1 =	vadd.f32 v28, v1  }
0x114: {  	v49 =	vmul.f32 v47, v45;
	v6 =	vand.u32 $0xFFFF0000, v44;
	v3 =	vadd.f32 v4, v3  }
0x115: {  	v58 =	vmul.f32 v56, v54;
	v8 =	vand.u32 $0xFFFF0000, v53;
	v1 =	vadd.f32 v2, v1  }
0x116: {  	v19 =	vld [tilespmem:s31+$0x40];
	v15 =	vmul.f32 v13, v63;
	v4 =	vmul.f32 v34, v33;
	v3 =	vadd.f32 v31, v3  }
0x117: {  	v14 =	vld [tilespmem:s31+$0x30];
	v18 =	vshll.u32 v62, $0x10;
	v2 =	vmul.f32 v41, v36;
	v1 =	vadd.f32 v37, v1  }
0x118: {  	v57 =	vld [tilespmem:s31+$0xD0];
	v7 =	vand.u32 $0xFFFF0000, v62;
	v56 =	vshll.u32 v48, $0x10;
	v3 =	vadd.f32 v4, v3  }
0x119: {  	v55 =	vmul.f32 v6, v51;
	v12 =	vmul.f32 v8, v60;
	v1 =	vadd.f32 v2, v1  }
0x11a: {  	v20 =	vbroadcast v0, $0xC;
	v4 =	vmul.f32 v43, v42;
	v3 =	vadd.f32 v40, v3  }
0x11b: {  	v29 =	vld [tilespmem:s31+$0x60];
	v21 =	vmul.f32 v7, v17;
	v2 =	vmul.f32 v50, v45;
	v1 =	vadd.f32 v46, v1  }
0x11c: {  	v44 =	vld [tilespmem:s31+$0xA0];
	v6 =	vand.u32 $0xFFFF0000, v19;
	v22 =	vshll.u32 v14, $0x10;
	v3 =	vadd.f32 v4, v3  }
0x11d: {  	v23 =	vld [tilespmem:s31+$0x50];
	v13 =	vshll.u32 v57, $0x10;
	v24 =	vmul.f32 v22, v20;
	v1 =	vadd.f32 v2, v1  }
0x11e: {  	v25 =	vand.u32 $0xFFFF0000, v14;
	v4 =	vmul.f32 v52, v51;
	v3 =	vadd.f32 v49, v3  }
0x11f: {  	v32 =	vmul.f32 v6, v26;
	v2 =	vmul.f32 v59, v54;
	v1 =	vadd.f32 v55, v1  }
0x120: {  	v27 =	vmul.f32 v25, v20;
	v28 =	vshll.u32 v19, $0x10;
	v3 =	vadd.f32 v4, v3  }
0x121: {  	v14 =	vld [tilespmem:s31+$0xF0];
	v8 =	vand.u32 $0xFFFF0000, v29;
	v6 =	vand.u32 $0xFFFF0000, v44;
	v1 =	vadd.f32 v2, v1  }
0x122: {  	v34 =	vld [tilespmem:s31+$0x70];
	v33 =	vshll.u32 v23, $0x10;
	v4 =	vmul.f32 v61, v60;
	v3 =	vadd.f32 v58, v3  }
0x123: {  	v35 =	vand.u32 $0xFFFF0000, v23;
	v23 =	vld [tilespmem:s31+$0x110];
	v2 =	vmul.f32 v16, v63;
	v1 =	vadd.f32 v12, v1  }
0x124: {  	s11 =	sadd.s32 $0xFFFFFFF0, s29;
	v30 =	vmul.f32 v28, v26;
	v31 =	vbroadcast v0, $0xE;
	v37 =	vld [tilespmem:s31+$0x80];
	v3 =	vadd.f32 v4, v3  }
0x125: {  	s11 =	sand.u32 $0xFF8, s11;
	v0 =	vbroadcast v0, $0xF;
	v36 =	vshll.u32 v29, $0x10;
	v1 =	vadd.f32 v2, v1  }
0x126: {  	s11 =	sor.u32 s5, s11;
	v22 =	vshll.u32 v14, $0x10;
	v40 =	vld [tilespmem:s31+$0x90];
	v4 =	vmul.f32 v18, v17;
	v3 =	vadd.f32 v15, v3  }
0x127: {  	v25 =	vand.u32 $0xFFFF0000, v14;
	v5 =	vmul.f32 v33, v31;
	v2 =	vadd.f32 v21, v1;
	v1 =	vld [tilespmem:s11+$0x162D0]  }
0x128: {  	v39 =	vshll.u32 v34, $0x10;
	v41 =	vand.u32 $0xFFFF0000, v34;
	v3 =	vadd.f32 v4, v3  }
0x129: {  	v34 =	vand.u32 $0xFFFF0000, v23;
	v52 =	vshll.u32 v44, $0x10;
	v43 =	vshll.u32 v37, $0x10  }
0x12a: {  	v7 =	vand.u32 $0xFFFF0000, v37;
	v59 =	vand.u32 $0xFFFF0000, v48;
	v3 =	vadd.f32 v24, v3  }
0x12b: {  	v47 =	vshll.u32 v40, $0x10;
	v4 =	vmul.f32 v35, v31;
	v2 =	vadd.f32 v27, v2  }
0x12c: {  	v3 =	vadd.f32 v30, v3;
	v38 =	vbroadcast v1, $0x0;
	v42 =	vbroadcast v1, $0x1  }
0x12d: {  	v53 =	vld [tilespmem:s31+$0xC0];
	v2 =	vadd.f32 v32, v2;
	v45 =	vbroadcast v1, $0x2;
	v51 =	vbroadcast v1, $0x3  }
0x12e: {  	v54 =	vbroadcast v1, $0x4;
	v60 =	vbroadcast v1, $0x5;
	v3 =	vadd.f32 v5, v3  }
0x12f: {  	v5 =	vmul.f32 v36, v0;
	v2 =	vadd.f32 v4, v2;
	v0 =	vmul.f32 v8, v0  }
0x130: {  	v50 =	vand.u32 $0xFFFF0000, v40;
	v63 =	vbroadcast v1, $0x6;
	v4 =	vmul.f32 v39, v38  }
0x131: {  	v62 =	vld [tilespmem:s31+$0xE0];
	v3 =	vadd.f32 v5, v3;
	v0 =	vadd.f32 v0, v2;
	v2 =	vmul.f32 v41, v38  }
0x132: {  	v61 =	vshll.u32 v53, $0x10;
	v17 =	vbroadcast v1, $0x7;
	v46 =	vmul.f32 v7, v42  }
0x133: {  	v3 =	vadd.f32 v4, v3;
	v4 =	vmul.f32 v43, v42;
	v0 =	vadd.f32 v2, v0  }
0x134: {  	v16 =	vand.u32 $0xFFFF0000, v57;
	v20 =	vbroadcast v1, $0x8;
	v49 =	vmul.f32 v47, v45  }
0x135: {  	v2 =	vmul.f32 v50, v45;
	v3 =	vadd.f32 v4, v3;
	v0 =	vadd.f32 v46, v0  }
0x136: {  	v18 =	vshll.u32 v62, $0x10;
	v26 =	vbroadcast v1, $0x9;
	v55 =	vmul.f32 v6, v51  }
0x137: {  	v4 =	vmul.f32 v52, v51;
	v3 =	vadd.f32 v49, v3;
	v0 =	vadd.f32 v2, v0  }
0x138: {  	v29 =	vbroadcast v1, $0xA;
	v8 =	vand.u32 $0xFFFF0000, v53;
	v58 =	vmul.f32 v56, v54  }
0x139: {  	v19 =	vld [tilespmem:s31+$0x100];
	v2 =	vmul.f32 v59, v54;
	v3 =	vadd.f32 v4, v3;
	v0 =	vadd.f32 v55, v0  }
0x13a: {  	v31 =	vshll.u32 v23, $0x10;
	v35 =	vbroadcast v1, $0xB;
	v12 =	vmul.f32 v8, v60  }
0x13b: {  	s11 =	sand.u32 $0xFF8, s29;
	v4 =	vmul.f32 v61, v60;
	v3 =	vadd.f32 v58, v3;
	v0 =	vadd.f32 v2, v0  }
0x13c: {  	v28 =	vld [tilespmem:s31+$0x120];
	s5 =	sor.u32 s5, s11;
	v44 =	vbroadcast v1, $0xD;
	v15 =	vmul.f32 v13, v63;
	v7 =	vand.u32 $0xFFFF0000, v62  }
0x13d: {  	v48 =	vld [tilespmem:s5+$0x162D0];
	v2 =	vmul.f32 v16, v63;
	v3 =	vadd.f32 v4, v3;
	v0 =	vadd.f32 v12, v0  }
0x13e: {  	v27 =	vshll.u32 v19, $0x10;
	v24 =	vmul.f32 v22, v20;
	v21 =	vmul.f32 v7, v17  }
0x13f: {  	v4 =	vmul.f32 v18, v17;
	v3 =	vadd.f32 v15, v3;
	v0 =	vadd.f32 v2, v0  }
0x140: {  	v37 =	vld [tilespmem:s31+$0x140];
	v6 =	vand.u32 $0xFFFF0000, v19;
	v33 =	vmul.f32 v31, v29;
	v47 =	vbroadcast v1, $0xE  }
0x141: {  	v32 =	vld [tilespmem:s31+$0x130];
	v2 =	vmul.f32 v25, v20;
	v3 =	vadd.f32 v4, v3;
	v0 =	vadd.f32 v21, v0  }
0x142: {  	v8 =	vand.u32 $0xFFFF0000, v28;
	v56 =	vbroadcast v48, $0x0;
	v30 =	vmul.f32 v6, v26  }
0x143: {  	v4 =	vmul.f32 v27, v26;
	v3 =	vadd.f32 v24, v3;
	v0 =	vadd.f32 v2, v0  }
0x144: {  	v36 =	vshll.u32 v28, $0x10;
	v38 =	vbroadcast v1, $0xC;
	v39 =	vmul.f32 v8, v35  }
0x145: {  	v41 =	vld [tilespmem:s31+$0x150];
	v2 =	vmul.f32 v34, v29;
	v3 =	vadd.f32 v4, v3;
	v0 =	vadd.f32 v30, v0  }
0x146: {  	v7 =	vand.u32 $0xFFFF0000, v37;
	v1 =	vbroadcast v1, $0xF;
	v40 =	vshll.u32 v32, $0x10  }
0x147: {  	v46 =	vld [tilespmem:s31+$0x160];
	v4 =	vmul.f32 v36, v35;
	v3 =	vadd.f32 v33, v3;
	v0 =	vadd.f32 v2, v0  }
0x148: {  	v42 =	vmul.f32 v40, v38;
	v43 =	vand.u32 $0xFFFF0000, v32;
	v45 =	vshll.u32 v37, $0x10  }
0x149: {  	v51 =	vld [tilespmem:s31+$0x170];
	v2 =	vmul.f32 v43, v38;
	v3 =	vadd.f32 v4, v3;
	v0 =	vadd.f32 v39, v0  }
0x14a: {  	v50 =	vshll.u32 v41, $0x10;
	v53 =	vand.u32 $0xFFFF0000, v41;
	v49 =	vmul.f32 v7, v44  }
0x14b: {  	v55 =	vld [tilespmem:s31+$0x180];
	v4 =	vmul.f32 v45, v44;
	v3 =	vadd.f32 v42, v3;
	v0 =	vadd.f32 v2, v0  }
0x14c: {  	v52 =	vmul.f32 v50, v47;
	v60 =	vbroadcast v48, $0x1;
	v54 =	vshll.u32 v46, $0x10  }
0x14d: {  	v2 =	vmul.f32 v53, v47;
	v3 =	vadd.f32 v4, v3;
	v0 =	vadd.f32 v49, v0  }
0x14e: {  	v6 =	vand.u32 $0xFFFF0000, v46;
	v58 =	vand.u32 $0xFFFF0000, v51;
	v4 =	vmul.f32 v54, v1  }
0x14f: {  	v1 =	vmul.f32 v6, v1;
	v3 =	vadd.f32 v52, v3;
	v0 =	vadd.f32 v2, v0  }
0x150: {  	v57 =	vshll.u32 v51, $0x10;
	v59 =	vmul.f32 v58, v56;
	v61 =	vshll.u32 v55, $0x10  }
0x151: {  	v2 =	vmul.f32 v57, v56;
	v3 =	vadd.f32 v4, v3;
	v0 =	vadd.f32 v1, v0  }
0x152: {  	v5 =	vand.u32 $0xFFFF0000, v55;
	v62 =	vmul.f32 v61, v60  }
0x153: {  	p0 =	sne.s32 s29, $0x63E;
	v63 =	vmul.f32 v5, v60;
	v2 =	vadd.f32 v2, v3;
	v0 =	vadd.f32 v59, v0  }
.Ltmp1:
0x154: {  	_ = 	snop;
	(pc) =	sbr.rel @p0 .LBB2_4-.Ltmp1, $3  }
0x155: {  	v1 =	vadd.f32 v62, v2;
	v0 =	vadd.f32 v63, v0;
	_ =	sdelay $0x1  }
0x156: {  	s10 =	sadd.s32 $0x32, s10;
	v0 =	vpack.i.f32.bf16 v0, v1  }
0x157: {  	s29 =	sadd.s32 $0x32, s29;
	s31 =	sadd.s32 $0x320, s31;
	[tilespmem:s9+$0x0] =	vst v0;
	s9 =	sadd.s32 $0x200, s9  }
0x158: {  	[hbm4b:s14+s1] =	stream.linear.scatter [tilespmem:s30], [sflag:$0x6], $0x4000, $0x38;
	[tilespmem:$0x16920] =	vst v63  }
0x159: {  	_ =	swait.ge [sflag:s8], $0x4000  }
0x15a: {  	[sflag:s8] =	ssyncset.done $0x0  }
0x15b: {  	[sflag:s8] =	ssyncadd.s32 $0xFFFFC000  }
0x15c: {  	[tilespmem:s23], [sflag:$0x7] =	stream.linear.gather [hbm4b:s15+s1], $0x400, $0x38;
	[tilespmem:$0x16920] =	vst v63  }
0x15d: {  	_ =	swait.ge [sflag:s21], $0x400  }
0x15e: {  	[sflag:s21] =	ssyncset.done $0x0  }
0x15f: {  	[sflag:s21] =	ssyncadd.s32 $0xFFFFFC00  }
0x160: {  	[tilespmem:s28], [sflag:$0x7] =	stream.linear.gather [hbm4b:s16+s1], $0x640, $0x38;
	[tilespmem:$0x16920] =	vst v63  }
0x161: {  	_ =	swait.ge [sflag:s21], $0x640  }
0x162: {  	[sflag:s21] =	ssyncset.done $0x0  }
0x163: {  	s5 =	simm.s32 $0x162D0;
	[sflag:s21] =	ssyncadd.s32 $0xFFFFF9C0  }
0x164: {  	[tilespmem:s5], [sflag:$0x7] =	stream.linear.gather [hbm4b:s17+s1], $0x640, $0x38;
	[tilespmem:$0x16920] =	vst v63  }
0x165: {  	_ =	swait.ge [sflag:s21], $0x640  }
0x166: {  	[sflag:s21] =	ssyncset.done $0x0  }
0x167: {  	[sflag:s21] =	ssyncadd.s32 $0xFFFFF9C0  }
0x168: {  	[tilespmem:s30], [sflag:$0x2] =	stream.indirect.gather [hbm4b:s3+s23], $0x10, s23, s23, $0xb8;
	[tilespmem:$0x16920] =	vst v63  }
0x169: {  	s11 =	simm.s32 $0xF880  }
0x16a: {  	[tilespmem:s11], [sflag:$0x4] =	stream.indirect.gather [hbm4b:s3+s25], $0x10, s28, s25, $0xb8;
	[tilespmem:$0x16920] =	vst v63  }
0x16b: {  	_ =	swait.ge [sflag:s0], $0x4000  }
0x16c: {  	[sflag:s0] =	ssyncset.done $0x0  }
0x16d: {  	[sflag:s0] =	ssyncadd.s32 $0xFFFFC000  }
0x16e: {  	_ =	swait.ge [sflag:s2], $0x6400  }
0x16f: {  	s29 =	simm.s32 $0x30;
	s9 =	simm.s32 $0x9A0;
	[sflag:s2] =	ssyncset.done $0x0  }
0x170: {  	s10 =	simm.s32 $0x15C80;
	s31 =	simm.s32 $0x9610;
	[sflag:s2] =	ssyncadd.s32 $0xFFFF9C00  }
.LBB2_6:
0x171: {  	v1 =	vld [tilespmem:s10+$0x0]  }
0x172: {  	v0 =	vld [tilespmem:s31+$0xFFFFFE70]  }
0x173: {  	v2 =	vld [tilespmem:s31+$0xFFFFFE80]  }
0x174: {  	v5 =	vld [tilespmem:s31+$0xFFFFFE90]  }
0x175: {  	v7 =	vld [tilespmem:s31+$0xFFFFFEA0]  }
0x176: {  	v9 =	vld [tilespmem:s31+$0xFFFFFEB0]  }
0x177: {  	v18 =	vld [tilespmem:s31+$0xFFFFFEC0];
	v3 =	vbroadcast v1, $0x0  }
0x178: {  	v22 =	vld [tilespmem:s31+$0xFFFFFED0];
	v4 =	vshll.u32 v0, $0x10;
	v0 =	vand.u32 $0xFFFF0000, v0;
	v6 =	vbroadcast v1, $0x1  }
0x179: {  	v27 =	vld [tilespmem:s31+$0xFFFFFEE0];
	v12 =	vshll.u32 v2, $0x10;
	v2 =	vand.u32 $0xFFFF0000, v2;
	v8 =	vbroadcast v1, $0x2  }
0x17a: {  	v31 =	vld [tilespmem:s31+$0xFFFFFEF0];
	v13 =	vshll.u32 v5, $0x10;
	v15 =	vand.u32 $0xFFFF0000, v5;
	v16 =	vbroadcast v1, $0x3  }
0x17b: {  	v36 =	vld [tilespmem:s31+$0xFFFFFF00];
	v17 =	vshll.u32 v7, $0x10;
	v7 =	vand.u32 $0xFFFF0000, v7;
	v19 =	vbroadcast v1, $0x4  }
0x17c: {  	v40 =	vld [tilespmem:s31+$0xFFFFFF10];
	v21 =	vshll.u32 v9, $0x10;
	v24 =	vand.u32 $0xFFFF0000, v9;
	v25 =	vbroadcast v1, $0x5  }
0x17d: {  	v45 =	vld [tilespmem:s31+$0xFFFFFF20];
	v26 =	vshll.u32 v18, $0x10;
	v28 =	vbroadcast v1, $0x6;
	v30 =	vshll.u32 v22, $0x10  }
0x17e: {  	v49 =	vld [tilespmem:s31+$0xFFFFFF30];
	v33 =	vand.u32 $0xFFFF0000, v22;
	v34 =	vbroadcast v1, $0x7;
	v35 =	vshll.u32 v27, $0x10  }
0x17f: {  	v37 =	vbroadcast v1, $0x8;
	v39 =	vshll.u32 v31, $0x10;
	v42 =	vand.u32 $0xFFFF0000, v31  }
0x180: {  	v54 =	vld [tilespmem:s31+$0xFFFFFF40];
	v43 =	vbroadcast v1, $0x9;
	v44 =	vshll.u32 v36, $0x10;
	v46 =	vbroadcast v1, $0xA  }
0x181: {  	v48 =	vshll.u32 v40, $0x10;
	v51 =	vand.u32 $0xFFFF0000, v40;
	v52 =	vbroadcast v1, $0xB  }
0x182: {  	v53 =	vshll.u32 v45, $0x10;
	v55 =	vbroadcast v1, $0xC;
	v0 =	vmul.f32 v0, v3  }
0x183: {  	v57 =	vshll.u32 v49, $0x10;
	v60 =	vand.u32 $0xFFFF0000, v49;
	v61 =	vbroadcast v1, $0xD  }
0x184: {  	v10 =	vbroadcast v1, $0xE;
	v2 =	vmul.f32 v2, v6;
	v0 =	vadd.f32 $0.0e+00, v0  }
0x185: {  	v63 =	vshll.u32 v54, $0x10;
	v1 =	vbroadcast v1, $0xF;
	v4 =	vmul.f32 v4, v3  }
0x186: {  	v3 =	vmul.f32 v12, v6;
	v0 =	vadd.f32 v2, v0;
	v2 =	vmul.f32 v15, v8  }
0x187: {  	v14 =	vmul.f32 v13, v8;
	v20 =	vmul.f32 v7, v16;
	v4 =	vadd.f32 $0.0e+00, v4  }
0x188: {  	v23 =	vmul.f32 v21, v19;
	v6 =	vand.u32 $0xFFFF0000, v18;
	v0 =	vadd.f32 v2, v0  }
0x189: {  	v32 =	vmul.f32 v30, v28;
	v41 =	vmul.f32 v39, v37;
	v3 =	vadd.f32 v3, v4  }
0x18a: {  	v7 =	vand.u32 $0xFFFF0000, v36;
	v2 =	vmul.f32 v24, v19;
	v0 =	vadd.f32 v20, v0  }
0x18b: {  	v50 =	vmul.f32 v48, v46;
	v4 =	vmul.f32 v17, v16;
	v3 =	vadd.f32 v14, v3  }
0x18c: {  	v58 =	vld [tilespmem:s31+$0xFFFFFF50];
	v59 =	vmul.f32 v57, v55;
	v29 =	vmul.f32 v6, v25;
	v0 =	vadd.f32 v2, v0  }
0x18d: {  	v62 =	vmul.f32 v60, v55;
	v13 =	vmul.f32 v63, v61;
	v3 =	vadd.f32 v4, v3  }
0x18e: {  	v22 =	vld [tilespmem:s31+$0xFFFFFF90];
	v47 =	vmul.f32 v7, v43;
	v2 =	vmul.f32 v33, v28;
	v0 =	vadd.f32 v29, v0  }
0x18f: {  	v12 =	vld [tilespmem:s31+$0xFFFFFF60];
	v8 =	vand.u32 $0xFFFF0000, v27;
	v4 =	vmul.f32 v26, v25;
	v3 =	vadd.f32 v23, v3  }
0x190: {  	v30 =	vld [tilespmem:s31+$0xFFFFFFB0];
	v6 =	vand.u32 $0xFFFF0000, v45;
	v38 =	vmul.f32 v8, v34;
	v0 =	vadd.f32 v2, v0  }
0x191: {  	v56 =	vmul.f32 v6, v52;
	v15 =	vshll.u32 v58, $0x10;
	v16 =	vld [tilespmem:s31+$0xFFFFFF70];
	v3 =	vadd.f32 v4, v3  }
0x192: {  	v57 =	vld [tilespmem:s31+$0x10];
	v17 =	vand.u32 $0xFFFF0000, v58;
	v2 =	vmul.f32 v42, v37;
	v0 =	vadd.f32 v38, v0  }
0x193: {  	v8 =	vand.u32 $0xFFFF0000, v54;
	v19 =	vld [tilespmem:s31+$0xFFFFFF80];
	v4 =	vmul.f32 v35, v34;
	v3 =	vadd.f32 v32, v3  }
0x194: {  	v39 =	vld [tilespmem:s31+$0xFFFFFFD0];
	v5 =	vmul.f32 v15, v10;
	v18 =	vshll.u32 v12, $0x10;
	v0 =	vadd.f32 v2, v0  }
0x195: {  	v7 =	vand.u32 $0xFFFF0000, v12;
	v14 =	vmul.f32 v8, v61;
	v26 =	vld [tilespmem:s31+$0xFFFFFFA0];
	v3 =	vadd.f32 v4, v3  }
0x196: {  	v48 =	vld [tilespmem:s31+$0xFFFFFFF0];
	v21 =	vshll.u32 v16, $0x10;
	v2 =	vmul.f32 v51, v46;
	v0 =	vadd.f32 v47, v0  }
0x197: {  	s5 =	sadd.s32 $0xFFFFFFD0, s29;
	s11 =	sadd.s32 $0xFFFFFFE0, s29;
	v23 =	vand.u32 $0xFFFF0000, v16;
	v35 =	vld [tilespmem:s31+$0xFFFFFFC0];
	v4 =	vmul.f32 v44, v43;
	v3 =	vadd.f32 v41, v3  }
0x198: {  	s11 =	sand.u32 $0xFF8, s11;
	s5 =	sand.u32 $0x6, s5;
	v16 =	vand.u32 $0xFFFF0000, v57;
	v25 =	vshll.u32 v19, $0x10;
	v44 =	vld [tilespmem:s31+$0xFFFFFFE0];
	v0 =	vadd.f32 v2, v0  }
0x199: {  	s11 =	sor.u32 s5, s11;
	v6 =	vand.u32 $0xFFFF0000, v19;
	v3 =	vadd.f32 v4, v3;
	v4 =	vmul.f32 v53, v52;
	v53 =	vld [tilespmem:s31+$0x0]  }
0x19a: {  	v29 =	vshll.u32 v22, $0x10;
	v34 =	vshll.u32 v26, $0x10;
	v2 =	vadd.f32 v56, v0;
	v0 =	vld [tilespmem:s11+$0x15C80]  }
0x19b: {  	v8 =	vand.u32 $0xFFFF0000, v26;
	v32 =	vand.u32 $0xFFFF0000, v22;
	v3 =	vadd.f32 v50, v3  }
0x19c: {  	v38 =	vshll.u32 v30, $0x10;
	v43 =	vshll.u32 v35, $0x10;
	v41 =	vand.u32 $0xFFFF0000, v30  }
0x19d: {  	v47 =	vshll.u32 v39, $0x10;
	v52 =	vshll.u32 v44, $0x10;
	v3 =	vadd.f32 v4, v3  }
0x19e: {  	v50 =	vand.u32 $0xFFFF0000, v39;
	v4 =	vmul.f32 v17, v10;
	v56 =	vshll.u32 v48, $0x10  }
0x19f: {  	v61 =	vshll.u32 v53, $0x10;
	v3 =	vadd.f32 v59, v3;
	v20 =	vbroadcast v0, $0x0  }
0x1a0: {  	v2 =	vadd.f32 v62, v2;
	v24 =	vbroadcast v0, $0x1;
	v27 =	vbroadcast v0, $0x2  }
0x1a1: {  	v59 =	vand.u32 $0xFFFF0000, v48;
	v33 =	vbroadcast v0, $0x3;
	v36 =	vbroadcast v0, $0x4  }
0x1a2: {  	v3 =	vadd.f32 v13, v3;
	v42 =	vbroadcast v0, $0x5;
	v45 =	vbroadcast v0, $0x6  }
0x1a3: {  	v2 =	vadd.f32 v14, v2;
	v51 =	vbroadcast v0, $0x7;
	v54 =	vbroadcast v0, $0x8  }
0x1a4: {  	v60 =	vbroadcast v0, $0x9;
	v63 =	vbroadcast v0, $0xA;
	v3 =	vadd.f32 v5, v3  }
0x1a5: {  	v5 =	vmul.f32 v18, v1;
	v2 =	vadd.f32 v4, v2;
	v1 =	vmul.f32 v7, v1  }
0x1a6: {  	v13 =	vshll.u32 v57, $0x10;
	v17 =	vbroadcast v0, $0xB;
	v26 =	vbroadcast v0, $0xD  }
0x1a7: {  	v7 =	vand.u32 $0xFFFF0000, v35;
	v1 =	vadd.f32 v1, v2;
	v2 =	vmul.f32 v23, v20  }
0x1a8: {  	v4 =	vmul.f32 v21, v20;
	v28 =	vmul.f32 v6, v24;
	v3 =	vadd.f32 v5, v3  }
0x1a9: {  	v31 =	vmul.f32 v29, v27;
	v37 =	vmul.f32 v8, v33;
	v1 =	vadd.f32 v2, v1  }
0x1aa: {  	v62 =	vld [tilespmem:s31+$0x20];
	v40 =	vmul.f32 v38, v36;
	v3 =	vadd.f32 v4, v3;
	v4 =	vmul.f32 v25, v24  }
0x1ab: {  	v48 =	vld [tilespmem:s31+$0xB0];
	v46 =	vmul.f32 v7, v42;
	v2 =	vmul.f32 v32, v27;
	v1 =	vadd.f32 v28, v1  }
0x1ac: {  	v49 =	vmul.f32 v47, v45;
	v6 =	vand.u32 $0xFFFF0000, v44;
	v3 =	vadd.f32 v4, v3  }
0x1ad: {  	v58 =	vmul.f32 v56, v54;
	v8 =	vand.u32 $0xFFFF0000, v53;
	v1 =	vadd.f32 v2, v1  }
0x1ae: {  	v19 =	vld [tilespmem:s31+$0x40];
	v15 =	vmul.f32 v13, v63;
	v4 =	vmul.f32 v34, v33;
	v3 =	vadd.f32 v31, v3  }
0x1af: {  	v14 =	vld [tilespmem:s31+$0x30];
	v18 =	vshll.u32 v62, $0x10;
	v2 =	vmul.f32 v41, v36;
	v1 =	vadd.f32 v37, v1  }
0x1b0: {  	v57 =	vld [tilespmem:s31+$0xD0];
	v7 =	vand.u32 $0xFFFF0000, v62;
	v56 =	vshll.u32 v48, $0x10;
	v3 =	vadd.f32 v4, v3  }
0x1b1: {  	v55 =	vmul.f32 v6, v51;
	v12 =	vmul.f32 v8, v60;
	v1 =	vadd.f32 v2, v1  }
0x1b2: {  	v20 =	vbroadcast v0, $0xC;
	v4 =	vmul.f32 v43, v42;
	v3 =	vadd.f32 v40, v3  }
0x1b3: {  	v29 =	vld [tilespmem:s31+$0x60];
	v21 =	vmul.f32 v7, v17;
	v2 =	vmul.f32 v50, v45;
	v1 =	vadd.f32 v46, v1  }
0x1b4: {  	v44 =	vld [tilespmem:s31+$0xA0];
	v6 =	vand.u32 $0xFFFF0000, v19;
	v22 =	vshll.u32 v14, $0x10;
	v3 =	vadd.f32 v4, v3  }
0x1b5: {  	v23 =	vld [tilespmem:s31+$0x50];
	v13 =	vshll.u32 v57, $0x10;
	v24 =	vmul.f32 v22, v20;
	v1 =	vadd.f32 v2, v1  }
0x1b6: {  	v25 =	vand.u32 $0xFFFF0000, v14;
	v4 =	vmul.f32 v52, v51;
	v3 =	vadd.f32 v49, v3  }
0x1b7: {  	v32 =	vmul.f32 v6, v26;
	v2 =	vmul.f32 v59, v54;
	v1 =	vadd.f32 v55, v1  }
0x1b8: {  	v27 =	vmul.f32 v25, v20;
	v28 =	vshll.u32 v19, $0x10;
	v3 =	vadd.f32 v4, v3  }
0x1b9: {  	v14 =	vld [tilespmem:s31+$0xF0];
	v8 =	vand.u32 $0xFFFF0000, v29;
	v6 =	vand.u32 $0xFFFF0000, v44;
	v1 =	vadd.f32 v2, v1  }
0x1ba: {  	v34 =	vld [tilespmem:s31+$0x70];
	v33 =	vshll.u32 v23, $0x10;
	v4 =	vmul.f32 v61, v60;
	v3 =	vadd.f32 v58, v3  }
0x1bb: {  	v35 =	vand.u32 $0xFFFF0000, v23;
	v23 =	vld [tilespmem:s31+$0x110];
	v2 =	vmul.f32 v16, v63;
	v1 =	vadd.f32 v12, v1  }
0x1bc: {  	s11 =	sadd.s32 $0xFFFFFFF0, s29;
	v30 =	vmul.f32 v28, v26;
	v31 =	vbroadcast v0, $0xE;
	v37 =	vld [tilespmem:s31+$0x80];
	v3 =	vadd.f32 v4, v3  }
0x1bd: {  	s11 =	sand.u32 $0xFF8, s11;
	v0 =	vbroadcast v0, $0xF;
	v36 =	vshll.u32 v29, $0x10;
	v1 =	vadd.f32 v2, v1  }
0x1be: {  	s11 =	sor.u32 s5, s11;
	v22 =	vshll.u32 v14, $0x10;
	v40 =	vld [tilespmem:s31+$0x90];
	v4 =	vmul.f32 v18, v17;
	v3 =	vadd.f32 v15, v3  }
0x1bf: {  	v25 =	vand.u32 $0xFFFF0000, v14;
	v5 =	vmul.f32 v33, v31;
	v2 =	vadd.f32 v21, v1;
	v1 =	vld [tilespmem:s11+$0x15C80]  }
0x1c0: {  	v39 =	vshll.u32 v34, $0x10;
	v41 =	vand.u32 $0xFFFF0000, v34;
	v3 =	vadd.f32 v4, v3  }
0x1c1: {  	v34 =	vand.u32 $0xFFFF0000, v23;
	v52 =	vshll.u32 v44, $0x10;
	v43 =	vshll.u32 v37, $0x10  }
0x1c2: {  	v7 =	vand.u32 $0xFFFF0000, v37;
	v59 =	vand.u32 $0xFFFF0000, v48;
	v3 =	vadd.f32 v24, v3  }
0x1c3: {  	v47 =	vshll.u32 v40, $0x10;
	v4 =	vmul.f32 v35, v31;
	v2 =	vadd.f32 v27, v2  }
0x1c4: {  	v3 =	vadd.f32 v30, v3;
	v38 =	vbroadcast v1, $0x0;
	v42 =	vbroadcast v1, $0x1  }
0x1c5: {  	v53 =	vld [tilespmem:s31+$0xC0];
	v2 =	vadd.f32 v32, v2;
	v45 =	vbroadcast v1, $0x2;
	v51 =	vbroadcast v1, $0x3  }
0x1c6: {  	v54 =	vbroadcast v1, $0x4;
	v60 =	vbroadcast v1, $0x5;
	v3 =	vadd.f32 v5, v3  }
0x1c7: {  	v5 =	vmul.f32 v36, v0;
	v2 =	vadd.f32 v4, v2;
	v0 =	vmul.f32 v8, v0  }
0x1c8: {  	v50 =	vand.u32 $0xFFFF0000, v40;
	v63 =	vbroadcast v1, $0x6;
	v4 =	vmul.f32 v39, v38  }
0x1c9: {  	v62 =	vld [tilespmem:s31+$0xE0];
	v3 =	vadd.f32 v5, v3;
	v0 =	vadd.f32 v0, v2;
	v2 =	vmul.f32 v41, v38  }
0x1ca: {  	v61 =	vshll.u32 v53, $0x10;
	v17 =	vbroadcast v1, $0x7;
	v46 =	vmul.f32 v7, v42  }
0x1cb: {  	v3 =	vadd.f32 v4, v3;
	v4 =	vmul.f32 v43, v42;
	v0 =	vadd.f32 v2, v0  }
0x1cc: {  	v16 =	vand.u32 $0xFFFF0000, v57;
	v20 =	vbroadcast v1, $0x8;
	v49 =	vmul.f32 v47, v45  }
0x1cd: {  	v2 =	vmul.f32 v50, v45;
	v3 =	vadd.f32 v4, v3;
	v0 =	vadd.f32 v46, v0  }
0x1ce: {  	v18 =	vshll.u32 v62, $0x10;
	v26 =	vbroadcast v1, $0x9;
	v55 =	vmul.f32 v6, v51  }
0x1cf: {  	v4 =	vmul.f32 v52, v51;
	v3 =	vadd.f32 v49, v3;
	v0 =	vadd.f32 v2, v0  }
0x1d0: {  	v29 =	vbroadcast v1, $0xA;
	v8 =	vand.u32 $0xFFFF0000, v53;
	v58 =	vmul.f32 v56, v54  }
0x1d1: {  	v19 =	vld [tilespmem:s31+$0x100];
	v2 =	vmul.f32 v59, v54;
	v3 =	vadd.f32 v4, v3;
	v0 =	vadd.f32 v55, v0  }
0x1d2: {  	v31 =	vshll.u32 v23, $0x10;
	v35 =	vbroadcast v1, $0xB;
	v12 =	vmul.f32 v8, v60  }
0x1d3: {  	s11 =	sand.u32 $0xFF8, s29;
	v4 =	vmul.f32 v61, v60;
	v3 =	vadd.f32 v58, v3;
	v0 =	vadd.f32 v2, v0  }
0x1d4: {  	v28 =	vld [tilespmem:s31+$0x120];
	s5 =	sor.u32 s5, s11;
	v44 =	vbroadcast v1, $0xD;
	v15 =	vmul.f32 v13, v63;
	v7 =	vand.u32 $0xFFFF0000, v62  }
0x1d5: {  	v48 =	vld [tilespmem:s5+$0x15C80];
	v2 =	vmul.f32 v16, v63;
	v3 =	vadd.f32 v4, v3;
	v0 =	vadd.f32 v12, v0  }
0x1d6: {  	v27 =	vshll.u32 v19, $0x10;
	v24 =	vmul.f32 v22, v20;
	v21 =	vmul.f32 v7, v17  }
0x1d7: {  	v4 =	vmul.f32 v18, v17;
	v3 =	vadd.f32 v15, v3;
	v0 =	vadd.f32 v2, v0  }
0x1d8: {  	v37 =	vld [tilespmem:s31+$0x140];
	v6 =	vand.u32 $0xFFFF0000, v19;
	v33 =	vmul.f32 v31, v29;
	v47 =	vbroadcast v1, $0xE  }
0x1d9: {  	v32 =	vld [tilespmem:s31+$0x130];
	v2 =	vmul.f32 v25, v20;
	v3 =	vadd.f32 v4, v3;
	v0 =	vadd.f32 v21, v0  }
0x1da: {  	v8 =	vand.u32 $0xFFFF0000, v28;
	v56 =	vbroadcast v48, $0x0;
	v30 =	vmul.f32 v6, v26  }
0x1db: {  	v4 =	vmul.f32 v27, v26;
	v3 =	vadd.f32 v24, v3;
	v0 =	vadd.f32 v2, v0  }
0x1dc: {  	v36 =	vshll.u32 v28, $0x10;
	v38 =	vbroadcast v1, $0xC;
	v39 =	vmul.f32 v8, v35  }
0x1dd: {  	v41 =	vld [tilespmem:s31+$0x150];
	v2 =	vmul.f32 v34, v29;
	v3 =	vadd.f32 v4, v3;
	v0 =	vadd.f32 v30, v0  }
0x1de: {  	v7 =	vand.u32 $0xFFFF0000, v37;
	v1 =	vbroadcast v1, $0xF;
	v40 =	vshll.u32 v32, $0x10  }
0x1df: {  	v46 =	vld [tilespmem:s31+$0x160];
	v4 =	vmul.f32 v36, v35;
	v3 =	vadd.f32 v33, v3;
	v0 =	vadd.f32 v2, v0  }
0x1e0: {  	v42 =	vmul.f32 v40, v38;
	v43 =	vand.u32 $0xFFFF0000, v32;
	v45 =	vshll.u32 v37, $0x10  }
0x1e1: {  	v51 =	vld [tilespmem:s31+$0x170];
	v2 =	vmul.f32 v43, v38;
	v3 =	vadd.f32 v4, v3;
	v0 =	vadd.f32 v39, v0  }
0x1e2: {  	v50 =	vshll.u32 v41, $0x10;
	v53 =	vand.u32 $0xFFFF0000, v41;
	v49 =	vmul.f32 v7, v44  }
0x1e3: {  	v55 =	vld [tilespmem:s31+$0x180];
	v4 =	vmul.f32 v45, v44;
	v3 =	vadd.f32 v42, v3;
	v0 =	vadd.f32 v2, v0  }
0x1e4: {  	v52 =	vmul.f32 v50, v47;
	v60 =	vbroadcast v48, $0x1;
	v54 =	vshll.u32 v46, $0x10  }
0x1e5: {  	v2 =	vmul.f32 v53, v47;
	v3 =	vadd.f32 v4, v3;
	v0 =	vadd.f32 v49, v0  }
0x1e6: {  	v6 =	vand.u32 $0xFFFF0000, v46;
	v58 =	vand.u32 $0xFFFF0000, v51;
	v4 =	vmul.f32 v54, v1  }
0x1e7: {  	v1 =	vmul.f32 v6, v1;
	v3 =	vadd.f32 v52, v3;
	v0 =	vadd.f32 v2, v0  }
0x1e8: {  	v57 =	vshll.u32 v51, $0x10;
	v59 =	vmul.f32 v58, v56;
	v61 =	vshll.u32 v55, $0x10  }
0x1e9: {  	v2 =	vmul.f32 v57, v56;
	v3 =	vadd.f32 v4, v3;
	v0 =	vadd.f32 v1, v0  }
0x1ea: {  	v5 =	vand.u32 $0xFFFF0000, v55;
	v62 =	vmul.f32 v61, v60  }
0x1eb: {  	p0 =	sne.s32 s29, $0x63E;
	v63 =	vmul.f32 v5, v60;
	v2 =	vadd.f32 v2, v3;
	v0 =	vadd.f32 v59, v0  }
.Ltmp2:
0x1ec: {  	_ = 	snop;
	(pc) =	sbr.rel @p0 .LBB2_6-.Ltmp2, $3  }
0x1ed: {  	v1 =	vadd.f32 v62, v2;
	v0 =	vadd.f32 v63, v0;
	_ =	sdelay $0x1  }
0x1ee: {  	s10 =	sadd.s32 $0x32, s10;
	v0 =	vpack.i.f32.bf16 v0, v1  }
0x1ef: {  	s29 =	sadd.s32 $0x32, s29;
	s31 =	sadd.s32 $0x320, s31;
	[tilespmem:s9+$0x0] =	vst v0;
	s9 =	sadd.s32 $0x200, s9  }
0x1f0: {  	[hbm4b:s18+s1] =	stream.linear.scatter [tilespmem:s24], [sflag:$0x5], $0x4000, $0x38;
	[tilespmem:$0x16920] =	vst v63  }
0x1f1: {  	_ =	swait.ge [sflag:s6], $0x4000  }
0x1f2: {  	[sflag:s6] =	ssyncset.done $0x0  }
0x1f3: {  	[sflag:s6] =	ssyncadd.s32 $0xFFFFC000  }
0x1f4: {  	_ =	swait.ge [sflag:s7], $0x6400  }
0x1f5: {  	s29 =	simm.s32 $0x30;
	s9 =	simm.s32 $0x49A0;
	[sflag:s7] =	ssyncset.done $0x0  }
0x1f6: {  	s10 =	simm.s32 $0x162D0;
	s31 =	simm.s32 $0xFA10;
	[sflag:s7] =	ssyncadd.s32 $0xFFFF9C00  }
.LBB2_8:
0x1f7: {  	v1 =	vld [tilespmem:s10+$0x0]  }
0x1f8: {  	v0 =	vld [tilespmem:s31+$0xFFFFFE70]  }
0x1f9: {  	v2 =	vld [tilespmem:s31+$0xFFFFFE80]  }
0x1fa: {  	v5 =	vld [tilespmem:s31+$0xFFFFFE90]  }
0x1fb: {  	v7 =	vld [tilespmem:s31+$0xFFFFFEA0]  }
0x1fc: {  	v9 =	vld [tilespmem:s31+$0xFFFFFEB0]  }
0x1fd: {  	v18 =	vld [tilespmem:s31+$0xFFFFFEC0];
	v3 =	vbroadcast v1, $0x0  }
0x1fe: {  	v22 =	vld [tilespmem:s31+$0xFFFFFED0];
	v4 =	vshll.u32 v0, $0x10;
	v0 =	vand.u32 $0xFFFF0000, v0;
	v6 =	vbroadcast v1, $0x1  }
0x1ff: {  	v27 =	vld [tilespmem:s31+$0xFFFFFEE0];
	v12 =	vshll.u32 v2, $0x10;
	v2 =	vand.u32 $0xFFFF0000, v2;
	v8 =	vbroadcast v1, $0x2  }
0x200: {  	v31 =	vld [tilespmem:s31+$0xFFFFFEF0];
	v13 =	vshll.u32 v5, $0x10;
	v15 =	vand.u32 $0xFFFF0000, v5;
	v16 =	vbroadcast v1, $0x3  }
0x201: {  	v36 =	vld [tilespmem:s31+$0xFFFFFF00];
	v17 =	vshll.u32 v7, $0x10;
	v7 =	vand.u32 $0xFFFF0000, v7;
	v19 =	vbroadcast v1, $0x4  }
0x202: {  	v40 =	vld [tilespmem:s31+$0xFFFFFF10];
	v21 =	vshll.u32 v9, $0x10;
	v24 =	vand.u32 $0xFFFF0000, v9;
	v25 =	vbroadcast v1, $0x5  }
0x203: {  	v45 =	vld [tilespmem:s31+$0xFFFFFF20];
	v26 =	vshll.u32 v18, $0x10;
	v28 =	vbroadcast v1, $0x6;
	v30 =	vshll.u32 v22, $0x10  }
0x204: {  	v49 =	vld [tilespmem:s31+$0xFFFFFF30];
	v33 =	vand.u32 $0xFFFF0000, v22;
	v34 =	vbroadcast v1, $0x7;
	v35 =	vshll.u32 v27, $0x10  }
0x205: {  	v37 =	vbroadcast v1, $0x8;
	v39 =	vshll.u32 v31, $0x10;
	v42 =	vand.u32 $0xFFFF0000, v31  }
0x206: {  	v54 =	vld [tilespmem:s31+$0xFFFFFF40];
	v43 =	vbroadcast v1, $0x9;
	v44 =	vshll.u32 v36, $0x10;
	v46 =	vbroadcast v1, $0xA  }
0x207: {  	v48 =	vshll.u32 v40, $0x10;
	v51 =	vand.u32 $0xFFFF0000, v40;
	v52 =	vbroadcast v1, $0xB  }
0x208: {  	v53 =	vshll.u32 v45, $0x10;
	v55 =	vbroadcast v1, $0xC;
	v0 =	vmul.f32 v0, v3  }
0x209: {  	v57 =	vshll.u32 v49, $0x10;
	v60 =	vand.u32 $0xFFFF0000, v49;
	v61 =	vbroadcast v1, $0xD  }
0x20a: {  	v10 =	vbroadcast v1, $0xE;
	v2 =	vmul.f32 v2, v6;
	v0 =	vadd.f32 $0.0e+00, v0  }
0x20b: {  	v63 =	vshll.u32 v54, $0x10;
	v1 =	vbroadcast v1, $0xF;
	v4 =	vmul.f32 v4, v3  }
0x20c: {  	v3 =	vmul.f32 v12, v6;
	v0 =	vadd.f32 v2, v0;
	v2 =	vmul.f32 v15, v8  }
0x20d: {  	v14 =	vmul.f32 v13, v8;
	v20 =	vmul.f32 v7, v16;
	v4 =	vadd.f32 $0.0e+00, v4  }
0x20e: {  	v23 =	vmul.f32 v21, v19;
	v6 =	vand.u32 $0xFFFF0000, v18;
	v0 =	vadd.f32 v2, v0  }
0x20f: {  	v32 =	vmul.f32 v30, v28;
	v41 =	vmul.f32 v39, v37;
	v3 =	vadd.f32 v3, v4  }
0x210: {  	v7 =	vand.u32 $0xFFFF0000, v36;
	v2 =	vmul.f32 v24, v19;
	v0 =	vadd.f32 v20, v0  }
0x211: {  	v50 =	vmul.f32 v48, v46;
	v4 =	vmul.f32 v17, v16;
	v3 =	vadd.f32 v14, v3  }
0x212: {  	v58 =	vld [tilespmem:s31+$0xFFFFFF50];
	v59 =	vmul.f32 v57, v55;
	v29 =	vmul.f32 v6, v25;
	v0 =	vadd.f32 v2, v0  }
0x213: {  	v62 =	vmul.f32 v60, v55;
	v13 =	vmul.f32 v63, v61;
	v3 =	vadd.f32 v4, v3  }
0x214: {  	v22 =	vld [tilespmem:s31+$0xFFFFFF90];
	v47 =	vmul.f32 v7, v43;
	v2 =	vmul.f32 v33, v28;
	v0 =	vadd.f32 v29, v0  }
0x215: {  	v12 =	vld [tilespmem:s31+$0xFFFFFF60];
	v8 =	vand.u32 $0xFFFF0000, v27;
	v4 =	vmul.f32 v26, v25;
	v3 =	vadd.f32 v23, v3  }
0x216: {  	v30 =	vld [tilespmem:s31+$0xFFFFFFB0];
	v6 =	vand.u32 $0xFFFF0000, v45;
	v38 =	vmul.f32 v8, v34;
	v0 =	vadd.f32 v2, v0  }
0x217: {  	v56 =	vmul.f32 v6, v52;
	v15 =	vshll.u32 v58, $0x10;
	v16 =	vld [tilespmem:s31+$0xFFFFFF70];
	v3 =	vadd.f32 v4, v3  }
0x218: {  	v57 =	vld [tilespmem:s31+$0x10];
	v17 =	vand.u32 $0xFFFF0000, v58;
	v2 =	vmul.f32 v42, v37;
	v0 =	vadd.f32 v38, v0  }
0x219: {  	v8 =	vand.u32 $0xFFFF0000, v54;
	v19 =	vld [tilespmem:s31+$0xFFFFFF80];
	v4 =	vmul.f32 v35, v34;
	v3 =	vadd.f32 v32, v3  }
0x21a: {  	v39 =	vld [tilespmem:s31+$0xFFFFFFD0];
	v5 =	vmul.f32 v15, v10;
	v18 =	vshll.u32 v12, $0x10;
	v0 =	vadd.f32 v2, v0  }
0x21b: {  	v7 =	vand.u32 $0xFFFF0000, v12;
	v14 =	vmul.f32 v8, v61;
	v26 =	vld [tilespmem:s31+$0xFFFFFFA0];
	v3 =	vadd.f32 v4, v3  }
0x21c: {  	v48 =	vld [tilespmem:s31+$0xFFFFFFF0];
	v21 =	vshll.u32 v16, $0x10;
	v2 =	vmul.f32 v51, v46;
	v0 =	vadd.f32 v47, v0  }
0x21d: {  	s5 =	sadd.s32 $0xFFFFFFD0, s29;
	s11 =	sadd.s32 $0xFFFFFFE0, s29;
	v23 =	vand.u32 $0xFFFF0000, v16;
	v35 =	vld [tilespmem:s31+$0xFFFFFFC0];
	v4 =	vmul.f32 v44, v43;
	v3 =	vadd.f32 v41, v3  }
0x21e: {  	s11 =	sand.u32 $0xFF8, s11;
	s5 =	sand.u32 $0x6, s5;
	v16 =	vand.u32 $0xFFFF0000, v57;
	v25 =	vshll.u32 v19, $0x10;
	v44 =	vld [tilespmem:s31+$0xFFFFFFE0];
	v0 =	vadd.f32 v2, v0  }
0x21f: {  	s11 =	sor.u32 s5, s11;
	v6 =	vand.u32 $0xFFFF0000, v19;
	v3 =	vadd.f32 v4, v3;
	v4 =	vmul.f32 v53, v52;
	v53 =	vld [tilespmem:s31+$0x0]  }
0x220: {  	v29 =	vshll.u32 v22, $0x10;
	v34 =	vshll.u32 v26, $0x10;
	v2 =	vadd.f32 v56, v0;
	v0 =	vld [tilespmem:s11+$0x162D0]  }
0x221: {  	v8 =	vand.u32 $0xFFFF0000, v26;
	v32 =	vand.u32 $0xFFFF0000, v22;
	v3 =	vadd.f32 v50, v3  }
0x222: {  	v38 =	vshll.u32 v30, $0x10;
	v43 =	vshll.u32 v35, $0x10;
	v41 =	vand.u32 $0xFFFF0000, v30  }
0x223: {  	v47 =	vshll.u32 v39, $0x10;
	v52 =	vshll.u32 v44, $0x10;
	v3 =	vadd.f32 v4, v3  }
0x224: {  	v50 =	vand.u32 $0xFFFF0000, v39;
	v4 =	vmul.f32 v17, v10;
	v56 =	vshll.u32 v48, $0x10  }
0x225: {  	v61 =	vshll.u32 v53, $0x10;
	v3 =	vadd.f32 v59, v3;
	v20 =	vbroadcast v0, $0x0  }
0x226: {  	v2 =	vadd.f32 v62, v2;
	v24 =	vbroadcast v0, $0x1;
	v27 =	vbroadcast v0, $0x2  }
0x227: {  	v59 =	vand.u32 $0xFFFF0000, v48;
	v33 =	vbroadcast v0, $0x3;
	v36 =	vbroadcast v0, $0x4  }
0x228: {  	v3 =	vadd.f32 v13, v3;
	v42 =	vbroadcast v0, $0x5;
	v45 =	vbroadcast v0, $0x6  }
0x229: {  	v2 =	vadd.f32 v14, v2;
	v51 =	vbroadcast v0, $0x7;
	v54 =	vbroadcast v0, $0x8  }
0x22a: {  	v60 =	vbroadcast v0, $0x9;
	v63 =	vbroadcast v0, $0xA;
	v3 =	vadd.f32 v5, v3  }
0x22b: {  	v5 =	vmul.f32 v18, v1;
	v2 =	vadd.f32 v4, v2;
	v1 =	vmul.f32 v7, v1  }
0x22c: {  	v13 =	vshll.u32 v57, $0x10;
	v17 =	vbroadcast v0, $0xB;
	v26 =	vbroadcast v0, $0xD  }
0x22d: {  	v7 =	vand.u32 $0xFFFF0000, v35;
	v1 =	vadd.f32 v1, v2;
	v2 =	vmul.f32 v23, v20  }
0x22e: {  	v4 =	vmul.f32 v21, v20;
	v28 =	vmul.f32 v6, v24;
	v3 =	vadd.f32 v5, v3  }
0x22f: {  	v31 =	vmul.f32 v29, v27;
	v37 =	vmul.f32 v8, v33;
	v1 =	vadd.f32 v2, v1  }
0x230: {  	v62 =	vld [tilespmem:s31+$0x20];
	v40 =	vmul.f32 v38, v36;
	v3 =	vadd.f32 v4, v3;
	v4 =	vmul.f32 v25, v24  }
0x231: {  	v48 =	vld [tilespmem:s31+$0xB0];
	v46 =	vmul.f32 v7, v42;
	v2 =	vmul.f32 v32, v27;
	v1 =	vadd.f32 v28, v1  }
0x232: {  	v49 =	vmul.f32 v47, v45;
	v6 =	vand.u32 $0xFFFF0000, v44;
	v3 =	vadd.f32 v4, v3  }
0x233: {  	v58 =	vmul.f32 v56, v54;
	v8 =	vand.u32 $0xFFFF0000, v53;
	v1 =	vadd.f32 v2, v1  }
0x234: {  	v19 =	vld [tilespmem:s31+$0x40];
	v15 =	vmul.f32 v13, v63;
	v4 =	vmul.f32 v34, v33;
	v3 =	vadd.f32 v31, v3  }
0x235: {  	v14 =	vld [tilespmem:s31+$0x30];
	v18 =	vshll.u32 v62, $0x10;
	v2 =	vmul.f32 v41, v36;
	v1 =	vadd.f32 v37, v1  }
0x236: {  	v57 =	vld [tilespmem:s31+$0xD0];
	v7 =	vand.u32 $0xFFFF0000, v62;
	v56 =	vshll.u32 v48, $0x10;
	v3 =	vadd.f32 v4, v3  }
0x237: {  	v55 =	vmul.f32 v6, v51;
	v12 =	vmul.f32 v8, v60;
	v1 =	vadd.f32 v2, v1  }
0x238: {  	v20 =	vbroadcast v0, $0xC;
	v4 =	vmul.f32 v43, v42;
	v3 =	vadd.f32 v40, v3  }
0x239: {  	v29 =	vld [tilespmem:s31+$0x60];
	v21 =	vmul.f32 v7, v17;
	v2 =	vmul.f32 v50, v45;
	v1 =	vadd.f32 v46, v1  }
0x23a: {  	v44 =	vld [tilespmem:s31+$0xA0];
	v6 =	vand.u32 $0xFFFF0000, v19;
	v22 =	vshll.u32 v14, $0x10;
	v3 =	vadd.f32 v4, v3  }
0x23b: {  	v23 =	vld [tilespmem:s31+$0x50];
	v13 =	vshll.u32 v57, $0x10;
	v24 =	vmul.f32 v22, v20;
	v1 =	vadd.f32 v2, v1  }
0x23c: {  	v25 =	vand.u32 $0xFFFF0000, v14;
	v4 =	vmul.f32 v52, v51;
	v3 =	vadd.f32 v49, v3  }
0x23d: {  	v32 =	vmul.f32 v6, v26;
	v2 =	vmul.f32 v59, v54;
	v1 =	vadd.f32 v55, v1  }
0x23e: {  	v27 =	vmul.f32 v25, v20;
	v28 =	vshll.u32 v19, $0x10;
	v3 =	vadd.f32 v4, v3  }
0x23f: {  	v14 =	vld [tilespmem:s31+$0xF0];
	v8 =	vand.u32 $0xFFFF0000, v29;
	v6 =	vand.u32 $0xFFFF0000, v44;
	v1 =	vadd.f32 v2, v1  }
0x240: {  	v34 =	vld [tilespmem:s31+$0x70];
	v33 =	vshll.u32 v23, $0x10;
	v4 =	vmul.f32 v61, v60;
	v3 =	vadd.f32 v58, v3  }
0x241: {  	v35 =	vand.u32 $0xFFFF0000, v23;
	v23 =	vld [tilespmem:s31+$0x110];
	v2 =	vmul.f32 v16, v63;
	v1 =	vadd.f32 v12, v1  }
0x242: {  	s11 =	sadd.s32 $0xFFFFFFF0, s29;
	v30 =	vmul.f32 v28, v26;
	v31 =	vbroadcast v0, $0xE;
	v37 =	vld [tilespmem:s31+$0x80];
	v3 =	vadd.f32 v4, v3  }
0x243: {  	s11 =	sand.u32 $0xFF8, s11;
	v0 =	vbroadcast v0, $0xF;
	v36 =	vshll.u32 v29, $0x10;
	v1 =	vadd.f32 v2, v1  }
0x244: {  	s11 =	sor.u32 s5, s11;
	v22 =	vshll.u32 v14, $0x10;
	v40 =	vld [tilespmem:s31+$0x90];
	v4 =	vmul.f32 v18, v17;
	v3 =	vadd.f32 v15, v3  }
0x245: {  	v25 =	vand.u32 $0xFFFF0000, v14;
	v5 =	vmul.f32 v33, v31;
	v2 =	vadd.f32 v21, v1;
	v1 =	vld [tilespmem:s11+$0x162D0]  }
0x246: {  	v39 =	vshll.u32 v34, $0x10;
	v41 =	vand.u32 $0xFFFF0000, v34;
	v3 =	vadd.f32 v4, v3  }
0x247: {  	v34 =	vand.u32 $0xFFFF0000, v23;
	v52 =	vshll.u32 v44, $0x10;
	v43 =	vshll.u32 v37, $0x10  }
0x248: {  	v7 =	vand.u32 $0xFFFF0000, v37;
	v59 =	vand.u32 $0xFFFF0000, v48;
	v3 =	vadd.f32 v24, v3  }
0x249: {  	v47 =	vshll.u32 v40, $0x10;
	v4 =	vmul.f32 v35, v31;
	v2 =	vadd.f32 v27, v2  }
0x24a: {  	v3 =	vadd.f32 v30, v3;
	v38 =	vbroadcast v1, $0x0;
	v42 =	vbroadcast v1, $0x1  }
0x24b: {  	v53 =	vld [tilespmem:s31+$0xC0];
	v2 =	vadd.f32 v32, v2;
	v45 =	vbroadcast v1, $0x2;
	v51 =	vbroadcast v1, $0x3  }
0x24c: {  	v54 =	vbroadcast v1, $0x4;
	v60 =	vbroadcast v1, $0x5;
	v3 =	vadd.f32 v5, v3  }
0x24d: {  	v5 =	vmul.f32 v36, v0;
	v2 =	vadd.f32 v4, v2;
	v0 =	vmul.f32 v8, v0  }
0x24e: {  	v50 =	vand.u32 $0xFFFF0000, v40;
	v63 =	vbroadcast v1, $0x6;
	v4 =	vmul.f32 v39, v38  }
0x24f: {  	v62 =	vld [tilespmem:s31+$0xE0];
	v3 =	vadd.f32 v5, v3;
	v0 =	vadd.f32 v0, v2;
	v2 =	vmul.f32 v41, v38  }
0x250: {  	v61 =	vshll.u32 v53, $0x10;
	v17 =	vbroadcast v1, $0x7;
	v46 =	vmul.f32 v7, v42  }
0x251: {  	v3 =	vadd.f32 v4, v3;
	v4 =	vmul.f32 v43, v42;
	v0 =	vadd.f32 v2, v0  }
0x252: {  	v16 =	vand.u32 $0xFFFF0000, v57;
	v20 =	vbroadcast v1, $0x8;
	v49 =	vmul.f32 v47, v45  }
0x253: {  	v2 =	vmul.f32 v50, v45;
	v3 =	vadd.f32 v4, v3;
	v0 =	vadd.f32 v46, v0  }
0x254: {  	v18 =	vshll.u32 v62, $0x10;
	v26 =	vbroadcast v1, $0x9;
	v55 =	vmul.f32 v6, v51  }
0x255: {  	v4 =	vmul.f32 v52, v51;
	v3 =	vadd.f32 v49, v3;
	v0 =	vadd.f32 v2, v0  }
0x256: {  	v29 =	vbroadcast v1, $0xA;
	v8 =	vand.u32 $0xFFFF0000, v53;
	v58 =	vmul.f32 v56, v54  }
0x257: {  	v19 =	vld [tilespmem:s31+$0x100];
	v2 =	vmul.f32 v59, v54;
	v3 =	vadd.f32 v4, v3;
	v0 =	vadd.f32 v55, v0  }
0x258: {  	v31 =	vshll.u32 v23, $0x10;
	v35 =	vbroadcast v1, $0xB;
	v12 =	vmul.f32 v8, v60  }
0x259: {  	s11 =	sand.u32 $0xFF8, s29;
	v4 =	vmul.f32 v61, v60;
	v3 =	vadd.f32 v58, v3;
	v0 =	vadd.f32 v2, v0  }
0x25a: {  	v28 =	vld [tilespmem:s31+$0x120];
	s5 =	sor.u32 s5, s11;
	v44 =	vbroadcast v1, $0xD;
	v15 =	vmul.f32 v13, v63;
	v7 =	vand.u32 $0xFFFF0000, v62  }
0x25b: {  	v48 =	vld [tilespmem:s5+$0x162D0];
	v2 =	vmul.f32 v16, v63;
	v3 =	vadd.f32 v4, v3;
	v0 =	vadd.f32 v12, v0  }
0x25c: {  	v27 =	vshll.u32 v19, $0x10;
	v24 =	vmul.f32 v22, v20;
	v21 =	vmul.f32 v7, v17  }
0x25d: {  	v4 =	vmul.f32 v18, v17;
	v3 =	vadd.f32 v15, v3;
	v0 =	vadd.f32 v2, v0  }
0x25e: {  	v37 =	vld [tilespmem:s31+$0x140];
	v6 =	vand.u32 $0xFFFF0000, v19;
	v33 =	vmul.f32 v31, v29;
	v47 =	vbroadcast v1, $0xE  }
0x25f: {  	v32 =	vld [tilespmem:s31+$0x130];
	v2 =	vmul.f32 v25, v20;
	v3 =	vadd.f32 v4, v3;
	v0 =	vadd.f32 v21, v0  }
0x260: {  	v8 =	vand.u32 $0xFFFF0000, v28;
	v56 =	vbroadcast v48, $0x0;
	v30 =	vmul.f32 v6, v26  }
0x261: {  	v4 =	vmul.f32 v27, v26;
	v3 =	vadd.f32 v24, v3;
	v0 =	vadd.f32 v2, v0  }
0x262: {  	v36 =	vshll.u32 v28, $0x10;
	v38 =	vbroadcast v1, $0xC;
	v39 =	vmul.f32 v8, v35  }
0x263: {  	v41 =	vld [tilespmem:s31+$0x150];
	v2 =	vmul.f32 v34, v29;
	v3 =	vadd.f32 v4, v3;
	v0 =	vadd.f32 v30, v0  }
0x264: {  	v7 =	vand.u32 $0xFFFF0000, v37;
	v1 =	vbroadcast v1, $0xF;
	v40 =	vshll.u32 v32, $0x10  }
0x265: {  	v46 =	vld [tilespmem:s31+$0x160];
	v4 =	vmul.f32 v36, v35;
	v3 =	vadd.f32 v33, v3;
	v0 =	vadd.f32 v2, v0  }
0x266: {  	v42 =	vmul.f32 v40, v38;
	v43 =	vand.u32 $0xFFFF0000, v32;
	v45 =	vshll.u32 v37, $0x10  }
0x267: {  	v51 =	vld [tilespmem:s31+$0x170];
	v2 =	vmul.f32 v43, v38;
	v3 =	vadd.f32 v4, v3;
	v0 =	vadd.f32 v39, v0  }
0x268: {  	v50 =	vshll.u32 v41, $0x10;
	v53 =	vand.u32 $0xFFFF0000, v41;
	v49 =	vmul.f32 v7, v44  }
0x269: {  	v55 =	vld [tilespmem:s31+$0x180];
	v4 =	vmul.f32 v45, v44;
	v3 =	vadd.f32 v42, v3;
	v0 =	vadd.f32 v2, v0  }
0x26a: {  	v52 =	vmul.f32 v50, v47;
	v60 =	vbroadcast v48, $0x1;
	v54 =	vshll.u32 v46, $0x10  }
0x26b: {  	v2 =	vmul.f32 v53, v47;
	v3 =	vadd.f32 v4, v3;
	v0 =	vadd.f32 v49, v0  }
0x26c: {  	v6 =	vand.u32 $0xFFFF0000, v46;
	v58 =	vand.u32 $0xFFFF0000, v51;
	v4 =	vmul.f32 v54, v1  }
0x26d: {  	v1 =	vmul.f32 v6, v1;
	v3 =	vadd.f32 v52, v3;
	v0 =	vadd.f32 v2, v0  }
0x26e: {  	v57 =	vshll.u32 v51, $0x10;
	v59 =	vmul.f32 v58, v56;
	v61 =	vshll.u32 v55, $0x10  }
0x26f: {  	v2 =	vmul.f32 v57, v56;
	v3 =	vadd.f32 v4, v3;
	v0 =	vadd.f32 v1, v0  }
0x270: {  	v5 =	vand.u32 $0xFFFF0000, v55;
	v62 =	vmul.f32 v61, v60  }
0x271: {  	p0 =	sne.s32 s29, $0x63E;
	v63 =	vmul.f32 v5, v60;
	v2 =	vadd.f32 v2, v3;
	v0 =	vadd.f32 v59, v0  }
.Ltmp3:
0x272: {  	_ = 	snop;
	(pc) =	sbr.rel @p0 .LBB2_8-.Ltmp3, $3  }
0x273: {  	v1 =	vadd.f32 v62, v2;
	v0 =	vadd.f32 v63, v0;
	_ =	sdelay $0x1  }
0x274: {  	s10 =	sadd.s32 $0x32, s10;
	v0 =	vpack.i.f32.bf16 v0, v1  }
0x275: {  	s29 =	sadd.s32 $0x32, s29;
	s31 =	sadd.s32 $0x320, s31;
	[tilespmem:s9+$0x0] =	vst v0;
	s9 =	sadd.s32 $0x200, s9  }
0x276: {  	[hbm4b:s19+s1] =	stream.linear.scatter [tilespmem:s30], [sflag:$0x6], $0x4000, $0x38;
	[tilespmem:$0x16920] =	vst v63  }
0x277: {  	s26 =	sadd.s32 $0x1, s26  }
0x278: {  	_ =	swait.ge [sflag:s8], $0x4000;
	p0 =	sne.s32 s26, s20  }
.Ltmp4:
0x279: {  	[sflag:s8] =	ssyncset.done $0x0;
	(pc) =	sbr.rel @p0 .LBB2_1-.Ltmp4, $4  }
0x27a: {  	[sflag:s8] =	ssyncadd.s32 $0xFFFFC000  }
0x27b: {  	_ =	swait.ge [sflag:s4], $0x4000  }
0x27c: {  	[sflag:s4] =	ssyncset.done $0x0  }
0x27d: {  	[sflag:s4] =	ssyncadd.s32 $0xFFFFC000  }
0x27e: {  	_ =	sfence.sel $0x180000  }
0x27f: {  	[bflag:$0x0] =	sbarrier.arrive $0xFFFF  }
0x280: {  	_ =	strace $0x9000004D  }
0x281: {  	s0 =	stileid.u32;
	[bflag:$0x2] =	sbarrier.arrive $0xFFFF  }
0x282: {  	p0 =	sne.s32 s0, $0x0;
	s0 =	rddreg [dreg:$0x1]  }
0x283: {  	s0 =	sadd.s32 @!p0 $0x100000, s0  }
0x284: {  	[sflag:s0] =	ssyncadd.tile.s32 @!p0 $0x1;
	_ =	shalt  }
.Lfunc_end2:
_tile_overlayer_lowered:
.L_overlay_start_2:
0x285: {  	(tag) =	ssettag $0x2  }
0x286: {  	s0 =	rddreg [dreg:$0x0];
	s2 =	stileid.u32  }
0x287: {  	s1 =	rddreg [dreg:$0x1];
	p0 =	sne.s32 s2, $0x0  }
0x288: {  	s3 =	rddreg [dreg:$0x2];
	[bflag:$0x3] =	sbarrier.arrive $0xFFFF;
	s2 =	simm.s32 @!p0 $0x1C07  }
0x289: {  	[timem:s3], [sflag:s2] =	dma.local @!p0 [hbm:s0], s1  }
0x28a: {  	s0 =	simm.s32 @!p0 $0x7  }
0x28b: {  	_ =	swait.ge @!p0 [sflag:s0], s1  }
0x28c: {  	s1 =	ssub.s32 @!p0 $0x0, s1;
	[sflag:s0] =	ssyncset.done @!p0 $0x0  }
0x28d: {  	[sflag:s0] =	ssyncadd.s32 @!p0 s1  }
0x28e: {  	[bflag:$0x3] =	sbarrier.arrive $0xFFFF  }
0x28f: {  	_ =	shalt  }

// kernel: kernel.7.cloned.1.call-start
scs
__scs_entry_jumppad:
0x0: {  	(pc) =	sbr.rel $0x88, $3  }
0x1: {  	(tag) =	ssettag $0x0;
	lr =	simm.s32 $0x1  }
0x2: {  	[smem:$0x3F98] =	sst lr;
	_ =	strace $0xD0000000  }
0x3: {  	_ = 	snop  }
0x4: {  	_ = 	snop  }
0x5: {  	_ = 	snop  }
0x6: {  	_ = 	snop  }
0x7: {  	_ = 	snop  }
__scs_overlays_trampoline_lowered:
0x8: {  	[smem:$0x3FA7] =	sst s0  }
0x9: {  	[smem:$0x3FA8] =	sst s1  }
0xa: {  	[smem:$0x3FA9] =	sst s2  }
0xb: {  	[smem:$0x3FAA] =	sst s3  }
0xc: {  	[smem:$0x3FAB] =	sst s4  }
0xd: {  	[smem:$0x3FAC] =	sst s5  }
0xe: {  	[smem:$0x3FAD] =	sst s6  }
0xf: {  	[smem:$0x3FAE] =	sst s7  }
0x10: {  	[smem:$0x3FAF] =	sst s8  }
0x11: {  	[smem:$0x3FB0] =	sst s9;
	s0 =	simm.s32 @!p0 $0x0  }
0x12: {  	s1 =	sld [smem:$0x3F96];
	s0 =	simm.s32 @p0 $0x1  }
0x13: {  	[smem:$0x3FB1] =	sst s0;
	s0 =	simm.s32 @!p1 $0x0  }
0x14: {  	s2 =	sld [smem:$0x3F95];
	s0 =	simm.s32 @p1 $0x1  }
0x15: {  	[smem:$0x3FB2] =	sst s0;
	s0 =	simm.s32 @!p2 $0x0  }
0x16: {  	s3 =	sld [smem:$0x3FDB];
	s0 =	simm.s32 @p2 $0x1  }
0x17: {  	s4 =	simm.s32 $0x1BF5;
	[smem:$0x3FB4] =	sst s0  }
0x18: {  	s0 =	sld [smem:$0x3F97];
	_ =	swait.ge [sflag:s4], $0x0  }
0x19: {  	s7 =	sld [smem:$0x3F98]  }
0x1a: {  	s8 =	sadd.s32 $0xFFFFE003, lr  }
0x1b: {  	s9 =	sadd.s32 $0xFFFFFEF7, lr;
	s5 =	simm.s32 $0xFFFFFFFF;
	p2 =	slt.u32 s8, $0xFFFFF086  }
0x1c: {  	p1 =	slt.u32 s9, $0xF7A;
	s5 =	simm.s32 @!p2 $0x0  }
0x1d: {  	s5 =	simm.s32 @p1 $0x1;
	p0 =	seq.s32 s7, s2  }
0x1e: {  	s7 =	smul.u32 @!p0 $0xF7A, s2;
	p2 =	seq.s32 @!p0 s5, $0x0  }
0x1f: {  	s9 =	smul.u32 $0xF7A, s1;
	s8 =	simm.s32 @!p0 $0x1BF5;
	p2 =	por !p2, p0  }
0x20: {  	[sflag:s8] =	ssyncset.s32 @!p0 $0xFFFFF086;
	s6 =	sadd.s32 @!p0 s3, s7;
	s7 =	simm.s32 @!p0 $0x108  }
0x21: {  	s3 =	sadd.s32 s3, s9;
	s6 =	sadd.s32 @!p0 $0x88, s6;
	s7 =	simm.s32 @p2 $0x1082  }
0x22: {  	[simem:s7], [sflag:s8] =	dma.local @!p0 [hbm:s6], $0xF7A  }
0x23: {  	s9 =	sor.u32 $0xD0000000, s2;
	s6 =	simm.s32 $0x108;
	_ =	swait.ge @!p0 [sflag:s8], $0x0  }
0x24: {  	s3 =	sadd.s32 $0x88, s3;
	s6 =	simm.s32 @!p1 $0x1082;
	[sflag:s4] =	ssyncset.s32 $0xFFFFF086  }
0x25: {  	[simem:s6], [sflag:s4] =	dma.local [hbm:s3], $0xF7A  }
0x26: {  	[smem:$0x3F98] =	sst s1;
	(tag) =	ssettag s2;
	_ =	strace s9  }
0x27: {  	s1 =	sld [smem:$0x3FA8]  }
0x28: {  	s2 =	sld [smem:$0x3FA9]  }
0x29: {  	s4 =	sld [smem:$0x3FAB]  }
0x2a: {  	p0 =	seq.s32 s5, $0x0;
	s5 =	sld [smem:$0x3FAC]  }
0x2b: {  	s6 =	sld [smem:$0x3FAD]  }
0x2c: {  	s7 =	sld [smem:$0x3FAE]  }
0x2d: {  	s3 =	simm.s32 $0x108;
	s8 =	sld [smem:$0x3FAF]  }
0x2e: {  	s3 =	simm.s32 @!p0 $0x1082;
	s9 =	sld [smem:$0x3FB0]  }
0x2f: {  	lr =	sadd.s32 s0, s3;
	s0 =	sld [smem:$0x3FA7]  }
0x30: {  	s3 =	sld [smem:$0x3FAA]  }
0x31: {  	[smem:$0x3FB3] =	sst s10  }
0x32: {  	s10 =	sld [smem:$0x3FB1];
	_ =	sdelay $0x3  }
0x33: {  	p0 =	seq.s32 s10, $0x1;
	s10 =	sld [smem:$0x3FB3];
	_ =	sdelay $0x3  }
0x34: {  	[smem:$0x3FB3] =	sst s10  }
0x35: {  	s10 =	sld [smem:$0x3FB2];
	_ =	sdelay $0x3  }
0x36: {  	p1 =	seq.s32 s10, $0x1;
	s10 =	sld [smem:$0x3FB3];
	_ =	sdelay $0x3  }
0x37: {  	[smem:$0x3FB3] =	sst s10  }
0x38: {  	s10 =	sld [smem:$0x3FB4]  }
0x39: {  	_ = 	snop;
	(pc) =	sbr.ind lr, $3  }
0x3a: {  	_ = 	snop  }
0x3b: {  	_ = 	snop  }
0x3c: {  	p2 =	seq.s32 s10, $0x1;
	s10 =	sld [smem:$0x3FB3]  }
0x3d: {  	_ =	shalt  }
0x3e: {  	_ =	shalt  }
0x3f: {  	_ =	shalt  }
0x40: {  	_ =	shalt  }
0x41: {  	_ =	shalt  }
0x42: {  	_ =	shalt  }
0x43: {  	_ =	shalt  }
0x44: {  	_ =	shalt  }
0x45: {  	_ =	shalt  }
0x46: {  	_ =	shalt  }
0x47: {  	_ =	shalt  }
0x48: {  	_ =	shalt  }
0x49: {  	_ =	shalt  }
0x4a: {  	_ =	shalt  }
0x4b: {  	_ =	shalt  }
0x4c: {  	_ =	shalt  }
0x4d: {  	_ =	shalt  }
0x4e: {  	_ =	shalt  }
0x4f: {  	_ =	shalt  }
0x50: {  	_ =	shalt  }
0x51: {  	_ =	shalt  }
0x52: {  	_ =	shalt  }
0x53: {  	_ =	shalt  }
0x54: {  	_ =	shalt  }
0x55: {  	_ =	shalt  }
0x56: {  	_ =	shalt  }
0x57: {  	_ =	shalt  }
0x58: {  	_ =	shalt  }
0x59: {  	_ =	shalt  }
0x5a: {  	_ =	shalt  }
0x5b: {  	_ =	shalt  }
0x5c: {  	_ =	shalt  }
0x5d: {  	_ =	shalt  }
0x5e: {  	_ =	shalt  }
0x5f: {  	_ =	shalt  }
0x60: {  	_ =	shalt  }
0x61: {  	_ =	shalt  }
0x62: {  	_ =	shalt  }
0x63: {  	_ =	shalt  }
0x64: {  	_ =	shalt  }
0x65: {  	_ =	shalt  }
0x66: {  	_ =	shalt  }
0x67: {  	_ =	shalt  }
0x68: {  	_ =	shalt  }
0x69: {  	_ =	shalt  }
0x6a: {  	_ =	shalt  }
0x6b: {  	_ =	shalt  }
0x6c: {  	_ =	shalt  }
0x6d: {  	_ =	shalt  }
0x6e: {  	_ =	shalt  }
0x6f: {  	_ =	shalt  }
0x70: {  	_ =	shalt  }
0x71: {  	_ =	shalt  }
0x72: {  	_ =	shalt  }
0x73: {  	_ =	shalt  }
0x74: {  	_ =	shalt  }
0x75: {  	_ =	shalt  }
0x76: {  	_ =	shalt  }
0x77: {  	_ =	shalt  }
0x78: {  	_ =	shalt  }
0x79: {  	_ =	shalt  }
0x7a: {  	_ =	shalt  }
0x7b: {  	_ =	shalt  }
0x7c: {  	_ =	shalt  }
0x7d: {  	_ =	shalt  }
0x7e: {  	_ =	shalt  }
0x7f: {  	_ =	shalt  }
0x80: {  	_ =	shalt  }
0x81: {  	_ =	shalt  }
0x82: {  	_ =	shalt  }
0x83: {  	_ =	shalt  }
0x84: {  	_ =	shalt  }
0x85: {  	_ =	shalt  }
0x86: {  	_ =	shalt  }
0x87: {  	_ =	shalt  }
.Lfunc_end0:
.L_simem_size_0:
called_computation_lowered:
.L_overlay_start_0:
0x88: {  	s2 =	sld [smem:$0x3FD9]  }
0x89: {  	s3 =	sld [smem:$0x3FFE];
	_ =	sdelay $0x1  }
0x8a: {  	s1 =	srdreg.scid  }
0x8b: {  	s0 =	sand.u32 $0x1, s1  }
0x8c: {  	s16 =	sshll.u32 s0, $0xA;
	s2 =	sadd.s32 s3, s2  }
0x8d: {  	s2 =	sadd.s32 s2, s16  }
0x8e: {  	[smem:$0x3FBF] =	sst s2  }
0x8f: {  	_ = 	snop  }
0x90: {  	(tm) =	ssettm $0x1  }
0x91: {  	s17 =	sld [smem:$0x3FFB];
	_ =	sdelay $0x3  }
0x92: {  	_ =	strace s17  }
0x93: {  	s2 =	sld [smem:$0x3FFC];
	_ =	sdelay $0x3  }
0x94: {  	_ =	strace s2  }
0x95: {  	s2 =	sld [smem:$0x3FFD];
	_ =	sdelay $0x3  }
0x96: {  	_ =	strace s2  }
0x97: {  	_ =	strace $0x8FFFFFFF  }
0x98: {  	s18 =	sld [smem:$0x3FDB];
	_ =	sdelay $0x1  }
0x99: {  	s19 =	simm.s32 $_scs_section_size  }
0x9a: {  	s4 =	simm.s32 $_size__tile_overlayer_lowered;
	s5 =	simm.s32 $_tile_overlayer_lowered  }
0x9b: {  	s22 =	simm.s32 $0x1BFF;
	s21 =	sshll.u32 s5, $0x1;
	s2 =	sadd.s32 s19, s18  }
0x9c: {  	s6 =	simm.s32 $0x0;
	s20 =	sshll.u32 s4, $0x1;
	s4 =	sadd.s32 s21, s2  }
0x9d: {  	[timem:s6], [sflag:s22] =	dma.local [hbm:s4], s20  }
0x9e: {  	_ =	swait.ge [sflag:s22], s20  }
0x9f: {  	s3 =	ssub.s32 $0x0, s20;
	[sflag:s22] =	ssyncset.done $0x0  }
0xa0: {  	[sflag:s22] =	ssyncadd.s32 s3;
	_ =	sdelay $0x1  }
0xa1: {  	s23 =	simm.s32 $0x1B8B  }
0xa2: {  	_ =	swait.ge [sflag:s23], $0x1  }
0xa3: {  	[sflag:s23] =	ssyncset.done $0x0  }
0xa4: {  	s25 =	simm.s32 $0x1B8E;
	s24 =	sld [smem:$0x3FFE];
	[sflag:s23] =	ssyncadd.s32 $0xFFFFFFFF  }
0xa5: {  	s26 =	simm.s32 $execute0_lowered;
	[smem:$0x3FD2] =	sst s25  }
0xa6: {  	s4 =	sshll.u32 s26, $0x1;
	_ =	strace $0x80000046;
	[dreg:$0x1] =	wrdreg $0xFFFFFFFF  }
0xa7: {  	s28 =	simm.s32 $_size_execute0_lowered;
	s2 =	sadd.s32 s2, s4;
	[dreg:$0x0] =	wrdreg $0x0  }
0xa8: {  	s4 =	sshll.u32 s28, $0x1;
	[dreg:$0x2] =	wrdreg s2  }
0xa9: {  	[dreg:$0x3] =	wrdreg s4  }
0xaa: {  	[dreg:$0x4] =	wrdreg $0xC0  }
0xab: {  	_ =	task [dreg:s6], $0x5FFFF  }
0xac: {  	[dreg:$0x1] =	wrdreg $0xFFFFFFFF  }
0xad: {  	[dreg:$0x0] =	wrdreg $0x60  }
0xae: {  	[dreg:$0x2] =	wrdreg s24  }
0xaf: {  	[dreg:$0x3] =	wrdreg $0x9  }
0xb0: {  	_ =	task.clear_ibuf [dreg:s6], $0x4FFFF;
	_ =	strace $0x90000046  }
0xb1: {  	s29 =	simm.s32 $0x9;
	_ =	strace $0x80000048  }
0xb2: {  	_ =	swait.ge [sflag:s29], $0x1  }
0xb3: {  	[sflag:s29] =	ssyncadd.s32 $0xFFFFFFFF  }
0xb4: {  	_ =	strace $0x90000048  }
0xb5: {  	_ =	sfence  }
0xb6: {  	s30 =	sld [smem:$0x0];
	_ =	sdelay $0x2  }
0xb7: {  	s31 =	sshll.u32 s1, $0xD;
	s1 =	sshrl.u32 s1, $0x2  }
0xb8: {  	s3 =	sand.u32 $0x4000, s31;
	s1 =	sadd.s32 s1, s30  }
0xb9: {  	s0 =	sor.u32 s3, s0;
	s1 =	sshll.u32 s1, $0x11  }
0xba: {  	s0 =	sor.u32 s1, s0  }
0xbb: {  	s0 =	sadd.s32 $0x8F2B, s0  }
0xbc: {  	[sflag:s0] =	ssyncadd.remote.s32 $0x1  }
0xbd: {  	_ =	sfence.sel $0xFFFF  }
0xbe: {  	[dreg:$0x0] =	wrdreg $0xFFFFFFFF;
	(pc) =	sbr.abs _section_cstart, $3  }
0xbf: {  	[dreg:$0x1] =	wrdreg $0xFFFFFFFF  }
0xc0: {  	_ =	task.clear_ibuf [dreg:s6], $0x2FFFF;
	_ =	strace $0x9FFFFFFF  }
0xc1: {  	(tm) =	ssettm $0x7FFFFFFF  }
tec
execute0_lowered:
.L_overlay_start_1:
0x0: {  	(tag) =	ssettag $0x1  }
0x1: {  	s3 =	rddreg [dreg:$0x0];
	s2 =	srdreg.scid  }
0x2: {  	s0 =	rddreg [dreg:$0x1];
	s1 =	stileid.u32;
	s7 =	simm.s32 $0x0  }
0x3: {  	s4 =	sand.u32 $0x1, s2;
	s2 =	simm.s32 $0x0;
	s5 =	sshll.u32 s1, $0xA  }
0x4: {  	s6 =	sshll.u32 s4, $0x9;
	[smem:$0x7FF] =	sst s2;
	s4 =	ssub.s32 $0x2, s4  }
0x5: {  	s5 =	sor.u32 s6, s5;
	_ =	strace $0x80000047;
	s30 =	sshrl.u32 s4, $0x1  }
0x6: {  	s6 =	simm.s32 $0x1;
	s5 =	sadd.s32 s5, s3;
	s31 =	ssub.s32 s4, s30  }
0x7: {  	s3 =	sadd.s32 $0x1800, s5;
	s4 =	sadd.s32 $0x5800, s5;
	s5 =	smax.u32 s31, $0x1  }
.LBB2_1:
0x8: {  	[tilespmem:s2], [sflag:$0x1] =	stream.linear.gather [hbm4b:s3+s2], $0x1000, $0x38;
	[tilespmem:$0x1000] =	vst v63  }
0x9: {  	_ =	swait.ge [sflag:s6], $0x1000  }
0xa: {  	[sflag:s6] =	ssyncset.done $0x0  }
0xb: {  	s8 =	simm.s32 $0x0;
	s9 =	simm.s32 $0x40;
	[sflag:s6] =	ssyncadd.s32 $0xFFFFF000  }
.LBB2_2:
0xc: {  	p0 =	sne.s32 s9, $0x3FC0;
	v0 =	vld [tilespmem:s8+$0x0];
	_ =	sdelay $0x4  }
.Ltmp0:
0xd: {  	v1 =	vshll.u32 v0, $0x3;
	(pc) =	sbr.rel @p0 .LBB2_2-.Ltmp0, $4  }
0xe: {  	v2 =	vand.u32 $0xFFFF8000, v0;
	v0 =	vshrl.u32 v0, $0xC;
	v1 =	vand.u32 $0x7FF8, v1  }
0xf: {  	v0 =	vand.u32 $0x7, v0;
	v1 =	vor.u32 v2, v1  }
0x10: {  	v0 =	vor.u32 v0, v1  }
0x11: {  	[tilespmem:s8+$0x0] =	vst v0;
	s8 =	sshra.s32 s9, $0x2;
	s9 =	sadd.s32 $0x40, s9  }
0x12: {  	v0 =	vld [tilespmem:s8+$0x0];
	_ =	sdelay $0x4  }
0x13: {  	v1 =	vshll.u32 v0, $0x3  }
0x14: {  	v2 =	vand.u32 $0xFFFF8000, v0;
	v0 =	vshrl.u32 v0, $0xC;
	v1 =	vand.u32 $0x7FF8, v1  }
0x15: {  	s7 =	sadd.s32 $0x1, s7;
	v0 =	vand.u32 $0x7, v0;
	v1 =	vor.u32 v2, v1  }
0x16: {  	p0 =	sne.s32 s7, s5;
	v0 =	vor.u32 v0, v1  }
.Ltmp1:
0x17: {  	[tilespmem:s8+$0x0] =	vst v0;
	(pc) =	sbr.rel @p0 .LBB2_1-.Ltmp1, $4  }
0x18: {  	[hbm4b:s4+s2] =	stream.linear.scatter [tilespmem:s2], [sflag:$0x1], $0x1000, $0x38;
	[tilespmem:$0x1000] =	vst v63  }
0x19: {  	_ =	swait.ge [sflag:s6], $0x1000  }
0x1a: {  	[sflag:s6] =	ssyncset.done $0x0  }
0x1b: {  	[sflag:s6] =	ssyncadd.s32 $0xFFFFF000  }
0x1c: {  	_ =	sfence.sel $0x180000  }
0x1d: {  	[bflag:$0x0] =	sbarrier.arrive $0xFFFF  }
0x1e: {  	p0 =	sne.s32 s1, $0x0;
	_ =	strace $0x90000047  }
0x1f: {  	s0 =	sadd.s32 @!p0 $0x100000, s0;
	[bflag:$0x2] =	sbarrier.arrive $0xFFFF  }
0x20: {  	[sflag:s0] =	ssyncadd.tile.s32 @!p0 $0x1;
	_ =	shalt  }
.Lfunc_end2:
_tile_overlayer_lowered:
.L_overlay_start_2:
0x21: {  	(tag) =	ssettag $0x2  }
0x22: {  	s0 =	rddreg [dreg:$0x0];
	s2 =	stileid.u32  }
0x23: {  	s1 =	rddreg [dreg:$0x1];
	p0 =	sne.s32 s2, $0x0  }
0x24: {  	s3 =	rddreg [dreg:$0x2];
	[bflag:$0x3] =	sbarrier.arrive $0xFFFF;
	s2 =	simm.s32 @!p0 $0x1C01  }
0x25: {  	[timem:s3], [sflag:s2] =	dma.local @!p0 [hbm:s0], s1  }
0x26: {  	s0 =	simm.s32 @!p0 $0x1  }
0x27: {  	_ =	swait.ge @!p0 [sflag:s0], s1  }
0x28: {  	s1 =	ssub.s32 @!p0 $0x0, s1;
	[sflag:s0] =	ssyncset.done @!p0 $0x0  }
0x29: {  	[sflag:s0] =	ssyncadd.s32 @!p0 s1  }
0x2a: {  	[bflag:$0x3] =	sbarrier.arrive $0xFFFF  }
0x2b: {  	_ =	shalt  }

</sc_bundles>
